<compile_context>
chip_gen: v7x
topology: tpu7x:2x2x1
jax: 0.10.2.dev20260603
libtpu: 0.0.44.dev20260713+nightly
codegen_flags: <defaults>
</compile_context>

<pallas_src>
import functools

import jax
import jax.numpy as jnp
from jax import lax
from jax.experimental import pallas as pl
from jax.experimental.pallas import tpu as pltpu
from jax.experimental.pallas import tpu_sc as plsc

BATCH = 16384
D_MLP = 256
D_GMF = 64
N_ROWS = 100000

_NC = 2
_NS = 16
_NW = _NC * _NS
_BPW = BATCH // _NW
_CHUNK = 64
_NCHUNK = _BPW // _CHUNK

_sc_mesh = plsc.VectorSubcoreMesh(core_axis_name="c", subcore_axis_name="s")


@functools.partial(
    pl.kernel,
    mesh=_sc_mesh,
    out_type=[
        jax.ShapeDtypeStruct((BATCH, D_MLP), jnp.float32),
        jax.ShapeDtypeStruct((BATCH, D_MLP), jnp.float32),
    ],
    scratch_types=[
        pltpu.VMEM((_BPW,), jnp.int32),
        pltpu.VMEM((_BPW,), jnp.int32),
        pltpu.VMEM((2, _CHUNK, D_MLP), jnp.float32),
        pltpu.VMEM((2, _CHUNK, D_MLP), jnp.float32),
        pltpu.SemaphoreType.DMA,
        pltpu.SemaphoreType.DMA,
    ],
)
def _sc_gather_mlp(users_hbm, items_hbm, uemb_hbm, iemb_hbm,
                   out_u, out_i,
                   uidx_v, iidx_v, urows_v, irows_v, sem0, sem1):
    wid = lax.axis_index("s") * _NC + lax.axis_index("c")
    base = wid * _BPW
    sems = (sem0, sem1)

    pltpu.sync_copy(users_hbm.at[pl.ds(base, _BPW)], uidx_v)
    pltpu.sync_copy(items_hbm.at[pl.ds(base, _BPW)], iidx_v)

    def fire(k):
        p = k % 2
        uix = uidx_v.at[pl.ds(k * _CHUNK, _CHUNK)]
        iix = iidx_v.at[pl.ds(k * _CHUNK, _CHUNK)]
        return (
            pltpu.async_copy(uemb_hbm.at[uix], urows_v.at[p], sems[p]),
            pltpu.async_copy(iemb_hbm.at[iix], irows_v.at[p], sems[p]),
        )

    inflight = fire(0)
    for k in range(_NCHUNK):
        nxt = fire(k + 1) if k + 1 < _NCHUNK else None
        for c in inflight:
            c.wait()
        p = k % 2
        off = base + k * _CHUNK
        pltpu.sync_copy(urows_v.at[p], out_u.at[pl.ds(off, _CHUNK)])
        pltpu.sync_copy(irows_v.at[p], out_i.at[pl.ds(off, _CHUNK)])
        inflight = nxt


@functools.partial(
    pl.kernel,
    mesh=_sc_mesh,
    out_type=[
        jax.ShapeDtypeStruct((BATCH, D_GMF), jnp.float32),
    ],
    scratch_types=[
        pltpu.VMEM((_BPW,), jnp.int32),
        pltpu.VMEM((_BPW,), jnp.int32),
        pltpu.VMEM((2, _CHUNK, 2 * D_GMF), jnp.float32),
        pltpu.VMEM((2, _CHUNK, 2 * D_GMF), jnp.float32),
        pltpu.VMEM((_CHUNK, D_GMF), jnp.float32),
        pltpu.SemaphoreType.DMA,
        pltpu.SemaphoreType.DMA,
    ],
)
def _sc_gather_gmf(users_hbm, items_hbm, gcat_hbm, out_g,
                   uidx_v, iidx_v, ucat_v, icat_v, g_v, sem0, sem1):
    wid = lax.axis_index("s") * _NC + lax.axis_index("c")
    base = wid * _BPW
    sems = (sem0, sem1)

    pltpu.sync_copy(users_hbm.at[pl.ds(base, _BPW)], uidx_v)
    pltpu.sync_copy(items_hbm.at[pl.ds(base, _BPW)], iidx_v)

    def fire(k):
        p = k % 2
        uix = uidx_v.at[pl.ds(k * _CHUNK, _CHUNK)]
        iix = iidx_v.at[pl.ds(k * _CHUNK, _CHUNK)]
        return (
            pltpu.async_copy(gcat_hbm.at[uix], ucat_v.at[p], sems[p]),
            pltpu.async_copy(gcat_hbm.at[iix], icat_v.at[p], sems[p]),
        )

    inflight = fire(0)
    for k in range(_NCHUNK):
        nxt = fire(k + 1) if k + 1 < _NCHUNK else None
        for c in inflight:
            c.wait()
        p = k % 2
        off = base + k * _CHUNK

        def mul_body(r, mc):
            for c in range(D_GMF // 16):
                s = pl.ds(c * 16, 16)
                s_hi = pl.ds(D_GMF + c * 16, 16)
                g_v[r, s] = ucat_v[p, r, s] * icat_v[p, r, s_hi]
            return mc

        lax.fori_loop(0, _CHUNK, mul_body, 0)
        pltpu.sync_copy(g_v, out_g.at[pl.ds(off, _CHUNK)])
        inflight = nxt


def _tc_body(ut_ref, it_ref, o_ref):
    eye = jnp.eye(D_GMF, dtype=jnp.float32)
    zero = jnp.zeros((D_GMF, D_GMF), dtype=jnp.float32)
    e_top = jnp.concatenate([eye, zero], axis=1)
    e_bot = jnp.concatenate([zero, eye], axis=1)
    dn = (((0,), (0,)), ((), ()))
    o_ref[...] = (
        lax.dot_general(ut_ref[...], e_top, dn,
                        preferred_element_type=jnp.float32)
        + lax.dot_general(it_ref[...], e_bot, dn,
                          preferred_element_type=jnp.float32))


def _transpose_concat(ut, it, block_n=12800):
    grid = (pl.cdiv(N_ROWS, block_n),)
    return pl.pallas_call(
        _tc_body,
        grid=grid,
        in_specs=[
            pl.BlockSpec((D_GMF, block_n), lambda m: (0, m)),
            pl.BlockSpec((D_GMF, block_n), lambda m: (0, m)),
        ],
        out_specs=pl.BlockSpec((block_n, 2 * D_GMF), lambda m: (m, 0)),
        out_shape=jax.ShapeDtypeStruct((N_ROWS, 2 * D_GMF), jnp.float32),
        compiler_params=pltpu.CompilerParams(
            dimension_semantics=("arbitrary",),
        ),
    )(ut, it)


def _mlp_body(u_ref, i_ref, w0_ref, b0_ref, w1_ref,
              b1_ref, w2_ref, b2_ref, pw_ref, o_ref):
    h = jnp.dot(u_ref[...], w0_ref[0:D_MLP, :],
                preferred_element_type=jnp.float32)
    h += jnp.dot(i_ref[...], w0_ref[D_MLP:2 * D_MLP, :],
                 preferred_element_type=jnp.float32)
    h = jnp.maximum(h + b0_ref[...], 0.0)
    h = jnp.dot(h, w1_ref[...], preferred_element_type=jnp.float32)
    h = jnp.maximum(h + b1_ref[...], 0.0)
    h = jnp.dot(h, w2_ref[...], preferred_element_type=jnp.float32)
    h = jnp.maximum(h + b2_ref[...], 0.0)
    logit = jnp.dot(h, pw_ref[0:D_GMF, :],
                    preferred_element_type=jnp.float32)
    o_ref[...] = logit[:, 0]


def _mlp(u_rows, i_rows, w0, b0, w1, b1, w2, b2, pw, block_m=2048):
    grid = (BATCH // block_m,)
    full = lambda m: (0, 0)
    return pl.pallas_call(
        _mlp_body,
        grid=grid,
        in_specs=[
            pl.BlockSpec((block_m, D_MLP), lambda m: (m, 0)),
            pl.BlockSpec((block_m, D_MLP), lambda m: (m, 0)),
            pl.BlockSpec((2 * D_MLP, 256), full),
            pl.BlockSpec((1, 256), full),
            pl.BlockSpec((256, 128), full),
            pl.BlockSpec((1, 128), full),
            pl.BlockSpec((128, 64), full),
            pl.BlockSpec((1, 64), full),
            pl.BlockSpec((2 * D_GMF, 1), full),
        ],
        out_specs=pl.BlockSpec((block_m,), lambda m: (m,)),
        out_shape=jax.ShapeDtypeStruct((BATCH,), jnp.float32),
        compiler_params=pltpu.CompilerParams(
            dimension_semantics=("arbitrary",),
        ),
    )(u_rows, i_rows, w0, b0, w1, b1, w2, b2, pw)


def _predict_body(la_ref, g_ref, pw_ref, pb_ref, o_ref):
    logit = jnp.dot(g_ref[...], pw_ref[D_GMF:2 * D_GMF, :],
                    preferred_element_type=jnp.float32)
    lo = la_ref[...] + logit[:, 0] + pb_ref[0, 0]
    o_ref[...] = 1.0 / (1.0 + jnp.exp(-lo))


def _predict(logit_a, g, pw, pb, block_m=4096):
    grid = (BATCH // block_m,)
    full = lambda m: (0, 0)
    return pl.pallas_call(
        _predict_body,
        grid=grid,
        in_specs=[
            pl.BlockSpec((block_m,), lambda m: (m,)),
            pl.BlockSpec((block_m, D_GMF), lambda m: (m, 0)),
            pl.BlockSpec((2 * D_GMF, 1), full),
            pl.BlockSpec((1, 1), full),
        ],
        out_specs=pl.BlockSpec((block_m,), lambda m: (m,)),
        out_shape=jax.ShapeDtypeStruct((BATCH,), jnp.float32),
        compiler_params=pltpu.CompilerParams(
            dimension_semantics=("arbitrary",),
        ),
    )(logit_a, g, pw, pb)


def kernel(users, items, user_emb_mlp, item_emb_mlp, user_emb_gmf,
           item_emb_gmf, mlp_w0, mlp_b0, mlp_w1, mlp_b1, mlp_w2, mlp_b2,
           pred_w, pred_b):
    users = users.astype(jnp.int32)
    items = items.astype(jnp.int32)

    u_rows, i_rows = _sc_gather_mlp(users, items, user_emb_mlp, item_emb_mlp)
    gmf_cat = _transpose_concat(user_emb_gmf.T, item_emb_gmf.T)
    (g,) = _sc_gather_gmf(users, items, gmf_cat)

    logit_a = _mlp(u_rows, i_rows, mlp_w0, mlp_b0.reshape(1, -1),
                   mlp_w1, mlp_b1.reshape(1, -1), mlp_w2,
                   mlp_b2.reshape(1, -1), pred_w)
    out = _predict(logit_a, g, pred_w, pred_b.reshape(1, 1))
    return out

# --- scband reference (transcript-rebuilt; emitter-appended) ---
"""Pipeline reference for scband-neu-mf-12618613916259 (READ-ONLY COPY).

The authoritative reference and input builder live on the scoring server;
editing this copy changes nothing except your own understanding.
"""

import jax, jax.numpy as jnp
import numpy as np

NUM_USERS = 100000
NUM_ITEMS = 100000
FACTORS = 64
LAYERS = 3
BATCH = 16384
MLP_EMB = FACTORS * (2 ** (LAYERS - 1))  # 256


def setup_inputs(seed: int = 0) -> dict:
    key = jax.random.key(seed)
    ks = jax.random.split(key, 20)
    inp = {}
    inp['users'] = jax.random.randint(ks[0], (BATCH,), 0, NUM_USERS, dtype=jnp.int32).astype(jnp.int64) if False else jax.random.randint(ks[0], (BATCH,), 0, NUM_USERS)
    inp['items'] = jax.random.randint(ks[1], (BATCH,), 0, NUM_ITEMS)
    # MLP tower embedding tables (dim = factor * 2^(L-1))
    inp['user_emb_mlp'] = jax.random.normal(ks[2], (NUM_USERS, MLP_EMB), dtype=jnp.float32) * 0.01
    inp['item_emb_mlp'] = jax.random.normal(ks[3], (NUM_ITEMS, MLP_EMB), dtype=jnp.float32) * 0.01
    # GMF tower embedding tables (dim = factor)
    inp['user_emb_gmf'] = jax.random.normal(ks[4], (NUM_USERS, FACTORS), dtype=jnp.float32) * 0.01
    inp['item_emb_gmf'] = jax.random.normal(ks[5], (NUM_ITEMS, FACTORS), dtype=jnp.float32) * 0.01
    # MLP hidden layers: input = factor * 2^L, halved each layer down to factor
    in_dim = FACTORS * (2 ** LAYERS)  # 512
    for i in range(LAYERS):
        out_dim = in_dim // 2
        inp[f'mlp_w{i}'] = jax.random.normal(ks[6 + i], (in_dim, out_dim), dtype=jnp.float32) * (1.0 / np.sqrt(in_dim))
        inp[f'mlp_b{i}'] = jnp.zeros((out_dim,), dtype=jnp.float32)
        in_dim = out_dim
    # NeuMF predict layer: Linear(2*factor, 1) + sigmoid
    inp['pred_w'] = jax.random.normal(ks[12], (2 * FACTORS, 1), dtype=jnp.float32) * (1.0 / np.sqrt(2 * FACTORS))
    inp['pred_b'] = jnp.zeros((1,), dtype=jnp.float32)
    return inp


def reference(users, items, user_emb_mlp, item_emb_mlp, user_emb_gmf, item_emb_gmf,
              mlp_w0, mlp_b0, mlp_w1, mlp_b1, mlp_w2, mlp_b2, pred_w, pred_b):
    # MLP tower
    u_mlp = jnp.take(user_emb_mlp, users, axis=0)
    i_mlp = jnp.take(item_emb_mlp, items, axis=0)
    h = jnp.concatenate([u_mlp, i_mlp], axis=1)
    for w, b in ((mlp_w0, mlp_b0), (mlp_w1, mlp_b1), (mlp_w2, mlp_b2)):
        h = jax.nn.relu(h @ w + b)
    # GMF tower
    u_gmf = jnp.take(user_emb_gmf, users, axis=0)
    i_gmf = jnp.take(item_emb_gmf, items, axis=0)
    g = u_gmf * i_gmf
    # Fusion + predict
    concat = jnp.concatenate([h, g], axis=1)
    out = jax.nn.sigmoid(concat @ pred_w + pred_b)
    return out.reshape(-1)

if __name__ == "__main__":
    import jax
    _d = setup_inputs()
    print(jax.jit(kernel)(*tuple(_d.values())))

</pallas_src>

<mosaic_0001>
#map = affine_map<(d0, d1) -> (0)>
#map1 = affine_map<(d0, d1) -> (0, 0)>
module attributes {stable_mosaic.version = 14 : i64} {
  func.func @_sc_gather_gmf(%arg0: i32, %arg1: i32, %arg2: memref<16384xi32, #tpu.memory_space<hbm>>, %arg3: memref<16384xi32, #tpu.memory_space<hbm>>, %arg4: memref<100000x128xf32, #tpu.memory_space<hbm>>, %arg5: memref<16384x64xf32, #tpu.memory_space<hbm>>, %arg6: memref<512xi32, #tpu.memory_space<vmem>>, %arg7: memref<512xi32, #tpu.memory_space<vmem>>, %arg8: memref<2x64x128xf32, #tpu.memory_space<vmem>>, %arg9: memref<2x64x128xf32, #tpu.memory_space<vmem>>, %arg10: memref<64x64xf32, #tpu.memory_space<vmem>>, %arg11: memref<!tpu.dma_semaphore, #tpu.memory_space<semaphore_mem>>, %arg12: memref<!tpu.dma_semaphore, #tpu.memory_space<semaphore_mem>>) attributes {dimension_semantics = [#tpu.dimension_semantics<core_parallel>, #tpu.dimension_semantics<subcore_parallel>], iteration_bounds = array<i64: 2, 16>, scalar_prefetch = 0 : i64, scratch_operands = 7 : i64, tpu.core_type = #tpu.core_type<sc_vector_subcore>, window_params = [{transform_indices = #map}, {transform_indices = #map}, {transform_indices = #map1}, {transform_indices = #map1}]} {
    %mul3A = arith.constant 2 : i32
    %mul3A_0 = arith.muli %arg1, %mul3A : i32
    %add3A = arith.addi %mul3A_0, %arg0 : i32
    %mul3A_1 = arith.constant 512 : i32
    %mul3A_2 = arith.muli %add3A, %mul3A_1 : i32
    "tpu.region"() ({
      %run_scoped3A = tpu.sem_alloc : memref<!tpu.dma_semaphore, #tpu.memory_space<semaphore_mem>>
      %dma_start3A_384 = tpu.memref_slice %arg2[%mul3A_2] : memref<16384xi32, #tpu.memory_space<hbm>> -> memref<512xi32, #tpu.memory_space<hbm>>
      %dma_start3A_385 = tpu.memref_slice %arg2[%mul3A_2] : memref<16384xi32, #tpu.memory_space<hbm>> -> memref<512xi32, #tpu.memory_space<hbm>>
      tpu.enqueue_dma source(%dma_start3A_385 : memref<512xi32, #tpu.memory_space<hbm>>) target(%arg6 : memref<512xi32, #tpu.memory_space<vmem>>) target_semaphore(%run_scoped3A : memref<!tpu.dma_semaphore, #tpu.memory_space<semaphore_mem>>)
      %dma_wait3A_386 = tpu.memref_slice %arg2[%mul3A_2] : memref<16384xi32, #tpu.memory_space<hbm>> -> memref<512xi32, #tpu.memory_space<hbm>>
      %dma_wait3A_387 = tpu.memref_slice %arg2[%mul3A_2] : memref<16384xi32, #tpu.memory_space<hbm>> -> memref<512xi32, #tpu.memory_space<hbm>>
      tpu.wait_dma2 semaphore(%run_scoped3A : memref<!tpu.dma_semaphore, #tpu.memory_space<semaphore_mem>>) src(%dma_wait3A_387 : memref<512xi32, #tpu.memory_space<hbm>>) dst(%arg6 : memref<512xi32, #tpu.memory_space<vmem>>)
      tpu.yield
    }) : () -> ()
    "tpu.region"() ({
      %run_scoped3A = tpu.sem_alloc : memref<!tpu.dma_semaphore, #tpu.memory_space<semaphore_mem>>
      %dma_start3A_384 = tpu.memref_slice %arg3[%mul3A_2] : memref<16384xi32, #tpu.memory_space<hbm>> -> memref<512xi32, #tpu.memory_space<hbm>>
      %dma_start3A_385 = tpu.memref_slice %arg3[%mul3A_2] : memref<16384xi32, #tpu.memory_space<hbm>> -> memref<512xi32, #tpu.memory_space<hbm>>
      tpu.enqueue_dma source(%dma_start3A_385 : memref<512xi32, #tpu.memory_space<hbm>>) target(%arg7 : memref<512xi32, #tpu.memory_space<vmem>>) target_semaphore(%run_scoped3A : memref<!tpu.dma_semaphore, #tpu.memory_space<semaphore_mem>>)
      %dma_wait3A_386 = tpu.memref_slice %arg3[%mul3A_2] : memref<16384xi32, #tpu.memory_space<hbm>> -> memref<512xi32, #tpu.memory_space<hbm>>
      %dma_wait3A_387 = tpu.memref_slice %arg3[%mul3A_2] : memref<16384xi32, #tpu.memory_space<hbm>> -> memref<512xi32, #tpu.memory_space<hbm>>
      tpu.wait_dma2 semaphore(%run_scoped3A : memref<!tpu.dma_semaphore, #tpu.memory_space<semaphore_mem>>) src(%dma_wait3A_387 : memref<512xi32, #tpu.memory_space<hbm>>) dst(%arg7 : memref<512xi32, #tpu.memory_space<vmem>>)
      tpu.yield
    }) : () -> ()
    %dma_start3A = arith.constant 0 : i32
    %dma_start3A_3 = arith.constant 0 : i32
    %dma_start3A_4 = arith.constant 0 : i32
    %dma_start3A_5 = tpu.memref_slice %arg8[%dma_start3A, %dma_start3A_3, %dma_start3A_4] : memref<2x64x128xf32, #tpu.memory_space<vmem>> -> memref<1x64x128xf32, #tpu.memory_space<vmem>>
    %dma_start3A_6 = tpu.memref_squeeze %dma_start3A_5 : memref<1x64x128xf32, #tpu.memory_space<vmem>> -> memref<64x128xf32, #tpu.memory_space<vmem>>
    %dma_start3A_7 = arith.constant 0 : i32
    %dma_start3A_8 = tpu.memref_slice %arg6[%dma_start3A_7] : memref<512xi32, #tpu.memory_space<vmem>> -> memref<64xi32, #tpu.memory_space<vmem>>
    %dma_start3A_9 = arith.constant 0 : i32
    %dma_start3A_10 = arith.constant 0 : i32
    %dma_start3A_11 = tpu.memref_slice %arg4[%dma_start3A_9, %dma_start3A_10] : memref<100000x128xf32, #tpu.memory_space<hbm>> -> memref<100000x128xf32, #tpu.memory_space<hbm>>
    tpu.enqueue_indirect_dma source(%dma_start3A_11 : memref<100000x128xf32, #tpu.memory_space<hbm>>) target(%dma_start3A_6 : memref<64x128xf32, #tpu.memory_space<vmem>>) offsets(%dma_start3A_8 : memref<64xi32, #tpu.memory_space<vmem>>) semaphore(%arg11 : memref<!tpu.dma_semaphore, #tpu.memory_space<semaphore_mem>>)
    %dma_start3A_12 = arith.constant 0 : i32
    %dma_start3A_13 = arith.constant 0 : i32
    %dma_start3A_14 = arith.constant 0 : i32
    %dma_start3A_15 = tpu.memref_slice %arg9[%dma_start3A_12, %dma_start3A_13, %dma_start3A_14] : memref<2x64x128xf32, #tpu.memory_space<vmem>> -> memref<1x64x128xf32, #tpu.memory_space<vmem>>
    %dma_start3A_16 = tpu.memref_squeeze %dma_start3A_15 : memref<1x64x128xf32, #tpu.memory_space<vmem>> -> memref<64x128xf32, #tpu.memory_space<vmem>>
    %dma_start3A_17 = arith.constant 0 : i32
    %dma_start3A_18 = tpu.memref_slice %arg7[%dma_start3A_17] : memref<512xi32, #tpu.memory_space<vmem>> -> memref<64xi32, #tpu.memory_space<vmem>>
    %dma_start3A_19 = arith.constant 0 : i32
    %dma_start3A_20 = arith.constant 0 : i32
    %dma_start3A_21 = tpu.memref_slice %arg4[%dma_start3A_19, %dma_start3A_20] : memref<100000x128xf32, #tpu.memory_space<hbm>> -> memref<100000x128xf32, #tpu.memory_space<hbm>>
    tpu.enqueue_indirect_dma source(%dma_start3A_21 : memref<100000x128xf32, #tpu.memory_space<hbm>>) target(%dma_start3A_16 : memref<64x128xf32, #tpu.memory_space<vmem>>) offsets(%dma_start3A_18 : memref<64xi32, #tpu.memory_space<vmem>>) semaphore(%arg11 : memref<!tpu.dma_semaphore, #tpu.memory_space<semaphore_mem>>)
    %dma_start3A_22 = arith.constant 1 : i32
    %dma_start3A_23 = arith.constant 0 : i32
    %dma_start3A_24 = arith.constant 0 : i32
    %dma_start3A_25 = tpu.memref_slice %arg8[%dma_start3A_22, %dma_start3A_23, %dma_start3A_24] : memref<2x64x128xf32, #tpu.memory_space<vmem>> -> memref<1x64x128xf32, #tpu.memory_space<vmem>>
    %dma_start3A_26 = tpu.memref_squeeze %dma_start3A_25 : memref<1x64x128xf32, #tpu.memory_space<vmem>> -> memref<64x128xf32, #tpu.memory_space<vmem>>
    %dma_start3A_27 = arith.constant 64 : i32
    %dma_start3A_28 = tpu.memref_slice %arg6[%dma_start3A_27] : memref<512xi32, #tpu.memory_space<vmem>> -> memref<64xi32, #tpu.memory_space<vmem>>
    %dma_start3A_29 = arith.constant 0 : i32
    %dma_start3A_30 = arith.constant 0 : i32
    %dma_start3A_31 = tpu.memref_slice %arg4[%dma_start3A_29, %dma_start3A_30] : memref<100000x128xf32, #tpu.memory_space<hbm>> -> memref<100000x128xf32, #tpu.memory_space<hbm>>
    tpu.enqueue_indirect_dma source(%dma_start3A_31 : memref<100000x128xf32, #tpu.memory_space<hbm>>) target(%dma_start3A_26 : memref<64x128xf32, #tpu.memory_space<vmem>>) offsets(%dma_start3A_28 : memref<64xi32, #tpu.memory_space<vmem>>) semaphore(%arg12 : memref<!tpu.dma_semaphore, #tpu.memory_space<semaphore_mem>>)
    %dma_start3A_32 = arith.constant 1 : i32
    %dma_start3A_33 = arith.constant 0 : i32
    %dma_start3A_34 = arith.constant 0 : i32
    %dma_start3A_35 = tpu.memref_slice %arg9[%dma_start3A_32, %dma_start3A_33, %dma_start3A_34] : memref<2x64x128xf32, #tpu.memory_space<vmem>> -> memref<1x64x128xf32, #tpu.memory_space<vmem>>
    %dma_start3A_36 = tpu.memref_squeeze %dma_start3A_35 : memref<1x64x128xf32, #tpu.memory_space<vmem>> -> memref<64x128xf32, #tpu.memory_space<vmem>>
    %dma_start3A_37 = arith.constant 64 : i32
    %dma_start3A_38 = tpu.memref_slice %arg7[%dma_start3A_37] : memref<512xi32, #tpu.memory_space<vmem>> -> memref<64xi32, #tpu.memory_space<vmem>>
    %dma_start3A_39 = arith.constant 0 : i32
    %dma_start3A_40 = arith.constant 0 : i32
    %dma_start3A_41 = tpu.memref_slice %arg4[%dma_start3A_39, %dma_start3A_40] : memref<100000x128xf32, #tpu.memory_space<hbm>> -> memref<100000x128xf32, #tpu.memory_space<hbm>>
    tpu.enqueue_indirect_dma source(%dma_start3A_41 : memref<100000x128xf32, #tpu.memory_space<hbm>>) target(%dma_start3A_36 : memref<64x128xf32, #tpu.memory_space<vmem>>) offsets(%dma_start3A_38 : memref<64xi32, #tpu.memory_space<vmem>>) semaphore(%arg12 : memref<!tpu.dma_semaphore, #tpu.memory_space<semaphore_mem>>)
    %dma_wait3A = arith.constant 0 : i32
    %dma_wait3A_42 = arith.constant 0 : i32
    %dma_wait3A_43 = arith.constant 0 : i32
    %dma_wait3A_44 = tpu.memref_slice %arg8[%dma_wait3A, %dma_wait3A_42, %dma_wait3A_43] : memref<2x64x128xf32, #tpu.memory_space<vmem>> -> memref<1x64x128xf32, #tpu.memory_space<vmem>>
    %dma_wait3A_45 = tpu.memref_squeeze %dma_wait3A_44 : memref<1x64x128xf32, #tpu.memory_space<vmem>> -> memref<64x128xf32, #tpu.memory_space<vmem>>
    %dma_wait3A_46 = arith.constant 0 : i32
    %dma_wait3A_47 = tpu.memref_slice %arg6[%dma_wait3A_46] : memref<512xi32, #tpu.memory_space<vmem>> -> memref<64xi32, #tpu.memory_space<vmem>>
    %dma_wait3A_48 = arith.constant 0 : i32
    %dma_wait3A_49 = arith.constant 0 : i32
    %dma_wait3A_50 = tpu.memref_slice %arg4[%dma_wait3A_48, %dma_wait3A_49] : memref<100000x128xf32, #tpu.memory_space<hbm>> -> memref<100000x128xf32, #tpu.memory_space<hbm>>
    tpu.wait_indirect_dma semaphore(%arg11 : memref<!tpu.dma_semaphore, #tpu.memory_space<semaphore_mem>>) src(%dma_wait3A_50 : memref<100000x128xf32, #tpu.memory_space<hbm>>) dst(%dma_wait3A_45 : memref<64x128xf32, #tpu.memory_space<vmem>>)
    %dma_wait3A_51 = arith.constant 0 : i32
    %dma_wait3A_52 = arith.constant 0 : i32
    %dma_wait3A_53 = arith.constant 0 : i32
    %dma_wait3A_54 = tpu.memref_slice %arg9[%dma_wait3A_51, %dma_wait3A_52, %dma_wait3A_53] : memref<2x64x128xf32, #tpu.memory_space<vmem>> -> memref<1x64x128xf32, #tpu.memory_space<vmem>>
    %dma_wait3A_55 = tpu.memref_squeeze %dma_wait3A_54 : memref<1x64x128xf32, #tpu.memory_space<vmem>> -> memref<64x128xf32, #tpu.memory_space<vmem>>
    %dma_wait3A_56 = arith.constant 0 : i32
    %dma_wait3A_57 = tpu.memref_slice %arg7[%dma_wait3A_56] : memref<512xi32, #tpu.memory_space<vmem>> -> memref<64xi32, #tpu.memory_space<vmem>>
    %dma_wait3A_58 = arith.constant 0 : i32
    %dma_wait3A_59 = arith.constant 0 : i32
    %dma_wait3A_60 = tpu.memref_slice %arg4[%dma_wait3A_58, %dma_wait3A_59] : memref<100000x128xf32, #tpu.memory_space<hbm>> -> memref<100000x128xf32, #tpu.memory_space<hbm>>
    tpu.wait_indirect_dma semaphore(%arg11 : memref<!tpu.dma_semaphore, #tpu.memory_space<semaphore_mem>>) src(%dma_wait3A_60 : memref<100000x128xf32, #tpu.memory_space<hbm>>) dst(%dma_wait3A_55 : memref<64x128xf32, #tpu.memory_space<vmem>>)
    %add3A_61 = arith.constant 0 : i32
    %add3A_62 = arith.addi %mul3A_2, %add3A_61 : i32
    %scan3A = arith.constant 0 : i32
    %scan3A_63 = arith.constant 0 : i32
    %scan3A_64 = arith.constant 64 : i32
    %scan3A_65 = arith.addi %scan3A_63, %scan3A_64 : i32
    %scan3A_66 = arith.constant 1 : i32
    scf.for %scan3A_384 = %scan3A_63 to %scan3A_65 step %scan3A_66  : i32 {
      %get3A = arith.constant 0 : i32
      %get3A_385 = arith.index_cast %get3A : i32 to index
      %get3A_386 = arith.index_cast %scan3A_384 : i32 to index
      %get3A_387 = arith.constant 0 : index
      %get3A_388 = tpu.vector_load %arg8[%get3A_385, %get3A_386, %get3A_387] {strides = array<i32>} : memref<2x64x128xf32, #tpu.memory_space<vmem>>, vector<1x1x16xf32>,
      %get3A_389 = vector.shape_cast %get3A_388 : vector<1x1x16xf32> to vector<16xf32>
      %get3A_390 = arith.constant 0 : i32
      %get3A_391 = arith.index_cast %get3A_390 : i32 to index
      %get3A_392 = arith.index_cast %scan3A_384 : i32 to index
      %get3A_393 = arith.constant 64 : index
      %get3A_394 = tpu.vector_load %arg9[%get3A_391, %get3A_392, %get3A_393] {strides = array<i32>} : memref<2x64x128xf32, #tpu.memory_space<vmem>>, vector<1x1x16xf32>,
      %get3A_395 = vector.shape_cast %get3A_394 : vector<1x1x16xf32> to vector<16xf32>
      %mul3A_396 = arith.mulf %get3A_389, %get3A_395 : vector<16xf32>
      %swap3A = arith.index_cast %scan3A_384 : i32 to index
      %swap3A_397 = arith.constant 0 : index
      %swap3A_398 = tpu.vector_load %arg10[%swap3A, %swap3A_397] {strides = array<i32>} : memref<64x64xf32, #tpu.memory_space<vmem>>, vector<1x16xf32>,
      %swap3A_399 = vector.shape_cast %swap3A_398 : vector<1x16xf32> to vector<16xf32>
      %swap3A_400 = vector.shape_cast %mul3A_396 : vector<16xf32> to vector<1x16xf32>
      tpu.vector_store %arg10[%swap3A, %swap3A_397], %swap3A_400 {strides = array<i32>} : memref<64x64xf32, #tpu.memory_space<vmem>>, vector<1x16xf32>,
      %get3A_401 = arith.constant 0 : i32
      %get3A_402 = arith.index_cast %get3A_401 : i32 to index
      %get3A_403 = arith.index_cast %scan3A_384 : i32 to index
      %get3A_404 = arith.constant 16 : index
      %get3A_405 = tpu.vector_load %arg8[%get3A_402, %get3A_403, %get3A_404] {strides = array<i32>} : memref<2x64x128xf32, #tpu.memory_space<vmem>>, vector<1x1x16xf32>,
      %get3A_406 = vector.shape_cast %get3A_405 : vector<1x1x16xf32> to vector<16xf32>
      %get3A_407 = arith.constant 0 : i32
      %get3A_408 = arith.index_cast %get3A_407 : i32 to index
      %get3A_409 = arith.index_cast %scan3A_384 : i32 to index
      %get3A_410 = arith.constant 80 : index
      %get3A_411 = tpu.vector_load %arg9[%get3A_408, %get3A_409, %get3A_410] {strides = array<i32>} : memref<2x64x128xf32, #tpu.memory_space<vmem>>, vector<1x1x16xf32>,
      %get3A_412 = vector.shape_cast %get3A_411 : vector<1x1x16xf32> to vector<16xf32>
      %mul3A_413 = arith.mulf %get3A_406, %get3A_412 : vector<16xf32>
      %swap3A_414 = arith.index_cast %scan3A_384 : i32 to index
      %swap3A_415 = arith.constant 16 : index
      %swap3A_416 = tpu.vector_load %arg10[%swap3A_414, %swap3A_415] {strides = array<i32>} : memref<64x64xf32, #tpu.memory_space<vmem>>, vector<1x16xf32>,
      %swap3A_417 = vector.shape_cast %swap3A_416 : vector<1x16xf32> to vector<16xf32>
      %swap3A_418 = vector.shape_cast %mul3A_413 : vector<16xf32> to vector<1x16xf32>
      tpu.vector_store %arg10[%swap3A_414, %swap3A_415], %swap3A_418 {strides = array<i32>} : memref<64x64xf32, #tpu.memory_space<vmem>>, vector<1x16xf32>,
      %get3A_419 = arith.constant 0 : i32
      %get3A_420 = arith.index_cast %get3A_419 : i32 to index
      %get3A_421 = arith.index_cast %scan3A_384 : i32 to index
      %get3A_422 = arith.constant 32 : index
      %get3A_423 = tpu.vector_load %arg8[%get3A_420, %get3A_421, %get3A_422] {strides = array<i32>} : memref<2x64x128xf32, #tpu.memory_space<vmem>>, vector<1x1x16xf32>,
      %get3A_424 = vector.shape_cast %get3A_423 : vector<1x1x16xf32> to vector<16xf32>
      %get3A_425 = arith.constant 0 : i32
      %get3A_426 = arith.index_cast %get3A_425 : i32 to index
      %get3A_427 = arith.index_cast %scan3A_384 : i32 to index
      %get3A_428 = arith.constant 96 : index
      %get3A_429 = tpu.vector_load %arg9[%get3A_426, %get3A_427, %get3A_428] {strides = array<i32>} : memref<2x64x128xf32, #tpu.memory_space<vmem>>, vector<1x1x16xf32>,
      %get3A_430 = vector.shape_cast %get3A_429 : vector<1x1x16xf32> to vector<16xf32>
      %mul3A_431 = arith.mulf %get3A_424, %get3A_430 : vector<16xf32>
      %swap3A_432 = arith.index_cast %scan3A_384 : i32 to index
      %swap3A_433 = arith.constant 32 : index
      %swap3A_434 = tpu.vector_load %arg10[%swap3A_432, %swap3A_433] {strides = array<i32>} : memref<64x64xf32, #tpu.memory_space<vmem>>, vector<1x16xf32>,
      %swap3A_435 = vector.shape_cast %swap3A_434 : vector<1x16xf32> to vector<16xf32>
      %swap3A_436 = vector.shape_cast %mul3A_431 : vector<16xf32> to vector<1x16xf32>
      tpu.vector_store %arg10[%swap3A_432, %swap3A_433], %swap3A_436 {strides = array<i32>} : memref<64x64xf32, #tpu.memory_space<vmem>>, vector<1x16xf32>,
      %get3A_437 = arith.constant 0 : i32
      %get3A_438 = arith.index_cast %get3A_437 : i32 to index
      %get3A_439 = arith.index_cast %scan3A_384 : i32 to index
      %get3A_440 = arith.constant 48 : index
      %get3A_441 = tpu.vector_load %arg8[%get3A_438, %get3A_439, %get3A_440] {strides = array<i32>} : memref<2x64x128xf32, #tpu.memory_space<vmem>>, vector<1x1x16xf32>,
      %get3A_442 = vector.shape_cast %get3A_441 : vector<1x1x16xf32> to vector<16xf32>
      %get3A_443 = arith.constant 0 : i32
      %get3A_444 = arith.index_cast %get3A_443 : i32 to index
      %get3A_445 = arith.index_cast %scan3A_384 : i32 to index
      %get3A_446 = arith.constant 112 : index
      %get3A_447 = tpu.vector_load %arg9[%get3A_444, %get3A_445, %get3A_446] {strides = array<i32>} : memref<2x64x128xf32, #tpu.memory_space<vmem>>, vector<1x1x16xf32>,
      %get3A_448 = vector.shape_cast %get3A_447 : vector<1x1x16xf32> to vector<16xf32>
      %mul3A_449 = arith.mulf %get3A_442, %get3A_448 : vector<16xf32>
      %swap3A_450 = arith.index_cast %scan3A_384 : i32 to index
      %swap3A_451 = arith.constant 48 : index
      %swap3A_452 = tpu.vector_load %arg10[%swap3A_450, %swap3A_451] {strides = array<i32>} : memref<64x64xf32, #tpu.memory_space<vmem>>, vector<1x16xf32>,
      %swap3A_453 = vector.shape_cast %swap3A_452 : vector<1x16xf32> to vector<16xf32>
      %swap3A_454 = vector.shape_cast %mul3A_449 : vector<16xf32> to vector<1x16xf32>
      tpu.vector_store %arg10[%swap3A_450, %swap3A_451], %swap3A_454 {strides = array<i32>} : memref<64x64xf32, #tpu.memory_space<vmem>>, vector<1x16xf32>,
    }
    %scan3A_67 = arith.constant 64 : i32
    "tpu.region"() ({
      %run_scoped3A = tpu.sem_alloc : memref<!tpu.dma_semaphore, #tpu.memory_space<semaphore_mem>>
      %dma_start3A_384 = arith.constant 0 : i32
      %dma_start3A_385 = tpu.memref_slice %arg5[%add3A_62, %dma_start3A_384] : memref<16384x64xf32, #tpu.memory_space<hbm>> -> memref<64x64xf32, #tpu.memory_space<hbm>>
      %dma_start3A_386 = arith.constant 0 : i32
      %dma_start3A_387 = tpu.memref_slice %arg5[%add3A_62, %dma_start3A_386] : memref<16384x64xf32, #tpu.memory_space<hbm>> -> memref<64x64xf32, #tpu.memory_space<hbm>>
      tpu.enqueue_dma source(%arg10 : memref<64x64xf32, #tpu.memory_space<vmem>>) target(%dma_start3A_387 : memref<64x64xf32, #tpu.memory_space<hbm>>) target_semaphore(%run_scoped3A : memref<!tpu.dma_semaphore, #tpu.memory_space<semaphore_mem>>)
      %dma_wait3A_388 = arith.constant 0 : i32
      %dma_wait3A_389 = tpu.memref_slice %arg5[%add3A_62, %dma_wait3A_388] : memref<16384x64xf32, #tpu.memory_space<hbm>> -> memref<64x64xf32, #tpu.memory_space<hbm>>
      %dma_wait3A_390 = arith.constant 0 : i32
      %dma_wait3A_391 = tpu.memref_slice %arg5[%add3A_62, %dma_wait3A_390] : memref<16384x64xf32, #tpu.memory_space<hbm>> -> memref<64x64xf32, #tpu.memory_space<hbm>>
      tpu.wait_dma2 semaphore(%run_scoped3A : memref<!tpu.dma_semaphore, #tpu.memory_space<semaphore_mem>>) src(%arg10 : memref<64x64xf32, #tpu.memory_space<vmem>>) dst(%dma_wait3A_391 : memref<64x64xf32, #tpu.memory_space<hbm>>)
      tpu.yield
    }) : () -> ()
    %dma_start3A_68 = arith.constant 0 : i32
    %dma_start3A_69 = arith.constant 0 : i32
    %dma_start3A_70 = arith.constant 0 : i32
    %dma_start3A_71 = tpu.memref_slice %arg8[%dma_start3A_68, %dma_start3A_69, %dma_start3A_70] : memref<2x64x128xf32, #tpu.memory_space<vmem>> -> memref<1x64x128xf32, #tpu.memory_space<vmem>>
    %dma_start3A_72 = tpu.memref_squeeze %dma_start3A_71 : memref<1x64x128xf32, #tpu.memory_space<vmem>> -> memref<64x128xf32, #tpu.memory_space<vmem>>
    %dma_start3A_73 = arith.constant 128 : i32
    %dma_start3A_74 = tpu.memref_slice %arg6[%dma_start3A_73] : memref<512xi32, #tpu.memory_space<vmem>> -> memref<64xi32, #tpu.memory_space<vmem>>
    %dma_start3A_75 = arith.constant 0 : i32
    %dma_start3A_76 = arith.constant 0 : i32
    %dma_start3A_77 = tpu.memref_slice %arg4[%dma_start3A_75, %dma_start3A_76] : memref<100000x128xf32, #tpu.memory_space<hbm>> -> memref<100000x128xf32, #tpu.memory_space<hbm>>
    tpu.enqueue_indirect_dma source(%dma_start3A_77 : memref<100000x128xf32, #tpu.memory_space<hbm>>) target(%dma_start3A_72 : memref<64x128xf32, #tpu.memory_space<vmem>>) offsets(%dma_start3A_74 : memref<64xi32, #tpu.memory_space<vmem>>) semaphore(%arg11 : memref<!tpu.dma_semaphore, #tpu.memory_space<semaphore_mem>>)
    %dma_start3A_78 = arith.constant 0 : i32
    %dma_start3A_79 = arith.constant 0 : i32
    %dma_start3A_80 = arith.constant 0 : i32
    %dma_start3A_81 = tpu.memref_slice %arg9[%dma_start3A_78, %dma_start3A_79, %dma_start3A_80] : memref<2x64x128xf32, #tpu.memory_space<vmem>> -> memref<1x64x128xf32, #tpu.memory_space<vmem>>
    %dma_start3A_82 = tpu.memref_squeeze %dma_start3A_81 : memref<1x64x128xf32, #tpu.memory_space<vmem>> -> memref<64x128xf32, #tpu.memory_space<vmem>>
    %dma_start3A_83 = arith.constant 128 : i32
    %dma_start3A_84 = tpu.memref_slice %arg7[%dma_start3A_83] : memref<512xi32, #tpu.memory_space<vmem>> -> memref<64xi32, #tpu.memory_space<vmem>>
    %dma_start3A_85 = arith.constant 0 : i32
    %dma_start3A_86 = arith.constant 0 : i32
    %dma_start3A_87 = tpu.memref_slice %arg4[%dma_start3A_85, %dma_start3A_86] : memref<100000x128xf32, #tpu.memory_space<hbm>> -> memref<100000x128xf32, #tpu.memory_space<hbm>>
    tpu.enqueue_indirect_dma source(%dma_start3A_87 : memref<100000x128xf32, #tpu.memory_space<hbm>>) target(%dma_start3A_82 : memref<64x128xf32, #tpu.memory_space<vmem>>) offsets(%dma_start3A_84 : memref<64xi32, #tpu.memory_space<vmem>>) semaphore(%arg11 : memref<!tpu.dma_semaphore, #tpu.memory_space<semaphore_mem>>)
    %dma_wait3A_88 = arith.constant 1 : i32
    %dma_wait3A_89 = arith.constant 0 : i32
    %dma_wait3A_90 = arith.constant 0 : i32
    %dma_wait3A_91 = tpu.memref_slice %arg8[%dma_wait3A_88, %dma_wait3A_89, %dma_wait3A_90] : memref<2x64x128xf32, #tpu.memory_space<vmem>> -> memref<1x64x128xf32, #tpu.memory_space<vmem>>
    %dma_wait3A_92 = tpu.memref_squeeze %dma_wait3A_91 : memref<1x64x128xf32, #tpu.memory_space<vmem>> -> memref<64x128xf32, #tpu.memory_space<vmem>>
    %dma_wait3A_93 = arith.constant 64 : i32
    %dma_wait3A_94 = tpu.memref_slice %arg6[%dma_wait3A_93] : memref<512xi32, #tpu.memory_space<vmem>> -> memref<64xi32, #tpu.memory_space<vmem>>
    %dma_wait3A_95 = arith.constant 0 : i32
    %dma_wait3A_96 = arith.constant 0 : i32
    %dma_wait3A_97 = tpu.memref_slice %arg4[%dma_wait3A_95, %dma_wait3A_96] : memref<100000x128xf32, #tpu.memory_space<hbm>> -> memref<100000x128xf32, #tpu.memory_space<hbm>>
    tpu.wait_indirect_dma semaphore(%arg12 : memref<!tpu.dma_semaphore, #tpu.memory_space<semaphore_mem>>) src(%dma_wait3A_97 : memref<100000x128xf32, #tpu.memory_space<hbm>>) dst(%dma_wait3A_92 : memref<64x128xf32, #tpu.memory_space<vmem>>)
    %dma_wait3A_98 = arith.constant 1 : i32
    %dma_wait3A_99 = arith.constant 0 : i32
    %dma_wait3A_100 = arith.constant 0 : i32
    %dma_wait3A_101 = tpu.memref_slice %arg9[%dma_wait3A_98, %dma_wait3A_99, %dma_wait3A_100] : memref<2x64x128xf32, #tpu.memory_space<vmem>> -> memref<1x64x128xf32, #tpu.memory_space<vmem>>
    %dma_wait3A_102 = tpu.memref_squeeze %dma_wait3A_101 : memref<1x64x128xf32, #tpu.memory_space<vmem>> -> memref<64x128xf32, #tpu.memory_space<vmem>>
    %dma_wait3A_103 = arith.constant 64 : i32
    %dma_wait3A_104 = tpu.memref_slice %arg7[%dma_wait3A_103] : memref<512xi32, #tpu.memory_space<vmem>> -> memref<64xi32, #tpu.memory_space<vmem>>
    %dma_wait3A_105 = arith.constant 0 : i32
    %dma_wait3A_106 = arith.constant 0 : i32
    %dma_wait3A_107 = tpu.memref_slice %arg4[%dma_wait3A_105, %dma_wait3A_106] : memref<100000x128xf32, #tpu.memory_space<hbm>> -> memref<100000x128xf32, #tpu.memory_space<hbm>>
    tpu.wait_indirect_dma semaphore(%arg12 : memref<!tpu.dma_semaphore, #tpu.memory_space<semaphore_mem>>) src(%dma_wait3A_107 : memref<100000x128xf32, #tpu.memory_space<hbm>>) dst(%dma_wait3A_102 : memref<64x128xf32, #tpu.memory_space<vmem>>)
    %add3A_108 = arith.constant 64 : i32
    %add3A_109 = arith.addi %mul3A_2, %add3A_108 : i32
    %scan3A_110 = arith.constant 0 : i32
    %scan3A_111 = arith.constant 0 : i32
    %scan3A_112 = arith.constant 64 : i32
    %scan3A_113 = arith.addi %scan3A_111, %scan3A_112 : i32
    %scan3A_114 = arith.constant 1 : i32
    scf.for %scan3A_384 = %scan3A_111 to %scan3A_113 step %scan3A_114  : i32 {
      %get3A = arith.constant 1 : i32
      %get3A_385 = arith.index_cast %get3A : i32 to index
      %get3A_386 = arith.index_cast %scan3A_384 : i32 to index
      %get3A_387 = arith.constant 0 : index
      %get3A_388 = tpu.vector_load %arg8[%get3A_385, %get3A_386, %get3A_387] {strides = array<i32>} : memref<2x64x128xf32, #tpu.memory_space<vmem>>, vector<1x1x16xf32>,
      %get3A_389 = vector.shape_cast %get3A_388 : vector<1x1x16xf32> to vector<16xf32>
      %get3A_390 = arith.constant 1 : i32
      %get3A_391 = arith.index_cast %get3A_390 : i32 to index
      %get3A_392 = arith.index_cast %scan3A_384 : i32 to index
      %get3A_393 = arith.constant 64 : index
      %get3A_394 = tpu.vector_load %arg9[%get3A_391, %get3A_392, %get3A_393] {strides = array<i32>} : memref<2x64x128xf32, #tpu.memory_space<vmem>>, vector<1x1x16xf32>,
      %get3A_395 = vector.shape_cast %get3A_394 : vector<1x1x16xf32> to vector<16xf32>
      %mul3A_396 = arith.mulf %get3A_389, %get3A_395 : vector<16xf32>
      %swap3A = arith.index_cast %scan3A_384 : i32 to index
      %swap3A_397 = arith.constant 0 : index
      %swap3A_398 = tpu.vector_load %arg10[%swap3A, %swap3A_397] {strides = array<i32>} : memref<64x64xf32, #tpu.memory_space<vmem>>, vector<1x16xf32>,
      %swap3A_399 = vector.shape_cast %swap3A_398 : vector<1x16xf32> to vector<16xf32>
      %swap3A_400 = vector.shape_cast %mul3A_396 : vector<16xf32> to vector<1x16xf32>
      tpu.vector_store %arg10[%swap3A, %swap3A_397], %swap3A_400 {strides = array<i32>} : memref<64x64xf32, #tpu.memory_space<vmem>>, vector<1x16xf32>,
      %get3A_401 = arith.constant 1 : i32
      %get3A_402 = arith.index_cast %get3A_401 : i32 to index
      %get3A_403 = arith.index_cast %scan3A_384 : i32 to index
      %get3A_404 = arith.constant 16 : index
      %get3A_405 = tpu.vector_load %arg8[%get3A_402, %get3A_403, %get3A_404] {strides = array<i32>} : memref<2x64x128xf32, #tpu.memory_space<vmem>>, vector<1x1x16xf32>,
      %get3A_406 = vector.shape_cast %get3A_405 : vector<1x1x16xf32> to vector<16xf32>
      %get3A_407 = arith.constant 1 : i32
      %get3A_408 = arith.index_cast %get3A_407 : i32 to index
      %get3A_409 = arith.index_cast %scan3A_384 : i32 to index
      %get3A_410 = arith.constant 80 : index
      %get3A_411 = tpu.vector_load %arg9[%get3A_408, %get3A_409, %get3A_410] {strides = array<i32>} : memref<2x64x128xf32, #tpu.memory_space<vmem>>, vector<1x1x16xf32>,
      %get3A_412 = vector.shape_cast %get3A_411 : vector<1x1x16xf32> to vector<16xf32>
      %mul3A_413 = arith.mulf %get3A_406, %get3A_412 : vector<16xf32>
      %swap3A_414 = arith.index_cast %scan3A_384 : i32 to index
      %swap3A_415 = arith.constant 16 : index
      %swap3A_416 = tpu.vector_load %arg10[%swap3A_414, %swap3A_415] {strides = array<i32>} : memref<64x64xf32, #tpu.memory_space<vmem>>, vector<1x16xf32>,
      %swap3A_417 = vector.shape_cast %swap3A_416 : vector<1x16xf32> to vector<16xf32>
      %swap3A_418 = vector.shape_cast %mul3A_413 : vector<16xf32> to vector<1x16xf32>
      tpu.vector_store %arg10[%swap3A_414, %swap3A_415], %swap3A_418 {strides = array<i32>} : memref<64x64xf32, #tpu.memory_space<vmem>>, vector<1x16xf32>,
      %get3A_419 = arith.constant 1 : i32
      %get3A_420 = arith.index_cast %get3A_419 : i32 to index
      %get3A_421 = arith.index_cast %scan3A_384 : i32 to index
      %get3A_422 = arith.constant 32 : index
      %get3A_423 = tpu.vector_load %arg8[%get3A_420, %get3A_421, %get3A_422] {strides = array<i32>} : memref<2x64x128xf32, #tpu.memory_space<vmem>>, vector<1x1x16xf32>,
      %get3A_424 = vector.shape_cast %get3A_423 : vector<1x1x16xf32> to vector<16xf32>
      %get3A_425 = arith.constant 1 : i32
      %get3A_426 = arith.index_cast %get3A_425 : i32 to index
      %get3A_427 = arith.index_cast %scan3A_384 : i32 to index
      %get3A_428 = arith.constant 96 : index
      %get3A_429 = tpu.vector_load %arg9[%get3A_426, %get3A_427, %get3A_428] {strides = array<i32>} : memref<2x64x128xf32, #tpu.memory_space<vmem>>, vector<1x1x16xf32>,
      %get3A_430 = vector.shape_cast %get3A_429 : vector<1x1x16xf32> to vector<16xf32>
      %mul3A_431 = arith.mulf %get3A_424, %get3A_430 : vector<16xf32>
      %swap3A_432 = arith.index_cast %scan3A_384 : i32 to index
      %swap3A_433 = arith.constant 32 : index
      %swap3A_434 = tpu.vector_load %arg10[%swap3A_432, %swap3A_433] {strides = array<i32>} : memref<64x64xf32, #tpu.memory_space<vmem>>, vector<1x16xf32>,
      %swap3A_435 = vector.shape_cast %swap3A_434 : vector<1x16xf32> to vector<16xf32>
      %swap3A_436 = vector.shape_cast %mul3A_431 : vector<16xf32> to vector<1x16xf32>
      tpu.vector_store %arg10[%swap3A_432, %swap3A_433], %swap3A_436 {strides = array<i32>} : memref<64x64xf32, #tpu.memory_space<vmem>>, vector<1x16xf32>,
      %get3A_437 = arith.constant 1 : i32
      %get3A_438 = arith.index_cast %get3A_437 : i32 to index
      %get3A_439 = arith.index_cast %scan3A_384 : i32 to index
      %get3A_440 = arith.constant 48 : index
      %get3A_441 = tpu.vector_load %arg8[%get3A_438, %get3A_439, %get3A_440] {strides = array<i32>} : memref<2x64x128xf32, #tpu.memory_space<vmem>>, vector<1x1x16xf32>,
      %get3A_442 = vector.shape_cast %get3A_441 : vector<1x1x16xf32> to vector<16xf32>
      %get3A_443 = arith.constant 1 : i32
      %get3A_444 = arith.index_cast %get3A_443 : i32 to index
      %get3A_445 = arith.index_cast %scan3A_384 : i32 to index
      %get3A_446 = arith.constant 112 : index
      %get3A_447 = tpu.vector_load %arg9[%get3A_444, %get3A_445, %get3A_446] {strides = array<i32>} : memref<2x64x128xf32, #tpu.memory_space<vmem>>, vector<1x1x16xf32>,
      %get3A_448 = vector.shape_cast %get3A_447 : vector<1x1x16xf32> to vector<16xf32>
      %mul3A_449 = arith.mulf %get3A_442, %get3A_448 : vector<16xf32>
      %swap3A_450 = arith.index_cast %scan3A_384 : i32 to index
      %swap3A_451 = arith.constant 48 : index
      %swap3A_452 = tpu.vector_load %arg10[%swap3A_450, %swap3A_451] {strides = array<i32>} : memref<64x64xf32, #tpu.memory_space<vmem>>, vector<1x16xf32>,
      %swap3A_453 = vector.shape_cast %swap3A_452 : vector<1x16xf32> to vector<16xf32>
      %swap3A_454 = vector.shape_cast %mul3A_449 : vector<16xf32> to vector<1x16xf32>
      tpu.vector_store %arg10[%swap3A_450, %swap3A_451], %swap3A_454 {strides = array<i32>} : memref<64x64xf32, #tpu.memory_space<vmem>>, vector<1x16xf32>,
    }
    %scan3A_115 = arith.constant 64 : i32
    "tpu.region"() ({
      %run_scoped3A = tpu.sem_alloc : memref<!tpu.dma_semaphore, #tpu.memory_space<semaphore_mem>>
      %dma_start3A_384 = arith.constant 0 : i32
      %dma_start3A_385 = tpu.memref_slice %arg5[%add3A_109, %dma_start3A_384] : memref<16384x64xf32, #tpu.memory_space<hbm>> -> memref<64x64xf32, #tpu.memory_space<hbm>>
      %dma_start3A_386 = arith.constant 0 : i32
      %dma_start3A_387 = tpu.memref_slice %arg5[%add3A_109, %dma_start3A_386] : memref<16384x64xf32, #tpu.memory_space<hbm>> -> memref<64x64xf32, #tpu.memory_space<hbm>>
      tpu.enqueue_dma source(%arg10 : memref<64x64xf32, #tpu.memory_space<vmem>>) target(%dma_start3A_387 : memref<64x64xf32, #tpu.memory_space<hbm>>) target_semaphore(%run_scoped3A : memref<!tpu.dma_semaphore, #tpu.memory_space<semaphore_mem>>)
      %dma_wait3A_388 = arith.constant 0 : i32
      %dma_wait3A_389 = tpu.memref_slice %arg5[%add3A_109, %dma_wait3A_388] : memref<16384x64xf32, #tpu.memory_space<hbm>> -> memref<64x64xf32, #tpu.memory_space<hbm>>
      %dma_wait3A_390 = arith.constant 0 : i32
      %dma_wait3A_391 = tpu.memref_slice %arg5[%add3A_109, %dma_wait3A_390] : memref<16384x64xf32, #tpu.memory_space<hbm>> -> memref<64x64xf32, #tpu.memory_space<hbm>>
      tpu.wait_dma2 semaphore(%run_scoped3A : memref<!tpu.dma_semaphore, #tpu.memory_space<semaphore_mem>>) src(%arg10 : memref<64x64xf32, #tpu.memory_space<vmem>>) dst(%dma_wait3A_391 : memref<64x64xf32, #tpu.memory_space<hbm>>)
      tpu.yield
    }) : () -> ()
    %dma_start3A_116 = arith.constant 1 : i32
    %dma_start3A_117 = arith.constant 0 : i32
    %dma_start3A_118 = arith.constant 0 : i32
    %dma_start3A_119 = tpu.memref_slice %arg8[%dma_start3A_116, %dma_start3A_117, %dma_start3A_118] : memref<2x64x128xf32, #tpu.memory_space<vmem>> -> memref<1x64x128xf32, #tpu.memory_space<vmem>>
    %dma_start3A_120 = tpu.memref_squeeze %dma_start3A_119 : memref<1x64x128xf32, #tpu.memory_space<vmem>> -> memref<64x128xf32, #tpu.memory_space<vmem>>
    %dma_start3A_121 = arith.constant 192 : i32
    %dma_start3A_122 = tpu.memref_slice %arg6[%dma_start3A_121] : memref<512xi32, #tpu.memory_space<vmem>> -> memref<64xi32, #tpu.memory_space<vmem>>
    %dma_start3A_123 = arith.constant 0 : i32
    %dma_start3A_124 = arith.constant 0 : i32
    %dma_start3A_125 = tpu.memref_slice %arg4[%dma_start3A_123, %dma_start3A_124] : memref<100000x128xf32, #tpu.memory_space<hbm>> -> memref<100000x128xf32, #tpu.memory_space<hbm>>
    tpu.enqueue_indirect_dma source(%dma_start3A_125 : memref<100000x128xf32, #tpu.memory_space<hbm>>) target(%dma_start3A_120 : memref<64x128xf32, #tpu.memory_space<vmem>>) offsets(%dma_start3A_122 : memref<64xi32, #tpu.memory_space<vmem>>) semaphore(%arg12 : memref<!tpu.dma_semaphore, #tpu.memory_space<semaphore_mem>>)
    %dma_start3A_126 = arith.constant 1 : i32
    %dma_start3A_127 = arith.constant 0 : i32
    %dma_start3A_128 = arith.constant 0 : i32
    %dma_start3A_129 = tpu.memref_slice %arg9[%dma_start3A_126, %dma_start3A_127, %dma_start3A_128] : memref<2x64x128xf32, #tpu.memory_space<vmem>> -> memref<1x64x128xf32, #tpu.memory_space<vmem>>
    %dma_start3A_130 = tpu.memref_squeeze %dma_start3A_129 : memref<1x64x128xf32, #tpu.memory_space<vmem>> -> memref<64x128xf32, #tpu.memory_space<vmem>>
    %dma_start3A_131 = arith.constant 192 : i32
    %dma_start3A_132 = tpu.memref_slice %arg7[%dma_start3A_131] : memref<512xi32, #tpu.memory_space<vmem>> -> memref<64xi32, #tpu.memory_space<vmem>>
    %dma_start3A_133 = arith.constant 0 : i32
    %dma_start3A_134 = arith.constant 0 : i32
    %dma_start3A_135 = tpu.memref_slice %arg4[%dma_start3A_133, %dma_start3A_134] : memref<100000x128xf32, #tpu.memory_space<hbm>> -> memref<100000x128xf32, #tpu.memory_space<hbm>>
    tpu.enqueue_indirect_dma source(%dma_start3A_135 : memref<100000x128xf32, #tpu.memory_space<hbm>>) target(%dma_start3A_130 : memref<64x128xf32, #tpu.memory_space<vmem>>) offsets(%dma_start3A_132 : memref<64xi32, #tpu.memory_space<vmem>>) semaphore(%arg12 : memref<!tpu.dma_semaphore, #tpu.memory_space<semaphore_mem>>)
    %dma_wait3A_136 = arith.constant 0 : i32
    %dma_wait3A_137 = arith.constant 0 : i32
    %dma_wait3A_138 = arith.constant 0 : i32
    %dma_wait3A_139 = tpu.memref_slice %arg8[%dma_wait3A_136, %dma_wait3A_137, %dma_wait3A_138] : memref<2x64x128xf32, #tpu.memory_space<vmem>> -> memref<1x64x128xf32, #tpu.memory_space<vmem>>
    %dma_wait3A_140 = tpu.memref_squeeze %dma_wait3A_139 : memref<1x64x128xf32, #tpu.memory_space<vmem>> -> memref<64x128xf32, #tpu.memory_space<vmem>>
    %dma_wait3A_141 = arith.constant 128 : i32
    %dma_wait3A_142 = tpu.memref_slice %arg6[%dma_wait3A_141] : memref<512xi32, #tpu.memory_space<vmem>> -> memref<64xi32, #tpu.memory_space<vmem>>
    %dma_wait3A_143 = arith.constant 0 : i32
    %dma_wait3A_144 = arith.constant 0 : i32
    %dma_wait3A_145 = tpu.memref_slice %arg4[%dma_wait3A_143, %dma_wait3A_144] : memref<100000x128xf32, #tpu.memory_space<hbm>> -> memref<100000x128xf32, #tpu.memory_space<hbm>>
    tpu.wait_indirect_dma semaphore(%arg11 : memref<!tpu.dma_semaphore, #tpu.memory_space<semaphore_mem>>) src(%dma_wait3A_145 : memref<100000x128xf32, #tpu.memory_space<hbm>>) dst(%dma_wait3A_140 : memref<64x128xf32, #tpu.memory_space<vmem>>)
    %dma_wait3A_146 = arith.constant 0 : i32
    %dma_wait3A_147 = arith.constant 0 : i32
    %dma_wait3A_148 = arith.constant 0 : i32
    %dma_wait3A_149 = tpu.memref_slice %arg9[%dma_wait3A_146, %dma_wait3A_147, %dma_wait3A_148] : memref<2x64x128xf32, #tpu.memory_space<vmem>> -> memref<1x64x128xf32, #tpu.memory_space<vmem>>
    %dma_wait3A_150 = tpu.memref_squeeze %dma_wait3A_149 : memref<1x64x128xf32, #tpu.memory_space<vmem>> -> memref<64x128xf32, #tpu.memory_space<vmem>>
    %dma_wait3A_151 = arith.constant 128 : i32
    %dma_wait3A_152 = tpu.memref_slice %arg7[%dma_wait3A_151] : memref<512xi32, #tpu.memory_space<vmem>> -> memref<64xi32, #tpu.memory_space<vmem>>
    %dma_wait3A_153 = arith.constant 0 : i32
    %dma_wait3A_154 = arith.constant 0 : i32
    %dma_wait3A_155 = tpu.memref_slice %arg4[%dma_wait3A_153, %dma_wait3A_154] : memref<100000x128xf32, #tpu.memory_space<hbm>> -> memref<100000x128xf32, #tpu.memory_space<hbm>>
    tpu.wait_indirect_dma semaphore(%arg11 : memref<!tpu.dma_semaphore, #tpu.memory_space<semaphore_mem>>) src(%dma_wait3A_155 : memref<100000x128xf32, #tpu.memory_space<hbm>>) dst(%dma_wait3A_150 : memref<64x128xf32, #tpu.memory_space<vmem>>)
    %add3A_156 = arith.constant 128 : i32
    %add3A_157 = arith.addi %mul3A_2, %add3A_156 : i32
    %scan3A_158 = arith.constant 0 : i32
    %scan3A_159 = arith.constant 0 : i32
    %scan3A_160 = arith.constant 64 : i32
    %scan3A_161 = arith.addi %scan3A_159, %scan3A_160 : i32
    %scan3A_162 = arith.constant 1 : i32
    scf.for %scan3A_384 = %scan3A_159 to %scan3A_161 step %scan3A_162  : i32 {
      %get3A = arith.constant 0 : i32
      %get3A_385 = arith.index_cast %get3A : i32 to index
      %get3A_386 = arith.index_cast %scan3A_384 : i32 to index
      %get3A_387 = arith.constant 0 : index
      %get3A_388 = tpu.vector_load %arg8[%get3A_385, %get3A_386, %get3A_387] {strides = array<i32>} : memref<2x64x128xf32, #tpu.memory_space<vmem>>, vector<1x1x16xf32>,
      %get3A_389 = vector.shape_cast %get3A_388 : vector<1x1x16xf32> to vector<16xf32>
      %get3A_390 = arith.constant 0 : i32
      %get3A_391 = arith.index_cast %get3A_390 : i32 to index
      %get3A_392 = arith.index_cast %scan3A_384 : i32 to index
      %get3A_393 = arith.constant 64 : index
      %get3A_394 = tpu.vector_load %arg9[%get3A_391, %get3A_392, %get3A_393] {strides = array<i32>} : memref<2x64x128xf32, #tpu.memory_space<vmem>>, vector<1x1x16xf32>,
      %get3A_395 = vector.shape_cast %get3A_394 : vector<1x1x16xf32> to vector<16xf32>
      %mul3A_396 = arith.mulf %get3A_389, %get3A_395 : vector<16xf32>
      %swap3A = arith.index_cast %scan3A_384 : i32 to index
      %swap3A_397 = arith.constant 0 : index
      %swap3A_398 = tpu.vector_load %arg10[%swap3A, %swap3A_397] {strides = array<i32>} : memref<64x64xf32, #tpu.memory_space<vmem>>, vector<1x16xf32>,
      %swap3A_399 = vector.shape_cast %swap3A_398 : vector<1x16xf32> to vector<16xf32>
      %swap3A_400 = vector.shape_cast %mul3A_396 : vector<16xf32> to vector<1x16xf32>
      tpu.vector_store %arg10[%swap3A, %swap3A_397], %swap3A_400 {strides = array<i32>} : memref<64x64xf32, #tpu.memory_space<vmem>>, vector<1x16xf32>,
      %get3A_401 = arith.constant 0 : i32
      %get3A_402 = arith.index_cast %get3A_401 : i32 to index
      %get3A_403 = arith.index_cast %scan3A_384 : i32 to index
      %get3A_404 = arith.constant 16 : index
      %get3A_405 = tpu.vector_load %arg8[%get3A_402, %get3A_403, %get3A_404] {strides = array<i32>} : memref<2x64x128xf32, #tpu.memory_space<vmem>>, vector<1x1x16xf32>,
      %get3A_406 = vector.shape_cast %get3A_405 : vector<1x1x16xf32> to vector<16xf32>
      %get3A_407 = arith.constant 0 : i32
      %get3A_408 = arith.index_cast %get3A_407 : i32 to index
      %get3A_409 = arith.index_cast %scan3A_384 : i32 to index
      %get3A_410 = arith.constant 80 : index
      %get3A_411 = tpu.vector_load %arg9[%get3A_408, %get3A_409, %get3A_410] {strides = array<i32>} : memref<2x64x128xf32, #tpu.memory_space<vmem>>, vector<1x1x16xf32>,
      %get3A_412 = vector.shape_cast %get3A_411 : vector<1x1x16xf32> to vector<16xf32>
      %mul3A_413 = arith.mulf %get3A_406, %get3A_412 : vector<16xf32>
      %swap3A_414 = arith.index_cast %scan3A_384 : i32 to index
      %swap3A_415 = arith.constant 16 : index
      %swap3A_416 = tpu.vector_load %arg10[%swap3A_414, %swap3A_415] {strides = array<i32>} : memref<64x64xf32, #tpu.memory_space<vmem>>, vector<1x16xf32>,
      %swap3A_417 = vector.shape_cast %swap3A_416 : vector<1x16xf32> to vector<16xf32>
      %swap3A_418 = vector.shape_cast %mul3A_413 : vector<16xf32> to vector<1x16xf32>
      tpu.vector_store %arg10[%swap3A_414, %swap3A_415], %swap3A_418 {strides = array<i32>} : memref<64x64xf32, #tpu.memory_space<vmem>>, vector<1x16xf32>,
      %get3A_419 = arith.constant 0 : i32
      %get3A_420 = arith.index_cast %get3A_419 : i32 to index
      %get3A_421 = arith.index_cast %scan3A_384 : i32 to index
      %get3A_422 = arith.constant 32 : index
      %get3A_423 = tpu.vector_load %arg8[%get3A_420, %get3A_421, %get3A_422] {strides = array<i32>} : memref<2x64x128xf32, #tpu.memory_space<vmem>>, vector<1x1x16xf32>,
      %get3A_424 = vector.shape_cast %get3A_423 : vector<1x1x16xf32> to vector<16xf32>
      %get3A_425 = arith.constant 0 : i32
      %get3A_426 = arith.index_cast %get3A_425 : i32 to index
      %get3A_427 = arith.index_cast %scan3A_384 : i32 to index
      %get3A_428 = arith.constant 96 : index
      %get3A_429 = tpu.vector_load %arg9[%get3A_426, %get3A_427, %get3A_428] {strides = array<i32>} : memref<2x64x128xf32, #tpu.memory_space<vmem>>, vector<1x1x16xf32>,
      %get3A_430 = vector.shape_cast %get3A_429 : vector<1x1x16xf32> to vector<16xf32>
      %mul3A_431 = arith.mulf %get3A_424, %get3A_430 : vector<16xf32>
      %swap3A_432 = arith.index_cast %scan3A_384 : i32 to index
      %swap3A_433 = arith.constant 32 : index
      %swap3A_434 = tpu.vector_load %arg10[%swap3A_432, %swap3A_433] {strides = array<i32>} : memref<64x64xf32, #tpu.memory_space<vmem>>, vector<1x16xf32>,
      %swap3A_435 = vector.shape_cast %swap3A_434 : vector<1x16xf32> to vector<16xf32>
      %swap3A_436 = vector.shape_cast %mul3A_431 : vector<16xf32> to vector<1x16xf32>
      tpu.vector_store %arg10[%swap3A_432, %swap3A_433], %swap3A_436 {strides = array<i32>} : memref<64x64xf32, #tpu.memory_space<vmem>>, vector<1x16xf32>,
      %get3A_437 = arith.constant 0 : i32
      %get3A_438 = arith.index_cast %get3A_437 : i32 to index
      %get3A_439 = arith.index_cast %scan3A_384 : i32 to index
      %get3A_440 = arith.constant 48 : index
      %get3A_441 = tpu.vector_load %arg8[%get3A_438, %get3A_439, %get3A_440] {strides = array<i32>} : memref<2x64x128xf32, #tpu.memory_space<vmem>>, vector<1x1x16xf32>,
      %get3A_442 = vector.shape_cast %get3A_441 : vector<1x1x16xf32> to vector<16xf32>
      %get3A_443 = arith.constant 0 : i32
      %get3A_444 = arith.index_cast %get3A_443 : i32 to index
      %get3A_445 = arith.index_cast %scan3A_384 : i32 to index
      %get3A_446 = arith.constant 112 : index
      %get3A_447 = tpu.vector_load %arg9[%get3A_444, %get3A_445, %get3A_446] {strides = array<i32>} : memref<2x64x128xf32, #tpu.memory_space<vmem>>, vector<1x1x16xf32>,
      %get3A_448 = vector.shape_cast %get3A_447 : vector<1x1x16xf32> to vector<16xf32>
      %mul3A_449 = arith.mulf %get3A_442, %get3A_448 : vector<16xf32>
      %swap3A_450 = arith.index_cast %scan3A_384 : i32 to index
      %swap3A_451 = arith.constant 48 : index
      %swap3A_452 = tpu.vector_load %arg10[%swap3A_450, %swap3A_451] {strides = array<i32>} : memref<64x64xf32, #tpu.memory_space<vmem>>, vector<1x16xf32>,
      %swap3A_453 = vector.shape_cast %swap3A_452 : vector<1x16xf32> to vector<16xf32>
      %swap3A_454 = vector.shape_cast %mul3A_449 : vector<16xf32> to vector<1x16xf32>
      tpu.vector_store %arg10[%swap3A_450, %swap3A_451], %swap3A_454 {strides = array<i32>} : memref<64x64xf32, #tpu.memory_space<vmem>>, vector<1x16xf32>,
    }
    %scan3A_163 = arith.constant 64 : i32
    "tpu.region"() ({
      %run_scoped3A = tpu.sem_alloc : memref<!tpu.dma_semaphore, #tpu.memory_space<semaphore_mem>>
      %dma_start3A_384 = arith.constant 0 : i32
      %dma_start3A_385 = tpu.memref_slice %arg5[%add3A_157, %dma_start3A_384] : memref<16384x64xf32, #tpu.memory_space<hbm>> -> memref<64x64xf32, #tpu.memory_space<hbm>>
      %dma_start3A_386 = arith.constant 0 : i32
      %dma_start3A_387 = tpu.memref_slice %arg5[%add3A_157, %dma_start3A_386] : memref<16384x64xf32, #tpu.memory_space<hbm>> -> memref<64x64xf32, #tpu.memory_space<hbm>>
      tpu.enqueue_dma source(%arg10 : memref<64x64xf32, #tpu.memory_space<vmem>>) target(%dma_start3A_387 : memref<64x64xf32, #tpu.memory_space<hbm>>) target_semaphore(%run_scoped3A : memref<!tpu.dma_semaphore, #tpu.memory_space<semaphore_mem>>)
      %dma_wait3A_388 = arith.constant 0 : i32
      %dma_wait3A_389 = tpu.memref_slice %arg5[%add3A_157, %dma_wait3A_388] : memref<16384x64xf32, #tpu.memory_space<hbm>> -> memref<64x64xf32, #tpu.memory_space<hbm>>
      %dma_wait3A_390 = arith.constant 0 : i32
      %dma_wait3A_391 = tpu.memref_slice %arg5[%add3A_157, %dma_wait3A_390] : memref<16384x64xf32, #tpu.memory_space<hbm>> -> memref<64x64xf32, #tpu.memory_space<hbm>>
      tpu.wait_dma2 semaphore(%run_scoped3A : memref<!tpu.dma_semaphore, #tpu.memory_space<semaphore_mem>>) src(%arg10 : memref<64x64xf32, #tpu.memory_space<vmem>>) dst(%dma_wait3A_391 : memref<64x64xf32, #tpu.memory_space<hbm>>)
      tpu.yield
    }) : () -> ()
    %dma_start3A_164 = arith.constant 0 : i32
    %dma_start3A_165 = arith.constant 0 : i32
    %dma_start3A_166 = arith.constant 0 : i32
    %dma_start3A_167 = tpu.memref_slice %arg8[%dma_start3A_164, %dma_start3A_165, %dma_start3A_166] : memref<2x64x128xf32, #tpu.memory_space<vmem>> -> memref<1x64x128xf32, #tpu.memory_space<vmem>>
    %dma_start3A_168 = tpu.memref_squeeze %dma_start3A_167 : memref<1x64x128xf32, #tpu.memory_space<vmem>> -> memref<64x128xf32, #tpu.memory_space<vmem>>
    %dma_start3A_169 = arith.constant 256 : i32
    %dma_start3A_170 = tpu.memref_slice %arg6[%dma_start3A_169] : memref<512xi32, #tpu.memory_space<vmem>> -> memref<64xi32, #tpu.memory_space<vmem>>
    %dma_start3A_171 = arith.constant 0 : i32
    %dma_start3A_172 = arith.constant 0 : i32
    %dma_start3A_173 = tpu.memref_slice %arg4[%dma_start3A_171, %dma_start3A_172] : memref<100000x128xf32, #tpu.memory_space<hbm>> -> memref<100000x128xf32, #tpu.memory_space<hbm>>
    tpu.enqueue_indirect_dma source(%dma_start3A_173 : memref<100000x128xf32, #tpu.memory_space<hbm>>) target(%dma_start3A_168 : memref<64x128xf32, #tpu.memory_space<vmem>>) offsets(%dma_start3A_170 : memref<64xi32, #tpu.memory_space<vmem>>) semaphore(%arg11 : memref<!tpu.dma_semaphore, #tpu.memory_space<semaphore_mem>>)
    %dma_start3A_174 = arith.constant 0 : i32
    %dma_start3A_175 = arith.constant 0 : i32
    %dma_start3A_176 = arith.constant 0 : i32
    %dma_start3A_177 = tpu.memref_slice %arg9[%dma_start3A_174, %dma_start3A_175, %dma_start3A_176] : memref<2x64x128xf32, #tpu.memory_space<vmem>> -> memref<1x64x128xf32, #tpu.memory_space<vmem>>
    %dma_start3A_178 = tpu.memref_squeeze %dma_start3A_177 : memref<1x64x128xf32, #tpu.memory_space<vmem>> -> memref<64x128xf32, #tpu.memory_space<vmem>>
    %dma_start3A_179 = arith.constant 256 : i32
    %dma_start3A_180 = tpu.memref_slice %arg7[%dma_start3A_179] : memref<512xi32, #tpu.memory_space<vmem>> -> memref<64xi32, #tpu.memory_space<vmem>>
    %dma_start3A_181 = arith.constant 0 : i32
    %dma_start3A_182 = arith.constant 0 : i32
    %dma_start3A_183 = tpu.memref_slice %arg4[%dma_start3A_181, %dma_start3A_182] : memref<100000x128xf32, #tpu.memory_space<hbm>> -> memref<100000x128xf32, #tpu.memory_space<hbm>>
    tpu.enqueue_indirect_dma source(%dma_start3A_183 : memref<100000x128xf32, #tpu.memory_space<hbm>>) target(%dma_start3A_178 : memref<64x128xf32, #tpu.memory_space<vmem>>) offsets(%dma_start3A_180 : memref<64xi32, #tpu.memory_space<vmem>>) semaphore(%arg11 : memref<!tpu.dma_semaphore, #tpu.memory_space<semaphore_mem>>)
    %dma_wait3A_184 = arith.constant 1 : i32
    %dma_wait3A_185 = arith.constant 0 : i32
    %dma_wait3A_186 = arith.constant 0 : i32
    %dma_wait3A_187 = tpu.memref_slice %arg8[%dma_wait3A_184, %dma_wait3A_185, %dma_wait3A_186] : memref<2x64x128xf32, #tpu.memory_space<vmem>> -> memref<1x64x128xf32, #tpu.memory_space<vmem>>
    %dma_wait3A_188 = tpu.memref_squeeze %dma_wait3A_187 : memref<1x64x128xf32, #tpu.memory_space<vmem>> -> memref<64x128xf32, #tpu.memory_space<vmem>>
    %dma_wait3A_189 = arith.constant 192 : i32
    %dma_wait3A_190 = tpu.memref_slice %arg6[%dma_wait3A_189] : memref<512xi32, #tpu.memory_space<vmem>> -> memref<64xi32, #tpu.memory_space<vmem>>
    %dma_wait3A_191 = arith.constant 0 : i32
    %dma_wait3A_192 = arith.constant 0 : i32
    %dma_wait3A_193 = tpu.memref_slice %arg4[%dma_wait3A_191, %dma_wait3A_192] : memref<100000x128xf32, #tpu.memory_space<hbm>> -> memref<100000x128xf32, #tpu.memory_space<hbm>>
    tpu.wait_indirect_dma semaphore(%arg12 : memref<!tpu.dma_semaphore, #tpu.memory_space<semaphore_mem>>) src(%dma_wait3A_193 : memref<100000x128xf32, #tpu.memory_space<hbm>>) dst(%dma_wait3A_188 : memref<64x128xf32, #tpu.memory_space<vmem>>)
    %dma_wait3A_194 = arith.constant 1 : i32
    %dma_wait3A_195 = arith.constant 0 : i32
    %dma_wait3A_196 = arith.constant 0 : i32
    %dma_wait3A_197 = tpu.memref_slice %arg9[%dma_wait3A_194, %dma_wait3A_195, %dma_wait3A_196] : memref<2x64x128xf32, #tpu.memory_space<vmem>> -> memref<1x64x128xf32, #tpu.memory_space<vmem>>
    %dma_wait3A_198 = tpu.memref_squeeze %dma_wait3A_197 : memref<1x64x128xf32, #tpu.memory_space<vmem>> -> memref<64x128xf32, #tpu.memory_space<vmem>>
    %dma_wait3A_199 = arith.constant 192 : i32
    %dma_wait3A_200 = tpu.memref_slice %arg7[%dma_wait3A_199] : memref<512xi32, #tpu.memory_space<vmem>> -> memref<64xi32, #tpu.memory_space<vmem>>
    %dma_wait3A_201 = arith.constant 0 : i32
    %dma_wait3A_202 = arith.constant 0 : i32
    %dma_wait3A_203 = tpu.memref_slice %arg4[%dma_wait3A_201, %dma_wait3A_202] : memref<100000x128xf32, #tpu.memory_space<hbm>> -> memref<100000x128xf32, #tpu.memory_space<hbm>>
    tpu.wait_indirect_dma semaphore(%arg12 : memref<!tpu.dma_semaphore, #tpu.memory_space<semaphore_mem>>) src(%dma_wait3A_203 : memref<100000x128xf32, #tpu.memory_space<hbm>>) dst(%dma_wait3A_198 : memref<64x128xf32, #tpu.memory_space<vmem>>)
    %add3A_204 = arith.constant 192 : i32
    %add3A_205 = arith.addi %mul3A_2, %add3A_204 : i32
    %scan3A_206 = arith.constant 0 : i32
    %scan3A_207 = arith.constant 0 : i32
    %scan3A_208 = arith.constant 64 : i32
    %scan3A_209 = arith.addi %scan3A_207, %scan3A_208 : i32
    %scan3A_210 = arith.constant 1 : i32
    scf.for %scan3A_384 = %scan3A_207 to %scan3A_209 step %scan3A_210  : i32 {
      %get3A = arith.constant 1 : i32
      %get3A_385 = arith.index_cast %get3A : i32 to index
      %get3A_386 = arith.index_cast %scan3A_384 : i32 to index
      %get3A_387 = arith.constant 0 : index
      %get3A_388 = tpu.vector_load %arg8[%get3A_385, %get3A_386, %get3A_387] {strides = array<i32>} : memref<2x64x128xf32, #tpu.memory_space<vmem>>, vector<1x1x16xf32>,
      %get3A_389 = vector.shape_cast %get3A_388 : vector<1x1x16xf32> to vector<16xf32>
      %get3A_390 = arith.constant 1 : i32
      %get3A_391 = arith.index_cast %get3A_390 : i32 to index
      %get3A_392 = arith.index_cast %scan3A_384 : i32 to index
      %get3A_393 = arith.constant 64 : index
      %get3A_394 = tpu.vector_load %arg9[%get3A_391, %get3A_392, %get3A_393] {strides = array<i32>} : memref<2x64x128xf32, #tpu.memory_space<vmem>>, vector<1x1x16xf32>,
      %get3A_395 = vector.shape_cast %get3A_394 : vector<1x1x16xf32> to vector<16xf32>
      %mul3A_396 = arith.mulf %get3A_389, %get3A_395 : vector<16xf32>
      %swap3A = arith.index_cast %scan3A_384 : i32 to index
      %swap3A_397 = arith.constant 0 : index
      %swap3A_398 = tpu.vector_load %arg10[%swap3A, %swap3A_397] {strides = array<i32>} : memref<64x64xf32, #tpu.memory_space<vmem>>, vector<1x16xf32>,
      %swap3A_399 = vector.shape_cast %swap3A_398 : vector<1x16xf32> to vector<16xf32>
      %swap3A_400 = vector.shape_cast %mul3A_396 : vector<16xf32> to vector<1x16xf32>
      tpu.vector_store %arg10[%swap3A, %swap3A_397], %swap3A_400 {strides = array<i32>} : memref<64x64xf32, #tpu.memory_space<vmem>>, vector<1x16xf32>,
      %get3A_401 = arith.constant 1 : i32
      %get3A_402 = arith.index_cast %get3A_401 : i32 to index
      %get3A_403 = arith.index_cast %scan3A_384 : i32 to index
      %get3A_404 = arith.constant 16 : index
      %get3A_405 = tpu.vector_load %arg8[%get3A_402, %get3A_403, %get3A_404] {strides = array<i32>} : memref<2x64x128xf32, #tpu.memory_space<vmem>>, vector<1x1x16xf32>,
      %get3A_406 = vector.shape_cast %get3A_405 : vector<1x1x16xf32> to vector<16xf32>
      %get3A_407 = arith.constant 1 : i32
      %get3A_408 = arith.index_cast %get3A_407 : i32 to index
      %get3A_409 = arith.index_cast %scan3A_384 : i32 to index
      %get3A_410 = arith.constant 80 : index
      %get3A_411 = tpu.vector_load %arg9[%get3A_408, %get3A_409, %get3A_410] {strides = array<i32>} : memref<2x64x128xf32, #tpu.memory_space<vmem>>, vector<1x1x16xf32>,
      %get3A_412 = vector.shape_cast %get3A_411 : vector<1x1x16xf32> to vector<16xf32>
      %mul3A_413 = arith.mulf %get3A_406, %get3A_412 : vector<16xf32>
      %swap3A_414 = arith.index_cast %scan3A_384 : i32 to index
      %swap3A_415 = arith.constant 16 : index
      %swap3A_416 = tpu.vector_load %arg10[%swap3A_414, %swap3A_415] {strides = array<i32>} : memref<64x64xf32, #tpu.memory_space<vmem>>, vector<1x16xf32>,
      %swap3A_417 = vector.shape_cast %swap3A_416 : vector<1x16xf32> to vector<16xf32>
      %swap3A_418 = vector.shape_cast %mul3A_413 : vector<16xf32> to vector<1x16xf32>
      tpu.vector_store %arg10[%swap3A_414, %swap3A_415], %swap3A_418 {strides = array<i32>} : memref<64x64xf32, #tpu.memory_space<vmem>>, vector<1x16xf32>,
      %get3A_419 = arith.constant 1 : i32
      %get3A_420 = arith.index_cast %get3A_419 : i32 to index
      %get3A_421 = arith.index_cast %scan3A_384 : i32 to index
      %get3A_422 = arith.constant 32 : index
      %get3A_423 = tpu.vector_load %arg8[%get3A_420, %get3A_421, %get3A_422] {strides = array<i32>} : memref<2x64x128xf32, #tpu.memory_space<vmem>>, vector<1x1x16xf32>,
      %get3A_424 = vector.shape_cast %get3A_423 : vector<1x1x16xf32> to vector<16xf32>
      %get3A_425 = arith.constant 1 : i32
      %get3A_426 = arith.index_cast %get3A_425 : i32 to index
      %get3A_427 = arith.index_cast %scan3A_384 : i32 to index
      %get3A_428 = arith.constant 96 : index
      %get3A_429 = tpu.vector_load %arg9[%get3A_426, %get3A_427, %get3A_428] {strides = array<i32>} : memref<2x64x128xf32, #tpu.memory_space<vmem>>, vector<1x1x16xf32>,
      %get3A_430 = vector.shape_cast %get3A_429 : vector<1x1x16xf32> to vector<16xf32>
      %mul3A_431 = arith.mulf %get3A_424, %get3A_430 : vector<16xf32>
      %swap3A_432 = arith.index_cast %scan3A_384 : i32 to index
      %swap3A_433 = arith.constant 32 : index
      %swap3A_434 = tpu.vector_load %arg10[%swap3A_432, %swap3A_433] {strides = array<i32>} : memref<64x64xf32, #tpu.memory_space<vmem>>, vector<1x16xf32>,
      %swap3A_435 = vector.shape_cast %swap3A_434 : vector<1x16xf32> to vector<16xf32>
      %swap3A_436 = vector.shape_cast %mul3A_431 : vector<16xf32> to vector<1x16xf32>
      tpu.vector_store %arg10[%swap3A_432, %swap3A_433], %swap3A_436 {strides = array<i32>} : memref<64x64xf32, #tpu.memory_space<vmem>>, vector<1x16xf32>,
      %get3A_437 = arith.constant 1 : i32
      %get3A_438 = arith.index_cast %get3A_437 : i32 to index
      %get3A_439 = arith.index_cast %scan3A_384 : i32 to index
      %get3A_440 = arith.constant 48 : index
      %get3A_441 = tpu.vector_load %arg8[%get3A_438, %get3A_439, %get3A_440] {strides = array<i32>} : memref<2x64x128xf32, #tpu.memory_space<vmem>>, vector<1x1x16xf32>,
      %get3A_442 = vector.shape_cast %get3A_441 : vector<1x1x16xf32> to vector<16xf32>
      %get3A_443 = arith.constant 1 : i32
      %get3A_444 = arith.index_cast %get3A_443 : i32 to index
      %get3A_445 = arith.index_cast %scan3A_384 : i32 to index
      %get3A_446 = arith.constant 112 : index
      %get3A_447 = tpu.vector_load %arg9[%get3A_444, %get3A_445, %get3A_446] {strides = array<i32>} : memref<2x64x128xf32, #tpu.memory_space<vmem>>, vector<1x1x16xf32>,
      %get3A_448 = vector.shape_cast %get3A_447 : vector<1x1x16xf32> to vector<16xf32>
      %mul3A_449 = arith.mulf %get3A_442, %get3A_448 : vector<16xf32>
      %swap3A_450 = arith.index_cast %scan3A_384 : i32 to index
      %swap3A_451 = arith.constant 48 : index
      %swap3A_452 = tpu.vector_load %arg10[%swap3A_450, %swap3A_451] {strides = array<i32>} : memref<64x64xf32, #tpu.memory_space<vmem>>, vector<1x16xf32>,
      %swap3A_453 = vector.shape_cast %swap3A_452 : vector<1x16xf32> to vector<16xf32>
      %swap3A_454 = vector.shape_cast %mul3A_449 : vector<16xf32> to vector<1x16xf32>
      tpu.vector_store %arg10[%swap3A_450, %swap3A_451], %swap3A_454 {strides = array<i32>} : memref<64x64xf32, #tpu.memory_space<vmem>>, vector<1x16xf32>,
    }
    %scan3A_211 = arith.constant 64 : i32
    "tpu.region"() ({
      %run_scoped3A = tpu.sem_alloc : memref<!tpu.dma_semaphore, #tpu.memory_space<semaphore_mem>>
      %dma_start3A_384 = arith.constant 0 : i32
      %dma_start3A_385 = tpu.memref_slice %arg5[%add3A_205, %dma_start3A_384] : memref<16384x64xf32, #tpu.memory_space<hbm>> -> memref<64x64xf32, #tpu.memory_space<hbm>>
      %dma_start3A_386 = arith.constant 0 : i32
      %dma_start3A_387 = tpu.memref_slice %arg5[%add3A_205, %dma_start3A_386] : memref<16384x64xf32, #tpu.memory_space<hbm>> -> memref<64x64xf32, #tpu.memory_space<hbm>>
      tpu.enqueue_dma source(%arg10 : memref<64x64xf32, #tpu.memory_space<vmem>>) target(%dma_start3A_387 : memref<64x64xf32, #tpu.memory_space<hbm>>) target_semaphore(%run_scoped3A : memref<!tpu.dma_semaphore, #tpu.memory_space<semaphore_mem>>)
      %dma_wait3A_388 = arith.constant 0 : i32
      %dma_wait3A_389 = tpu.memref_slice %arg5[%add3A_205, %dma_wait3A_388] : memref<16384x64xf32, #tpu.memory_space<hbm>> -> memref<64x64xf32, #tpu.memory_space<hbm>>
      %dma_wait3A_390 = arith.constant 0 : i32
      %dma_wait3A_391 = tpu.memref_slice %arg5[%add3A_205, %dma_wait3A_390] : memref<16384x64xf32, #tpu.memory_space<hbm>> -> memref<64x64xf32, #tpu.memory_space<hbm>>
      tpu.wait_dma2 semaphore(%run_scoped3A : memref<!tpu.dma_semaphore, #tpu.memory_space<semaphore_mem>>) src(%arg10 : memref<64x64xf32, #tpu.memory_space<vmem>>) dst(%dma_wait3A_391 : memref<64x64xf32, #tpu.memory_space<hbm>>)
      tpu.yield
    }) : () -> ()
    %dma_start3A_212 = arith.constant 1 : i32
    %dma_start3A_213 = arith.constant 0 : i32
    %dma_start3A_214 = arith.constant 0 : i32
    %dma_start3A_215 = tpu.memref_slice %arg8[%dma_start3A_212, %dma_start3A_213, %dma_start3A_214] : memref<2x64x128xf32, #tpu.memory_space<vmem>> -> memref<1x64x128xf32, #tpu.memory_space<vmem>>
    %dma_start3A_216 = tpu.memref_squeeze %dma_start3A_215 : memref<1x64x128xf32, #tpu.memory_space<vmem>> -> memref<64x128xf32, #tpu.memory_space<vmem>>
    %dma_start3A_217 = arith.constant 320 : i32
    %dma_start3A_218 = tpu.memref_slice %arg6[%dma_start3A_217] : memref<512xi32, #tpu.memory_space<vmem>> -> memref<64xi32, #tpu.memory_space<vmem>>
    %dma_start3A_219 = arith.constant 0 : i32
    %dma_start3A_220 = arith.constant 0 : i32
    %dma_start3A_221 = tpu.memref_slice %arg4[%dma_start3A_219, %dma_start3A_220] : memref<100000x128xf32, #tpu.memory_space<hbm>> -> memref<100000x128xf32, #tpu.memory_space<hbm>>
    tpu.enqueue_indirect_dma source(%dma_start3A_221 : memref<100000x128xf32, #tpu.memory_space<hbm>>) target(%dma_start3A_216 : memref<64x128xf32, #tpu.memory_space<vmem>>) offsets(%dma_start3A_218 : memref<64xi32, #tpu.memory_space<vmem>>) semaphore(%arg12 : memref<!tpu.dma_semaphore, #tpu.memory_space<semaphore_mem>>)
    %dma_start3A_222 = arith.constant 1 : i32
    %dma_start3A_223 = arith.constant 0 : i32
    %dma_start3A_224 = arith.constant 0 : i32
    %dma_start3A_225 = tpu.memref_slice %arg9[%dma_start3A_222, %dma_start3A_223, %dma_start3A_224] : memref<2x64x128xf32, #tpu.memory_space<vmem>> -> memref<1x64x128xf32, #tpu.memory_space<vmem>>
    %dma_start3A_226 = tpu.memref_squeeze %dma_start3A_225 : memref<1x64x128xf32, #tpu.memory_space<vmem>> -> memref<64x128xf32, #tpu.memory_space<vmem>>
    %dma_start3A_227 = arith.constant 320 : i32
    %dma_start3A_228 = tpu.memref_slice %arg7[%dma_start3A_227] : memref<512xi32, #tpu.memory_space<vmem>> -> memref<64xi32, #tpu.memory_space<vmem>>
    %dma_start3A_229 = arith.constant 0 : i32
    %dma_start3A_230 = arith.constant 0 : i32
    %dma_start3A_231 = tpu.memref_slice %arg4[%dma_start3A_229, %dma_start3A_230] : memref<100000x128xf32, #tpu.memory_space<hbm>> -> memref<100000x128xf32, #tpu.memory_space<hbm>>
    tpu.enqueue_indirect_dma source(%dma_start3A_231 : memref<100000x128xf32, #tpu.memory_space<hbm>>) target(%dma_start3A_226 : memref<64x128xf32, #tpu.memory_space<vmem>>) offsets(%dma_start3A_228 : memref<64xi32, #tpu.memory_space<vmem>>) semaphore(%arg12 : memref<!tpu.dma_semaphore, #tpu.memory_space<semaphore_mem>>)
    %dma_wait3A_232 = arith.constant 0 : i32
    %dma_wait3A_233 = arith.constant 0 : i32
    %dma_wait3A_234 = arith.constant 0 : i32
    %dma_wait3A_235 = tpu.memref_slice %arg8[%dma_wait3A_232, %dma_wait3A_233, %dma_wait3A_234] : memref<2x64x128xf32, #tpu.memory_space<vmem>> -> memref<1x64x128xf32, #tpu.memory_space<vmem>>
    %dma_wait3A_236 = tpu.memref_squeeze %dma_wait3A_235 : memref<1x64x128xf32, #tpu.memory_space<vmem>> -> memref<64x128xf32, #tpu.memory_space<vmem>>
    %dma_wait3A_237 = arith.constant 256 : i32
    %dma_wait3A_238 = tpu.memref_slice %arg6[%dma_wait3A_237] : memref<512xi32, #tpu.memory_space<vmem>> -> memref<64xi32, #tpu.memory_space<vmem>>
    %dma_wait3A_239 = arith.constant 0 : i32
    %dma_wait3A_240 = arith.constant 0 : i32
    %dma_wait3A_241 = tpu.memref_slice %arg4[%dma_wait3A_239, %dma_wait3A_240] : memref<100000x128xf32, #tpu.memory_space<hbm>> -> memref<100000x128xf32, #tpu.memory_space<hbm>>
    tpu.wait_indirect_dma semaphore(%arg11 : memref<!tpu.dma_semaphore, #tpu.memory_space<semaphore_mem>>) src(%dma_wait3A_241 : memref<100000x128xf32, #tpu.memory_space<hbm>>) dst(%dma_wait3A_236 : memref<64x128xf32, #tpu.memory_space<vmem>>)
    %dma_wait3A_242 = arith.constant 0 : i32
    %dma_wait3A_243 = arith.constant 0 : i32
    %dma_wait3A_244 = arith.constant 0 : i32
    %dma_wait3A_245 = tpu.memref_slice %arg9[%dma_wait3A_242, %dma_wait3A_243, %dma_wait3A_244] : memref<2x64x128xf32, #tpu.memory_space<vmem>> -> memref<1x64x128xf32, #tpu.memory_space<vmem>>
    %dma_wait3A_246 = tpu.memref_squeeze %dma_wait3A_245 : memref<1x64x128xf32, #tpu.memory_space<vmem>> -> memref<64x128xf32, #tpu.memory_space<vmem>>
    %dma_wait3A_247 = arith.constant 256 : i32
    %dma_wait3A_248 = tpu.memref_slice %arg7[%dma_wait3A_247] : memref<512xi32, #tpu.memory_space<vmem>> -> memref<64xi32, #tpu.memory_space<vmem>>
    %dma_wait3A_249 = arith.constant 0 : i32
    %dma_wait3A_250 = arith.constant 0 : i32
    %dma_wait3A_251 = tpu.memref_slice %arg4[%dma_wait3A_249, %dma_wait3A_250] : memref<100000x128xf32, #tpu.memory_space<hbm>> -> memref<100000x128xf32, #tpu.memory_space<hbm>>
    tpu.wait_indirect_dma semaphore(%arg11 : memref<!tpu.dma_semaphore, #tpu.memory_space<semaphore_mem>>) src(%dma_wait3A_251 : memref<100000x128xf32, #tpu.memory_space<hbm>>) dst(%dma_wait3A_246 : memref<64x128xf32, #tpu.memory_space<vmem>>)
    %add3A_252 = arith.constant 256 : i32
    %add3A_253 = arith.addi %mul3A_2, %add3A_252 : i32
    %scan3A_254 = arith.constant 0 : i32
    %scan3A_255 = arith.constant 0 : i32
    %scan3A_256 = arith.constant 64 : i32
    %scan3A_257 = arith.addi %scan3A_255, %scan3A_256 : i32
    %scan3A_258 = arith.constant 1 : i32
    scf.for %scan3A_384 = %scan3A_255 to %scan3A_257 step %scan3A_258  : i32 {
      %get3A = arith.constant 0 : i32
      %get3A_385 = arith.index_cast %get3A : i32 to index
      %get3A_386 = arith.index_cast %scan3A_384 : i32 to index
      %get3A_387 = arith.constant 0 : index
      %get3A_388 = tpu.vector_load %arg8[%get3A_385, %get3A_386, %get3A_387] {strides = array<i32>} : memref<2x64x128xf32, #tpu.memory_space<vmem>>, vector<1x1x16xf32>,
      %get3A_389 = vector.shape_cast %get3A_388 : vector<1x1x16xf32> to vector<16xf32>
      %get3A_390 = arith.constant 0 : i32
      %get3A_391 = arith.index_cast %get3A_390 : i32 to index
      %get3A_392 = arith.index_cast %scan3A_384 : i32 to index
      %get3A_393 = arith.constant 64 : index
      %get3A_394 = tpu.vector_load %arg9[%get3A_391, %get3A_392, %get3A_393] {strides = array<i32>} : memref<2x64x128xf32, #tpu.memory_space<vmem>>, vector<1x1x16xf32>,
      %get3A_395 = vector.shape_cast %get3A_394 : vector<1x1x16xf32> to vector<16xf32>
      %mul3A_396 = arith.mulf %get3A_389, %get3A_395 : vector<16xf32>
      %swap3A = arith.index_cast %scan3A_384 : i32 to index
      %swap3A_397 = arith.constant 0 : index
      %swap3A_398 = tpu.vector_load %arg10[%swap3A, %swap3A_397] {strides = array<i32>} : memref<64x64xf32, #tpu.memory_space<vmem>>, vector<1x16xf32>,
      %swap3A_399 = vector.shape_cast %swap3A_398 : vector<1x16xf32> to vector<16xf32>
      %swap3A_400 = vector.shape_cast %mul3A_396 : vector<16xf32> to vector<1x16xf32>
      tpu.vector_store %arg10[%swap3A, %swap3A_397], %swap3A_400 {strides = array<i32>} : memref<64x64xf32, #tpu.memory_space<vmem>>, vector<1x16xf32>,
      %get3A_401 = arith.constant 0 : i32
      %get3A_402 = arith.index_cast %get3A_401 : i32 to index
      %get3A_403 = arith.index_cast %scan3A_384 : i32 to index
      %get3A_404 = arith.constant 16 : index
      %get3A_405 = tpu.vector_load %arg8[%get3A_402, %get3A_403, %get3A_404] {strides = array<i32>} : memref<2x64x128xf32, #tpu.memory_space<vmem>>, vector<1x1x16xf32>,
      %get3A_406 = vector.shape_cast %get3A_405 : vector<1x1x16xf32> to vector<16xf32>
      %get3A_407 = arith.constant 0 : i32
      %get3A_408 = arith.index_cast %get3A_407 : i32 to index
      %get3A_409 = arith.index_cast %scan3A_384 : i32 to index
      %get3A_410 = arith.constant 80 : index
      %get3A_411 = tpu.vector_load %arg9[%get3A_408, %get3A_409, %get3A_410] {strides = array<i32>} : memref<2x64x128xf32, #tpu.memory_space<vmem>>, vector<1x1x16xf32>,
      %get3A_412 = vector.shape_cast %get3A_411 : vector<1x1x16xf32> to vector<16xf32>
      %mul3A_413 = arith.mulf %get3A_406, %get3A_412 : vector<16xf32>
      %swap3A_414 = arith.index_cast %scan3A_384 : i32 to index
      %swap3A_415 = arith.constant 16 : index
      %swap3A_416 = tpu.vector_load %arg10[%swap3A_414, %swap3A_415] {strides = array<i32>} : memref<64x64xf32, #tpu.memory_space<vmem>>, vector<1x16xf32>,
      %swap3A_417 = vector.shape_cast %swap3A_416 : vector<1x16xf32> to vector<16xf32>
      %swap3A_418 = vector.shape_cast %mul3A_413 : vector<16xf32> to vector<1x16xf32>
      tpu.vector_store %arg10[%swap3A_414, %swap3A_415], %swap3A_418 {strides = array<i32>} : memref<64x64xf32, #tpu.memory_space<vmem>>, vector<1x16xf32>,
      %get3A_419 = arith.constant 0 : i32
      %get3A_420 = arith.index_cast %get3A_419 : i32 to index
      %get3A_421 = arith.index_cast %scan3A_384 : i32 to index
      %get3A_422 = arith.constant 32 : index
      %get3A_423 = tpu.vector_load %arg8[%get3A_420, %get3A_421, %get3A_422] {strides = array<i32>} : memref<2x64x128xf32, #tpu.memory_space<vmem>>, vector<1x1x16xf32>,
      %get3A_424 = vector.shape_cast %get3A_423 : vector<1x1x16xf32> to vector<16xf32>
      %get3A_425 = arith.constant 0 : i32
      %get3A_426 = arith.index_cast %get3A_425 : i32 to index
      %get3A_427 = arith.index_cast %scan3A_384 : i32 to index
      %get3A_428 = arith.constant 96 : index
      %get3A_429 = tpu.vector_load %arg9[%get3A_426, %get3A_427, %get3A_428] {strides = array<i32>} : memref<2x64x128xf32, #tpu.memory_space<vmem>>, vector<1x1x16xf32>,
      %get3A_430 = vector.shape_cast %get3A_429 : vector<1x1x16xf32> to vector<16xf32>
      %mul3A_431 = arith.mulf %get3A_424, %get3A_430 : vector<16xf32>
      %swap3A_432 = arith.index_cast %scan3A_384 : i32 to index
      %swap3A_433 = arith.constant 32 : index
      %swap3A_434 = tpu.vector_load %arg10[%swap3A_432, %swap3A_433] {strides = array<i32>} : memref<64x64xf32, #tpu.memory_space<vmem>>, vector<1x16xf32>,
      %swap3A_435 = vector.shape_cast %swap3A_434 : vector<1x16xf32> to vector<16xf32>
      %swap3A_436 = vector.shape_cast %mul3A_431 : vector<16xf32> to vector<1x16xf32>
      tpu.vector_store %arg10[%swap3A_432, %swap3A_433], %swap3A_436 {strides = array<i32>} : memref<64x64xf32, #tpu.memory_space<vmem>>, vector<1x16xf32>,
      %get3A_437 = arith.constant 0 : i32
      %get3A_438 = arith.index_cast %get3A_437 : i32 to index
      %get3A_439 = arith.index_cast %scan3A_384 : i32 to index
      %get3A_440 = arith.constant 48 : index
      %get3A_441 = tpu.vector_load %arg8[%get3A_438, %get3A_439, %get3A_440] {strides = array<i32>} : memref<2x64x128xf32, #tpu.memory_space<vmem>>, vector<1x1x16xf32>,
      %get3A_442 = vector.shape_cast %get3A_441 : vector<1x1x16xf32> to vector<16xf32>
      %get3A_443 = arith.constant 0 : i32
      %get3A_444 = arith.index_cast %get3A_443 : i32 to index
      %get3A_445 = arith.index_cast %scan3A_384 : i32 to index
      %get3A_446 = arith.constant 112 : index
      %get3A_447 = tpu.vector_load %arg9[%get3A_444, %get3A_445, %get3A_446] {strides = array<i32>} : memref<2x64x128xf32, #tpu.memory_space<vmem>>, vector<1x1x16xf32>,
      %get3A_448 = vector.shape_cast %get3A_447 : vector<1x1x16xf32> to vector<16xf32>
      %mul3A_449 = arith.mulf %get3A_442, %get3A_448 : vector<16xf32>
      %swap3A_450 = arith.index_cast %scan3A_384 : i32 to index
      %swap3A_451 = arith.constant 48 : index
      %swap3A_452 = tpu.vector_load %arg10[%swap3A_450, %swap3A_451] {strides = array<i32>} : memref<64x64xf32, #tpu.memory_space<vmem>>, vector<1x16xf32>,
      %swap3A_453 = vector.shape_cast %swap3A_452 : vector<1x16xf32> to vector<16xf32>
      %swap3A_454 = vector.shape_cast %mul3A_449 : vector<16xf32> to vector<1x16xf32>
      tpu.vector_store %arg10[%swap3A_450, %swap3A_451], %swap3A_454 {strides = array<i32>} : memref<64x64xf32, #tpu.memory_space<vmem>>, vector<1x16xf32>,
    }
    %scan3A_259 = arith.constant 64 : i32
    "tpu.region"() ({
      %run_scoped3A = tpu.sem_alloc : memref<!tpu.dma_semaphore, #tpu.memory_space<semaphore_mem>>
      %dma_start3A_384 = arith.constant 0 : i32
      %dma_start3A_385 = tpu.memref_slice %arg5[%add3A_253, %dma_start3A_384] : memref<16384x64xf32, #tpu.memory_space<hbm>> -> memref<64x64xf32, #tpu.memory_space<hbm>>
      %dma_start3A_386 = arith.constant 0 : i32
      %dma_start3A_387 = tpu.memref_slice %arg5[%add3A_253, %dma_start3A_386] : memref<16384x64xf32, #tpu.memory_space<hbm>> -> memref<64x64xf32, #tpu.memory_space<hbm>>
      tpu.enqueue_dma source(%arg10 : memref<64x64xf32, #tpu.memory_space<vmem>>) target(%dma_start3A_387 : memref<64x64xf32, #tpu.memory_space<hbm>>) target_semaphore(%run_scoped3A : memref<!tpu.dma_semaphore, #tpu.memory_space<semaphore_mem>>)
      %dma_wait3A_388 = arith.constant 0 : i32
      %dma_wait3A_389 = tpu.memref_slice %arg5[%add3A_253, %dma_wait3A_388] : memref<16384x64xf32, #tpu.memory_space<hbm>> -> memref<64x64xf32, #tpu.memory_space<hbm>>
      %dma_wait3A_390 = arith.constant 0 : i32
      %dma_wait3A_391 = tpu.memref_slice %arg5[%add3A_253, %dma_wait3A_390] : memref<16384x64xf32, #tpu.memory_space<hbm>> -> memref<64x64xf32, #tpu.memory_space<hbm>>
      tpu.wait_dma2 semaphore(%run_scoped3A : memref<!tpu.dma_semaphore, #tpu.memory_space<semaphore_mem>>) src(%arg10 : memref<64x64xf32, #tpu.memory_space<vmem>>) dst(%dma_wait3A_391 : memref<64x64xf32, #tpu.memory_space<hbm>>)
      tpu.yield
    }) : () -> ()
    %dma_start3A_260 = arith.constant 0 : i32
    %dma_start3A_261 = arith.constant 0 : i32
    %dma_start3A_262 = arith.constant 0 : i32
    %dma_start3A_263 = tpu.memref_slice %arg8[%dma_start3A_260, %dma_start3A_261, %dma_start3A_262] : memref<2x64x128xf32, #tpu.memory_space<vmem>> -> memref<1x64x128xf32, #tpu.memory_space<vmem>>
    %dma_start3A_264 = tpu.memref_squeeze %dma_start3A_263 : memref<1x64x128xf32, #tpu.memory_space<vmem>> -> memref<64x128xf32, #tpu.memory_space<vmem>>
    %dma_start3A_265 = arith.constant 384 : i32
    %dma_start3A_266 = tpu.memref_slice %arg6[%dma_start3A_265] : memref<512xi32, #tpu.memory_space<vmem>> -> memref<64xi32, #tpu.memory_space<vmem>>
    %dma_start3A_267 = arith.constant 0 : i32
    %dma_start3A_268 = arith.constant 0 : i32
    %dma_start3A_269 = tpu.memref_slice %arg4[%dma_start3A_267, %dma_start3A_268] : memref<100000x128xf32, #tpu.memory_space<hbm>> -> memref<100000x128xf32, #tpu.memory_space<hbm>>
    tpu.enqueue_indirect_dma source(%dma_start3A_269 : memref<100000x128xf32, #tpu.memory_space<hbm>>) target(%dma_start3A_264 : memref<64x128xf32, #tpu.memory_space<vmem>>) offsets(%dma_start3A_266 : memref<64xi32, #tpu.memory_space<vmem>>) semaphore(%arg11 : memref<!tpu.dma_semaphore, #tpu.memory_space<semaphore_mem>>)
    %dma_start3A_270 = arith.constant 0 : i32
    %dma_start3A_271 = arith.constant 0 : i32
    %dma_start3A_272 = arith.constant 0 : i32
    %dma_start3A_273 = tpu.memref_slice %arg9[%dma_start3A_270, %dma_start3A_271, %dma_start3A_272] : memref<2x64x128xf32, #tpu.memory_space<vmem>> -> memref<1x64x128xf32, #tpu.memory_space<vmem>>
    %dma_start3A_274 = tpu.memref_squeeze %dma_start3A_273 : memref<1x64x128xf32, #tpu.memory_space<vmem>> -> memref<64x128xf32, #tpu.memory_space<vmem>>
    %dma_start3A_275 = arith.constant 384 : i32
    %dma_start3A_276 = tpu.memref_slice %arg7[%dma_start3A_275] : memref<512xi32, #tpu.memory_space<vmem>> -> memref<64xi32, #tpu.memory_space<vmem>>
    %dma_start3A_277 = arith.constant 0 : i32
    %dma_start3A_278 = arith.constant 0 : i32
    %dma_start3A_279 = tpu.memref_slice %arg4[%dma_start3A_277, %dma_start3A_278] : memref<100000x128xf32, #tpu.memory_space<hbm>> -> memref<100000x128xf32, #tpu.memory_space<hbm>>
    tpu.enqueue_indirect_dma source(%dma_start3A_279 : memref<100000x128xf32, #tpu.memory_space<hbm>>) target(%dma_start3A_274 : memref<64x128xf32, #tpu.memory_space<vmem>>) offsets(%dma_start3A_276 : memref<64xi32, #tpu.memory_space<vmem>>) semaphore(%arg11 : memref<!tpu.dma_semaphore, #tpu.memory_space<semaphore_mem>>)
    %dma_wait3A_280 = arith.constant 1 : i32
    %dma_wait3A_281 = arith.constant 0 : i32
    %dma_wait3A_282 = arith.constant 0 : i32
    %dma_wait3A_283 = tpu.memref_slice %arg8[%dma_wait3A_280, %dma_wait3A_281, %dma_wait3A_282] : memref<2x64x128xf32, #tpu.memory_space<vmem>> -> memref<1x64x128xf32, #tpu.memory_space<vmem>>
    %dma_wait3A_284 = tpu.memref_squeeze %dma_wait3A_283 : memref<1x64x128xf32, #tpu.memory_space<vmem>> -> memref<64x128xf32, #tpu.memory_space<vmem>>
    %dma_wait3A_285 = arith.constant 320 : i32
    %dma_wait3A_286 = tpu.memref_slice %arg6[%dma_wait3A_285] : memref<512xi32, #tpu.memory_space<vmem>> -> memref<64xi32, #tpu.memory_space<vmem>>
    %dma_wait3A_287 = arith.constant 0 : i32
    %dma_wait3A_288 = arith.constant 0 : i32
    %dma_wait3A_289 = tpu.memref_slice %arg4[%dma_wait3A_287, %dma_wait3A_288] : memref<100000x128xf32, #tpu.memory_space<hbm>> -> memref<100000x128xf32, #tpu.memory_space<hbm>>
    tpu.wait_indirect_dma semaphore(%arg12 : memref<!tpu.dma_semaphore, #tpu.memory_space<semaphore_mem>>) src(%dma_wait3A_289 : memref<100000x128xf32, #tpu.memory_space<hbm>>) dst(%dma_wait3A_284 : memref<64x128xf32, #tpu.memory_space<vmem>>)
    %dma_wait3A_290 = arith.constant 1 : i32
    %dma_wait3A_291 = arith.constant 0 : i32
    %dma_wait3A_292 = arith.constant 0 : i32
    %dma_wait3A_293 = tpu.memref_slice %arg9[%dma_wait3A_290, %dma_wait3A_291, %dma_wait3A_292] : memref<2x64x128xf32, #tpu.memory_space<vmem>> -> memref<1x64x128xf32, #tpu.memory_space<vmem>>
    %dma_wait3A_294 = tpu.memref_squeeze %dma_wait3A_293 : memref<1x64x128xf32, #tpu.memory_space<vmem>> -> memref<64x128xf32, #tpu.memory_space<vmem>>
    %dma_wait3A_295 = arith.constant 320 : i32
    %dma_wait3A_296 = tpu.memref_slice %arg7[%dma_wait3A_295] : memref<512xi32, #tpu.memory_space<vmem>> -> memref<64xi32, #tpu.memory_space<vmem>>
    %dma_wait3A_297 = arith.constant 0 : i32
    %dma_wait3A_298 = arith.constant 0 : i32
    %dma_wait3A_299 = tpu.memref_slice %arg4[%dma_wait3A_297, %dma_wait3A_298] : memref<100000x128xf32, #tpu.memory_space<hbm>> -> memref<100000x128xf32, #tpu.memory_space<hbm>>
    tpu.wait_indirect_dma semaphore(%arg12 : memref<!tpu.dma_semaphore, #tpu.memory_space<semaphore_mem>>) src(%dma_wait3A_299 : memref<100000x128xf32, #tpu.memory_space<hbm>>) dst(%dma_wait3A_294 : memref<64x128xf32, #tpu.memory_space<vmem>>)
    %add3A_300 = arith.constant 320 : i32
    %add3A_301 = arith.addi %mul3A_2, %add3A_300 : i32
    %scan3A_302 = arith.constant 0 : i32
    %scan3A_303 = arith.constant 0 : i32
    %scan3A_304 = arith.constant 64 : i32
    %scan3A_305 = arith.addi %scan3A_303, %scan3A_304 : i32
    %scan3A_306 = arith.constant 1 : i32
    scf.for %scan3A_384 = %scan3A_303 to %scan3A_305 step %scan3A_306  : i32 {
      %get3A = arith.constant 1 : i32
      %get3A_385 = arith.index_cast %get3A : i32 to index
      %get3A_386 = arith.index_cast %scan3A_384 : i32 to index
      %get3A_387 = arith.constant 0 : index
      %get3A_388 = tpu.vector_load %arg8[%get3A_385, %get3A_386, %get3A_387] {strides = array<i32>} : memref<2x64x128xf32, #tpu.memory_space<vmem>>, vector<1x1x16xf32>,
      %get3A_389 = vector.shape_cast %get3A_388 : vector<1x1x16xf32> to vector<16xf32>
      %get3A_390 = arith.constant 1 : i32
      %get3A_391 = arith.index_cast %get3A_390 : i32 to index
      %get3A_392 = arith.index_cast %scan3A_384 : i32 to index
      %get3A_393 = arith.constant 64 : index
      %get3A_394 = tpu.vector_load %arg9[%get3A_391, %get3A_392, %get3A_393] {strides = array<i32>} : memref<2x64x128xf32, #tpu.memory_space<vmem>>, vector<1x1x16xf32>,
      %get3A_395 = vector.shape_cast %get3A_394 : vector<1x1x16xf32> to vector<16xf32>
      %mul3A_396 = arith.mulf %get3A_389, %get3A_395 : vector<16xf32>
      %swap3A = arith.index_cast %scan3A_384 : i32 to index
      %swap3A_397 = arith.constant 0 : index
      %swap3A_398 = tpu.vector_load %arg10[%swap3A, %swap3A_397] {strides = array<i32>} : memref<64x64xf32, #tpu.memory_space<vmem>>, vector<1x16xf32>,
      %swap3A_399 = vector.shape_cast %swap3A_398 : vector<1x16xf32> to vector<16xf32>
      %swap3A_400 = vector.shape_cast %mul3A_396 : vector<16xf32> to vector<1x16xf32>
      tpu.vector_store %arg10[%swap3A, %swap3A_397], %swap3A_400 {strides = array<i32>} : memref<64x64xf32, #tpu.memory_space<vmem>>, vector<1x16xf32>,
      %get3A_401 = arith.constant 1 : i32
      %get3A_402 = arith.index_cast %get3A_401 : i32 to index
      %get3A_403 = arith.index_cast %scan3A_384 : i32 to index
      %get3A_404 = arith.constant 16 : index
      %get3A_405 = tpu.vector_load %arg8[%get3A_402, %get3A_403, %get3A_404] {strides = array<i32>} : memref<2x64x128xf32, #tpu.memory_space<vmem>>, vector<1x1x16xf32>,
      %get3A_406 = vector.shape_cast %get3A_405 : vector<1x1x16xf32> to vector<16xf32>
      %get3A_407 = arith.constant 1 : i32
      %get3A_408 = arith.index_cast %get3A_407 : i32 to index
      %get3A_409 = arith.index_cast %scan3A_384 : i32 to index
      %get3A_410 = arith.constant 80 : index
      %get3A_411 = tpu.vector_load %arg9[%get3A_408, %get3A_409, %get3A_410] {strides = array<i32>} : memref<2x64x128xf32, #tpu.memory_space<vmem>>, vector<1x1x16xf32>,
      %get3A_412 = vector.shape_cast %get3A_411 : vector<1x1x16xf32> to vector<16xf32>
      %mul3A_413 = arith.mulf %get3A_406, %get3A_412 : vector<16xf32>
      %swap3A_414 = arith.index_cast %scan3A_384 : i32 to index
      %swap3A_415 = arith.constant 16 : index
      %swap3A_416 = tpu.vector_load %arg10[%swap3A_414, %swap3A_415] {strides = array<i32>} : memref<64x64xf32, #tpu.memory_space<vmem>>, vector<1x16xf32>,
      %swap3A_417 = vector.shape_cast %swap3A_416 : vector<1x16xf32> to vector<16xf32>
      %swap3A_418 = vector.shape_cast %mul3A_413 : vector<16xf32> to vector<1x16xf32>
      tpu.vector_store %arg10[%swap3A_414, %swap3A_415], %swap3A_418 {strides = array<i32>} : memref<64x64xf32, #tpu.memory_space<vmem>>, vector<1x16xf32>,
      %get3A_419 = arith.constant 1 : i32
      %get3A_420 = arith.index_cast %get3A_419 : i32 to index
      %get3A_421 = arith.index_cast %scan3A_384 : i32 to index
      %get3A_422 = arith.constant 32 : index
      %get3A_423 = tpu.vector_load %arg8[%get3A_420, %get3A_421, %get3A_422] {strides = array<i32>} : memref<2x64x128xf32, #tpu.memory_space<vmem>>, vector<1x1x16xf32>,
      %get3A_424 = vector.shape_cast %get3A_423 : vector<1x1x16xf32> to vector<16xf32>
      %get3A_425 = arith.constant 1 : i32
      %get3A_426 = arith.index_cast %get3A_425 : i32 to index
      %get3A_427 = arith.index_cast %scan3A_384 : i32 to index
      %get3A_428 = arith.constant 96 : index
      %get3A_429 = tpu.vector_load %arg9[%get3A_426, %get3A_427, %get3A_428] {strides = array<i32>} : memref<2x64x128xf32, #tpu.memory_space<vmem>>, vector<1x1x16xf32>,
      %get3A_430 = vector.shape_cast %get3A_429 : vector<1x1x16xf32> to vector<16xf32>
      %mul3A_431 = arith.mulf %get3A_424, %get3A_430 : vector<16xf32>
      %swap3A_432 = arith.index_cast %scan3A_384 : i32 to index
      %swap3A_433 = arith.constant 32 : index
      %swap3A_434 = tpu.vector_load %arg10[%swap3A_432, %swap3A_433] {strides = array<i32>} : memref<64x64xf32, #tpu.memory_space<vmem>>, vector<1x16xf32>,
      %swap3A_435 = vector.shape_cast %swap3A_434 : vector<1x16xf32> to vector<16xf32>
      %swap3A_436 = vector.shape_cast %mul3A_431 : vector<16xf32> to vector<1x16xf32>
      tpu.vector_store %arg10[%swap3A_432, %swap3A_433], %swap3A_436 {strides = array<i32>} : memref<64x64xf32, #tpu.memory_space<vmem>>, vector<1x16xf32>,
      %get3A_437 = arith.constant 1 : i32
      %get3A_438 = arith.index_cast %get3A_437 : i32 to index
      %get3A_439 = arith.index_cast %scan3A_384 : i32 to index
      %get3A_440 = arith.constant 48 : index
      %get3A_441 = tpu.vector_load %arg8[%get3A_438, %get3A_439, %get3A_440] {strides = array<i32>} : memref<2x64x128xf32, #tpu.memory_space<vmem>>, vector<1x1x16xf32>,
      %get3A_442 = vector.shape_cast %get3A_441 : vector<1x1x16xf32> to vector<16xf32>
      %get3A_443 = arith.constant 1 : i32
      %get3A_444 = arith.index_cast %get3A_443 : i32 to index
      %get3A_445 = arith.index_cast %scan3A_384 : i32 to index
      %get3A_446 = arith.constant 112 : index
      %get3A_447 = tpu.vector_load %arg9[%get3A_444, %get3A_445, %get3A_446] {strides = array<i32>} : memref<2x64x128xf32, #tpu.memory_space<vmem>>, vector<1x1x16xf32>,
      %get3A_448 = vector.shape_cast %get3A_447 : vector<1x1x16xf32> to vector<16xf32>
      %mul3A_449 = arith.mulf %get3A_442, %get3A_448 : vector<16xf32>
      %swap3A_450 = arith.index_cast %scan3A_384 : i32 to index
      %swap3A_451 = arith.constant 48 : index
      %swap3A_452 = tpu.vector_load %arg10[%swap3A_450, %swap3A_451] {strides = array<i32>} : memref<64x64xf32, #tpu.memory_space<vmem>>, vector<1x16xf32>,
      %swap3A_453 = vector.shape_cast %swap3A_452 : vector<1x16xf32> to vector<16xf32>
      %swap3A_454 = vector.shape_cast %mul3A_449 : vector<16xf32> to vector<1x16xf32>
      tpu.vector_store %arg10[%swap3A_450, %swap3A_451], %swap3A_454 {strides = array<i32>} : memref<64x64xf32, #tpu.memory_space<vmem>>, vector<1x16xf32>,
    }
    %scan3A_307 = arith.constant 64 : i32
    "tpu.region"() ({
      %run_scoped3A = tpu.sem_alloc : memref<!tpu.dma_semaphore, #tpu.memory_space<semaphore_mem>>
      %dma_start3A_384 = arith.constant 0 : i32
      %dma_start3A_385 = tpu.memref_slice %arg5[%add3A_301, %dma_start3A_384] : memref<16384x64xf32, #tpu.memory_space<hbm>> -> memref<64x64xf32, #tpu.memory_space<hbm>>
      %dma_start3A_386 = arith.constant 0 : i32
      %dma_start3A_387 = tpu.memref_slice %arg5[%add3A_301, %dma_start3A_386] : memref<16384x64xf32, #tpu.memory_space<hbm>> -> memref<64x64xf32, #tpu.memory_space<hbm>>
      tpu.enqueue_dma source(%arg10 : memref<64x64xf32, #tpu.memory_space<vmem>>) target(%dma_start3A_387 : memref<64x64xf32, #tpu.memory_space<hbm>>) target_semaphore(%run_scoped3A : memref<!tpu.dma_semaphore, #tpu.memory_space<semaphore_mem>>)
      %dma_wait3A_388 = arith.constant 0 : i32
      %dma_wait3A_389 = tpu.memref_slice %arg5[%add3A_301, %dma_wait3A_388] : memref<16384x64xf32, #tpu.memory_space<hbm>> -> memref<64x64xf32, #tpu.memory_space<hbm>>
      %dma_wait3A_390 = arith.constant 0 : i32
      %dma_wait3A_391 = tpu.memref_slice %arg5[%add3A_301, %dma_wait3A_390] : memref<16384x64xf32, #tpu.memory_space<hbm>> -> memref<64x64xf32, #tpu.memory_space<hbm>>
      tpu.wait_dma2 semaphore(%run_scoped3A : memref<!tpu.dma_semaphore, #tpu.memory_space<semaphore_mem>>) src(%arg10 : memref<64x64xf32, #tpu.memory_space<vmem>>) dst(%dma_wait3A_391 : memref<64x64xf32, #tpu.memory_space<hbm>>)
      tpu.yield
    }) : () -> ()
    %dma_start3A_308 = arith.constant 1 : i32
    %dma_start3A_309 = arith.constant 0 : i32
    %dma_start3A_310 = arith.constant 0 : i32
    %dma_start3A_311 = tpu.memref_slice %arg8[%dma_start3A_308, %dma_start3A_309, %dma_start3A_310] : memref<2x64x128xf32, #tpu.memory_space<vmem>> -> memref<1x64x128xf32, #tpu.memory_space<vmem>>
    %dma_start3A_312 = tpu.memref_squeeze %dma_start3A_311 : memref<1x64x128xf32, #tpu.memory_space<vmem>> -> memref<64x128xf32, #tpu.memory_space<vmem>>
    %dma_start3A_313 = arith.constant 448 : i32
    %dma_start3A_314 = tpu.memref_slice %arg6[%dma_start3A_313] : memref<512xi32, #tpu.memory_space<vmem>> -> memref<64xi32, #tpu.memory_space<vmem>>
    %dma_start3A_315 = arith.constant 0 : i32
    %dma_start3A_316 = arith.constant 0 : i32
    %dma_start3A_317 = tpu.memref_slice %arg4[%dma_start3A_315, %dma_start3A_316] : memref<100000x128xf32, #tpu.memory_space<hbm>> -> memref<100000x128xf32, #tpu.memory_space<hbm>>
    tpu.enqueue_indirect_dma source(%dma_start3A_317 : memref<100000x128xf32, #tpu.memory_space<hbm>>) target(%dma_start3A_312 : memref<64x128xf32, #tpu.memory_space<vmem>>) offsets(%dma_start3A_314 : memref<64xi32, #tpu.memory_space<vmem>>) semaphore(%arg12 : memref<!tpu.dma_semaphore, #tpu.memory_space<semaphore_mem>>)
    %dma_start3A_318 = arith.constant 1 : i32
    %dma_start3A_319 = arith.constant 0 : i32
    %dma_start3A_320 = arith.constant 0 : i32
    %dma_start3A_321 = tpu.memref_slice %arg9[%dma_start3A_318, %dma_start3A_319, %dma_start3A_320] : memref<2x64x128xf32, #tpu.memory_space<vmem>> -> memref<1x64x128xf32, #tpu.memory_space<vmem>>
    %dma_start3A_322 = tpu.memref_squeeze %dma_start3A_321 : memref<1x64x128xf32, #tpu.memory_space<vmem>> -> memref<64x128xf32, #tpu.memory_space<vmem>>
    %dma_start3A_323 = arith.constant 448 : i32
    %dma_start3A_324 = tpu.memref_slice %arg7[%dma_start3A_323] : memref<512xi32, #tpu.memory_space<vmem>> -> memref<64xi32, #tpu.memory_space<vmem>>
    %dma_start3A_325 = arith.constant 0 : i32
    %dma_start3A_326 = arith.constant 0 : i32
    %dma_start3A_327 = tpu.memref_slice %arg4[%dma_start3A_325, %dma_start3A_326] : memref<100000x128xf32, #tpu.memory_space<hbm>> -> memref<100000x128xf32, #tpu.memory_space<hbm>>
    tpu.enqueue_indirect_dma source(%dma_start3A_327 : memref<100000x128xf32, #tpu.memory_space<hbm>>) target(%dma_start3A_322 : memref<64x128xf32, #tpu.memory_space<vmem>>) offsets(%dma_start3A_324 : memref<64xi32, #tpu.memory_space<vmem>>) semaphore(%arg12 : memref<!tpu.dma_semaphore, #tpu.memory_space<semaphore_mem>>)
    %dma_wait3A_328 = arith.constant 0 : i32
    %dma_wait3A_329 = arith.constant 0 : i32
    %dma_wait3A_330 = arith.constant 0 : i32
    %dma_wait3A_331 = tpu.memref_slice %arg8[%dma_wait3A_328, %dma_wait3A_329, %dma_wait3A_330] : memref<2x64x128xf32, #tpu.memory_space<vmem>> -> memref<1x64x128xf32, #tpu.memory_space<vmem>>
    %dma_wait3A_332 = tpu.memref_squeeze %dma_wait3A_331 : memref<1x64x128xf32, #tpu.memory_space<vmem>> -> memref<64x128xf32, #tpu.memory_space<vmem>>
    %dma_wait3A_333 = arith.constant 384 : i32
    %dma_wait3A_334 = tpu.memref_slice %arg6[%dma_wait3A_333] : memref<512xi32, #tpu.memory_space<vmem>> -> memref<64xi32, #tpu.memory_space<vmem>>
    %dma_wait3A_335 = arith.constant 0 : i32
    %dma_wait3A_336 = arith.constant 0 : i32
    %dma_wait3A_337 = tpu.memref_slice %arg4[%dma_wait3A_335, %dma_wait3A_336] : memref<100000x128xf32, #tpu.memory_space<hbm>> -> memref<100000x128xf32, #tpu.memory_space<hbm>>
    tpu.wait_indirect_dma semaphore(%arg11 : memref<!tpu.dma_semaphore, #tpu.memory_space<semaphore_mem>>) src(%dma_wait3A_337 : memref<100000x128xf32, #tpu.memory_space<hbm>>) dst(%dma_wait3A_332 : memref<64x128xf32, #tpu.memory_space<vmem>>)
    %dma_wait3A_338 = arith.constant 0 : i32
    %dma_wait3A_339 = arith.constant 0 : i32
    %dma_wait3A_340 = arith.constant 0 : i32
    %dma_wait3A_341 = tpu.memref_slice %arg9[%dma_wait3A_338, %dma_wait3A_339, %dma_wait3A_340] : memref<2x64x128xf32, #tpu.memory_space<vmem>> -> memref<1x64x128xf32, #tpu.memory_space<vmem>>
    %dma_wait3A_342 = tpu.memref_squeeze %dma_wait3A_341 : memref<1x64x128xf32, #tpu.memory_space<vmem>> -> memref<64x128xf32, #tpu.memory_space<vmem>>
    %dma_wait3A_343 = arith.constant 384 : i32
    %dma_wait3A_344 = tpu.memref_slice %arg7[%dma_wait3A_343] : memref<512xi32, #tpu.memory_space<vmem>> -> memref<64xi32, #tpu.memory_space<vmem>>
    %dma_wait3A_345 = arith.constant 0 : i32
    %dma_wait3A_346 = arith.constant 0 : i32
    %dma_wait3A_347 = tpu.memref_slice %arg4[%dma_wait3A_345, %dma_wait3A_346] : memref<100000x128xf32, #tpu.memory_space<hbm>> -> memref<100000x128xf32, #tpu.memory_space<hbm>>
    tpu.wait_indirect_dma semaphore(%arg11 : memref<!tpu.dma_semaphore, #tpu.memory_space<semaphore_mem>>) src(%dma_wait3A_347 : memref<100000x128xf32, #tpu.memory_space<hbm>>) dst(%dma_wait3A_342 : memref<64x128xf32, #tpu.memory_space<vmem>>)
    %add3A_348 = arith.constant 384 : i32
    %add3A_349 = arith.addi %mul3A_2, %add3A_348 : i32
    %scan3A_350 = arith.constant 0 : i32
    %scan3A_351 = arith.constant 0 : i32
    %scan3A_352 = arith.constant 64 : i32
    %scan3A_353 = arith.addi %scan3A_351, %scan3A_352 : i32
    %scan3A_354 = arith.constant 1 : i32
    scf.for %scan3A_384 = %scan3A_351 to %scan3A_353 step %scan3A_354  : i32 {
      %get3A = arith.constant 0 : i32
      %get3A_385 = arith.index_cast %get3A : i32 to index
      %get3A_386 = arith.index_cast %scan3A_384 : i32 to index
      %get3A_387 = arith.constant 0 : index
      %get3A_388 = tpu.vector_load %arg8[%get3A_385, %get3A_386, %get3A_387] {strides = array<i32>} : memref<2x64x128xf32, #tpu.memory_space<vmem>>, vector<1x1x16xf32>,
      %get3A_389 = vector.shape_cast %get3A_388 : vector<1x1x16xf32> to vector<16xf32>
      %get3A_390 = arith.constant 0 : i32
      %get3A_391 = arith.index_cast %get3A_390 : i32 to index
      %get3A_392 = arith.index_cast %scan3A_384 : i32 to index
      %get3A_393 = arith.constant 64 : index
      %get3A_394 = tpu.vector_load %arg9[%get3A_391, %get3A_392, %get3A_393] {strides = array<i32>} : memref<2x64x128xf32, #tpu.memory_space<vmem>>, vector<1x1x16xf32>,
      %get3A_395 = vector.shape_cast %get3A_394 : vector<1x1x16xf32> to vector<16xf32>
      %mul3A_396 = arith.mulf %get3A_389, %get3A_395 : vector<16xf32>
      %swap3A = arith.index_cast %scan3A_384 : i32 to index
      %swap3A_397 = arith.constant 0 : index
      %swap3A_398 = tpu.vector_load %arg10[%swap3A, %swap3A_397] {strides = array<i32>} : memref<64x64xf32, #tpu.memory_space<vmem>>, vector<1x16xf32>,
      %swap3A_399 = vector.shape_cast %swap3A_398 : vector<1x16xf32> to vector<16xf32>
      %swap3A_400 = vector.shape_cast %mul3A_396 : vector<16xf32> to vector<1x16xf32>
      tpu.vector_store %arg10[%swap3A, %swap3A_397], %swap3A_400 {strides = array<i32>} : memref<64x64xf32, #tpu.memory_space<vmem>>, vector<1x16xf32>,
      %get3A_401 = arith.constant 0 : i32
      %get3A_402 = arith.index_cast %get3A_401 : i32 to index
      %get3A_403 = arith.index_cast %scan3A_384 : i32 to index
      %get3A_404 = arith.constant 16 : index
      %get3A_405 = tpu.vector_load %arg8[%get3A_402, %get3A_403, %get3A_404] {strides = array<i32>} : memref<2x64x128xf32, #tpu.memory_space<vmem>>, vector<1x1x16xf32>,
      %get3A_406 = vector.shape_cast %get3A_405 : vector<1x1x16xf32> to vector<16xf32>
      %get3A_407 = arith.constant 0 : i32
      %get3A_408 = arith.index_cast %get3A_407 : i32 to index
      %get3A_409 = arith.index_cast %scan3A_384 : i32 to index
      %get3A_410 = arith.constant 80 : index
      %get3A_411 = tpu.vector_load %arg9[%get3A_408, %get3A_409, %get3A_410] {strides = array<i32>} : memref<2x64x128xf32, #tpu.memory_space<vmem>>, vector<1x1x16xf32>,
      %get3A_412 = vector.shape_cast %get3A_411 : vector<1x1x16xf32> to vector<16xf32>
      %mul3A_413 = arith.mulf %get3A_406, %get3A_412 : vector<16xf32>
      %swap3A_414 = arith.index_cast %scan3A_384 : i32 to index
      %swap3A_415 = arith.constant 16 : index
      %swap3A_416 = tpu.vector_load %arg10[%swap3A_414, %swap3A_415] {strides = array<i32>} : memref<64x64xf32, #tpu.memory_space<vmem>>, vector<1x16xf32>,
      %swap3A_417 = vector.shape_cast %swap3A_416 : vector<1x16xf32> to vector<16xf32>
      %swap3A_418 = vector.shape_cast %mul3A_413 : vector<16xf32> to vector<1x16xf32>
      tpu.vector_store %arg10[%swap3A_414, %swap3A_415], %swap3A_418 {strides = array<i32>} : memref<64x64xf32, #tpu.memory_space<vmem>>, vector<1x16xf32>,
      %get3A_419 = arith.constant 0 : i32
      %get3A_420 = arith.index_cast %get3A_419 : i32 to index
      %get3A_421 = arith.index_cast %scan3A_384 : i32 to index
      %get3A_422 = arith.constant 32 : index
      %get3A_423 = tpu.vector_load %arg8[%get3A_420, %get3A_421, %get3A_422] {strides = array<i32>} : memref<2x64x128xf32, #tpu.memory_space<vmem>>, vector<1x1x16xf32>,
      %get3A_424 = vector.shape_cast %get3A_423 : vector<1x1x16xf32> to vector<16xf32>
      %get3A_425 = arith.constant 0 : i32
      %get3A_426 = arith.index_cast %get3A_425 : i32 to index
      %get3A_427 = arith.index_cast %scan3A_384 : i32 to index
      %get3A_428 = arith.constant 96 : index
      %get3A_429 = tpu.vector_load %arg9[%get3A_426, %get3A_427, %get3A_428] {strides = array<i32>} : memref<2x64x128xf32, #tpu.memory_space<vmem>>, vector<1x1x16xf32>,
      %get3A_430 = vector.shape_cast %get3A_429 : vector<1x1x16xf32> to vector<16xf32>
      %mul3A_431 = arith.mulf %get3A_424, %get3A_430 : vector<16xf32>
      %swap3A_432 = arith.index_cast %scan3A_384 : i32 to index
      %swap3A_433 = arith.constant 32 : index
      %swap3A_434 = tpu.vector_load %arg10[%swap3A_432, %swap3A_433] {strides = array<i32>} : memref<64x64xf32, #tpu.memory_space<vmem>>, vector<1x16xf32>,
      %swap3A_435 = vector.shape_cast %swap3A_434 : vector<1x16xf32> to vector<16xf32>
      %swap3A_436 = vector.shape_cast %mul3A_431 : vector<16xf32> to vector<1x16xf32>
      tpu.vector_store %arg10[%swap3A_432, %swap3A_433], %swap3A_436 {strides = array<i32>} : memref<64x64xf32, #tpu.memory_space<vmem>>, vector<1x16xf32>,
      %get3A_437 = arith.constant 0 : i32
      %get3A_438 = arith.index_cast %get3A_437 : i32 to index
      %get3A_439 = arith.index_cast %scan3A_384 : i32 to index
      %get3A_440 = arith.constant 48 : index
      %get3A_441 = tpu.vector_load %arg8[%get3A_438, %get3A_439, %get3A_440] {strides = array<i32>} : memref<2x64x128xf32, #tpu.memory_space<vmem>>, vector<1x1x16xf32>,
      %get3A_442 = vector.shape_cast %get3A_441 : vector<1x1x16xf32> to vector<16xf32>
      %get3A_443 = arith.constant 0 : i32
      %get3A_444 = arith.index_cast %get3A_443 : i32 to index
      %get3A_445 = arith.index_cast %scan3A_384 : i32 to index
      %get3A_446 = arith.constant 112 : index
      %get3A_447 = tpu.vector_load %arg9[%get3A_444, %get3A_445, %get3A_446] {strides = array<i32>} : memref<2x64x128xf32, #tpu.memory_space<vmem>>, vector<1x1x16xf32>,
      %get3A_448 = vector.shape_cast %get3A_447 : vector<1x1x16xf32> to vector<16xf32>
      %mul3A_449 = arith.mulf %get3A_442, %get3A_448 : vector<16xf32>
      %swap3A_450 = arith.index_cast %scan3A_384 : i32 to index
      %swap3A_451 = arith.constant 48 : index
      %swap3A_452 = tpu.vector_load %arg10[%swap3A_450, %swap3A_451] {strides = array<i32>} : memref<64x64xf32, #tpu.memory_space<vmem>>, vector<1x16xf32>,
      %swap3A_453 = vector.shape_cast %swap3A_452 : vector<1x16xf32> to vector<16xf32>
      %swap3A_454 = vector.shape_cast %mul3A_449 : vector<16xf32> to vector<1x16xf32>
      tpu.vector_store %arg10[%swap3A_450, %swap3A_451], %swap3A_454 {strides = array<i32>} : memref<64x64xf32, #tpu.memory_space<vmem>>, vector<1x16xf32>,
    }
    %scan3A_355 = arith.constant 64 : i32
    "tpu.region"() ({
      %run_scoped3A = tpu.sem_alloc : memref<!tpu.dma_semaphore, #tpu.memory_space<semaphore_mem>>
      %dma_start3A_384 = arith.constant 0 : i32
      %dma_start3A_385 = tpu.memref_slice %arg5[%add3A_349, %dma_start3A_384] : memref<16384x64xf32, #tpu.memory_space<hbm>> -> memref<64x64xf32, #tpu.memory_space<hbm>>
      %dma_start3A_386 = arith.constant 0 : i32
      %dma_start3A_387 = tpu.memref_slice %arg5[%add3A_349, %dma_start3A_386] : memref<16384x64xf32, #tpu.memory_space<hbm>> -> memref<64x64xf32, #tpu.memory_space<hbm>>
      tpu.enqueue_dma source(%arg10 : memref<64x64xf32, #tpu.memory_space<vmem>>) target(%dma_start3A_387 : memref<64x64xf32, #tpu.memory_space<hbm>>) target_semaphore(%run_scoped3A : memref<!tpu.dma_semaphore, #tpu.memory_space<semaphore_mem>>)
      %dma_wait3A_388 = arith.constant 0 : i32
      %dma_wait3A_389 = tpu.memref_slice %arg5[%add3A_349, %dma_wait3A_388] : memref<16384x64xf32, #tpu.memory_space<hbm>> -> memref<64x64xf32, #tpu.memory_space<hbm>>
      %dma_wait3A_390 = arith.constant 0 : i32
      %dma_wait3A_391 = tpu.memref_slice %arg5[%add3A_349, %dma_wait3A_390] : memref<16384x64xf32, #tpu.memory_space<hbm>> -> memref<64x64xf32, #tpu.memory_space<hbm>>
      tpu.wait_dma2 semaphore(%run_scoped3A : memref<!tpu.dma_semaphore, #tpu.memory_space<semaphore_mem>>) src(%arg10 : memref<64x64xf32, #tpu.memory_space<vmem>>) dst(%dma_wait3A_391 : memref<64x64xf32, #tpu.memory_space<hbm>>)
      tpu.yield
    }) : () -> ()
    %dma_wait3A_356 = arith.constant 1 : i32
    %dma_wait3A_357 = arith.constant 0 : i32
    %dma_wait3A_358 = arith.constant 0 : i32
    %dma_wait3A_359 = tpu.memref_slice %arg8[%dma_wait3A_356, %dma_wait3A_357, %dma_wait3A_358] : memref<2x64x128xf32, #tpu.memory_space<vmem>> -> memref<1x64x128xf32, #tpu.memory_space<vmem>>
    %dma_wait3A_360 = tpu.memref_squeeze %dma_wait3A_359 : memref<1x64x128xf32, #tpu.memory_space<vmem>> -> memref<64x128xf32, #tpu.memory_space<vmem>>
    %dma_wait3A_361 = arith.constant 448 : i32
    %dma_wait3A_362 = tpu.memref_slice %arg6[%dma_wait3A_361] : memref<512xi32, #tpu.memory_space<vmem>> -> memref<64xi32, #tpu.memory_space<vmem>>
    %dma_wait3A_363 = arith.constant 0 : i32
    %dma_wait3A_364 = arith.constant 0 : i32
    %dma_wait3A_365 = tpu.memref_slice %arg4[%dma_wait3A_363, %dma_wait3A_364] : memref<100000x128xf32, #tpu.memory_space<hbm>> -> memref<100000x128xf32, #tpu.memory_space<hbm>>
    tpu.wait_indirect_dma semaphore(%arg12 : memref<!tpu.dma_semaphore, #tpu.memory_space<semaphore_mem>>) src(%dma_wait3A_365 : memref<100000x128xf32, #tpu.memory_space<hbm>>) dst(%dma_wait3A_360 : memref<64x128xf32, #tpu.memory_space<vmem>>)
    %dma_wait3A_366 = arith.constant 1 : i32
    %dma_wait3A_367 = arith.constant 0 : i32
    %dma_wait3A_368 = arith.constant 0 : i32
    %dma_wait3A_369 = tpu.memref_slice %arg9[%dma_wait3A_366, %dma_wait3A_367, %dma_wait3A_368] : memref<2x64x128xf32, #tpu.memory_space<vmem>> -> memref<1x64x128xf32, #tpu.memory_space<vmem>>
    %dma_wait3A_370 = tpu.memref_squeeze %dma_wait3A_369 : memref<1x64x128xf32, #tpu.memory_space<vmem>> -> memref<64x128xf32, #tpu.memory_space<vmem>>
    %dma_wait3A_371 = arith.constant 448 : i32
    %dma_wait3A_372 = tpu.memref_slice %arg7[%dma_wait3A_371] : memref<512xi32, #tpu.memory_space<vmem>> -> memref<64xi32, #tpu.memory_space<vmem>>
    %dma_wait3A_373 = arith.constant 0 : i32
    %dma_wait3A_374 = arith.constant 0 : i32
    %dma_wait3A_375 = tpu.memref_slice %arg4[%dma_wait3A_373, %dma_wait3A_374] : memref<100000x128xf32, #tpu.memory_space<hbm>> -> memref<100000x128xf32, #tpu.memory_space<hbm>>
    tpu.wait_indirect_dma semaphore(%arg12 : memref<!tpu.dma_semaphore, #tpu.memory_space<semaphore_mem>>) src(%dma_wait3A_375 : memref<100000x128xf32, #tpu.memory_space<hbm>>) dst(%dma_wait3A_370 : memref<64x128xf32, #tpu.memory_space<vmem>>)
    %add3A_376 = arith.constant 448 : i32
    %add3A_377 = arith.addi %mul3A_2, %add3A_376 : i32
    %scan3A_378 = arith.constant 0 : i32
    %scan3A_379 = arith.constant 0 : i32
    %scan3A_380 = arith.constant 64 : i32
    %scan3A_381 = arith.addi %scan3A_379, %scan3A_380 : i32
    %scan3A_382 = arith.constant 1 : i32
    scf.for %scan3A_384 = %scan3A_379 to %scan3A_381 step %scan3A_382  : i32 {
      %get3A = arith.constant 1 : i32
      %get3A_385 = arith.index_cast %get3A : i32 to index
      %get3A_386 = arith.index_cast %scan3A_384 : i32 to index
      %get3A_387 = arith.constant 0 : index
      %get3A_388 = tpu.vector_load %arg8[%get3A_385, %get3A_386, %get3A_387] {strides = array<i32>} : memref<2x64x128xf32, #tpu.memory_space<vmem>>, vector<1x1x16xf32>,
      %get3A_389 = vector.shape_cast %get3A_388 : vector<1x1x16xf32> to vector<16xf32>
      %get3A_390 = arith.constant 1 : i32
      %get3A_391 = arith.index_cast %get3A_390 : i32 to index
      %get3A_392 = arith.index_cast %scan3A_384 : i32 to index
      %get3A_393 = arith.constant 64 : index
      %get3A_394 = tpu.vector_load %arg9[%get3A_391, %get3A_392, %get3A_393] {strides = array<i32>} : memref<2x64x128xf32, #tpu.memory_space<vmem>>, vector<1x1x16xf32>,
      %get3A_395 = vector.shape_cast %get3A_394 : vector<1x1x16xf32> to vector<16xf32>
      %mul3A_396 = arith.mulf %get3A_389, %get3A_395 : vector<16xf32>
      %swap3A = arith.index_cast %scan3A_384 : i32 to index
      %swap3A_397 = arith.constant 0 : index
      %swap3A_398 = tpu.vector_load %arg10[%swap3A, %swap3A_397] {strides = array<i32>} : memref<64x64xf32, #tpu.memory_space<vmem>>, vector<1x16xf32>,
      %swap3A_399 = vector.shape_cast %swap3A_398 : vector<1x16xf32> to vector<16xf32>
      %swap3A_400 = vector.shape_cast %mul3A_396 : vector<16xf32> to vector<1x16xf32>
      tpu.vector_store %arg10[%swap3A, %swap3A_397], %swap3A_400 {strides = array<i32>} : memref<64x64xf32, #tpu.memory_space<vmem>>, vector<1x16xf32>,
      %get3A_401 = arith.constant 1 : i32
      %get3A_402 = arith.index_cast %get3A_401 : i32 to index
      %get3A_403 = arith.index_cast %scan3A_384 : i32 to index
      %get3A_404 = arith.constant 16 : index
      %get3A_405 = tpu.vector_load %arg8[%get3A_402, %get3A_403, %get3A_404] {strides = array<i32>} : memref<2x64x128xf32, #tpu.memory_space<vmem>>, vector<1x1x16xf32>,
      %get3A_406 = vector.shape_cast %get3A_405 : vector<1x1x16xf32> to vector<16xf32>
      %get3A_407 = arith.constant 1 : i32
      %get3A_408 = arith.index_cast %get3A_407 : i32 to index
      %get3A_409 = arith.index_cast %scan3A_384 : i32 to index
      %get3A_410 = arith.constant 80 : index
      %get3A_411 = tpu.vector_load %arg9[%get3A_408, %get3A_409, %get3A_410] {strides = array<i32>} : memref<2x64x128xf32, #tpu.memory_space<vmem>>, vector<1x1x16xf32>,
      %get3A_412 = vector.shape_cast %get3A_411 : vector<1x1x16xf32> to vector<16xf32>
      %mul3A_413 = arith.mulf %get3A_406, %get3A_412 : vector<16xf32>
      %swap3A_414 = arith.index_cast %scan3A_384 : i32 to index
      %swap3A_415 = arith.constant 16 : index
      %swap3A_416 = tpu.vector_load %arg10[%swap3A_414, %swap3A_415] {strides = array<i32>} : memref<64x64xf32, #tpu.memory_space<vmem>>, vector<1x16xf32>,
      %swap3A_417 = vector.shape_cast %swap3A_416 : vector<1x16xf32> to vector<16xf32>
      %swap3A_418 = vector.shape_cast %mul3A_413 : vector<16xf32> to vector<1x16xf32>
      tpu.vector_store %arg10[%swap3A_414, %swap3A_415], %swap3A_418 {strides = array<i32>} : memref<64x64xf32, #tpu.memory_space<vmem>>, vector<1x16xf32>,
      %get3A_419 = arith.constant 1 : i32
      %get3A_420 = arith.index_cast %get3A_419 : i32 to index
      %get3A_421 = arith.index_cast %scan3A_384 : i32 to index
      %get3A_422 = arith.constant 32 : index
      %get3A_423 = tpu.vector_load %arg8[%get3A_420, %get3A_421, %get3A_422] {strides = array<i32>} : memref<2x64x128xf32, #tpu.memory_space<vmem>>, vector<1x1x16xf32>,
      %get3A_424 = vector.shape_cast %get3A_423 : vector<1x1x16xf32> to vector<16xf32>
      %get3A_425 = arith.constant 1 : i32
      %get3A_426 = arith.index_cast %get3A_425 : i32 to index
      %get3A_427 = arith.index_cast %scan3A_384 : i32 to index
      %get3A_428 = arith.constant 96 : index
      %get3A_429 = tpu.vector_load %arg9[%get3A_426, %get3A_427, %get3A_428] {strides = array<i32>} : memref<2x64x128xf32, #tpu.memory_space<vmem>>, vector<1x1x16xf32>,
      %get3A_430 = vector.shape_cast %get3A_429 : vector<1x1x16xf32> to vector<16xf32>
      %mul3A_431 = arith.mulf %get3A_424, %get3A_430 : vector<16xf32>
      %swap3A_432 = arith.index_cast %scan3A_384 : i32 to index
      %swap3A_433 = arith.constant 32 : index
      %swap3A_434 = tpu.vector_load %arg10[%swap3A_432, %swap3A_433] {strides = array<i32>} : memref<64x64xf32, #tpu.memory_space<vmem>>, vector<1x16xf32>,
      %swap3A_435 = vector.shape_cast %swap3A_434 : vector<1x16xf32> to vector<16xf32>
      %swap3A_436 = vector.shape_cast %mul3A_431 : vector<16xf32> to vector<1x16xf32>
      tpu.vector_store %arg10[%swap3A_432, %swap3A_433], %swap3A_436 {strides = array<i32>} : memref<64x64xf32, #tpu.memory_space<vmem>>, vector<1x16xf32>,
      %get3A_437 = arith.constant 1 : i32
      %get3A_438 = arith.index_cast %get3A_437 : i32 to index
      %get3A_439 = arith.index_cast %scan3A_384 : i32 to index
      %get3A_440 = arith.constant 48 : index
      %get3A_441 = tpu.vector_load %arg8[%get3A_438, %get3A_439, %get3A_440] {strides = array<i32>} : memref<2x64x128xf32, #tpu.memory_space<vmem>>, vector<1x1x16xf32>,
      %get3A_442 = vector.shape_cast %get3A_441 : vector<1x1x16xf32> to vector<16xf32>
      %get3A_443 = arith.constant 1 : i32
      %get3A_444 = arith.index_cast %get3A_443 : i32 to index
      %get3A_445 = arith.index_cast %scan3A_384 : i32 to index
      %get3A_446 = arith.constant 112 : index
      %get3A_447 = tpu.vector_load %arg9[%get3A_444, %get3A_445, %get3A_446] {strides = array<i32>} : memref<2x64x128xf32, #tpu.memory_space<vmem>>, vector<1x1x16xf32>,
      %get3A_448 = vector.shape_cast %get3A_447 : vector<1x1x16xf32> to vector<16xf32>
      %mul3A_449 = arith.mulf %get3A_442, %get3A_448 : vector<16xf32>
      %swap3A_450 = arith.index_cast %scan3A_384 : i32 to index
      %swap3A_451 = arith.constant 48 : index
      %swap3A_452 = tpu.vector_load %arg10[%swap3A_450, %swap3A_451] {strides = array<i32>} : memref<64x64xf32, #tpu.memory_space<vmem>>, vector<1x16xf32>,
      %swap3A_453 = vector.shape_cast %swap3A_452 : vector<1x16xf32> to vector<16xf32>
      %swap3A_454 = vector.shape_cast %mul3A_449 : vector<16xf32> to vector<1x16xf32>
      tpu.vector_store %arg10[%swap3A_450, %swap3A_451], %swap3A_454 {strides = array<i32>} : memref<64x64xf32, #tpu.memory_space<vmem>>, vector<1x16xf32>,
    }
    %scan3A_383 = arith.constant 64 : i32
    "tpu.region"() ({
      %run_scoped3A = tpu.sem_alloc : memref<!tpu.dma_semaphore, #tpu.memory_space<semaphore_mem>>
      %dma_start3A_384 = arith.constant 0 : i32
      %dma_start3A_385 = tpu.memref_slice %arg5[%add3A_377, %dma_start3A_384] : memref<16384x64xf32, #tpu.memory_space<hbm>> -> memref<64x64xf32, #tpu.memory_space<hbm>>
      %dma_start3A_386 = arith.constant 0 : i32
      %dma_start3A_387 = tpu.memref_slice %arg5[%add3A_377, %dma_start3A_386] : memref<16384x64xf32, #tpu.memory_space<hbm>> -> memref<64x64xf32, #tpu.memory_space<hbm>>
      tpu.enqueue_dma source(%arg10 : memref<64x64xf32, #tpu.memory_space<vmem>>) target(%dma_start3A_387 : memref<64x64xf32, #tpu.memory_space<hbm>>) target_semaphore(%run_scoped3A : memref<!tpu.dma_semaphore, #tpu.memory_space<semaphore_mem>>)
      %dma_wait3A_388 = arith.constant 0 : i32
      %dma_wait3A_389 = tpu.memref_slice %arg5[%add3A_377, %dma_wait3A_388] : memref<16384x64xf32, #tpu.memory_space<hbm>> -> memref<64x64xf32, #tpu.memory_space<hbm>>
      %dma_wait3A_390 = arith.constant 0 : i32
      %dma_wait3A_391 = tpu.memref_slice %arg5[%add3A_377, %dma_wait3A_390] : memref<16384x64xf32, #tpu.memory_space<hbm>> -> memref<64x64xf32, #tpu.memory_space<hbm>>
      tpu.wait_dma2 semaphore(%run_scoped3A : memref<!tpu.dma_semaphore, #tpu.memory_space<semaphore_mem>>) src(%arg10 : memref<64x64xf32, #tpu.memory_space<vmem>>) dst(%dma_wait3A_391 : memref<64x64xf32, #tpu.memory_space<hbm>>)
      tpu.yield
    }) : () -> ()
    return
  }
}

#map = affine_map<(d0, d1) -> (0)>
#map1 = affine_map<(d0, d1) -> (0, 0)>
module attributes {stable_mosaic.version = 14 : i64} {
  func.func @_sc_gather_mlp(%arg0: i32, %arg1: i32, %arg2: memref<16384xi32, #tpu.memory_space<hbm>>, %arg3: memref<16384xi32, #tpu.memory_space<hbm>>, %arg4: memref<100000x256xf32, #tpu.memory_space<hbm>>, %arg5: memref<100000x256xf32, #tpu.memory_space<hbm>>, %arg6: memref<16384x256xf32, #tpu.memory_space<hbm>>, %arg7: memref<16384x256xf32, #tpu.memory_space<hbm>>, %arg8: memref<512xi32, #tpu.memory_space<vmem>>, %arg9: memref<512xi32, #tpu.memory_space<vmem>>, %arg10: memref<2x64x256xf32, #tpu.memory_space<vmem>>, %arg11: memref<2x64x256xf32, #tpu.memory_space<vmem>>, %arg12: memref<!tpu.dma_semaphore, #tpu.memory_space<semaphore_mem>>, %arg13: memref<!tpu.dma_semaphore, #tpu.memory_space<semaphore_mem>>) attributes {dimension_semantics = [#tpu.dimension_semantics<core_parallel>, #tpu.dimension_semantics<subcore_parallel>], iteration_bounds = array<i64: 2, 16>, scalar_prefetch = 0 : i64, scratch_operands = 6 : i64, tpu.core_type = #tpu.core_type<sc_vector_subcore>, window_params = [{transform_indices = #map}, {transform_indices = #map}, {transform_indices = #map1}, {transform_indices = #map1}, {transform_indices = #map1}, {transform_indices = #map1}]} {
    %mul3A = arith.constant 2 : i32
    %mul3A_0 = arith.muli %arg1, %mul3A : i32
    %add3A = arith.addi %mul3A_0, %arg0 : i32
    %mul3A_1 = arith.constant 512 : i32
    %mul3A_2 = arith.muli %add3A, %mul3A_1 : i32
    "tpu.region"() ({
      %run_scoped3A_352 = tpu.sem_alloc : memref<!tpu.dma_semaphore, #tpu.memory_space<semaphore_mem>>
      %dma_start3A_353 = tpu.memref_slice %arg2[%mul3A_2] : memref<16384xi32, #tpu.memory_space<hbm>> -> memref<512xi32, #tpu.memory_space<hbm>>
      %dma_start3A_354 = tpu.memref_slice %arg2[%mul3A_2] : memref<16384xi32, #tpu.memory_space<hbm>> -> memref<512xi32, #tpu.memory_space<hbm>>
      tpu.enqueue_dma source(%dma_start3A_354 : memref<512xi32, #tpu.memory_space<hbm>>) target(%arg8 : memref<512xi32, #tpu.memory_space<vmem>>) target_semaphore(%run_scoped3A_352 : memref<!tpu.dma_semaphore, #tpu.memory_space<semaphore_mem>>)
      %dma_wait3A_355 = tpu.memref_slice %arg2[%mul3A_2] : memref<16384xi32, #tpu.memory_space<hbm>> -> memref<512xi32, #tpu.memory_space<hbm>>
      %dma_wait3A_356 = tpu.memref_slice %arg2[%mul3A_2] : memref<16384xi32, #tpu.memory_space<hbm>> -> memref<512xi32, #tpu.memory_space<hbm>>
      tpu.wait_dma2 semaphore(%run_scoped3A_352 : memref<!tpu.dma_semaphore, #tpu.memory_space<semaphore_mem>>) src(%dma_wait3A_356 : memref<512xi32, #tpu.memory_space<hbm>>) dst(%arg8 : memref<512xi32, #tpu.memory_space<vmem>>)
      tpu.yield
    }) : () -> ()
    "tpu.region"() ({
      %run_scoped3A_352 = tpu.sem_alloc : memref<!tpu.dma_semaphore, #tpu.memory_space<semaphore_mem>>
      %dma_start3A_353 = tpu.memref_slice %arg3[%mul3A_2] : memref<16384xi32, #tpu.memory_space<hbm>> -> memref<512xi32, #tpu.memory_space<hbm>>
      %dma_start3A_354 = tpu.memref_slice %arg3[%mul3A_2] : memref<16384xi32, #tpu.memory_space<hbm>> -> memref<512xi32, #tpu.memory_space<hbm>>
      tpu.enqueue_dma source(%dma_start3A_354 : memref<512xi32, #tpu.memory_space<hbm>>) target(%arg9 : memref<512xi32, #tpu.memory_space<vmem>>) target_semaphore(%run_scoped3A_352 : memref<!tpu.dma_semaphore, #tpu.memory_space<semaphore_mem>>)
      %dma_wait3A_355 = tpu.memref_slice %arg3[%mul3A_2] : memref<16384xi32, #tpu.memory_space<hbm>> -> memref<512xi32, #tpu.memory_space<hbm>>
      %dma_wait3A_356 = tpu.memref_slice %arg3[%mul3A_2] : memref<16384xi32, #tpu.memory_space<hbm>> -> memref<512xi32, #tpu.memory_space<hbm>>
      tpu.wait_dma2 semaphore(%run_scoped3A_352 : memref<!tpu.dma_semaphore, #tpu.memory_space<semaphore_mem>>) src(%dma_wait3A_356 : memref<512xi32, #tpu.memory_space<hbm>>) dst(%arg9 : memref<512xi32, #tpu.memory_space<vmem>>)
      tpu.yield
    }) : () -> ()
    %dma_start3A = arith.constant 0 : i32
    %dma_start3A_3 = arith.constant 0 : i32
    %dma_start3A_4 = arith.constant 0 : i32
    %dma_start3A_5 = tpu.memref_slice %arg10[%dma_start3A, %dma_start3A_3, %dma_start3A_4] : memref<2x64x256xf32, #tpu.memory_space<vmem>> -> memref<1x64x256xf32, #tpu.memory_space<vmem>>
    %dma_start3A_6 = tpu.memref_squeeze %dma_start3A_5 : memref<1x64x256xf32, #tpu.memory_space<vmem>> -> memref<64x256xf32, #tpu.memory_space<vmem>>
    %dma_start3A_7 = arith.constant 0 : i32
    %dma_start3A_8 = tpu.memref_slice %arg8[%dma_start3A_7] : memref<512xi32, #tpu.memory_space<vmem>> -> memref<64xi32, #tpu.memory_space<vmem>>
    %dma_start3A_9 = arith.constant 0 : i32
    %dma_start3A_10 = arith.constant 0 : i32
    %dma_start3A_11 = tpu.memref_slice %arg4[%dma_start3A_9, %dma_start3A_10] : memref<100000x256xf32, #tpu.memory_space<hbm>> -> memref<100000x256xf32, #tpu.memory_space<hbm>>
    tpu.enqueue_indirect_dma source(%dma_start3A_11 : memref<100000x256xf32, #tpu.memory_space<hbm>>) target(%dma_start3A_6 : memref<64x256xf32, #tpu.memory_space<vmem>>) offsets(%dma_start3A_8 : memref<64xi32, #tpu.memory_space<vmem>>) semaphore(%arg12 : memref<!tpu.dma_semaphore, #tpu.memory_space<semaphore_mem>>)
    %dma_start3A_12 = arith.constant 0 : i32
    %dma_start3A_13 = arith.constant 0 : i32
    %dma_start3A_14 = arith.constant 0 : i32
    %dma_start3A_15 = tpu.memref_slice %arg11[%dma_start3A_12, %dma_start3A_13, %dma_start3A_14] : memref<2x64x256xf32, #tpu.memory_space<vmem>> -> memref<1x64x256xf32, #tpu.memory_space<vmem>>
    %dma_start3A_16 = tpu.memref_squeeze %dma_start3A_15 : memref<1x64x256xf32, #tpu.memory_space<vmem>> -> memref<64x256xf32, #tpu.memory_space<vmem>>
    %dma_start3A_17 = arith.constant 0 : i32
    %dma_start3A_18 = tpu.memref_slice %arg9[%dma_start3A_17] : memref<512xi32, #tpu.memory_space<vmem>> -> memref<64xi32, #tpu.memory_space<vmem>>
    %dma_start3A_19 = arith.constant 0 : i32
    %dma_start3A_20 = arith.constant 0 : i32
    %dma_start3A_21 = tpu.memref_slice %arg5[%dma_start3A_19, %dma_start3A_20] : memref<100000x256xf32, #tpu.memory_space<hbm>> -> memref<100000x256xf32, #tpu.memory_space<hbm>>
    tpu.enqueue_indirect_dma source(%dma_start3A_21 : memref<100000x256xf32, #tpu.memory_space<hbm>>) target(%dma_start3A_16 : memref<64x256xf32, #tpu.memory_space<vmem>>) offsets(%dma_start3A_18 : memref<64xi32, #tpu.memory_space<vmem>>) semaphore(%arg12 : memref<!tpu.dma_semaphore, #tpu.memory_space<semaphore_mem>>)
    %dma_start3A_22 = arith.constant 1 : i32
    %dma_start3A_23 = arith.constant 0 : i32
    %dma_start3A_24 = arith.constant 0 : i32
    %dma_start3A_25 = tpu.memref_slice %arg10[%dma_start3A_22, %dma_start3A_23, %dma_start3A_24] : memref<2x64x256xf32, #tpu.memory_space<vmem>> -> memref<1x64x256xf32, #tpu.memory_space<vmem>>
    %dma_start3A_26 = tpu.memref_squeeze %dma_start3A_25 : memref<1x64x256xf32, #tpu.memory_space<vmem>> -> memref<64x256xf32, #tpu.memory_space<vmem>>
    %dma_start3A_27 = arith.constant 64 : i32
    %dma_start3A_28 = tpu.memref_slice %arg8[%dma_start3A_27] : memref<512xi32, #tpu.memory_space<vmem>> -> memref<64xi32, #tpu.memory_space<vmem>>
    %dma_start3A_29 = arith.constant 0 : i32
    %dma_start3A_30 = arith.constant 0 : i32
    %dma_start3A_31 = tpu.memref_slice %arg4[%dma_start3A_29, %dma_start3A_30] : memref<100000x256xf32, #tpu.memory_space<hbm>> -> memref<100000x256xf32, #tpu.memory_space<hbm>>
    tpu.enqueue_indirect_dma source(%dma_start3A_31 : memref<100000x256xf32, #tpu.memory_space<hbm>>) target(%dma_start3A_26 : memref<64x256xf32, #tpu.memory_space<vmem>>) offsets(%dma_start3A_28 : memref<64xi32, #tpu.memory_space<vmem>>) semaphore(%arg13 : memref<!tpu.dma_semaphore, #tpu.memory_space<semaphore_mem>>)
    %dma_start3A_32 = arith.constant 1 : i32
    %dma_start3A_33 = arith.constant 0 : i32
    %dma_start3A_34 = arith.constant 0 : i32
    %dma_start3A_35 = tpu.memref_slice %arg11[%dma_start3A_32, %dma_start3A_33, %dma_start3A_34] : memref<2x64x256xf32, #tpu.memory_space<vmem>> -> memref<1x64x256xf32, #tpu.memory_space<vmem>>
    %dma_start3A_36 = tpu.memref_squeeze %dma_start3A_35 : memref<1x64x256xf32, #tpu.memory_space<vmem>> -> memref<64x256xf32, #tpu.memory_space<vmem>>
    %dma_start3A_37 = arith.constant 64 : i32
    %dma_start3A_38 = tpu.memref_slice %arg9[%dma_start3A_37] : memref<512xi32, #tpu.memory_space<vmem>> -> memref<64xi32, #tpu.memory_space<vmem>>
    %dma_start3A_39 = arith.constant 0 : i32
    %dma_start3A_40 = arith.constant 0 : i32
    %dma_start3A_41 = tpu.memref_slice %arg5[%dma_start3A_39, %dma_start3A_40] : memref<100000x256xf32, #tpu.memory_space<hbm>> -> memref<100000x256xf32, #tpu.memory_space<hbm>>
    tpu.enqueue_indirect_dma source(%dma_start3A_41 : memref<100000x256xf32, #tpu.memory_space<hbm>>) target(%dma_start3A_36 : memref<64x256xf32, #tpu.memory_space<vmem>>) offsets(%dma_start3A_38 : memref<64xi32, #tpu.memory_space<vmem>>) semaphore(%arg13 : memref<!tpu.dma_semaphore, #tpu.memory_space<semaphore_mem>>)
    %dma_wait3A = arith.constant 0 : i32
    %dma_wait3A_42 = arith.constant 0 : i32
    %dma_wait3A_43 = arith.constant 0 : i32
    %dma_wait3A_44 = tpu.memref_slice %arg10[%dma_wait3A, %dma_wait3A_42, %dma_wait3A_43] : memref<2x64x256xf32, #tpu.memory_space<vmem>> -> memref<1x64x256xf32, #tpu.memory_space<vmem>>
    %dma_wait3A_45 = tpu.memref_squeeze %dma_wait3A_44 : memref<1x64x256xf32, #tpu.memory_space<vmem>> -> memref<64x256xf32, #tpu.memory_space<vmem>>
    %dma_wait3A_46 = arith.constant 0 : i32
    %dma_wait3A_47 = tpu.memref_slice %arg8[%dma_wait3A_46] : memref<512xi32, #tpu.memory_space<vmem>> -> memref<64xi32, #tpu.memory_space<vmem>>
    %dma_wait3A_48 = arith.constant 0 : i32
    %dma_wait3A_49 = arith.constant 0 : i32
    %dma_wait3A_50 = tpu.memref_slice %arg4[%dma_wait3A_48, %dma_wait3A_49] : memref<100000x256xf32, #tpu.memory_space<hbm>> -> memref<100000x256xf32, #tpu.memory_space<hbm>>
    tpu.wait_indirect_dma semaphore(%arg12 : memref<!tpu.dma_semaphore, #tpu.memory_space<semaphore_mem>>) src(%dma_wait3A_50 : memref<100000x256xf32, #tpu.memory_space<hbm>>) dst(%dma_wait3A_45 : memref<64x256xf32, #tpu.memory_space<vmem>>)
    %dma_wait3A_51 = arith.constant 0 : i32
    %dma_wait3A_52 = arith.constant 0 : i32
    %dma_wait3A_53 = arith.constant 0 : i32
    %dma_wait3A_54 = tpu.memref_slice %arg11[%dma_wait3A_51, %dma_wait3A_52, %dma_wait3A_53] : memref<2x64x256xf32, #tpu.memory_space<vmem>> -> memref<1x64x256xf32, #tpu.memory_space<vmem>>
    %dma_wait3A_55 = tpu.memref_squeeze %dma_wait3A_54 : memref<1x64x256xf32, #tpu.memory_space<vmem>> -> memref<64x256xf32, #tpu.memory_space<vmem>>
    %dma_wait3A_56 = arith.constant 0 : i32
    %dma_wait3A_57 = tpu.memref_slice %arg9[%dma_wait3A_56] : memref<512xi32, #tpu.memory_space<vmem>> -> memref<64xi32, #tpu.memory_space<vmem>>
    %dma_wait3A_58 = arith.constant 0 : i32
    %dma_wait3A_59 = arith.constant 0 : i32
    %dma_wait3A_60 = tpu.memref_slice %arg5[%dma_wait3A_58, %dma_wait3A_59] : memref<100000x256xf32, #tpu.memory_space<hbm>> -> memref<100000x256xf32, #tpu.memory_space<hbm>>
    tpu.wait_indirect_dma semaphore(%arg12 : memref<!tpu.dma_semaphore, #tpu.memory_space<semaphore_mem>>) src(%dma_wait3A_60 : memref<100000x256xf32, #tpu.memory_space<hbm>>) dst(%dma_wait3A_55 : memref<64x256xf32, #tpu.memory_space<vmem>>)
    %add3A_61 = arith.constant 0 : i32
    %add3A_62 = arith.addi %mul3A_2, %add3A_61 : i32
    %run_scoped3A = arith.constant 0 : i32
    "tpu.region"() ({
      %run_scoped3A_352 = tpu.sem_alloc : memref<!tpu.dma_semaphore, #tpu.memory_space<semaphore_mem>>
      %dma_start3A_353 = arith.constant 0 : i32
      %dma_start3A_354 = arith.constant 0 : i32
      %dma_start3A_355 = tpu.memref_slice %arg10[%run_scoped3A, %dma_start3A_353, %dma_start3A_354] : memref<2x64x256xf32, #tpu.memory_space<vmem>> -> memref<1x64x256xf32, #tpu.memory_space<vmem>>
      %dma_start3A_356 = tpu.memref_squeeze %dma_start3A_355 : memref<1x64x256xf32, #tpu.memory_space<vmem>> -> memref<64x256xf32, #tpu.memory_space<vmem>>
      %dma_start3A_357 = arith.constant 0 : i32
      %dma_start3A_358 = tpu.memref_slice %arg6[%add3A_62, %dma_start3A_357] : memref<16384x256xf32, #tpu.memory_space<hbm>> -> memref<64x256xf32, #tpu.memory_space<hbm>>
      %dma_start3A_359 = arith.constant 0 : i32
      %dma_start3A_360 = tpu.memref_slice %arg6[%add3A_62, %dma_start3A_359] : memref<16384x256xf32, #tpu.memory_space<hbm>> -> memref<64x256xf32, #tpu.memory_space<hbm>>
      %dma_start3A_361 = arith.constant 0 : i32
      %dma_start3A_362 = arith.constant 0 : i32
      %dma_start3A_363 = tpu.memref_slice %arg10[%run_scoped3A, %dma_start3A_361, %dma_start3A_362] : memref<2x64x256xf32, #tpu.memory_space<vmem>> -> memref<1x64x256xf32, #tpu.memory_space<vmem>>
      %dma_start3A_364 = tpu.memref_squeeze %dma_start3A_363 : memref<1x64x256xf32, #tpu.memory_space<vmem>> -> memref<64x256xf32, #tpu.memory_space<vmem>>
      tpu.enqueue_dma source(%dma_start3A_364 : memref<64x256xf32, #tpu.memory_space<vmem>>) target(%dma_start3A_360 : memref<64x256xf32, #tpu.memory_space<hbm>>) target_semaphore(%run_scoped3A_352 : memref<!tpu.dma_semaphore, #tpu.memory_space<semaphore_mem>>)
      %dma_wait3A_365 = arith.constant 0 : i32
      %dma_wait3A_366 = arith.constant 0 : i32
      %dma_wait3A_367 = tpu.memref_slice %arg10[%run_scoped3A, %dma_wait3A_365, %dma_wait3A_366] : memref<2x64x256xf32, #tpu.memory_space<vmem>> -> memref<1x64x256xf32, #tpu.memory_space<vmem>>
      %dma_wait3A_368 = tpu.memref_squeeze %dma_wait3A_367 : memref<1x64x256xf32, #tpu.memory_space<vmem>> -> memref<64x256xf32, #tpu.memory_space<vmem>>
      %dma_wait3A_369 = arith.constant 0 : i32
      %dma_wait3A_370 = tpu.memref_slice %arg6[%add3A_62, %dma_wait3A_369] : memref<16384x256xf32, #tpu.memory_space<hbm>> -> memref<64x256xf32, #tpu.memory_space<hbm>>
      %dma_wait3A_371 = arith.constant 0 : i32
      %dma_wait3A_372 = tpu.memref_slice %arg6[%add3A_62, %dma_wait3A_371] : memref<16384x256xf32, #tpu.memory_space<hbm>> -> memref<64x256xf32, #tpu.memory_space<hbm>>
      %dma_wait3A_373 = arith.constant 0 : i32
      %dma_wait3A_374 = arith.constant 0 : i32
      %dma_wait3A_375 = tpu.memref_slice %arg10[%run_scoped3A, %dma_wait3A_373, %dma_wait3A_374] : memref<2x64x256xf32, #tpu.memory_space<vmem>> -> memref<1x64x256xf32, #tpu.memory_space<vmem>>
      %dma_wait3A_376 = tpu.memref_squeeze %dma_wait3A_375 : memref<1x64x256xf32, #tpu.memory_space<vmem>> -> memref<64x256xf32, #tpu.memory_space<vmem>>
      tpu.wait_dma2 semaphore(%run_scoped3A_352 : memref<!tpu.dma_semaphore, #tpu.memory_space<semaphore_mem>>) src(%dma_wait3A_376 : memref<64x256xf32, #tpu.memory_space<vmem>>) dst(%dma_wait3A_372 : memref<64x256xf32, #tpu.memory_space<hbm>>)
      tpu.yield
    }) : () -> ()
    %run_scoped3A_63 = arith.constant 0 : i32
    "tpu.region"() ({
      %run_scoped3A_352 = tpu.sem_alloc : memref<!tpu.dma_semaphore, #tpu.memory_space<semaphore_mem>>
      %dma_start3A_353 = arith.constant 0 : i32
      %dma_start3A_354 = arith.constant 0 : i32
      %dma_start3A_355 = tpu.memref_slice %arg11[%run_scoped3A_63, %dma_start3A_353, %dma_start3A_354] : memref<2x64x256xf32, #tpu.memory_space<vmem>> -> memref<1x64x256xf32, #tpu.memory_space<vmem>>
      %dma_start3A_356 = tpu.memref_squeeze %dma_start3A_355 : memref<1x64x256xf32, #tpu.memory_space<vmem>> -> memref<64x256xf32, #tpu.memory_space<vmem>>
      %dma_start3A_357 = arith.constant 0 : i32
      %dma_start3A_358 = tpu.memref_slice %arg7[%add3A_62, %dma_start3A_357] : memref<16384x256xf32, #tpu.memory_space<hbm>> -> memref<64x256xf32, #tpu.memory_space<hbm>>
      %dma_start3A_359 = arith.constant 0 : i32
      %dma_start3A_360 = tpu.memref_slice %arg7[%add3A_62, %dma_start3A_359] : memref<16384x256xf32, #tpu.memory_space<hbm>> -> memref<64x256xf32, #tpu.memory_space<hbm>>
      %dma_start3A_361 = arith.constant 0 : i32
      %dma_start3A_362 = arith.constant 0 : i32
      %dma_start3A_363 = tpu.memref_slice %arg11[%run_scoped3A_63, %dma_start3A_361, %dma_start3A_362] : memref<2x64x256xf32, #tpu.memory_space<vmem>> -> memref<1x64x256xf32, #tpu.memory_space<vmem>>
      %dma_start3A_364 = tpu.memref_squeeze %dma_start3A_363 : memref<1x64x256xf32, #tpu.memory_space<vmem>> -> memref<64x256xf32, #tpu.memory_space<vmem>>
      tpu.enqueue_dma source(%dma_start3A_364 : memref<64x256xf32, #tpu.memory_space<vmem>>) target(%dma_start3A_360 : memref<64x256xf32, #tpu.memory_space<hbm>>) target_semaphore(%run_scoped3A_352 : memref<!tpu.dma_semaphore, #tpu.memory_space<semaphore_mem>>)
      %dma_wait3A_365 = arith.constant 0 : i32
      %dma_wait3A_366 = arith.constant 0 : i32
      %dma_wait3A_367 = tpu.memref_slice %arg11[%run_scoped3A_63, %dma_wait3A_365, %dma_wait3A_366] : memref<2x64x256xf32, #tpu.memory_space<vmem>> -> memref<1x64x256xf32, #tpu.memory_space<vmem>>
      %dma_wait3A_368 = tpu.memref_squeeze %dma_wait3A_367 : memref<1x64x256xf32, #tpu.memory_space<vmem>> -> memref<64x256xf32, #tpu.memory_space<vmem>>
      %dma_wait3A_369 = arith.constant 0 : i32
      %dma_wait3A_370 = tpu.memref_slice %arg7[%add3A_62, %dma_wait3A_369] : memref<16384x256xf32, #tpu.memory_space<hbm>> -> memref<64x256xf32, #tpu.memory_space<hbm>>
      %dma_wait3A_371 = arith.constant 0 : i32
      %dma_wait3A_372 = tpu.memref_slice %arg7[%add3A_62, %dma_wait3A_371] : memref<16384x256xf32, #tpu.memory_space<hbm>> -> memref<64x256xf32, #tpu.memory_space<hbm>>
      %dma_wait3A_373 = arith.constant 0 : i32
      %dma_wait3A_374 = arith.constant 0 : i32
      %dma_wait3A_375 = tpu.memref_slice %arg11[%run_scoped3A_63, %dma_wait3A_373, %dma_wait3A_374] : memref<2x64x256xf32, #tpu.memory_space<vmem>> -> memref<1x64x256xf32, #tpu.memory_space<vmem>>
      %dma_wait3A_376 = tpu.memref_squeeze %dma_wait3A_375 : memref<1x64x256xf32, #tpu.memory_space<vmem>> -> memref<64x256xf32, #tpu.memory_space<vmem>>
      tpu.wait_dma2 semaphore(%run_scoped3A_352 : memref<!tpu.dma_semaphore, #tpu.memory_space<semaphore_mem>>) src(%dma_wait3A_376 : memref<64x256xf32, #tpu.memory_space<vmem>>) dst(%dma_wait3A_372 : memref<64x256xf32, #tpu.memory_space<hbm>>)
      tpu.yield
    }) : () -> ()
    %dma_start3A_64 = arith.constant 0 : i32
    %dma_start3A_65 = arith.constant 0 : i32
    %dma_start3A_66 = arith.constant 0 : i32
    %dma_start3A_67 = tpu.memref_slice %arg10[%dma_start3A_64, %dma_start3A_65, %dma_start3A_66] : memref<2x64x256xf32, #tpu.memory_space<vmem>> -> memref<1x64x256xf32, #tpu.memory_space<vmem>>
    %dma_start3A_68 = tpu.memref_squeeze %dma_start3A_67 : memref<1x64x256xf32, #tpu.memory_space<vmem>> -> memref<64x256xf32, #tpu.memory_space<vmem>>
    %dma_start3A_69 = arith.constant 128 : i32
    %dma_start3A_70 = tpu.memref_slice %arg8[%dma_start3A_69] : memref<512xi32, #tpu.memory_space<vmem>> -> memref<64xi32, #tpu.memory_space<vmem>>
    %dma_start3A_71 = arith.constant 0 : i32
    %dma_start3A_72 = arith.constant 0 : i32
    %dma_start3A_73 = tpu.memref_slice %arg4[%dma_start3A_71, %dma_start3A_72] : memref<100000x256xf32, #tpu.memory_space<hbm>> -> memref<100000x256xf32, #tpu.memory_space<hbm>>
    tpu.enqueue_indirect_dma source(%dma_start3A_73 : memref<100000x256xf32, #tpu.memory_space<hbm>>) target(%dma_start3A_68 : memref<64x256xf32, #tpu.memory_space<vmem>>) offsets(%dma_start3A_70 : memref<64xi32, #tpu.memory_space<vmem>>) semaphore(%arg12 : memref<!tpu.dma_semaphore, #tpu.memory_space<semaphore_mem>>)
    %dma_start3A_74 = arith.constant 0 : i32
    %dma_start3A_75 = arith.constant 0 : i32
    %dma_start3A_76 = arith.constant 0 : i32
    %dma_start3A_77 = tpu.memref_slice %arg11[%dma_start3A_74, %dma_start3A_75, %dma_start3A_76] : memref<2x64x256xf32, #tpu.memory_space<vmem>> -> memref<1x64x256xf32, #tpu.memory_space<vmem>>
    %dma_start3A_78 = tpu.memref_squeeze %dma_start3A_77 : memref<1x64x256xf32, #tpu.memory_space<vmem>> -> memref<64x256xf32, #tpu.memory_space<vmem>>
    %dma_start3A_79 = arith.constant 128 : i32
    %dma_start3A_80 = tpu.memref_slice %arg9[%dma_start3A_79] : memref<512xi32, #tpu.memory_space<vmem>> -> memref<64xi32, #tpu.memory_space<vmem>>
    %dma_start3A_81 = arith.constant 0 : i32
    %dma_start3A_82 = arith.constant 0 : i32
    %dma_start3A_83 = tpu.memref_slice %arg5[%dma_start3A_81, %dma_start3A_82] : memref<100000x256xf32, #tpu.memory_space<hbm>> -> memref<100000x256xf32, #tpu.memory_space<hbm>>
    tpu.enqueue_indirect_dma source(%dma_start3A_83 : memref<100000x256xf32, #tpu.memory_space<hbm>>) target(%dma_start3A_78 : memref<64x256xf32, #tpu.memory_space<vmem>>) offsets(%dma_start3A_80 : memref<64xi32, #tpu.memory_space<vmem>>) semaphore(%arg12 : memref<!tpu.dma_semaphore, #tpu.memory_space<semaphore_mem>>)
    %dma_wait3A_84 = arith.constant 1 : i32
    %dma_wait3A_85 = arith.constant 0 : i32
    %dma_wait3A_86 = arith.constant 0 : i32
    %dma_wait3A_87 = tpu.memref_slice %arg10[%dma_wait3A_84, %dma_wait3A_85, %dma_wait3A_86] : memref<2x64x256xf32, #tpu.memory_space<vmem>> -> memref<1x64x256xf32, #tpu.memory_space<vmem>>
    %dma_wait3A_88 = tpu.memref_squeeze %dma_wait3A_87 : memref<1x64x256xf32, #tpu.memory_space<vmem>> -> memref<64x256xf32, #tpu.memory_space<vmem>>
    %dma_wait3A_89 = arith.constant 64 : i32
    %dma_wait3A_90 = tpu.memref_slice %arg8[%dma_wait3A_89] : memref<512xi32, #tpu.memory_space<vmem>> -> memref<64xi32, #tpu.memory_space<vmem>>
    %dma_wait3A_91 = arith.constant 0 : i32
    %dma_wait3A_92 = arith.constant 0 : i32
    %dma_wait3A_93 = tpu.memref_slice %arg4[%dma_wait3A_91, %dma_wait3A_92] : memref<100000x256xf32, #tpu.memory_space<hbm>> -> memref<100000x256xf32, #tpu.memory_space<hbm>>
    tpu.wait_indirect_dma semaphore(%arg13 : memref<!tpu.dma_semaphore, #tpu.memory_space<semaphore_mem>>) src(%dma_wait3A_93 : memref<100000x256xf32, #tpu.memory_space<hbm>>) dst(%dma_wait3A_88 : memref<64x256xf32, #tpu.memory_space<vmem>>)
    %dma_wait3A_94 = arith.constant 1 : i32
    %dma_wait3A_95 = arith.constant 0 : i32
    %dma_wait3A_96 = arith.constant 0 : i32
    %dma_wait3A_97 = tpu.memref_slice %arg11[%dma_wait3A_94, %dma_wait3A_95, %dma_wait3A_96] : memref<2x64x256xf32, #tpu.memory_space<vmem>> -> memref<1x64x256xf32, #tpu.memory_space<vmem>>
    %dma_wait3A_98 = tpu.memref_squeeze %dma_wait3A_97 : memref<1x64x256xf32, #tpu.memory_space<vmem>> -> memref<64x256xf32, #tpu.memory_space<vmem>>
    %dma_wait3A_99 = arith.constant 64 : i32
    %dma_wait3A_100 = tpu.memref_slice %arg9[%dma_wait3A_99] : memref<512xi32, #tpu.memory_space<vmem>> -> memref<64xi32, #tpu.memory_space<vmem>>
    %dma_wait3A_101 = arith.constant 0 : i32
    %dma_wait3A_102 = arith.constant 0 : i32
    %dma_wait3A_103 = tpu.memref_slice %arg5[%dma_wait3A_101, %dma_wait3A_102] : memref<100000x256xf32, #tpu.memory_space<hbm>> -> memref<100000x256xf32, #tpu.memory_space<hbm>>
    tpu.wait_indirect_dma semaphore(%arg13 : memref<!tpu.dma_semaphore, #tpu.memory_space<semaphore_mem>>) src(%dma_wait3A_103 : memref<100000x256xf32, #tpu.memory_space<hbm>>) dst(%dma_wait3A_98 : memref<64x256xf32, #tpu.memory_space<vmem>>)
    %add3A_104 = arith.constant 64 : i32
    %add3A_105 = arith.addi %mul3A_2, %add3A_104 : i32
    %run_scoped3A_106 = arith.constant 1 : i32
    "tpu.region"() ({
      %run_scoped3A_352 = tpu.sem_alloc : memref<!tpu.dma_semaphore, #tpu.memory_space<semaphore_mem>>
      %dma_start3A_353 = arith.constant 0 : i32
      %dma_start3A_354 = arith.constant 0 : i32
      %dma_start3A_355 = tpu.memref_slice %arg10[%run_scoped3A_106, %dma_start3A_353, %dma_start3A_354] : memref<2x64x256xf32, #tpu.memory_space<vmem>> -> memref<1x64x256xf32, #tpu.memory_space<vmem>>
      %dma_start3A_356 = tpu.memref_squeeze %dma_start3A_355 : memref<1x64x256xf32, #tpu.memory_space<vmem>> -> memref<64x256xf32, #tpu.memory_space<vmem>>
      %dma_start3A_357 = arith.constant 0 : i32
      %dma_start3A_358 = tpu.memref_slice %arg6[%add3A_105, %dma_start3A_357] : memref<16384x256xf32, #tpu.memory_space<hbm>> -> memref<64x256xf32, #tpu.memory_space<hbm>>
      %dma_start3A_359 = arith.constant 0 : i32
      %dma_start3A_360 = tpu.memref_slice %arg6[%add3A_105, %dma_start3A_359] : memref<16384x256xf32, #tpu.memory_space<hbm>> -> memref<64x256xf32, #tpu.memory_space<hbm>>
      %dma_start3A_361 = arith.constant 0 : i32
      %dma_start3A_362 = arith.constant 0 : i32
      %dma_start3A_363 = tpu.memref_slice %arg10[%run_scoped3A_106, %dma_start3A_361, %dma_start3A_362] : memref<2x64x256xf32, #tpu.memory_space<vmem>> -> memref<1x64x256xf32, #tpu.memory_space<vmem>>
      %dma_start3A_364 = tpu.memref_squeeze %dma_start3A_363 : memref<1x64x256xf32, #tpu.memory_space<vmem>> -> memref<64x256xf32, #tpu.memory_space<vmem>>
      tpu.enqueue_dma source(%dma_start3A_364 : memref<64x256xf32, #tpu.memory_space<vmem>>) target(%dma_start3A_360 : memref<64x256xf32, #tpu.memory_space<hbm>>) target_semaphore(%run_scoped3A_352 : memref<!tpu.dma_semaphore, #tpu.memory_space<semaphore_mem>>)
      %dma_wait3A_365 = arith.constant 0 : i32
      %dma_wait3A_366 = arith.constant 0 : i32
      %dma_wait3A_367 = tpu.memref_slice %arg10[%run_scoped3A_106, %dma_wait3A_365, %dma_wait3A_366] : memref<2x64x256xf32, #tpu.memory_space<vmem>> -> memref<1x64x256xf32, #tpu.memory_space<vmem>>
      %dma_wait3A_368 = tpu.memref_squeeze %dma_wait3A_367 : memref<1x64x256xf32, #tpu.memory_space<vmem>> -> memref<64x256xf32, #tpu.memory_space<vmem>>
      %dma_wait3A_369 = arith.constant 0 : i32
      %dma_wait3A_370 = tpu.memref_slice %arg6[%add3A_105, %dma_wait3A_369] : memref<16384x256xf32, #tpu.memory_space<hbm>> -> memref<64x256xf32, #tpu.memory_space<hbm>>
      %dma_wait3A_371 = arith.constant 0 : i32
      %dma_wait3A_372 = tpu.memref_slice %arg6[%add3A_105, %dma_wait3A_371] : memref<16384x256xf32, #tpu.memory_space<hbm>> -> memref<64x256xf32, #tpu.memory_space<hbm>>
      %dma_wait3A_373 = arith.constant 0 : i32
      %dma_wait3A_374 = arith.constant 0 : i32
      %dma_wait3A_375 = tpu.memref_slice %arg10[%run_scoped3A_106, %dma_wait3A_373, %dma_wait3A_374] : memref<2x64x256xf32, #tpu.memory_space<vmem>> -> memref<1x64x256xf32, #tpu.memory_space<vmem>>
      %dma_wait3A_376 = tpu.memref_squeeze %dma_wait3A_375 : memref<1x64x256xf32, #tpu.memory_space<vmem>> -> memref<64x256xf32, #tpu.memory_space<vmem>>
      tpu.wait_dma2 semaphore(%run_scoped3A_352 : memref<!tpu.dma_semaphore, #tpu.memory_space<semaphore_mem>>) src(%dma_wait3A_376 : memref<64x256xf32, #tpu.memory_space<vmem>>) dst(%dma_wait3A_372 : memref<64x256xf32, #tpu.memory_space<hbm>>)
      tpu.yield
    }) : () -> ()
    %run_scoped3A_107 = arith.constant 1 : i32
    "tpu.region"() ({
      %run_scoped3A_352 = tpu.sem_alloc : memref<!tpu.dma_semaphore, #tpu.memory_space<semaphore_mem>>
      %dma_start3A_353 = arith.constant 0 : i32
      %dma_start3A_354 = arith.constant 0 : i32
      %dma_start3A_355 = tpu.memref_slice %arg11[%run_scoped3A_107, %dma_start3A_353, %dma_start3A_354] : memref<2x64x256xf32, #tpu.memory_space<vmem>> -> memref<1x64x256xf32, #tpu.memory_space<vmem>>
      %dma_start3A_356 = tpu.memref_squeeze %dma_start3A_355 : memref<1x64x256xf32, #tpu.memory_space<vmem>> -> memref<64x256xf32, #tpu.memory_space<vmem>>
      %dma_start3A_357 = arith.constant 0 : i32
      %dma_start3A_358 = tpu.memref_slice %arg7[%add3A_105, %dma_start3A_357] : memref<16384x256xf32, #tpu.memory_space<hbm>> -> memref<64x256xf32, #tpu.memory_space<hbm>>
      %dma_start3A_359 = arith.constant 0 : i32
      %dma_start3A_360 = tpu.memref_slice %arg7[%add3A_105, %dma_start3A_359] : memref<16384x256xf32, #tpu.memory_space<hbm>> -> memref<64x256xf32, #tpu.memory_space<hbm>>
      %dma_start3A_361 = arith.constant 0 : i32
      %dma_start3A_362 = arith.constant 0 : i32
      %dma_start3A_363 = tpu.memref_slice %arg11[%run_scoped3A_107, %dma_start3A_361, %dma_start3A_362] : memref<2x64x256xf32, #tpu.memory_space<vmem>> -> memref<1x64x256xf32, #tpu.memory_space<vmem>>
      %dma_start3A_364 = tpu.memref_squeeze %dma_start3A_363 : memref<1x64x256xf32, #tpu.memory_space<vmem>> -> memref<64x256xf32, #tpu.memory_space<vmem>>
      tpu.enqueue_dma source(%dma_start3A_364 : memref<64x256xf32, #tpu.memory_space<vmem>>) target(%dma_start3A_360 : memref<64x256xf32, #tpu.memory_space<hbm>>) target_semaphore(%run_scoped3A_352 : memref<!tpu.dma_semaphore, #tpu.memory_space<semaphore_mem>>)
      %dma_wait3A_365 = arith.constant 0 : i32
      %dma_wait3A_366 = arith.constant 0 : i32
      %dma_wait3A_367 = tpu.memref_slice %arg11[%run_scoped3A_107, %dma_wait3A_365, %dma_wait3A_366] : memref<2x64x256xf32, #tpu.memory_space<vmem>> -> memref<1x64x256xf32, #tpu.memory_space<vmem>>
      %dma_wait3A_368 = tpu.memref_squeeze %dma_wait3A_367 : memref<1x64x256xf32, #tpu.memory_space<vmem>> -> memref<64x256xf32, #tpu.memory_space<vmem>>
      %dma_wait3A_369 = arith.constant 0 : i32
      %dma_wait3A_370 = tpu.memref_slice %arg7[%add3A_105, %dma_wait3A_369] : memref<16384x256xf32, #tpu.memory_space<hbm>> -> memref<64x256xf32, #tpu.memory_space<hbm>>
      %dma_wait3A_371 = arith.constant 0 : i32
      %dma_wait3A_372 = tpu.memref_slice %arg7[%add3A_105, %dma_wait3A_371] : memref<16384x256xf32, #tpu.memory_space<hbm>> -> memref<64x256xf32, #tpu.memory_space<hbm>>
      %dma_wait3A_373 = arith.constant 0 : i32
      %dma_wait3A_374 = arith.constant 0 : i32
      %dma_wait3A_375 = tpu.memref_slice %arg11[%run_scoped3A_107, %dma_wait3A_373, %dma_wait3A_374] : memref<2x64x256xf32, #tpu.memory_space<vmem>> -> memref<1x64x256xf32, #tpu.memory_space<vmem>>
      %dma_wait3A_376 = tpu.memref_squeeze %dma_wait3A_375 : memref<1x64x256xf32, #tpu.memory_space<vmem>> -> memref<64x256xf32, #tpu.memory_space<vmem>>
      tpu.wait_dma2 semaphore(%run_scoped3A_352 : memref<!tpu.dma_semaphore, #tpu.memory_space<semaphore_mem>>) src(%dma_wait3A_376 : memref<64x256xf32, #tpu.memory_space<vmem>>) dst(%dma_wait3A_372 : memref<64x256xf32, #tpu.memory_space<hbm>>)
      tpu.yield
    }) : () -> ()
    %dma_start3A_108 = arith.constant 1 : i32
    %dma_start3A_109 = arith.constant 0 : i32
    %dma_start3A_110 = arith.constant 0 : i32
    %dma_start3A_111 = tpu.memref_slice %arg10[%dma_start3A_108, %dma_start3A_109, %dma_start3A_110] : memref<2x64x256xf32, #tpu.memory_space<vmem>> -> memref<1x64x256xf32, #tpu.memory_space<vmem>>
    %dma_start3A_112 = tpu.memref_squeeze %dma_start3A_111 : memref<1x64x256xf32, #tpu.memory_space<vmem>> -> memref<64x256xf32, #tpu.memory_space<vmem>>
    %dma_start3A_113 = arith.constant 192 : i32
    %dma_start3A_114 = tpu.memref_slice %arg8[%dma_start3A_113] : memref<512xi32, #tpu.memory_space<vmem>> -> memref<64xi32, #tpu.memory_space<vmem>>
    %dma_start3A_115 = arith.constant 0 : i32
    %dma_start3A_116 = arith.constant 0 : i32
    %dma_start3A_117 = tpu.memref_slice %arg4[%dma_start3A_115, %dma_start3A_116] : memref<100000x256xf32, #tpu.memory_space<hbm>> -> memref<100000x256xf32, #tpu.memory_space<hbm>>
    tpu.enqueue_indirect_dma source(%dma_start3A_117 : memref<100000x256xf32, #tpu.memory_space<hbm>>) target(%dma_start3A_112 : memref<64x256xf32, #tpu.memory_space<vmem>>) offsets(%dma_start3A_114 : memref<64xi32, #tpu.memory_space<vmem>>) semaphore(%arg13 : memref<!tpu.dma_semaphore, #tpu.memory_space<semaphore_mem>>)
    %dma_start3A_118 = arith.constant 1 : i32
    %dma_start3A_119 = arith.constant 0 : i32
    %dma_start3A_120 = arith.constant 0 : i32
    %dma_start3A_121 = tpu.memref_slice %arg11[%dma_start3A_118, %dma_start3A_119, %dma_start3A_120] : memref<2x64x256xf32, #tpu.memory_space<vmem>> -> memref<1x64x256xf32, #tpu.memory_space<vmem>>
    %dma_start3A_122 = tpu.memref_squeeze %dma_start3A_121 : memref<1x64x256xf32, #tpu.memory_space<vmem>> -> memref<64x256xf32, #tpu.memory_space<vmem>>
    %dma_start3A_123 = arith.constant 192 : i32
    %dma_start3A_124 = tpu.memref_slice %arg9[%dma_start3A_123] : memref<512xi32, #tpu.memory_space<vmem>> -> memref<64xi32, #tpu.memory_space<vmem>>
    %dma_start3A_125 = arith.constant 0 : i32
    %dma_start3A_126 = arith.constant 0 : i32
    %dma_start3A_127 = tpu.memref_slice %arg5[%dma_start3A_125, %dma_start3A_126] : memref<100000x256xf32, #tpu.memory_space<hbm>> -> memref<100000x256xf32, #tpu.memory_space<hbm>>
    tpu.enqueue_indirect_dma source(%dma_start3A_127 : memref<100000x256xf32, #tpu.memory_space<hbm>>) target(%dma_start3A_122 : memref<64x256xf32, #tpu.memory_space<vmem>>) offsets(%dma_start3A_124 : memref<64xi32, #tpu.memory_space<vmem>>) semaphore(%arg13 : memref<!tpu.dma_semaphore, #tpu.memory_space<semaphore_mem>>)
    %dma_wait3A_128 = arith.constant 0 : i32
    %dma_wait3A_129 = arith.constant 0 : i32
    %dma_wait3A_130 = arith.constant 0 : i32
    %dma_wait3A_131 = tpu.memref_slice %arg10[%dma_wait3A_128, %dma_wait3A_129, %dma_wait3A_130] : memref<2x64x256xf32, #tpu.memory_space<vmem>> -> memref<1x64x256xf32, #tpu.memory_space<vmem>>
    %dma_wait3A_132 = tpu.memref_squeeze %dma_wait3A_131 : memref<1x64x256xf32, #tpu.memory_space<vmem>> -> memref<64x256xf32, #tpu.memory_space<vmem>>
    %dma_wait3A_133 = arith.constant 128 : i32
    %dma_wait3A_134 = tpu.memref_slice %arg8[%dma_wait3A_133] : memref<512xi32, #tpu.memory_space<vmem>> -> memref<64xi32, #tpu.memory_space<vmem>>
    %dma_wait3A_135 = arith.constant 0 : i32
    %dma_wait3A_136 = arith.constant 0 : i32
    %dma_wait3A_137 = tpu.memref_slice %arg4[%dma_wait3A_135, %dma_wait3A_136] : memref<100000x256xf32, #tpu.memory_space<hbm>> -> memref<100000x256xf32, #tpu.memory_space<hbm>>
    tpu.wait_indirect_dma semaphore(%arg12 : memref<!tpu.dma_semaphore, #tpu.memory_space<semaphore_mem>>) src(%dma_wait3A_137 : memref<100000x256xf32, #tpu.memory_space<hbm>>) dst(%dma_wait3A_132 : memref<64x256xf32, #tpu.memory_space<vmem>>)
    %dma_wait3A_138 = arith.constant 0 : i32
    %dma_wait3A_139 = arith.constant 0 : i32
    %dma_wait3A_140 = arith.constant 0 : i32
    %dma_wait3A_141 = tpu.memref_slice %arg11[%dma_wait3A_138, %dma_wait3A_139, %dma_wait3A_140] : memref<2x64x256xf32, #tpu.memory_space<vmem>> -> memref<1x64x256xf32, #tpu.memory_space<vmem>>
    %dma_wait3A_142 = tpu.memref_squeeze %dma_wait3A_141 : memref<1x64x256xf32, #tpu.memory_space<vmem>> -> memref<64x256xf32, #tpu.memory_space<vmem>>
    %dma_wait3A_143 = arith.constant 128 : i32
    %dma_wait3A_144 = tpu.memref_slice %arg9[%dma_wait3A_143] : memref<512xi32, #tpu.memory_space<vmem>> -> memref<64xi32, #tpu.memory_space<vmem>>
    %dma_wait3A_145 = arith.constant 0 : i32
    %dma_wait3A_146 = arith.constant 0 : i32
    %dma_wait3A_147 = tpu.memref_slice %arg5[%dma_wait3A_145, %dma_wait3A_146] : memref<100000x256xf32, #tpu.memory_space<hbm>> -> memref<100000x256xf32, #tpu.memory_space<hbm>>
    tpu.wait_indirect_dma semaphore(%arg12 : memref<!tpu.dma_semaphore, #tpu.memory_space<semaphore_mem>>) src(%dma_wait3A_147 : memref<100000x256xf32, #tpu.memory_space<hbm>>) dst(%dma_wait3A_142 : memref<64x256xf32, #tpu.memory_space<vmem>>)
    %add3A_148 = arith.constant 128 : i32
    %add3A_149 = arith.addi %mul3A_2, %add3A_148 : i32
    %run_scoped3A_150 = arith.constant 0 : i32
    "tpu.region"() ({
      %run_scoped3A_352 = tpu.sem_alloc : memref<!tpu.dma_semaphore, #tpu.memory_space<semaphore_mem>>
      %dma_start3A_353 = arith.constant 0 : i32
      %dma_start3A_354 = arith.constant 0 : i32
      %dma_start3A_355 = tpu.memref_slice %arg10[%run_scoped3A_150, %dma_start3A_353, %dma_start3A_354] : memref<2x64x256xf32, #tpu.memory_space<vmem>> -> memref<1x64x256xf32, #tpu.memory_space<vmem>>
      %dma_start3A_356 = tpu.memref_squeeze %dma_start3A_355 : memref<1x64x256xf32, #tpu.memory_space<vmem>> -> memref<64x256xf32, #tpu.memory_space<vmem>>
      %dma_start3A_357 = arith.constant 0 : i32
      %dma_start3A_358 = tpu.memref_slice %arg6[%add3A_149, %dma_start3A_357] : memref<16384x256xf32, #tpu.memory_space<hbm>> -> memref<64x256xf32, #tpu.memory_space<hbm>>
      %dma_start3A_359 = arith.constant 0 : i32
      %dma_start3A_360 = tpu.memref_slice %arg6[%add3A_149, %dma_start3A_359] : memref<16384x256xf32, #tpu.memory_space<hbm>> -> memref<64x256xf32, #tpu.memory_space<hbm>>
      %dma_start3A_361 = arith.constant 0 : i32
      %dma_start3A_362 = arith.constant 0 : i32
      %dma_start3A_363 = tpu.memref_slice %arg10[%run_scoped3A_150, %dma_start3A_361, %dma_start3A_362] : memref<2x64x256xf32, #tpu.memory_space<vmem>> -> memref<1x64x256xf32, #tpu.memory_space<vmem>>
      %dma_start3A_364 = tpu.memref_squeeze %dma_start3A_363 : memref<1x64x256xf32, #tpu.memory_space<vmem>> -> memref<64x256xf32, #tpu.memory_space<vmem>>
      tpu.enqueue_dma source(%dma_start3A_364 : memref<64x256xf32, #tpu.memory_space<vmem>>) target(%dma_start3A_360 : memref<64x256xf32, #tpu.memory_space<hbm>>) target_semaphore(%run_scoped3A_352 : memref<!tpu.dma_semaphore, #tpu.memory_space<semaphore_mem>>)
      %dma_wait3A_365 = arith.constant 0 : i32
      %dma_wait3A_366 = arith.constant 0 : i32
      %dma_wait3A_367 = tpu.memref_slice %arg10[%run_scoped3A_150, %dma_wait3A_365, %dma_wait3A_366] : memref<2x64x256xf32, #tpu.memory_space<vmem>> -> memref<1x64x256xf32, #tpu.memory_space<vmem>>
      %dma_wait3A_368 = tpu.memref_squeeze %dma_wait3A_367 : memref<1x64x256xf32, #tpu.memory_space<vmem>> -> memref<64x256xf32, #tpu.memory_space<vmem>>
      %dma_wait3A_369 = arith.constant 0 : i32
      %dma_wait3A_370 = tpu.memref_slice %arg6[%add3A_149, %dma_wait3A_369] : memref<16384x256xf32, #tpu.memory_space<hbm>> -> memref<64x256xf32, #tpu.memory_space<hbm>>
      %dma_wait3A_371 = arith.constant 0 : i32
      %dma_wait3A_372 = tpu.memref_slice %arg6[%add3A_149, %dma_wait3A_371] : memref<16384x256xf32, #tpu.memory_space<hbm>> -> memref<64x256xf32, #tpu.memory_space<hbm>>
      %dma_wait3A_373 = arith.constant 0 : i32
      %dma_wait3A_374 = arith.constant 0 : i32
      %dma_wait3A_375 = tpu.memref_slice %arg10[%run_scoped3A_150, %dma_wait3A_373, %dma_wait3A_374] : memref<2x64x256xf32, #tpu.memory_space<vmem>> -> memref<1x64x256xf32, #tpu.memory_space<vmem>>
      %dma_wait3A_376 = tpu.memref_squeeze %dma_wait3A_375 : memref<1x64x256xf32, #tpu.memory_space<vmem>> -> memref<64x256xf32, #tpu.memory_space<vmem>>
      tpu.wait_dma2 semaphore(%run_scoped3A_352 : memref<!tpu.dma_semaphore, #tpu.memory_space<semaphore_mem>>) src(%dma_wait3A_376 : memref<64x256xf32, #tpu.memory_space<vmem>>) dst(%dma_wait3A_372 : memref<64x256xf32, #tpu.memory_space<hbm>>)
      tpu.yield
    }) : () -> ()
    %run_scoped3A_151 = arith.constant 0 : i32
    "tpu.region"() ({
      %run_scoped3A_352 = tpu.sem_alloc : memref<!tpu.dma_semaphore, #tpu.memory_space<semaphore_mem>>
      %dma_start3A_353 = arith.constant 0 : i32
      %dma_start3A_354 = arith.constant 0 : i32
      %dma_start3A_355 = tpu.memref_slice %arg11[%run_scoped3A_151, %dma_start3A_353, %dma_start3A_354] : memref<2x64x256xf32, #tpu.memory_space<vmem>> -> memref<1x64x256xf32, #tpu.memory_space<vmem>>
      %dma_start3A_356 = tpu.memref_squeeze %dma_start3A_355 : memref<1x64x256xf32, #tpu.memory_space<vmem>> -> memref<64x256xf32, #tpu.memory_space<vmem>>
      %dma_start3A_357 = arith.constant 0 : i32
      %dma_start3A_358 = tpu.memref_slice %arg7[%add3A_149, %dma_start3A_357] : memref<16384x256xf32, #tpu.memory_space<hbm>> -> memref<64x256xf32, #tpu.memory_space<hbm>>
      %dma_start3A_359 = arith.constant 0 : i32
      %dma_start3A_360 = tpu.memref_slice %arg7[%add3A_149, %dma_start3A_359] : memref<16384x256xf32, #tpu.memory_space<hbm>> -> memref<64x256xf32, #tpu.memory_space<hbm>>
      %dma_start3A_361 = arith.constant 0 : i32
      %dma_start3A_362 = arith.constant 0 : i32
      %dma_start3A_363 = tpu.memref_slice %arg11[%run_scoped3A_151, %dma_start3A_361, %dma_start3A_362] : memref<2x64x256xf32, #tpu.memory_space<vmem>> -> memref<1x64x256xf32, #tpu.memory_space<vmem>>
      %dma_start3A_364 = tpu.memref_squeeze %dma_start3A_363 : memref<1x64x256xf32, #tpu.memory_space<vmem>> -> memref<64x256xf32, #tpu.memory_space<vmem>>
      tpu.enqueue_dma source(%dma_start3A_364 : memref<64x256xf32, #tpu.memory_space<vmem>>) target(%dma_start3A_360 : memref<64x256xf32, #tpu.memory_space<hbm>>) target_semaphore(%run_scoped3A_352 : memref<!tpu.dma_semaphore, #tpu.memory_space<semaphore_mem>>)
      %dma_wait3A_365 = arith.constant 0 : i32
      %dma_wait3A_366 = arith.constant 0 : i32
      %dma_wait3A_367 = tpu.memref_slice %arg11[%run_scoped3A_151, %dma_wait3A_365, %dma_wait3A_366] : memref<2x64x256xf32, #tpu.memory_space<vmem>> -> memref<1x64x256xf32, #tpu.memory_space<vmem>>
      %dma_wait3A_368 = tpu.memref_squeeze %dma_wait3A_367 : memref<1x64x256xf32, #tpu.memory_space<vmem>> -> memref<64x256xf32, #tpu.memory_space<vmem>>
      %dma_wait3A_369 = arith.constant 0 : i32
      %dma_wait3A_370 = tpu.memref_slice %arg7[%add3A_149, %dma_wait3A_369] : memref<16384x256xf32, #tpu.memory_space<hbm>> -> memref<64x256xf32, #tpu.memory_space<hbm>>
      %dma_wait3A_371 = arith.constant 0 : i32
      %dma_wait3A_372 = tpu.memref_slice %arg7[%add3A_149, %dma_wait3A_371] : memref<16384x256xf32, #tpu.memory_space<hbm>> -> memref<64x256xf32, #tpu.memory_space<hbm>>
      %dma_wait3A_373 = arith.constant 0 : i32
      %dma_wait3A_374 = arith.constant 0 : i32
      %dma_wait3A_375 = tpu.memref_slice %arg11[%run_scoped3A_151, %dma_wait3A_373, %dma_wait3A_374] : memref<2x64x256xf32, #tpu.memory_space<vmem>> -> memref<1x64x256xf32, #tpu.memory_space<vmem>>
      %dma_wait3A_376 = tpu.memref_squeeze %dma_wait3A_375 : memref<1x64x256xf32, #tpu.memory_space<vmem>> -> memref<64x256xf32, #tpu.memory_space<vmem>>
      tpu.wait_dma2 semaphore(%run_scoped3A_352 : memref<!tpu.dma_semaphore, #tpu.memory_space<semaphore_mem>>) src(%dma_wait3A_376 : memref<64x256xf32, #tpu.memory_space<vmem>>) dst(%dma_wait3A_372 : memref<64x256xf32, #tpu.memory_space<hbm>>)
      tpu.yield
    }) : () -> ()
    %dma_start3A_152 = arith.constant 0 : i32
    %dma_start3A_153 = arith.constant 0 : i32
    %dma_start3A_154 = arith.constant 0 : i32
    %dma_start3A_155 = tpu.memref_slice %arg10[%dma_start3A_152, %dma_start3A_153, %dma_start3A_154] : memref<2x64x256xf32, #tpu.memory_space<vmem>> -> memref<1x64x256xf32, #tpu.memory_space<vmem>>
    %dma_start3A_156 = tpu.memref_squeeze %dma_start3A_155 : memref<1x64x256xf32, #tpu.memory_space<vmem>> -> memref<64x256xf32, #tpu.memory_space<vmem>>
    %dma_start3A_157 = arith.constant 256 : i32
    %dma_start3A_158 = tpu.memref_slice %arg8[%dma_start3A_157] : memref<512xi32, #tpu.memory_space<vmem>> -> memref<64xi32, #tpu.memory_space<vmem>>
    %dma_start3A_159 = arith.constant 0 : i32
    %dma_start3A_160 = arith.constant 0 : i32
    %dma_start3A_161 = tpu.memref_slice %arg4[%dma_start3A_159, %dma_start3A_160] : memref<100000x256xf32, #tpu.memory_space<hbm>> -> memref<100000x256xf32, #tpu.memory_space<hbm>>
    tpu.enqueue_indirect_dma source(%dma_start3A_161 : memref<100000x256xf32, #tpu.memory_space<hbm>>) target(%dma_start3A_156 : memref<64x256xf32, #tpu.memory_space<vmem>>) offsets(%dma_start3A_158 : memref<64xi32, #tpu.memory_space<vmem>>) semaphore(%arg12 : memref<!tpu.dma_semaphore, #tpu.memory_space<semaphore_mem>>)
    %dma_start3A_162 = arith.constant 0 : i32
    %dma_start3A_163 = arith.constant 0 : i32
    %dma_start3A_164 = arith.constant 0 : i32
    %dma_start3A_165 = tpu.memref_slice %arg11[%dma_start3A_162, %dma_start3A_163, %dma_start3A_164] : memref<2x64x256xf32, #tpu.memory_space<vmem>> -> memref<1x64x256xf32, #tpu.memory_space<vmem>>
    %dma_start3A_166 = tpu.memref_squeeze %dma_start3A_165 : memref<1x64x256xf32, #tpu.memory_space<vmem>> -> memref<64x256xf32, #tpu.memory_space<vmem>>
    %dma_start3A_167 = arith.constant 256 : i32
    %dma_start3A_168 = tpu.memref_slice %arg9[%dma_start3A_167] : memref<512xi32, #tpu.memory_space<vmem>> -> memref<64xi32, #tpu.memory_space<vmem>>
    %dma_start3A_169 = arith.constant 0 : i32
    %dma_start3A_170 = arith.constant 0 : i32
    %dma_start3A_171 = tpu.memref_slice %arg5[%dma_start3A_169, %dma_start3A_170] : memref<100000x256xf32, #tpu.memory_space<hbm>> -> memref<100000x256xf32, #tpu.memory_space<hbm>>
    tpu.enqueue_indirect_dma source(%dma_start3A_171 : memref<100000x256xf32, #tpu.memory_space<hbm>>) target(%dma_start3A_166 : memref<64x256xf32, #tpu.memory_space<vmem>>) offsets(%dma_start3A_168 : memref<64xi32, #tpu.memory_space<vmem>>) semaphore(%arg12 : memref<!tpu.dma_semaphore, #tpu.memory_space<semaphore_mem>>)
    %dma_wait3A_172 = arith.constant 1 : i32
    %dma_wait3A_173 = arith.constant 0 : i32
    %dma_wait3A_174 = arith.constant 0 : i32
    %dma_wait3A_175 = tpu.memref_slice %arg10[%dma_wait3A_172, %dma_wait3A_173, %dma_wait3A_174] : memref<2x64x256xf32, #tpu.memory_space<vmem>> -> memref<1x64x256xf32, #tpu.memory_space<vmem>>
    %dma_wait3A_176 = tpu.memref_squeeze %dma_wait3A_175 : memref<1x64x256xf32, #tpu.memory_space<vmem>> -> memref<64x256xf32, #tpu.memory_space<vmem>>
    %dma_wait3A_177 = arith.constant 192 : i32
    %dma_wait3A_178 = tpu.memref_slice %arg8[%dma_wait3A_177] : memref<512xi32, #tpu.memory_space<vmem>> -> memref<64xi32, #tpu.memory_space<vmem>>
    %dma_wait3A_179 = arith.constant 0 : i32
    %dma_wait3A_180 = arith.constant 0 : i32
    %dma_wait3A_181 = tpu.memref_slice %arg4[%dma_wait3A_179, %dma_wait3A_180] : memref<100000x256xf32, #tpu.memory_space<hbm>> -> memref<100000x256xf32, #tpu.memory_space<hbm>>
    tpu.wait_indirect_dma semaphore(%arg13 : memref<!tpu.dma_semaphore, #tpu.memory_space<semaphore_mem>>) src(%dma_wait3A_181 : memref<100000x256xf32, #tpu.memory_space<hbm>>) dst(%dma_wait3A_176 : memref<64x256xf32, #tpu.memory_space<vmem>>)
    %dma_wait3A_182 = arith.constant 1 : i32
    %dma_wait3A_183 = arith.constant 0 : i32
    %dma_wait3A_184 = arith.constant 0 : i32
    %dma_wait3A_185 = tpu.memref_slice %arg11[%dma_wait3A_182, %dma_wait3A_183, %dma_wait3A_184] : memref<2x64x256xf32, #tpu.memory_space<vmem>> -> memref<1x64x256xf32, #tpu.memory_space<vmem>>
    %dma_wait3A_186 = tpu.memref_squeeze %dma_wait3A_185 : memref<1x64x256xf32, #tpu.memory_space<vmem>> -> memref<64x256xf32, #tpu.memory_space<vmem>>
    %dma_wait3A_187 = arith.constant 192 : i32
    %dma_wait3A_188 = tpu.memref_slice %arg9[%dma_wait3A_187] : memref<512xi32, #tpu.memory_space<vmem>> -> memref<64xi32, #tpu.memory_space<vmem>>
    %dma_wait3A_189 = arith.constant 0 : i32
    %dma_wait3A_190 = arith.constant 0 : i32
    %dma_wait3A_191 = tpu.memref_slice %arg5[%dma_wait3A_189, %dma_wait3A_190] : memref<100000x256xf32, #tpu.memory_space<hbm>> -> memref<100000x256xf32, #tpu.memory_space<hbm>>
    tpu.wait_indirect_dma semaphore(%arg13 : memref<!tpu.dma_semaphore, #tpu.memory_space<semaphore_mem>>) src(%dma_wait3A_191 : memref<100000x256xf32, #tpu.memory_space<hbm>>) dst(%dma_wait3A_186 : memref<64x256xf32, #tpu.memory_space<vmem>>)
    %add3A_192 = arith.constant 192 : i32
    %add3A_193 = arith.addi %mul3A_2, %add3A_192 : i32
    %run_scoped3A_194 = arith.constant 1 : i32
    "tpu.region"() ({
      %run_scoped3A_352 = tpu.sem_alloc : memref<!tpu.dma_semaphore, #tpu.memory_space<semaphore_mem>>
      %dma_start3A_353 = arith.constant 0 : i32
      %dma_start3A_354 = arith.constant 0 : i32
      %dma_start3A_355 = tpu.memref_slice %arg10[%run_scoped3A_194, %dma_start3A_353, %dma_start3A_354] : memref<2x64x256xf32, #tpu.memory_space<vmem>> -> memref<1x64x256xf32, #tpu.memory_space<vmem>>
      %dma_start3A_356 = tpu.memref_squeeze %dma_start3A_355 : memref<1x64x256xf32, #tpu.memory_space<vmem>> -> memref<64x256xf32, #tpu.memory_space<vmem>>
      %dma_start3A_357 = arith.constant 0 : i32
      %dma_start3A_358 = tpu.memref_slice %arg6[%add3A_193, %dma_start3A_357] : memref<16384x256xf32, #tpu.memory_space<hbm>> -> memref<64x256xf32, #tpu.memory_space<hbm>>
      %dma_start3A_359 = arith.constant 0 : i32
      %dma_start3A_360 = tpu.memref_slice %arg6[%add3A_193, %dma_start3A_359] : memref<16384x256xf32, #tpu.memory_space<hbm>> -> memref<64x256xf32, #tpu.memory_space<hbm>>
      %dma_start3A_361 = arith.constant 0 : i32
      %dma_start3A_362 = arith.constant 0 : i32
      %dma_start3A_363 = tpu.memref_slice %arg10[%run_scoped3A_194, %dma_start3A_361, %dma_start3A_362] : memref<2x64x256xf32, #tpu.memory_space<vmem>> -> memref<1x64x256xf32, #tpu.memory_space<vmem>>
      %dma_start3A_364 = tpu.memref_squeeze %dma_start3A_363 : memref<1x64x256xf32, #tpu.memory_space<vmem>> -> memref<64x256xf32, #tpu.memory_space<vmem>>
      tpu.enqueue_dma source(%dma_start3A_364 : memref<64x256xf32, #tpu.memory_space<vmem>>) target(%dma_start3A_360 : memref<64x256xf32, #tpu.memory_space<hbm>>) target_semaphore(%run_scoped3A_352 : memref<!tpu.dma_semaphore, #tpu.memory_space<semaphore_mem>>)
      %dma_wait3A_365 = arith.constant 0 : i32
      %dma_wait3A_366 = arith.constant 0 : i32
      %dma_wait3A_367 = tpu.memref_slice %arg10[%run_scoped3A_194, %dma_wait3A_365, %dma_wait3A_366] : memref<2x64x256xf32, #tpu.memory_space<vmem>> -> memref<1x64x256xf32, #tpu.memory_space<vmem>>
      %dma_wait3A_368 = tpu.memref_squeeze %dma_wait3A_367 : memref<1x64x256xf32, #tpu.memory_space<vmem>> -> memref<64x256xf32, #tpu.memory_space<vmem>>
      %dma_wait3A_369 = arith.constant 0 : i32
      %dma_wait3A_370 = tpu.memref_slice %arg6[%add3A_193, %dma_wait3A_369] : memref<16384x256xf32, #tpu.memory_space<hbm>> -> memref<64x256xf32, #tpu.memory_space<hbm>>
      %dma_wait3A_371 = arith.constant 0 : i32
      %dma_wait3A_372 = tpu.memref_slice %arg6[%add3A_193, %dma_wait3A_371] : memref<16384x256xf32, #tpu.memory_space<hbm>> -> memref<64x256xf32, #tpu.memory_space<hbm>>
      %dma_wait3A_373 = arith.constant 0 : i32
      %dma_wait3A_374 = arith.constant 0 : i32
      %dma_wait3A_375 = tpu.memref_slice %arg10[%run_scoped3A_194, %dma_wait3A_373, %dma_wait3A_374] : memref<2x64x256xf32, #tpu.memory_space<vmem>> -> memref<1x64x256xf32, #tpu.memory_space<vmem>>
      %dma_wait3A_376 = tpu.memref_squeeze %dma_wait3A_375 : memref<1x64x256xf32, #tpu.memory_space<vmem>> -> memref<64x256xf32, #tpu.memory_space<vmem>>
      tpu.wait_dma2 semaphore(%run_scoped3A_352 : memref<!tpu.dma_semaphore, #tpu.memory_space<semaphore_mem>>) src(%dma_wait3A_376 : memref<64x256xf32, #tpu.memory_space<vmem>>) dst(%dma_wait3A_372 : memref<64x256xf32, #tpu.memory_space<hbm>>)
      tpu.yield
    }) : () -> ()
    %run_scoped3A_195 = arith.constant 1 : i32
    "tpu.region"() ({
      %run_scoped3A_352 = tpu.sem_alloc : memref<!tpu.dma_semaphore, #tpu.memory_space<semaphore_mem>>
      %dma_start3A_353 = arith.constant 0 : i32
      %dma_start3A_354 = arith.constant 0 : i32
      %dma_start3A_355 = tpu.memref_slice %arg11[%run_scoped3A_195, %dma_start3A_353, %dma_start3A_354] : memref<2x64x256xf32, #tpu.memory_space<vmem>> -> memref<1x64x256xf32, #tpu.memory_space<vmem>>
      %dma_start3A_356 = tpu.memref_squeeze %dma_start3A_355 : memref<1x64x256xf32, #tpu.memory_space<vmem>> -> memref<64x256xf32, #tpu.memory_space<vmem>>
      %dma_start3A_357 = arith.constant 0 : i32
      %dma_start3A_358 = tpu.memref_slice %arg7[%add3A_193, %dma_start3A_357] : memref<16384x256xf32, #tpu.memory_space<hbm>> -> memref<64x256xf32, #tpu.memory_space<hbm>>
      %dma_start3A_359 = arith.constant 0 : i32
      %dma_start3A_360 = tpu.memref_slice %arg7[%add3A_193, %dma_start3A_359] : memref<16384x256xf32, #tpu.memory_space<hbm>> -> memref<64x256xf32, #tpu.memory_space<hbm>>
      %dma_start3A_361 = arith.constant 0 : i32
      %dma_start3A_362 = arith.constant 0 : i32
      %dma_start3A_363 = tpu.memref_slice %arg11[%run_scoped3A_195, %dma_start3A_361, %dma_start3A_362] : memref<2x64x256xf32, #tpu.memory_space<vmem>> -> memref<1x64x256xf32, #tpu.memory_space<vmem>>
      %dma_start3A_364 = tpu.memref_squeeze %dma_start3A_363 : memref<1x64x256xf32, #tpu.memory_space<vmem>> -> memref<64x256xf32, #tpu.memory_space<vmem>>
      tpu.enqueue_dma source(%dma_start3A_364 : memref<64x256xf32, #tpu.memory_space<vmem>>) target(%dma_start3A_360 : memref<64x256xf32, #tpu.memory_space<hbm>>) target_semaphore(%run_scoped3A_352 : memref<!tpu.dma_semaphore, #tpu.memory_space<semaphore_mem>>)
      %dma_wait3A_365 = arith.constant 0 : i32
      %dma_wait3A_366 = arith.constant 0 : i32
      %dma_wait3A_367 = tpu.memref_slice %arg11[%run_scoped3A_195, %dma_wait3A_365, %dma_wait3A_366] : memref<2x64x256xf32, #tpu.memory_space<vmem>> -> memref<1x64x256xf32, #tpu.memory_space<vmem>>
      %dma_wait3A_368 = tpu.memref_squeeze %dma_wait3A_367 : memref<1x64x256xf32, #tpu.memory_space<vmem>> -> memref<64x256xf32, #tpu.memory_space<vmem>>
      %dma_wait3A_369 = arith.constant 0 : i32
      %dma_wait3A_370 = tpu.memref_slice %arg7[%add3A_193, %dma_wait3A_369] : memref<16384x256xf32, #tpu.memory_space<hbm>> -> memref<64x256xf32, #tpu.memory_space<hbm>>
      %dma_wait3A_371 = arith.constant 0 : i32
      %dma_wait3A_372 = tpu.memref_slice %arg7[%add3A_193, %dma_wait3A_371] : memref<16384x256xf32, #tpu.memory_space<hbm>> -> memref<64x256xf32, #tpu.memory_space<hbm>>
      %dma_wait3A_373 = arith.constant 0 : i32
      %dma_wait3A_374 = arith.constant 0 : i32
      %dma_wait3A_375 = tpu.memref_slice %arg11[%run_scoped3A_195, %dma_wait3A_373, %dma_wait3A_374] : memref<2x64x256xf32, #tpu.memory_space<vmem>> -> memref<1x64x256xf32, #tpu.memory_space<vmem>>
      %dma_wait3A_376 = tpu.memref_squeeze %dma_wait3A_375 : memref<1x64x256xf32, #tpu.memory_space<vmem>> -> memref<64x256xf32, #tpu.memory_space<vmem>>
      tpu.wait_dma2 semaphore(%run_scoped3A_352 : memref<!tpu.dma_semaphore, #tpu.memory_space<semaphore_mem>>) src(%dma_wait3A_376 : memref<64x256xf32, #tpu.memory_space<vmem>>) dst(%dma_wait3A_372 : memref<64x256xf32, #tpu.memory_space<hbm>>)
      tpu.yield
    }) : () -> ()
    %dma_start3A_196 = arith.constant 1 : i32
    %dma_start3A_197 = arith.constant 0 : i32
    %dma_start3A_198 = arith.constant 0 : i32
    %dma_start3A_199 = tpu.memref_slice %arg10[%dma_start3A_196, %dma_start3A_197, %dma_start3A_198] : memref<2x64x256xf32, #tpu.memory_space<vmem>> -> memref<1x64x256xf32, #tpu.memory_space<vmem>>
    %dma_start3A_200 = tpu.memref_squeeze %dma_start3A_199 : memref<1x64x256xf32, #tpu.memory_space<vmem>> -> memref<64x256xf32, #tpu.memory_space<vmem>>
    %dma_start3A_201 = arith.constant 320 : i32
    %dma_start3A_202 = tpu.memref_slice %arg8[%dma_start3A_201] : memref<512xi32, #tpu.memory_space<vmem>> -> memref<64xi32, #tpu.memory_space<vmem>>
    %dma_start3A_203 = arith.constant 0 : i32
    %dma_start3A_204 = arith.constant 0 : i32
    %dma_start3A_205 = tpu.memref_slice %arg4[%dma_start3A_203, %dma_start3A_204] : memref<100000x256xf32, #tpu.memory_space<hbm>> -> memref<100000x256xf32, #tpu.memory_space<hbm>>
    tpu.enqueue_indirect_dma source(%dma_start3A_205 : memref<100000x256xf32, #tpu.memory_space<hbm>>) target(%dma_start3A_200 : memref<64x256xf32, #tpu.memory_space<vmem>>) offsets(%dma_start3A_202 : memref<64xi32, #tpu.memory_space<vmem>>) semaphore(%arg13 : memref<!tpu.dma_semaphore, #tpu.memory_space<semaphore_mem>>)
    %dma_start3A_206 = arith.constant 1 : i32
    %dma_start3A_207 = arith.constant 0 : i32
    %dma_start3A_208 = arith.constant 0 : i32
    %dma_start3A_209 = tpu.memref_slice %arg11[%dma_start3A_206, %dma_start3A_207, %dma_start3A_208] : memref<2x64x256xf32, #tpu.memory_space<vmem>> -> memref<1x64x256xf32, #tpu.memory_space<vmem>>
    %dma_start3A_210 = tpu.memref_squeeze %dma_start3A_209 : memref<1x64x256xf32, #tpu.memory_space<vmem>> -> memref<64x256xf32, #tpu.memory_space<vmem>>
    %dma_start3A_211 = arith.constant 320 : i32
    %dma_start3A_212 = tpu.memref_slice %arg9[%dma_start3A_211] : memref<512xi32, #tpu.memory_space<vmem>> -> memref<64xi32, #tpu.memory_space<vmem>>
    %dma_start3A_213 = arith.constant 0 : i32
    %dma_start3A_214 = arith.constant 0 : i32
    %dma_start3A_215 = tpu.memref_slice %arg5[%dma_start3A_213, %dma_start3A_214] : memref<100000x256xf32, #tpu.memory_space<hbm>> -> memref<100000x256xf32, #tpu.memory_space<hbm>>
    tpu.enqueue_indirect_dma source(%dma_start3A_215 : memref<100000x256xf32, #tpu.memory_space<hbm>>) target(%dma_start3A_210 : memref<64x256xf32, #tpu.memory_space<vmem>>) offsets(%dma_start3A_212 : memref<64xi32, #tpu.memory_space<vmem>>) semaphore(%arg13 : memref<!tpu.dma_semaphore, #tpu.memory_space<semaphore_mem>>)
    %dma_wait3A_216 = arith.constant 0 : i32
    %dma_wait3A_217 = arith.constant 0 : i32
    %dma_wait3A_218 = arith.constant 0 : i32
    %dma_wait3A_219 = tpu.memref_slice %arg10[%dma_wait3A_216, %dma_wait3A_217, %dma_wait3A_218] : memref<2x64x256xf32, #tpu.memory_space<vmem>> -> memref<1x64x256xf32, #tpu.memory_space<vmem>>
    %dma_wait3A_220 = tpu.memref_squeeze %dma_wait3A_219 : memref<1x64x256xf32, #tpu.memory_space<vmem>> -> memref<64x256xf32, #tpu.memory_space<vmem>>
    %dma_wait3A_221 = arith.constant 256 : i32
    %dma_wait3A_222 = tpu.memref_slice %arg8[%dma_wait3A_221] : memref<512xi32, #tpu.memory_space<vmem>> -> memref<64xi32, #tpu.memory_space<vmem>>
    %dma_wait3A_223 = arith.constant 0 : i32
    %dma_wait3A_224 = arith.constant 0 : i32
    %dma_wait3A_225 = tpu.memref_slice %arg4[%dma_wait3A_223, %dma_wait3A_224] : memref<100000x256xf32, #tpu.memory_space<hbm>> -> memref<100000x256xf32, #tpu.memory_space<hbm>>
    tpu.wait_indirect_dma semaphore(%arg12 : memref<!tpu.dma_semaphore, #tpu.memory_space<semaphore_mem>>) src(%dma_wait3A_225 : memref<100000x256xf32, #tpu.memory_space<hbm>>) dst(%dma_wait3A_220 : memref<64x256xf32, #tpu.memory_space<vmem>>)
    %dma_wait3A_226 = arith.constant 0 : i32
    %dma_wait3A_227 = arith.constant 0 : i32
    %dma_wait3A_228 = arith.constant 0 : i32
    %dma_wait3A_229 = tpu.memref_slice %arg11[%dma_wait3A_226, %dma_wait3A_227, %dma_wait3A_228] : memref<2x64x256xf32, #tpu.memory_space<vmem>> -> memref<1x64x256xf32, #tpu.memory_space<vmem>>
    %dma_wait3A_230 = tpu.memref_squeeze %dma_wait3A_229 : memref<1x64x256xf32, #tpu.memory_space<vmem>> -> memref<64x256xf32, #tpu.memory_space<vmem>>
    %dma_wait3A_231 = arith.constant 256 : i32
    %dma_wait3A_232 = tpu.memref_slice %arg9[%dma_wait3A_231] : memref<512xi32, #tpu.memory_space<vmem>> -> memref<64xi32, #tpu.memory_space<vmem>>
    %dma_wait3A_233 = arith.constant 0 : i32
    %dma_wait3A_234 = arith.constant 0 : i32
    %dma_wait3A_235 = tpu.memref_slice %arg5[%dma_wait3A_233, %dma_wait3A_234] : memref<100000x256xf32, #tpu.memory_space<hbm>> -> memref<100000x256xf32, #tpu.memory_space<hbm>>
    tpu.wait_indirect_dma semaphore(%arg12 : memref<!tpu.dma_semaphore, #tpu.memory_space<semaphore_mem>>) src(%dma_wait3A_235 : memref<100000x256xf32, #tpu.memory_space<hbm>>) dst(%dma_wait3A_230 : memref<64x256xf32, #tpu.memory_space<vmem>>)
    %add3A_236 = arith.constant 256 : i32
    %add3A_237 = arith.addi %mul3A_2, %add3A_236 : i32
    %run_scoped3A_238 = arith.constant 0 : i32
    "tpu.region"() ({
      %run_scoped3A_352 = tpu.sem_alloc : memref<!tpu.dma_semaphore, #tpu.memory_space<semaphore_mem>>
      %dma_start3A_353 = arith.constant 0 : i32
      %dma_start3A_354 = arith.constant 0 : i32
      %dma_start3A_355 = tpu.memref_slice %arg10[%run_scoped3A_238, %dma_start3A_353, %dma_start3A_354] : memref<2x64x256xf32, #tpu.memory_space<vmem>> -> memref<1x64x256xf32, #tpu.memory_space<vmem>>
      %dma_start3A_356 = tpu.memref_squeeze %dma_start3A_355 : memref<1x64x256xf32, #tpu.memory_space<vmem>> -> memref<64x256xf32, #tpu.memory_space<vmem>>
      %dma_start3A_357 = arith.constant 0 : i32
      %dma_start3A_358 = tpu.memref_slice %arg6[%add3A_237, %dma_start3A_357] : memref<16384x256xf32, #tpu.memory_space<hbm>> -> memref<64x256xf32, #tpu.memory_space<hbm>>
      %dma_start3A_359 = arith.constant 0 : i32
      %dma_start3A_360 = tpu.memref_slice %arg6[%add3A_237, %dma_start3A_359] : memref<16384x256xf32, #tpu.memory_space<hbm>> -> memref<64x256xf32, #tpu.memory_space<hbm>>
      %dma_start3A_361 = arith.constant 0 : i32
      %dma_start3A_362 = arith.constant 0 : i32
      %dma_start3A_363 = tpu.memref_slice %arg10[%run_scoped3A_238, %dma_start3A_361, %dma_start3A_362] : memref<2x64x256xf32, #tpu.memory_space<vmem>> -> memref<1x64x256xf32, #tpu.memory_space<vmem>>
      %dma_start3A_364 = tpu.memref_squeeze %dma_start3A_363 : memref<1x64x256xf32, #tpu.memory_space<vmem>> -> memref<64x256xf32, #tpu.memory_space<vmem>>
      tpu.enqueue_dma source(%dma_start3A_364 : memref<64x256xf32, #tpu.memory_space<vmem>>) target(%dma_start3A_360 : memref<64x256xf32, #tpu.memory_space<hbm>>) target_semaphore(%run_scoped3A_352 : memref<!tpu.dma_semaphore, #tpu.memory_space<semaphore_mem>>)
      %dma_wait3A_365 = arith.constant 0 : i32
      %dma_wait3A_366 = arith.constant 0 : i32
      %dma_wait3A_367 = tpu.memref_slice %arg10[%run_scoped3A_238, %dma_wait3A_365, %dma_wait3A_366] : memref<2x64x256xf32, #tpu.memory_space<vmem>> -> memref<1x64x256xf32, #tpu.memory_space<vmem>>
      %dma_wait3A_368 = tpu.memref_squeeze %dma_wait3A_367 : memref<1x64x256xf32, #tpu.memory_space<vmem>> -> memref<64x256xf32, #tpu.memory_space<vmem>>
      %dma_wait3A_369 = arith.constant 0 : i32
      %dma_wait3A_370 = tpu.memref_slice %arg6[%add3A_237, %dma_wait3A_369] : memref<16384x256xf32, #tpu.memory_space<hbm>> -> memref<64x256xf32, #tpu.memory_space<hbm>>
      %dma_wait3A_371 = arith.constant 0 : i32
      %dma_wait3A_372 = tpu.memref_slice %arg6[%add3A_237, %dma_wait3A_371] : memref<16384x256xf32, #tpu.memory_space<hbm>> -> memref<64x256xf32, #tpu.memory_space<hbm>>
      %dma_wait3A_373 = arith.constant 0 : i32
      %dma_wait3A_374 = arith.constant 0 : i32
      %dma_wait3A_375 = tpu.memref_slice %arg10[%run_scoped3A_238, %dma_wait3A_373, %dma_wait3A_374] : memref<2x64x256xf32, #tpu.memory_space<vmem>> -> memref<1x64x256xf32, #tpu.memory_space<vmem>>
      %dma_wait3A_376 = tpu.memref_squeeze %dma_wait3A_375 : memref<1x64x256xf32, #tpu.memory_space<vmem>> -> memref<64x256xf32, #tpu.memory_space<vmem>>
      tpu.wait_dma2 semaphore(%run_scoped3A_352 : memref<!tpu.dma_semaphore, #tpu.memory_space<semaphore_mem>>) src(%dma_wait3A_376 : memref<64x256xf32, #tpu.memory_space<vmem>>) dst(%dma_wait3A_372 : memref<64x256xf32, #tpu.memory_space<hbm>>)
      tpu.yield
    }) : () -> ()
    %run_scoped3A_239 = arith.constant 0 : i32
    "tpu.region"() ({
      %run_scoped3A_352 = tpu.sem_alloc : memref<!tpu.dma_semaphore, #tpu.memory_space<semaphore_mem>>
      %dma_start3A_353 = arith.constant 0 : i32
      %dma_start3A_354 = arith.constant 0 : i32
      %dma_start3A_355 = tpu.memref_slice %arg11[%run_scoped3A_239, %dma_start3A_353, %dma_start3A_354] : memref<2x64x256xf32, #tpu.memory_space<vmem>> -> memref<1x64x256xf32, #tpu.memory_space<vmem>>
      %dma_start3A_356 = tpu.memref_squeeze %dma_start3A_355 : memref<1x64x256xf32, #tpu.memory_space<vmem>> -> memref<64x256xf32, #tpu.memory_space<vmem>>
      %dma_start3A_357 = arith.constant 0 : i32
      %dma_start3A_358 = tpu.memref_slice %arg7[%add3A_237, %dma_start3A_357] : memref<16384x256xf32, #tpu.memory_space<hbm>> -> memref<64x256xf32, #tpu.memory_space<hbm>>
      %dma_start3A_359 = arith.constant 0 : i32
      %dma_start3A_360 = tpu.memref_slice %arg7[%add3A_237, %dma_start3A_359] : memref<16384x256xf32, #tpu.memory_space<hbm>> -> memref<64x256xf32, #tpu.memory_space<hbm>>
      %dma_start3A_361 = arith.constant 0 : i32
      %dma_start3A_362 = arith.constant 0 : i32
      %dma_start3A_363 = tpu.memref_slice %arg11[%run_scoped3A_239, %dma_start3A_361, %dma_start3A_362] : memref<2x64x256xf32, #tpu.memory_space<vmem>> -> memref<1x64x256xf32, #tpu.memory_space<vmem>>
      %dma_start3A_364 = tpu.memref_squeeze %dma_start3A_363 : memref<1x64x256xf32, #tpu.memory_space<vmem>> -> memref<64x256xf32, #tpu.memory_space<vmem>>
      tpu.enqueue_dma source(%dma_start3A_364 : memref<64x256xf32, #tpu.memory_space<vmem>>) target(%dma_start3A_360 : memref<64x256xf32, #tpu.memory_space<hbm>>) target_semaphore(%run_scoped3A_352 : memref<!tpu.dma_semaphore, #tpu.memory_space<semaphore_mem>>)
      %dma_wait3A_365 = arith.constant 0 : i32
      %dma_wait3A_366 = arith.constant 0 : i32
      %dma_wait3A_367 = tpu.memref_slice %arg11[%run_scoped3A_239, %dma_wait3A_365, %dma_wait3A_366] : memref<2x64x256xf32, #tpu.memory_space<vmem>> -> memref<1x64x256xf32, #tpu.memory_space<vmem>>
      %dma_wait3A_368 = tpu.memref_squeeze %dma_wait3A_367 : memref<1x64x256xf32, #tpu.memory_space<vmem>> -> memref<64x256xf32, #tpu.memory_space<vmem>>
      %dma_wait3A_369 = arith.constant 0 : i32
      %dma_wait3A_370 = tpu.memref_slice %arg7[%add3A_237, %dma_wait3A_369] : memref<16384x256xf32, #tpu.memory_space<hbm>> -> memref<64x256xf32, #tpu.memory_space<hbm>>
      %dma_wait3A_371 = arith.constant 0 : i32
      %dma_wait3A_372 = tpu.memref_slice %arg7[%add3A_237, %dma_wait3A_371] : memref<16384x256xf32, #tpu.memory_space<hbm>> -> memref<64x256xf32, #tpu.memory_space<hbm>>
      %dma_wait3A_373 = arith.constant 0 : i32
      %dma_wait3A_374 = arith.constant 0 : i32
      %dma_wait3A_375 = tpu.memref_slice %arg11[%run_scoped3A_239, %dma_wait3A_373, %dma_wait3A_374] : memref<2x64x256xf32, #tpu.memory_space<vmem>> -> memref<1x64x256xf32, #tpu.memory_space<vmem>>
      %dma_wait3A_376 = tpu.memref_squeeze %dma_wait3A_375 : memref<1x64x256xf32, #tpu.memory_space<vmem>> -> memref<64x256xf32, #tpu.memory_space<vmem>>
      tpu.wait_dma2 semaphore(%run_scoped3A_352 : memref<!tpu.dma_semaphore, #tpu.memory_space<semaphore_mem>>) src(%dma_wait3A_376 : memref<64x256xf32, #tpu.memory_space<vmem>>) dst(%dma_wait3A_372 : memref<64x256xf32, #tpu.memory_space<hbm>>)
      tpu.yield
    }) : () -> ()
    %dma_start3A_240 = arith.constant 0 : i32
    %dma_start3A_241 = arith.constant 0 : i32
    %dma_start3A_242 = arith.constant 0 : i32
    %dma_start3A_243 = tpu.memref_slice %arg10[%dma_start3A_240, %dma_start3A_241, %dma_start3A_242] : memref<2x64x256xf32, #tpu.memory_space<vmem>> -> memref<1x64x256xf32, #tpu.memory_space<vmem>>
    %dma_start3A_244 = tpu.memref_squeeze %dma_start3A_243 : memref<1x64x256xf32, #tpu.memory_space<vmem>> -> memref<64x256xf32, #tpu.memory_space<vmem>>
    %dma_start3A_245 = arith.constant 384 : i32
    %dma_start3A_246 = tpu.memref_slice %arg8[%dma_start3A_245] : memref<512xi32, #tpu.memory_space<vmem>> -> memref<64xi32, #tpu.memory_space<vmem>>
    %dma_start3A_247 = arith.constant 0 : i32
    %dma_start3A_248 = arith.constant 0 : i32
    %dma_start3A_249 = tpu.memref_slice %arg4[%dma_start3A_247, %dma_start3A_248] : memref<100000x256xf32, #tpu.memory_space<hbm>> -> memref<100000x256xf32, #tpu.memory_space<hbm>>
    tpu.enqueue_indirect_dma source(%dma_start3A_249 : memref<100000x256xf32, #tpu.memory_space<hbm>>) target(%dma_start3A_244 : memref<64x256xf32, #tpu.memory_space<vmem>>) offsets(%dma_start3A_246 : memref<64xi32, #tpu.memory_space<vmem>>) semaphore(%arg12 : memref<!tpu.dma_semaphore, #tpu.memory_space<semaphore_mem>>)
    %dma_start3A_250 = arith.constant 0 : i32
    %dma_start3A_251 = arith.constant 0 : i32
    %dma_start3A_252 = arith.constant 0 : i32
    %dma_start3A_253 = tpu.memref_slice %arg11[%dma_start3A_250, %dma_start3A_251, %dma_start3A_252] : memref<2x64x256xf32, #tpu.memory_space<vmem>> -> memref<1x64x256xf32, #tpu.memory_space<vmem>>
    %dma_start3A_254 = tpu.memref_squeeze %dma_start3A_253 : memref<1x64x256xf32, #tpu.memory_space<vmem>> -> memref<64x256xf32, #tpu.memory_space<vmem>>
    %dma_start3A_255 = arith.constant 384 : i32
    %dma_start3A_256 = tpu.memref_slice %arg9[%dma_start3A_255] : memref<512xi32, #tpu.memory_space<vmem>> -> memref<64xi32, #tpu.memory_space<vmem>>
    %dma_start3A_257 = arith.constant 0 : i32
    %dma_start3A_258 = arith.constant 0 : i32
    %dma_start3A_259 = tpu.memref_slice %arg5[%dma_start3A_257, %dma_start3A_258] : memref<100000x256xf32, #tpu.memory_space<hbm>> -> memref<100000x256xf32, #tpu.memory_space<hbm>>
    tpu.enqueue_indirect_dma source(%dma_start3A_259 : memref<100000x256xf32, #tpu.memory_space<hbm>>) target(%dma_start3A_254 : memref<64x256xf32, #tpu.memory_space<vmem>>) offsets(%dma_start3A_256 : memref<64xi32, #tpu.memory_space<vmem>>) semaphore(%arg12 : memref<!tpu.dma_semaphore, #tpu.memory_space<semaphore_mem>>)
    %dma_wait3A_260 = arith.constant 1 : i32
    %dma_wait3A_261 = arith.constant 0 : i32
    %dma_wait3A_262 = arith.constant 0 : i32
    %dma_wait3A_263 = tpu.memref_slice %arg10[%dma_wait3A_260, %dma_wait3A_261, %dma_wait3A_262] : memref<2x64x256xf32, #tpu.memory_space<vmem>> -> memref<1x64x256xf32, #tpu.memory_space<vmem>>
    %dma_wait3A_264 = tpu.memref_squeeze %dma_wait3A_263 : memref<1x64x256xf32, #tpu.memory_space<vmem>> -> memref<64x256xf32, #tpu.memory_space<vmem>>
    %dma_wait3A_265 = arith.constant 320 : i32
    %dma_wait3A_266 = tpu.memref_slice %arg8[%dma_wait3A_265] : memref<512xi32, #tpu.memory_space<vmem>> -> memref<64xi32, #tpu.memory_space<vmem>>
    %dma_wait3A_267 = arith.constant 0 : i32
    %dma_wait3A_268 = arith.constant 0 : i32
    %dma_wait3A_269 = tpu.memref_slice %arg4[%dma_wait3A_267, %dma_wait3A_268] : memref<100000x256xf32, #tpu.memory_space<hbm>> -> memref<100000x256xf32, #tpu.memory_space<hbm>>
    tpu.wait_indirect_dma semaphore(%arg13 : memref<!tpu.dma_semaphore, #tpu.memory_space<semaphore_mem>>) src(%dma_wait3A_269 : memref<100000x256xf32, #tpu.memory_space<hbm>>) dst(%dma_wait3A_264 : memref<64x256xf32, #tpu.memory_space<vmem>>)
    %dma_wait3A_270 = arith.constant 1 : i32
    %dma_wait3A_271 = arith.constant 0 : i32
    %dma_wait3A_272 = arith.constant 0 : i32
    %dma_wait3A_273 = tpu.memref_slice %arg11[%dma_wait3A_270, %dma_wait3A_271, %dma_wait3A_272] : memref<2x64x256xf32, #tpu.memory_space<vmem>> -> memref<1x64x256xf32, #tpu.memory_space<vmem>>
    %dma_wait3A_274 = tpu.memref_squeeze %dma_wait3A_273 : memref<1x64x256xf32, #tpu.memory_space<vmem>> -> memref<64x256xf32, #tpu.memory_space<vmem>>
    %dma_wait3A_275 = arith.constant 320 : i32
    %dma_wait3A_276 = tpu.memref_slice %arg9[%dma_wait3A_275] : memref<512xi32, #tpu.memory_space<vmem>> -> memref<64xi32, #tpu.memory_space<vmem>>
    %dma_wait3A_277 = arith.constant 0 : i32
    %dma_wait3A_278 = arith.constant 0 : i32
    %dma_wait3A_279 = tpu.memref_slice %arg5[%dma_wait3A_277, %dma_wait3A_278] : memref<100000x256xf32, #tpu.memory_space<hbm>> -> memref<100000x256xf32, #tpu.memory_space<hbm>>
    tpu.wait_indirect_dma semaphore(%arg13 : memref<!tpu.dma_semaphore, #tpu.memory_space<semaphore_mem>>) src(%dma_wait3A_279 : memref<100000x256xf32, #tpu.memory_space<hbm>>) dst(%dma_wait3A_274 : memref<64x256xf32, #tpu.memory_space<vmem>>)
    %add3A_280 = arith.constant 320 : i32
    %add3A_281 = arith.addi %mul3A_2, %add3A_280 : i32
    %run_scoped3A_282 = arith.constant 1 : i32
    "tpu.region"() ({
      %run_scoped3A_352 = tpu.sem_alloc : memref<!tpu.dma_semaphore, #tpu.memory_space<semaphore_mem>>
      %dma_start3A_353 = arith.constant 0 : i32
      %dma_start3A_354 = arith.constant 0 : i32
      %dma_start3A_355 = tpu.memref_slice %arg10[%run_scoped3A_282, %dma_start3A_353, %dma_start3A_354] : memref<2x64x256xf32, #tpu.memory_space<vmem>> -> memref<1x64x256xf32, #tpu.memory_space<vmem>>
      %dma_start3A_356 = tpu.memref_squeeze %dma_start3A_355 : memref<1x64x256xf32, #tpu.memory_space<vmem>> -> memref<64x256xf32, #tpu.memory_space<vmem>>
      %dma_start3A_357 = arith.constant 0 : i32
      %dma_start3A_358 = tpu.memref_slice %arg6[%add3A_281, %dma_start3A_357] : memref<16384x256xf32, #tpu.memory_space<hbm>> -> memref<64x256xf32, #tpu.memory_space<hbm>>
      %dma_start3A_359 = arith.constant 0 : i32
      %dma_start3A_360 = tpu.memref_slice %arg6[%add3A_281, %dma_start3A_359] : memref<16384x256xf32, #tpu.memory_space<hbm>> -> memref<64x256xf32, #tpu.memory_space<hbm>>
      %dma_start3A_361 = arith.constant 0 : i32
      %dma_start3A_362 = arith.constant 0 : i32
      %dma_start3A_363 = tpu.memref_slice %arg10[%run_scoped3A_282, %dma_start3A_361, %dma_start3A_362] : memref<2x64x256xf32, #tpu.memory_space<vmem>> -> memref<1x64x256xf32, #tpu.memory_space<vmem>>
      %dma_start3A_364 = tpu.memref_squeeze %dma_start3A_363 : memref<1x64x256xf32, #tpu.memory_space<vmem>> -> memref<64x256xf32, #tpu.memory_space<vmem>>
      tpu.enqueue_dma source(%dma_start3A_364 : memref<64x256xf32, #tpu.memory_space<vmem>>) target(%dma_start3A_360 : memref<64x256xf32, #tpu.memory_space<hbm>>) target_semaphore(%run_scoped3A_352 : memref<!tpu.dma_semaphore, #tpu.memory_space<semaphore_mem>>)
      %dma_wait3A_365 = arith.constant 0 : i32
      %dma_wait3A_366 = arith.constant 0 : i32
      %dma_wait3A_367 = tpu.memref_slice %arg10[%run_scoped3A_282, %dma_wait3A_365, %dma_wait3A_366] : memref<2x64x256xf32, #tpu.memory_space<vmem>> -> memref<1x64x256xf32, #tpu.memory_space<vmem>>
      %dma_wait3A_368 = tpu.memref_squeeze %dma_wait3A_367 : memref<1x64x256xf32, #tpu.memory_space<vmem>> -> memref<64x256xf32, #tpu.memory_space<vmem>>
      %dma_wait3A_369 = arith.constant 0 : i32
      %dma_wait3A_370 = tpu.memref_slice %arg6[%add3A_281, %dma_wait3A_369] : memref<16384x256xf32, #tpu.memory_space<hbm>> -> memref<64x256xf32, #tpu.memory_space<hbm>>
      %dma_wait3A_371 = arith.constant 0 : i32
      %dma_wait3A_372 = tpu.memref_slice %arg6[%add3A_281, %dma_wait3A_371] : memref<16384x256xf32, #tpu.memory_space<hbm>> -> memref<64x256xf32, #tpu.memory_space<hbm>>
      %dma_wait3A_373 = arith.constant 0 : i32
      %dma_wait3A_374 = arith.constant 0 : i32
      %dma_wait3A_375 = tpu.memref_slice %arg10[%run_scoped3A_282, %dma_wait3A_373, %dma_wait3A_374] : memref<2x64x256xf32, #tpu.memory_space<vmem>> -> memref<1x64x256xf32, #tpu.memory_space<vmem>>
      %dma_wait3A_376 = tpu.memref_squeeze %dma_wait3A_375 : memref<1x64x256xf32, #tpu.memory_space<vmem>> -> memref<64x256xf32, #tpu.memory_space<vmem>>
      tpu.wait_dma2 semaphore(%run_scoped3A_352 : memref<!tpu.dma_semaphore, #tpu.memory_space<semaphore_mem>>) src(%dma_wait3A_376 : memref<64x256xf32, #tpu.memory_space<vmem>>) dst(%dma_wait3A_372 : memref<64x256xf32, #tpu.memory_space<hbm>>)
      tpu.yield
    }) : () -> ()
    %run_scoped3A_283 = arith.constant 1 : i32
    "tpu.region"() ({
      %run_scoped3A_352 = tpu.sem_alloc : memref<!tpu.dma_semaphore, #tpu.memory_space<semaphore_mem>>
      %dma_start3A_353 = arith.constant 0 : i32
      %dma_start3A_354 = arith.constant 0 : i32
      %dma_start3A_355 = tpu.memref_slice %arg11[%run_scoped3A_283, %dma_start3A_353, %dma_start3A_354] : memref<2x64x256xf32, #tpu.memory_space<vmem>> -> memref<1x64x256xf32, #tpu.memory_space<vmem>>
      %dma_start3A_356 = tpu.memref_squeeze %dma_start3A_355 : memref<1x64x256xf32, #tpu.memory_space<vmem>> -> memref<64x256xf32, #tpu.memory_space<vmem>>
      %dma_start3A_357 = arith.constant 0 : i32
      %dma_start3A_358 = tpu.memref_slice %arg7[%add3A_281, %dma_start3A_357] : memref<16384x256xf32, #tpu.memory_space<hbm>> -> memref<64x256xf32, #tpu.memory_space<hbm>>
      %dma_start3A_359 = arith.constant 0 : i32
      %dma_start3A_360 = tpu.memref_slice %arg7[%add3A_281, %dma_start3A_359] : memref<16384x256xf32, #tpu.memory_space<hbm>> -> memref<64x256xf32, #tpu.memory_space<hbm>>
      %dma_start3A_361 = arith.constant 0 : i32
      %dma_start3A_362 = arith.constant 0 : i32
      %dma_start3A_363 = tpu.memref_slice %arg11[%run_scoped3A_283, %dma_start3A_361, %dma_start3A_362] : memref<2x64x256xf32, #tpu.memory_space<vmem>> -> memref<1x64x256xf32, #tpu.memory_space<vmem>>
      %dma_start3A_364 = tpu.memref_squeeze %dma_start3A_363 : memref<1x64x256xf32, #tpu.memory_space<vmem>> -> memref<64x256xf32, #tpu.memory_space<vmem>>
      tpu.enqueue_dma source(%dma_start3A_364 : memref<64x256xf32, #tpu.memory_space<vmem>>) target(%dma_start3A_360 : memref<64x256xf32, #tpu.memory_space<hbm>>) target_semaphore(%run_scoped3A_352 : memref<!tpu.dma_semaphore, #tpu.memory_space<semaphore_mem>>)
      %dma_wait3A_365 = arith.constant 0 : i32
      %dma_wait3A_366 = arith.constant 0 : i32
      %dma_wait3A_367 = tpu.memref_slice %arg11[%run_scoped3A_283, %dma_wait3A_365, %dma_wait3A_366] : memref<2x64x256xf32, #tpu.memory_space<vmem>> -> memref<1x64x256xf32, #tpu.memory_space<vmem>>
      %dma_wait3A_368 = tpu.memref_squeeze %dma_wait3A_367 : memref<1x64x256xf32, #tpu.memory_space<vmem>> -> memref<64x256xf32, #tpu.memory_space<vmem>>
      %dma_wait3A_369 = arith.constant 0 : i32
      %dma_wait3A_370 = tpu.memref_slice %arg7[%add3A_281, %dma_wait3A_369] : memref<16384x256xf32, #tpu.memory_space<hbm>> -> memref<64x256xf32, #tpu.memory_space<hbm>>
      %dma_wait3A_371 = arith.constant 0 : i32
      %dma_wait3A_372 = tpu.memref_slice %arg7[%add3A_281, %dma_wait3A_371] : memref<16384x256xf32, #tpu.memory_space<hbm>> -> memref<64x256xf32, #tpu.memory_space<hbm>>
      %dma_wait3A_373 = arith.constant 0 : i32
      %dma_wait3A_374 = arith.constant 0 : i32
      %dma_wait3A_375 = tpu.memref_slice %arg11[%run_scoped3A_283, %dma_wait3A_373, %dma_wait3A_374] : memref<2x64x256xf32, #tpu.memory_space<vmem>> -> memref<1x64x256xf32, #tpu.memory_space<vmem>>
      %dma_wait3A_376 = tpu.memref_squeeze %dma_wait3A_375 : memref<1x64x256xf32, #tpu.memory_space<vmem>> -> memref<64x256xf32, #tpu.memory_space<vmem>>
      tpu.wait_dma2 semaphore(%run_scoped3A_352 : memref<!tpu.dma_semaphore, #tpu.memory_space<semaphore_mem>>) src(%dma_wait3A_376 : memref<64x256xf32, #tpu.memory_space<vmem>>) dst(%dma_wait3A_372 : memref<64x256xf32, #tpu.memory_space<hbm>>)
      tpu.yield
    }) : () -> ()
    %dma_start3A_284 = arith.constant 1 : i32
    %dma_start3A_285 = arith.constant 0 : i32
    %dma_start3A_286 = arith.constant 0 : i32
    %dma_start3A_287 = tpu.memref_slice %arg10[%dma_start3A_284, %dma_start3A_285, %dma_start3A_286] : memref<2x64x256xf32, #tpu.memory_space<vmem>> -> memref<1x64x256xf32, #tpu.memory_space<vmem>>
    %dma_start3A_288 = tpu.memref_squeeze %dma_start3A_287 : memref<1x64x256xf32, #tpu.memory_space<vmem>> -> memref<64x256xf32, #tpu.memory_space<vmem>>
    %dma_start3A_289 = arith.constant 448 : i32
    %dma_start3A_290 = tpu.memref_slice %arg8[%dma_start3A_289] : memref<512xi32, #tpu.memory_space<vmem>> -> memref<64xi32, #tpu.memory_space<vmem>>
    %dma_start3A_291 = arith.constant 0 : i32
    %dma_start3A_292 = arith.constant 0 : i32
    %dma_start3A_293 = tpu.memref_slice %arg4[%dma_start3A_291, %dma_start3A_292] : memref<100000x256xf32, #tpu.memory_space<hbm>> -> memref<100000x256xf32, #tpu.memory_space<hbm>>
    tpu.enqueue_indirect_dma source(%dma_start3A_293 : memref<100000x256xf32, #tpu.memory_space<hbm>>) target(%dma_start3A_288 : memref<64x256xf32, #tpu.memory_space<vmem>>) offsets(%dma_start3A_290 : memref<64xi32, #tpu.memory_space<vmem>>) semaphore(%arg13 : memref<!tpu.dma_semaphore, #tpu.memory_space<semaphore_mem>>)
    %dma_start3A_294 = arith.constant 1 : i32
    %dma_start3A_295 = arith.constant 0 : i32
    %dma_start3A_296 = arith.constant 0 : i32
    %dma_start3A_297 = tpu.memref_slice %arg11[%dma_start3A_294, %dma_start3A_295, %dma_start3A_296] : memref<2x64x256xf32, #tpu.memory_space<vmem>> -> memref<1x64x256xf32, #tpu.memory_space<vmem>>
    %dma_start3A_298 = tpu.memref_squeeze %dma_start3A_297 : memref<1x64x256xf32, #tpu.memory_space<vmem>> -> memref<64x256xf32, #tpu.memory_space<vmem>>
    %dma_start3A_299 = arith.constant 448 : i32
    %dma_start3A_300 = tpu.memref_slice %arg9[%dma_start3A_299] : memref<512xi32, #tpu.memory_space<vmem>> -> memref<64xi32, #tpu.memory_space<vmem>>
    %dma_start3A_301 = arith.constant 0 : i32
    %dma_start3A_302 = arith.constant 0 : i32
    %dma_start3A_303 = tpu.memref_slice %arg5[%dma_start3A_301, %dma_start3A_302] : memref<100000x256xf32, #tpu.memory_space<hbm>> -> memref<100000x256xf32, #tpu.memory_space<hbm>>
    tpu.enqueue_indirect_dma source(%dma_start3A_303 : memref<100000x256xf32, #tpu.memory_space<hbm>>) target(%dma_start3A_298 : memref<64x256xf32, #tpu.memory_space<vmem>>) offsets(%dma_start3A_300 : memref<64xi32, #tpu.memory_space<vmem>>) semaphore(%arg13 : memref<!tpu.dma_semaphore, #tpu.memory_space<semaphore_mem>>)
    %dma_wait3A_304 = arith.constant 0 : i32
    %dma_wait3A_305 = arith.constant 0 : i32
    %dma_wait3A_306 = arith.constant 0 : i32
    %dma_wait3A_307 = tpu.memref_slice %arg10[%dma_wait3A_304, %dma_wait3A_305, %dma_wait3A_306] : memref<2x64x256xf32, #tpu.memory_space<vmem>> -> memref<1x64x256xf32, #tpu.memory_space<vmem>>
    %dma_wait3A_308 = tpu.memref_squeeze %dma_wait3A_307 : memref<1x64x256xf32, #tpu.memory_space<vmem>> -> memref<64x256xf32, #tpu.memory_space<vmem>>
    %dma_wait3A_309 = arith.constant 384 : i32
    %dma_wait3A_310 = tpu.memref_slice %arg8[%dma_wait3A_309] : memref<512xi32, #tpu.memory_space<vmem>> -> memref<64xi32, #tpu.memory_space<vmem>>
    %dma_wait3A_311 = arith.constant 0 : i32
    %dma_wait3A_312 = arith.constant 0 : i32
    %dma_wait3A_313 = tpu.memref_slice %arg4[%dma_wait3A_311, %dma_wait3A_312] : memref<100000x256xf32, #tpu.memory_space<hbm>> -> memref<100000x256xf32, #tpu.memory_space<hbm>>
    tpu.wait_indirect_dma semaphore(%arg12 : memref<!tpu.dma_semaphore, #tpu.memory_space<semaphore_mem>>) src(%dma_wait3A_313 : memref<100000x256xf32, #tpu.memory_space<hbm>>) dst(%dma_wait3A_308 : memref<64x256xf32, #tpu.memory_space<vmem>>)
    %dma_wait3A_314 = arith.constant 0 : i32
    %dma_wait3A_315 = arith.constant 0 : i32
    %dma_wait3A_316 = arith.constant 0 : i32
    %dma_wait3A_317 = tpu.memref_slice %arg11[%dma_wait3A_314, %dma_wait3A_315, %dma_wait3A_316] : memref<2x64x256xf32, #tpu.memory_space<vmem>> -> memref<1x64x256xf32, #tpu.memory_space<vmem>>
    %dma_wait3A_318 = tpu.memref_squeeze %dma_wait3A_317 : memref<1x64x256xf32, #tpu.memory_space<vmem>> -> memref<64x256xf32, #tpu.memory_space<vmem>>
    %dma_wait3A_319 = arith.constant 384 : i32
    %dma_wait3A_320 = tpu.memref_slice %arg9[%dma_wait3A_319] : memref<512xi32, #tpu.memory_space<vmem>> -> memref<64xi32, #tpu.memory_space<vmem>>
    %dma_wait3A_321 = arith.constant 0 : i32
    %dma_wait3A_322 = arith.constant 0 : i32
    %dma_wait3A_323 = tpu.memref_slice %arg5[%dma_wait3A_321, %dma_wait3A_322] : memref<100000x256xf32, #tpu.memory_space<hbm>> -> memref<100000x256xf32, #tpu.memory_space<hbm>>
    tpu.wait_indirect_dma semaphore(%arg12 : memref<!tpu.dma_semaphore, #tpu.memory_space<semaphore_mem>>) src(%dma_wait3A_323 : memref<100000x256xf32, #tpu.memory_space<hbm>>) dst(%dma_wait3A_318 : memref<64x256xf32, #tpu.memory_space<vmem>>)
    %add3A_324 = arith.constant 384 : i32
    %add3A_325 = arith.addi %mul3A_2, %add3A_324 : i32
    %run_scoped3A_326 = arith.constant 0 : i32
    "tpu.region"() ({
      %run_scoped3A_352 = tpu.sem_alloc : memref<!tpu.dma_semaphore, #tpu.memory_space<semaphore_mem>>
      %dma_start3A_353 = arith.constant 0 : i32
      %dma_start3A_354 = arith.constant 0 : i32
      %dma_start3A_355 = tpu.memref_slice %arg10[%run_scoped3A_326, %dma_start3A_353, %dma_start3A_354] : memref<2x64x256xf32, #tpu.memory_space<vmem>> -> memref<1x64x256xf32, #tpu.memory_space<vmem>>
      %dma_start3A_356 = tpu.memref_squeeze %dma_start3A_355 : memref<1x64x256xf32, #tpu.memory_space<vmem>> -> memref<64x256xf32, #tpu.memory_space<vmem>>
      %dma_start3A_357 = arith.constant 0 : i32
      %dma_start3A_358 = tpu.memref_slice %arg6[%add3A_325, %dma_start3A_357] : memref<16384x256xf32, #tpu.memory_space<hbm>> -> memref<64x256xf32, #tpu.memory_space<hbm>>
      %dma_start3A_359 = arith.constant 0 : i32
      %dma_start3A_360 = tpu.memref_slice %arg6[%add3A_325, %dma_start3A_359] : memref<16384x256xf32, #tpu.memory_space<hbm>> -> memref<64x256xf32, #tpu.memory_space<hbm>>
      %dma_start3A_361 = arith.constant 0 : i32
      %dma_start3A_362 = arith.constant 0 : i32
      %dma_start3A_363 = tpu.memref_slice %arg10[%run_scoped3A_326, %dma_start3A_361, %dma_start3A_362] : memref<2x64x256xf32, #tpu.memory_space<vmem>> -> memref<1x64x256xf32, #tpu.memory_space<vmem>>
      %dma_start3A_364 = tpu.memref_squeeze %dma_start3A_363 : memref<1x64x256xf32, #tpu.memory_space<vmem>> -> memref<64x256xf32, #tpu.memory_space<vmem>>
      tpu.enqueue_dma source(%dma_start3A_364 : memref<64x256xf32, #tpu.memory_space<vmem>>) target(%dma_start3A_360 : memref<64x256xf32, #tpu.memory_space<hbm>>) target_semaphore(%run_scoped3A_352 : memref<!tpu.dma_semaphore, #tpu.memory_space<semaphore_mem>>)
      %dma_wait3A_365 = arith.constant 0 : i32
      %dma_wait3A_366 = arith.constant 0 : i32
      %dma_wait3A_367 = tpu.memref_slice %arg10[%run_scoped3A_326, %dma_wait3A_365, %dma_wait3A_366] : memref<2x64x256xf32, #tpu.memory_space<vmem>> -> memref<1x64x256xf32, #tpu.memory_space<vmem>>
      %dma_wait3A_368 = tpu.memref_squeeze %dma_wait3A_367 : memref<1x64x256xf32, #tpu.memory_space<vmem>> -> memref<64x256xf32, #tpu.memory_space<vmem>>
      %dma_wait3A_369 = arith.constant 0 : i32
      %dma_wait3A_370 = tpu.memref_slice %arg6[%add3A_325, %dma_wait3A_369] : memref<16384x256xf32, #tpu.memory_space<hbm>> -> memref<64x256xf32, #tpu.memory_space<hbm>>
      %dma_wait3A_371 = arith.constant 0 : i32
      %dma_wait3A_372 = tpu.memref_slice %arg6[%add3A_325, %dma_wait3A_371] : memref<16384x256xf32, #tpu.memory_space<hbm>> -> memref<64x256xf32, #tpu.memory_space<hbm>>
      %dma_wait3A_373 = arith.constant 0 : i32
      %dma_wait3A_374 = arith.constant 0 : i32
      %dma_wait3A_375 = tpu.memref_slice %arg10[%run_scoped3A_326, %dma_wait3A_373, %dma_wait3A_374] : memref<2x64x256xf32, #tpu.memory_space<vmem>> -> memref<1x64x256xf32, #tpu.memory_space<vmem>>
      %dma_wait3A_376 = tpu.memref_squeeze %dma_wait3A_375 : memref<1x64x256xf32, #tpu.memory_space<vmem>> -> memref<64x256xf32, #tpu.memory_space<vmem>>
      tpu.wait_dma2 semaphore(%run_scoped3A_352 : memref<!tpu.dma_semaphore, #tpu.memory_space<semaphore_mem>>) src(%dma_wait3A_376 : memref<64x256xf32, #tpu.memory_space<vmem>>) dst(%dma_wait3A_372 : memref<64x256xf32, #tpu.memory_space<hbm>>)
      tpu.yield
    }) : () -> ()
    %run_scoped3A_327 = arith.constant 0 : i32
    "tpu.region"() ({
      %run_scoped3A_352 = tpu.sem_alloc : memref<!tpu.dma_semaphore, #tpu.memory_space<semaphore_mem>>
      %dma_start3A_353 = arith.constant 0 : i32
      %dma_start3A_354 = arith.constant 0 : i32
      %dma_start3A_355 = tpu.memref_slice %arg11[%run_scoped3A_327, %dma_start3A_353, %dma_start3A_354] : memref<2x64x256xf32, #tpu.memory_space<vmem>> -> memref<1x64x256xf32, #tpu.memory_space<vmem>>
      %dma_start3A_356 = tpu.memref_squeeze %dma_start3A_355 : memref<1x64x256xf32, #tpu.memory_space<vmem>> -> memref<64x256xf32, #tpu.memory_space<vmem>>
      %dma_start3A_357 = arith.constant 0 : i32
      %dma_start3A_358 = tpu.memref_slice %arg7[%add3A_325, %dma_start3A_357] : memref<16384x256xf32, #tpu.memory_space<hbm>> -> memref<64x256xf32, #tpu.memory_space<hbm>>
      %dma_start3A_359 = arith.constant 0 : i32
      %dma_start3A_360 = tpu.memref_slice %arg7[%add3A_325, %dma_start3A_359] : memref<16384x256xf32, #tpu.memory_space<hbm>> -> memref<64x256xf32, #tpu.memory_space<hbm>>
      %dma_start3A_361 = arith.constant 0 : i32
      %dma_start3A_362 = arith.constant 0 : i32
      %dma_start3A_363 = tpu.memref_slice %arg11[%run_scoped3A_327, %dma_start3A_361, %dma_start3A_362] : memref<2x64x256xf32, #tpu.memory_space<vmem>> -> memref<1x64x256xf32, #tpu.memory_space<vmem>>
      %dma_start3A_364 = tpu.memref_squeeze %dma_start3A_363 : memref<1x64x256xf32, #tpu.memory_space<vmem>> -> memref<64x256xf32, #tpu.memory_space<vmem>>
      tpu.enqueue_dma source(%dma_start3A_364 : memref<64x256xf32, #tpu.memory_space<vmem>>) target(%dma_start3A_360 : memref<64x256xf32, #tpu.memory_space<hbm>>) target_semaphore(%run_scoped3A_352 : memref<!tpu.dma_semaphore, #tpu.memory_space<semaphore_mem>>)
      %dma_wait3A_365 = arith.constant 0 : i32
      %dma_wait3A_366 = arith.constant 0 : i32
      %dma_wait3A_367 = tpu.memref_slice %arg11[%run_scoped3A_327, %dma_wait3A_365, %dma_wait3A_366] : memref<2x64x256xf32, #tpu.memory_space<vmem>> -> memref<1x64x256xf32, #tpu.memory_space<vmem>>
      %dma_wait3A_368 = tpu.memref_squeeze %dma_wait3A_367 : memref<1x64x256xf32, #tpu.memory_space<vmem>> -> memref<64x256xf32, #tpu.memory_space<vmem>>
      %dma_wait3A_369 = arith.constant 0 : i32
      %dma_wait3A_370 = tpu.memref_slice %arg7[%add3A_325, %dma_wait3A_369] : memref<16384x256xf32, #tpu.memory_space<hbm>> -> memref<64x256xf32, #tpu.memory_space<hbm>>
      %dma_wait3A_371 = arith.constant 0 : i32
      %dma_wait3A_372 = tpu.memref_slice %arg7[%add3A_325, %dma_wait3A_371] : memref<16384x256xf32, #tpu.memory_space<hbm>> -> memref<64x256xf32, #tpu.memory_space<hbm>>
      %dma_wait3A_373 = arith.constant 0 : i32
      %dma_wait3A_374 = arith.constant 0 : i32
      %dma_wait3A_375 = tpu.memref_slice %arg11[%run_scoped3A_327, %dma_wait3A_373, %dma_wait3A_374] : memref<2x64x256xf32, #tpu.memory_space<vmem>> -> memref<1x64x256xf32, #tpu.memory_space<vmem>>
      %dma_wait3A_376 = tpu.memref_squeeze %dma_wait3A_375 : memref<1x64x256xf32, #tpu.memory_space<vmem>> -> memref<64x256xf32, #tpu.memory_space<vmem>>
      tpu.wait_dma2 semaphore(%run_scoped3A_352 : memref<!tpu.dma_semaphore, #tpu.memory_space<semaphore_mem>>) src(%dma_wait3A_376 : memref<64x256xf32, #tpu.memory_space<vmem>>) dst(%dma_wait3A_372 : memref<64x256xf32, #tpu.memory_space<hbm>>)
      tpu.yield
    }) : () -> ()
    %dma_wait3A_328 = arith.constant 1 : i32
    %dma_wait3A_329 = arith.constant 0 : i32
    %dma_wait3A_330 = arith.constant 0 : i32
    %dma_wait3A_331 = tpu.memref_slice %arg10[%dma_wait3A_328, %dma_wait3A_329, %dma_wait3A_330] : memref<2x64x256xf32, #tpu.memory_space<vmem>> -> memref<1x64x256xf32, #tpu.memory_space<vmem>>
    %dma_wait3A_332 = tpu.memref_squeeze %dma_wait3A_331 : memref<1x64x256xf32, #tpu.memory_space<vmem>> -> memref<64x256xf32, #tpu.memory_space<vmem>>
    %dma_wait3A_333 = arith.constant 448 : i32
    %dma_wait3A_334 = tpu.memref_slice %arg8[%dma_wait3A_333] : memref<512xi32, #tpu.memory_space<vmem>> -> memref<64xi32, #tpu.memory_space<vmem>>
    %dma_wait3A_335 = arith.constant 0 : i32
    %dma_wait3A_336 = arith.constant 0 : i32
    %dma_wait3A_337 = tpu.memref_slice %arg4[%dma_wait3A_335, %dma_wait3A_336] : memref<100000x256xf32, #tpu.memory_space<hbm>> -> memref<100000x256xf32, #tpu.memory_space<hbm>>
    tpu.wait_indirect_dma semaphore(%arg13 : memref<!tpu.dma_semaphore, #tpu.memory_space<semaphore_mem>>) src(%dma_wait3A_337 : memref<100000x256xf32, #tpu.memory_space<hbm>>) dst(%dma_wait3A_332 : memref<64x256xf32, #tpu.memory_space<vmem>>)
    %dma_wait3A_338 = arith.constant 1 : i32
    %dma_wait3A_339 = arith.constant 0 : i32
    %dma_wait3A_340 = arith.constant 0 : i32
    %dma_wait3A_341 = tpu.memref_slice %arg11[%dma_wait3A_338, %dma_wait3A_339, %dma_wait3A_340] : memref<2x64x256xf32, #tpu.memory_space<vmem>> -> memref<1x64x256xf32, #tpu.memory_space<vmem>>
    %dma_wait3A_342 = tpu.memref_squeeze %dma_wait3A_341 : memref<1x64x256xf32, #tpu.memory_space<vmem>> -> memref<64x256xf32, #tpu.memory_space<vmem>>
    %dma_wait3A_343 = arith.constant 448 : i32
    %dma_wait3A_344 = tpu.memref_slice %arg9[%dma_wait3A_343] : memref<512xi32, #tpu.memory_space<vmem>> -> memref<64xi32, #tpu.memory_space<vmem>>
    %dma_wait3A_345 = arith.constant 0 : i32
    %dma_wait3A_346 = arith.constant 0 : i32
    %dma_wait3A_347 = tpu.memref_slice %arg5[%dma_wait3A_345, %dma_wait3A_346] : memref<100000x256xf32, #tpu.memory_space<hbm>> -> memref<100000x256xf32, #tpu.memory_space<hbm>>
    tpu.wait_indirect_dma semaphore(%arg13 : memref<!tpu.dma_semaphore, #tpu.memory_space<semaphore_mem>>) src(%dma_wait3A_347 : memref<100000x256xf32, #tpu.memory_space<hbm>>) dst(%dma_wait3A_342 : memref<64x256xf32, #tpu.memory_space<vmem>>)
    %add3A_348 = arith.constant 448 : i32
    %add3A_349 = arith.addi %mul3A_2, %add3A_348 : i32
    %run_scoped3A_350 = arith.constant 1 : i32
    "tpu.region"() ({
      %run_scoped3A_352 = tpu.sem_alloc : memref<!tpu.dma_semaphore, #tpu.memory_space<semaphore_mem>>
      %dma_start3A_353 = arith.constant 0 : i32
      %dma_start3A_354 = arith.constant 0 : i32
      %dma_start3A_355 = tpu.memref_slice %arg10[%run_scoped3A_350, %dma_start3A_353, %dma_start3A_354] : memref<2x64x256xf32, #tpu.memory_space<vmem>> -> memref<1x64x256xf32, #tpu.memory_space<vmem>>
      %dma_start3A_356 = tpu.memref_squeeze %dma_start3A_355 : memref<1x64x256xf32, #tpu.memory_space<vmem>> -> memref<64x256xf32, #tpu.memory_space<vmem>>
      %dma_start3A_357 = arith.constant 0 : i32
      %dma_start3A_358 = tpu.memref_slice %arg6[%add3A_349, %dma_start3A_357] : memref<16384x256xf32, #tpu.memory_space<hbm>> -> memref<64x256xf32, #tpu.memory_space<hbm>>
      %dma_start3A_359 = arith.constant 0 : i32
      %dma_start3A_360 = tpu.memref_slice %arg6[%add3A_349, %dma_start3A_359] : memref<16384x256xf32, #tpu.memory_space<hbm>> -> memref<64x256xf32, #tpu.memory_space<hbm>>
      %dma_start3A_361 = arith.constant 0 : i32
      %dma_start3A_362 = arith.constant 0 : i32
      %dma_start3A_363 = tpu.memref_slice %arg10[%run_scoped3A_350, %dma_start3A_361, %dma_start3A_362] : memref<2x64x256xf32, #tpu.memory_space<vmem>> -> memref<1x64x256xf32, #tpu.memory_space<vmem>>
      %dma_start3A_364 = tpu.memref_squeeze %dma_start3A_363 : memref<1x64x256xf32, #tpu.memory_space<vmem>> -> memref<64x256xf32, #tpu.memory_space<vmem>>
      tpu.enqueue_dma source(%dma_start3A_364 : memref<64x256xf32, #tpu.memory_space<vmem>>) target(%dma_start3A_360 : memref<64x256xf32, #tpu.memory_space<hbm>>) target_semaphore(%run_scoped3A_352 : memref<!tpu.dma_semaphore, #tpu.memory_space<semaphore_mem>>)
      %dma_wait3A_365 = arith.constant 0 : i32
      %dma_wait3A_366 = arith.constant 0 : i32
      %dma_wait3A_367 = tpu.memref_slice %arg10[%run_scoped3A_350, %dma_wait3A_365, %dma_wait3A_366] : memref<2x64x256xf32, #tpu.memory_space<vmem>> -> memref<1x64x256xf32, #tpu.memory_space<vmem>>
      %dma_wait3A_368 = tpu.memref_squeeze %dma_wait3A_367 : memref<1x64x256xf32, #tpu.memory_space<vmem>> -> memref<64x256xf32, #tpu.memory_space<vmem>>
      %dma_wait3A_369 = arith.constant 0 : i32
      %dma_wait3A_370 = tpu.memref_slice %arg6[%add3A_349, %dma_wait3A_369] : memref<16384x256xf32, #tpu.memory_space<hbm>> -> memref<64x256xf32, #tpu.memory_space<hbm>>
      %dma_wait3A_371 = arith.constant 0 : i32
      %dma_wait3A_372 = tpu.memref_slice %arg6[%add3A_349, %dma_wait3A_371] : memref<16384x256xf32, #tpu.memory_space<hbm>> -> memref<64x256xf32, #tpu.memory_space<hbm>>
      %dma_wait3A_373 = arith.constant 0 : i32
      %dma_wait3A_374 = arith.constant 0 : i32
      %dma_wait3A_375 = tpu.memref_slice %arg10[%run_scoped3A_350, %dma_wait3A_373, %dma_wait3A_374] : memref<2x64x256xf32, #tpu.memory_space<vmem>> -> memref<1x64x256xf32, #tpu.memory_space<vmem>>
      %dma_wait3A_376 = tpu.memref_squeeze %dma_wait3A_375 : memref<1x64x256xf32, #tpu.memory_space<vmem>> -> memref<64x256xf32, #tpu.memory_space<vmem>>
      tpu.wait_dma2 semaphore(%run_scoped3A_352 : memref<!tpu.dma_semaphore, #tpu.memory_space<semaphore_mem>>) src(%dma_wait3A_376 : memref<64x256xf32, #tpu.memory_space<vmem>>) dst(%dma_wait3A_372 : memref<64x256xf32, #tpu.memory_space<hbm>>)
      tpu.yield
    }) : () -> ()
    %run_scoped3A_351 = arith.constant 1 : i32
    "tpu.region"() ({
      %run_scoped3A_352 = tpu.sem_alloc : memref<!tpu.dma_semaphore, #tpu.memory_space<semaphore_mem>>
      %dma_start3A_353 = arith.constant 0 : i32
      %dma_start3A_354 = arith.constant 0 : i32
      %dma_start3A_355 = tpu.memref_slice %arg11[%run_scoped3A_351, %dma_start3A_353, %dma_start3A_354] : memref<2x64x256xf32, #tpu.memory_space<vmem>> -> memref<1x64x256xf32, #tpu.memory_space<vmem>>
      %dma_start3A_356 = tpu.memref_squeeze %dma_start3A_355 : memref<1x64x256xf32, #tpu.memory_space<vmem>> -> memref<64x256xf32, #tpu.memory_space<vmem>>
      %dma_start3A_357 = arith.constant 0 : i32
      %dma_start3A_358 = tpu.memref_slice %arg7[%add3A_349, %dma_start3A_357] : memref<16384x256xf32, #tpu.memory_space<hbm>> -> memref<64x256xf32, #tpu.memory_space<hbm>>
      %dma_start3A_359 = arith.constant 0 : i32
      %dma_start3A_360 = tpu.memref_slice %arg7[%add3A_349, %dma_start3A_359] : memref<16384x256xf32, #tpu.memory_space<hbm>> -> memref<64x256xf32, #tpu.memory_space<hbm>>
      %dma_start3A_361 = arith.constant 0 : i32
      %dma_start3A_362 = arith.constant 0 : i32
      %dma_start3A_363 = tpu.memref_slice %arg11[%run_scoped3A_351, %dma_start3A_361, %dma_start3A_362] : memref<2x64x256xf32, #tpu.memory_space<vmem>> -> memref<1x64x256xf32, #tpu.memory_space<vmem>>
      %dma_start3A_364 = tpu.memref_squeeze %dma_start3A_363 : memref<1x64x256xf32, #tpu.memory_space<vmem>> -> memref<64x256xf32, #tpu.memory_space<vmem>>
      tpu.enqueue_dma source(%dma_start3A_364 : memref<64x256xf32, #tpu.memory_space<vmem>>) target(%dma_start3A_360 : memref<64x256xf32, #tpu.memory_space<hbm>>) target_semaphore(%run_scoped3A_352 : memref<!tpu.dma_semaphore, #tpu.memory_space<semaphore_mem>>)
      %dma_wait3A_365 = arith.constant 0 : i32
      %dma_wait3A_366 = arith.constant 0 : i32
      %dma_wait3A_367 = tpu.memref_slice %arg11[%run_scoped3A_351, %dma_wait3A_365, %dma_wait3A_366] : memref<2x64x256xf32, #tpu.memory_space<vmem>> -> memref<1x64x256xf32, #tpu.memory_space<vmem>>
      %dma_wait3A_368 = tpu.memref_squeeze %dma_wait3A_367 : memref<1x64x256xf32, #tpu.memory_space<vmem>> -> memref<64x256xf32, #tpu.memory_space<vmem>>
      %dma_wait3A_369 = arith.constant 0 : i32
      %dma_wait3A_370 = tpu.memref_slice %arg7[%add3A_349, %dma_wait3A_369] : memref<16384x256xf32, #tpu.memory_space<hbm>> -> memref<64x256xf32, #tpu.memory_space<hbm>>
      %dma_wait3A_371 = arith.constant 0 : i32
      %dma_wait3A_372 = tpu.memref_slice %arg7[%add3A_349, %dma_wait3A_371] : memref<16384x256xf32, #tpu.memory_space<hbm>> -> memref<64x256xf32, #tpu.memory_space<hbm>>
      %dma_wait3A_373 = arith.constant 0 : i32
      %dma_wait3A_374 = arith.constant 0 : i32
      %dma_wait3A_375 = tpu.memref_slice %arg11[%run_scoped3A_351, %dma_wait3A_373, %dma_wait3A_374] : memref<2x64x256xf32, #tpu.memory_space<vmem>> -> memref<1x64x256xf32, #tpu.memory_space<vmem>>
      %dma_wait3A_376 = tpu.memref_squeeze %dma_wait3A_375 : memref<1x64x256xf32, #tpu.memory_space<vmem>> -> memref<64x256xf32, #tpu.memory_space<vmem>>
      tpu.wait_dma2 semaphore(%run_scoped3A_352 : memref<!tpu.dma_semaphore, #tpu.memory_space<semaphore_mem>>) src(%dma_wait3A_376 : memref<64x256xf32, #tpu.memory_space<vmem>>) dst(%dma_wait3A_372 : memref<64x256xf32, #tpu.memory_space<hbm>>)
      tpu.yield
    }) : () -> ()
    return
  }
}

module attributes {stable_mosaic.version = 14 : i64} {
  func.func @_tc_body(%arg0: i32, %arg1: memref<64x12800xf32, #tpu.memory_space<vmem>>, %arg2: memref<64x12800xf32, #tpu.memory_space<vmem>>, %arg3: memref<12800x128xf32, #tpu.memory_space<vmem>>) attributes {dimension_semantics = [#tpu.dimension_semantics<arbitrary>], iteration_bounds = array<i64: 8>, scalar_prefetch = 0 : i64, scratch_operands = 0 : i64, tpu.core_type = #tpu.core_type<tc>, window_params = [{transform_indices = @transform_0, window_bounds = array<i64: 64, 12800>}, {transform_indices = @transform_1, window_bounds = array<i64: 64, 12800>}, {transform_indices = @transform_2, window_bounds = array<i64: 12800, 128>}]} {
    %iota3A = tpu.iota {dimensions = array<i32: 0>} : vector<64x64xi32>
    %iota3A_0 = tpu.iota {dimensions = array<i32: 1>} : vector<64x64xi32>
    %add3A = arith.constant 0 : i32
    %add3A_1 = vector.broadcast %add3A : i32 to vector<64x64xi32>
    %add3A_2 = arith.addi %iota3A, %add3A_1 : vector<64x64xi32>
    %eq3A = arith.cmpi eq, %add3A_2, %iota3A_0 : vector<64x64xi32>
    %convert_element_type3A = arith.extui %eq3A : vector<64x64xi1> to vector<64x64xi32>
    %convert_element_type3A_3 = arith.sitofp %convert_element_type3A : vector<64x64xi32> to vector<64x64xf32>
    %broadcast_in_dim3A = arith.constant 0.000000e+00 : f32
    %broadcast_in_dim3A_4 = vector.broadcast %broadcast_in_dim3A : f32 to vector<64x64xf32>
    %concatenate3A = tpu.concatenate %convert_element_type3A_3, %broadcast_in_dim3A_4 in 1 : vector<64x64xf32>, vector<64x64xf32> -> vector<64x128xf32>
    %concatenate3A_5 = tpu.concatenate %broadcast_in_dim3A_4, %convert_element_type3A_3 in 1 : vector<64x64xf32>, vector<64x64xf32> -> vector<64x128xf32>
    %get3A = arith.constant 0 : index
    %get3A_6 = arith.constant 0 : index
    %get3A_7 = vector.load %arg1[%get3A, %get3A_6] : memref<64x12800xf32, #tpu.memory_space<vmem>>, vector<64x12800xf32>
    %dot_general3A = arith.constant dense<0.000000e+00> : vector<12800x128xf32>
    %dot_general3A_8 = tpu.matmul %get3A_7, %concatenate3A, %dot_general3A {dimension_numbers = #tpu.dot_dimension_numbers<[0], [0], [1], [1], [0, 1, 1, 1], [], []>, transpose_lhs_hint = false} : vector<64x12800xf32>, vector<64x128xf32>, vector<12800x128xf32> -> vector<12800x128xf32>
    %get3A_9 = arith.constant 0 : index
    %get3A_10 = arith.constant 0 : index
    %get3A_11 = vector.load %arg2[%get3A_9, %get3A_10] : memref<64x12800xf32, #tpu.memory_space<vmem>>, vector<64x12800xf32>
    %dot_general3A_12 = arith.constant dense<0.000000e+00> : vector<12800x128xf32>
    %dot_general3A_13 = tpu.matmul %get3A_11, %concatenate3A_5, %dot_general3A_12 {dimension_numbers = #tpu.dot_dimension_numbers<[0], [0], [1], [1], [0, 1, 1, 1], [], []>, transpose_lhs_hint = false} : vector<64x12800xf32>, vector<64x128xf32>, vector<12800x128xf32> -> vector<12800x128xf32>
    %add3A_14 = arith.addf %dot_general3A_8, %dot_general3A_13 : vector<12800x128xf32>
    %swap3A = arith.constant 0 : index
    %swap3A_15 = arith.constant 0 : index
    %swap3A_16 = vector.load %arg3[%swap3A, %swap3A_15] : memref<12800x128xf32, #tpu.memory_space<vmem>>, vector<12800x128xf32>
    tpu.vector_store %arg3[%swap3A, %swap3A_15], %add3A_14 {strides = array<i32>} : memref<12800x128xf32, #tpu.memory_space<vmem>>, vector<12800x128xf32>,
    return
  }
  func.func @transform_0(%arg0: i32) -> (i32, i32) {
    %c0_i32 = arith.constant 0 : i32
    %c0_i32_0 = arith.constant 0 : i32
    return %c0_i32, %arg0 : i32, i32
  }
  func.func @transform_1(%arg0: i32) -> (i32, i32) {
    %c0_i32 = arith.constant 0 : i32
    %c0_i32_0 = arith.constant 0 : i32
    return %c0_i32, %arg0 : i32, i32
  }
  func.func @transform_2(%arg0: i32) -> (i32, i32) {
    %c0_i32 = arith.constant 0 : i32
    %c0_i32_0 = arith.constant 0 : i32
    return %arg0, %c0_i32 : i32, i32
  }
}

module attributes {stable_mosaic.version = 14 : i64} {
  func.func @_predict_body(%arg0: i32, %arg1: memref<4096xf32, #tpu.memory_space<vmem>>, %arg2: memref<4096x64xf32, #tpu.memory_space<vmem>>, %arg3: memref<128x1xf32, #tpu.memory_space<vmem>>, %arg4: memref<1x1xf32, #tpu.memory_space<vmem>>, %arg5: memref<4096xf32, #tpu.memory_space<vmem>>) attributes {dimension_semantics = [#tpu.dimension_semantics<arbitrary>], iteration_bounds = array<i64: 4>, scalar_prefetch = 0 : i64, scratch_operands = 0 : i64, tpu.core_type = #tpu.core_type<tc>, window_params = [{transform_indices = @transform_0, window_bounds = array<i64: 4096>}, {transform_indices = @transform_1, window_bounds = array<i64: 4096, 64>}, {pipeline_mode = #tpu.pipeline_mode<synchronous>, transform_indices = @transform_2, window_bounds = array<i64: 128, 1>}, {pipeline_mode = #tpu.pipeline_mode<synchronous>, transform_indices = @transform_3, window_bounds = array<i64: 1, 1>}, {transform_indices = @transform_4, window_bounds = array<i64: 4096>}]} {
    %get3A = arith.constant 0 : index
    %get3A_0 = arith.constant 0 : index
    %get3A_1 = vector.load %arg2[%get3A, %get3A_0] : memref<4096x64xf32, #tpu.memory_space<vmem>>, vector<4096x64xf32>
    %get3A_2 = arith.constant 64 : index
    %get3A_3 = arith.constant 0 : index
    %get3A_4 = vector.load %arg3[%get3A_2, %get3A_3] : memref<128x1xf32, #tpu.memory_space<vmem>>, vector<64x1xf32>
    %dot_general3A = arith.constant dense<0.000000e+00> : vector<4096x1xf32>
    %dot_general3A_5 = tpu.matmul %get3A_1, %get3A_4, %dot_general3A {dimension_numbers = #tpu.dot_dimension_numbers<[1], [0], [0], [1], [0, 0, 1, 1], [], []>, transpose_lhs_hint = false} : vector<4096x64xf32>, vector<64x1xf32>, vector<4096x1xf32> -> vector<4096x1xf32>
    %get3A_6 = arith.constant 0 : index
    %get3A_7 = vector.load %arg1[%get3A_6] : memref<4096xf32, #tpu.memory_space<vmem>>, vector<4096xf32>
    %squeeze3A = vector.shape_cast %dot_general3A_5 : vector<4096x1xf32> to vector<4096xf32>
    %add3A = arith.addf %get3A_7, %squeeze3A : vector<4096xf32>
    %get3A_8 = arith.constant 0 : index
    %get3A_9 = arith.constant 0 : index
    %get3A_10 = vector.load %arg4[%get3A_8, %get3A_9] : memref<1x1xf32, #tpu.memory_space<vmem>>, vector<1x1xf32>
    %get3A_11 = vector.extract %get3A_10[0, 0] : f32 from vector<1x1xf32>
    %add3A_12 = vector.broadcast %get3A_11 : f32 to vector<4096xf32>
    %add3A_13 = arith.addf %add3A, %add3A_12 : vector<4096xf32>
    %neg3A = arith.constant 0.000000e+00 : f32
    %neg3A_14 = vector.broadcast %neg3A : f32 to vector<4096xf32>
    %neg3A_15 = arith.subf %neg3A_14, %add3A_13 : vector<4096xf32>
    %exp3A = math.exp %neg3A_15 : vector<4096xf32>
    %add3A_16 = arith.constant 1.000000e+00 : f32
    %add3A_17 = vector.broadcast %add3A_16 : f32 to vector<4096xf32>
    %add3A_18 = arith.addf %add3A_17, %exp3A : vector<4096xf32>
    %div3A = arith.constant 1.000000e+00 : f32
    %div3A_19 = vector.broadcast %div3A : f32 to vector<4096xf32>
    %div3A_20 = arith.divf %div3A_19, %add3A_18 : vector<4096xf32>
    %swap3A = arith.constant 0 : index
    %swap3A_21 = vector.load %arg5[%swap3A] : memref<4096xf32, #tpu.memory_space<vmem>>, vector<4096xf32>
    tpu.vector_store %arg5[%swap3A], %div3A_20 {strides = array<i32>} : memref<4096xf32, #tpu.memory_space<vmem>>, vector<4096xf32>,
    return
  }
  func.func @transform_0(%arg0: i32) -> i32 {
    %c0_i32 = arith.constant 0 : i32
    return %arg0 : i32
  }
  func.func @transform_1(%arg0: i32) -> (i32, i32) {
    %c0_i32 = arith.constant 0 : i32
    %c0_i32_0 = arith.constant 0 : i32
    return %arg0, %c0_i32 : i32, i32
  }
  func.func @transform_2(%arg0: i32) -> (i32, i32) {
    %c0_i32 = arith.constant 0 : i32
    %c0_i32_0 = arith.constant 0 : i32
    %c0_i32_1 = arith.constant 0 : i32
    return %c0_i32, %c0_i32_0 : i32, i32
  }
  func.func @transform_3(%arg0: i32) -> (i32, i32) {
    %c0_i32 = arith.constant 0 : i32
    %c0_i32_0 = arith.constant 0 : i32
    %c0_i32_1 = arith.constant 0 : i32
    return %c0_i32, %c0_i32_0 : i32, i32
  }
  func.func @transform_4(%arg0: i32) -> i32 {
    %c0_i32 = arith.constant 0 : i32
    return %arg0 : i32
  }
}

module attributes {stable_mosaic.version = 14 : i64} {
  func.func @_mlp_body(%arg0: i32, %arg1: memref<2048x256xf32, #tpu.memory_space<vmem>>, %arg2: memref<2048x256xf32, #tpu.memory_space<vmem>>, %arg3: memref<512x256xf32, #tpu.memory_space<vmem>>, %arg4: memref<1x256xf32, #tpu.memory_space<vmem>>, %arg5: memref<256x128xf32, #tpu.memory_space<vmem>>, %arg6: memref<1x128xf32, #tpu.memory_space<vmem>>, %arg7: memref<128x64xf32, #tpu.memory_space<vmem>>, %arg8: memref<1x64xf32, #tpu.memory_space<vmem>>, %arg9: memref<128x1xf32, #tpu.memory_space<vmem>>, %arg10: memref<2048xf32, #tpu.memory_space<vmem>>) attributes {dimension_semantics = [#tpu.dimension_semantics<arbitrary>], iteration_bounds = array<i64: 8>, scalar_prefetch = 0 : i64, scratch_operands = 0 : i64, tpu.core_type = #tpu.core_type<tc>, window_params = [{transform_indices = @transform_0, window_bounds = array<i64: 2048, 256>}, {transform_indices = @transform_1, window_bounds = array<i64: 2048, 256>}, {pipeline_mode = #tpu.pipeline_mode<synchronous>, transform_indices = @transform_2, window_bounds = array<i64: 512, 256>}, {pipeline_mode = #tpu.pipeline_mode<synchronous>, transform_indices = @transform_3, window_bounds = array<i64: 1, 256>}, {pipeline_mode = #tpu.pipeline_mode<synchronous>, transform_indices = @transform_4, window_bounds = array<i64: 256, 128>}, {pipeline_mode = #tpu.pipeline_mode<synchronous>, transform_indices = @transform_5, window_bounds = array<i64: 1, 128>}, {pipeline_mode = #tpu.pipeline_mode<synchronous>, transform_indices = @transform_6, window_bounds = array<i64: 128, 64>}, {pipeline_mode = #tpu.pipeline_mode<synchronous>, transform_indices = @transform_7, window_bounds = array<i64: 1, 64>}, {pipeline_mode = #tpu.pipeline_mode<synchronous>, transform_indices = @transform_8, window_bounds = array<i64: 128, 1>}, {transform_indices = @transform_9, window_bounds = array<i64: 2048>}]} {
    %get3A = arith.constant 0 : index
    %get3A_0 = arith.constant 0 : index
    %get3A_1 = vector.load %arg1[%get3A, %get3A_0] : memref<2048x256xf32, #tpu.memory_space<vmem>>, vector<2048x256xf32>
    %get3A_2 = arith.constant 0 : index
    %get3A_3 = arith.constant 0 : index
    %get3A_4 = vector.load %arg3[%get3A_2, %get3A_3] : memref<512x256xf32, #tpu.memory_space<vmem>>, vector<256x256xf32>
    %dot_general3A = arith.constant dense<0.000000e+00> : vector<2048x256xf32>
    %dot_general3A_5 = tpu.matmul %get3A_1, %get3A_4, %dot_general3A {dimension_numbers = #tpu.dot_dimension_numbers<[1], [0], [0], [1], [0, 0, 1, 1], [], []>, transpose_lhs_hint = false} : vector<2048x256xf32>, vector<256x256xf32>, vector<2048x256xf32> -> vector<2048x256xf32>
    %get3A_6 = arith.constant 0 : index
    %get3A_7 = arith.constant 0 : index
    %get3A_8 = vector.load %arg2[%get3A_6, %get3A_7] : memref<2048x256xf32, #tpu.memory_space<vmem>>, vector<2048x256xf32>
    %get3A_9 = arith.constant 256 : index
    %get3A_10 = arith.constant 0 : index
    %get3A_11 = vector.load %arg3[%get3A_9, %get3A_10] : memref<512x256xf32, #tpu.memory_space<vmem>>, vector<256x256xf32>
    %dot_general3A_12 = arith.constant dense<0.000000e+00> : vector<2048x256xf32>
    %dot_general3A_13 = tpu.matmul %get3A_8, %get3A_11, %dot_general3A_12 {dimension_numbers = #tpu.dot_dimension_numbers<[1], [0], [0], [1], [0, 0, 1, 1], [], []>, transpose_lhs_hint = false} : vector<2048x256xf32>, vector<256x256xf32>, vector<2048x256xf32> -> vector<2048x256xf32>
    %add3A = arith.addf %dot_general3A_5, %dot_general3A_13 : vector<2048x256xf32>
    %get3A_14 = arith.constant 0 : index
    %get3A_15 = arith.constant 0 : index
    %get3A_16 = vector.load %arg4[%get3A_14, %get3A_15] : memref<1x256xf32, #tpu.memory_space<vmem>>, vector<1x256xf32>
    %add3A_17 = vector.broadcast %get3A_16 : vector<1x256xf32> to vector<2048x256xf32>
    %add3A_18 = arith.addf %add3A, %add3A_17 : vector<2048x256xf32>
    %max3A = arith.constant 0.000000e+00 : f32
    %max3A_19 = vector.broadcast %max3A : f32 to vector<2048x256xf32>
    %max3A_20 = arith.maximumf %add3A_18, %max3A_19 : vector<2048x256xf32>
    %get3A_21 = arith.constant 0 : index
    %get3A_22 = arith.constant 0 : index
    %get3A_23 = vector.load %arg5[%get3A_21, %get3A_22] : memref<256x128xf32, #tpu.memory_space<vmem>>, vector<256x128xf32>
    %dot_general3A_24 = arith.constant dense<0.000000e+00> : vector<2048x128xf32>
    %dot_general3A_25 = tpu.matmul %max3A_20, %get3A_23, %dot_general3A_24 {dimension_numbers = #tpu.dot_dimension_numbers<[1], [0], [0], [1], [0, 0, 1, 1], [], []>, transpose_lhs_hint = false} : vector<2048x256xf32>, vector<256x128xf32>, vector<2048x128xf32> -> vector<2048x128xf32>
    %get3A_26 = arith.constant 0 : index
    %get3A_27 = arith.constant 0 : index
    %get3A_28 = vector.load %arg6[%get3A_26, %get3A_27] : memref<1x128xf32, #tpu.memory_space<vmem>>, vector<1x128xf32>
    %add3A_29 = vector.broadcast %get3A_28 : vector<1x128xf32> to vector<2048x128xf32>
    %add3A_30 = arith.addf %dot_general3A_25, %add3A_29 : vector<2048x128xf32>
    %max3A_31 = arith.constant 0.000000e+00 : f32
    %max3A_32 = vector.broadcast %max3A_31 : f32 to vector<2048x128xf32>
    %max3A_33 = arith.maximumf %add3A_30, %max3A_32 : vector<2048x128xf32>
    %get3A_34 = arith.constant 0 : index
    %get3A_35 = arith.constant 0 : index
    %get3A_36 = vector.load %arg7[%get3A_34, %get3A_35] : memref<128x64xf32, #tpu.memory_space<vmem>>, vector<128x64xf32>
    %dot_general3A_37 = arith.constant dense<0.000000e+00> : vector<2048x64xf32>
    %dot_general3A_38 = tpu.matmul %max3A_33, %get3A_36, %dot_general3A_37 {dimension_numbers = #tpu.dot_dimension_numbers<[1], [0], [0], [1], [0, 0, 1, 1], [], []>, transpose_lhs_hint = false} : vector<2048x128xf32>, vector<128x64xf32>, vector<2048x64xf32> -> vector<2048x64xf32>
    %get3A_39 = arith.constant 0 : index
    %get3A_40 = arith.constant 0 : index
    %get3A_41 = vector.load %arg8[%get3A_39, %get3A_40] : memref<1x64xf32, #tpu.memory_space<vmem>>, vector<1x64xf32>
    %add3A_42 = vector.broadcast %get3A_41 : vector<1x64xf32> to vector<2048x64xf32>
    %add3A_43 = arith.addf %dot_general3A_38, %add3A_42 : vector<2048x64xf32>
    %max3A_44 = arith.constant 0.000000e+00 : f32
    %max3A_45 = vector.broadcast %max3A_44 : f32 to vector<2048x64xf32>
    %max3A_46 = arith.maximumf %add3A_43, %max3A_45 : vector<2048x64xf32>
    %get3A_47 = arith.constant 0 : index
    %get3A_48 = arith.constant 0 : index
    %get3A_49 = vector.load %arg9[%get3A_47, %get3A_48] : memref<128x1xf32, #tpu.memory_space<vmem>>, vector<64x1xf32>
    %dot_general3A_50 = arith.constant dense<0.000000e+00> : vector<2048x1xf32>
    %dot_general3A_51 = tpu.matmul %max3A_46, %get3A_49, %dot_general3A_50 {dimension_numbers = #tpu.dot_dimension_numbers<[1], [0], [0], [1], [0, 0, 1, 1], [], []>, transpose_lhs_hint = false} : vector<2048x64xf32>, vector<64x1xf32>, vector<2048x1xf32> -> vector<2048x1xf32>
    %squeeze3A = vector.shape_cast %dot_general3A_51 : vector<2048x1xf32> to vector<2048xf32>
    %swap3A = arith.constant 0 : index
    %swap3A_52 = vector.load %arg10[%swap3A] : memref<2048xf32, #tpu.memory_space<vmem>>, vector<2048xf32>
    tpu.vector_store %arg10[%swap3A], %squeeze3A {strides = array<i32>} : memref<2048xf32, #tpu.memory_space<vmem>>, vector<2048xf32>,
    return
  }
  func.func @transform_0(%arg0: i32) -> (i32, i32) {
    %c0_i32 = arith.constant 0 : i32
    %c0_i32_0 = arith.constant 0 : i32
    return %arg0, %c0_i32 : i32, i32
  }
  func.func @transform_1(%arg0: i32) -> (i32, i32) {
    %c0_i32 = arith.constant 0 : i32
    %c0_i32_0 = arith.constant 0 : i32
    return %arg0, %c0_i32 : i32, i32
  }
  func.func @transform_2(%arg0: i32) -> (i32, i32) {
    %c0_i32 = arith.constant 0 : i32
    %c0_i32_0 = arith.constant 0 : i32
    %c0_i32_1 = arith.constant 0 : i32
    return %c0_i32, %c0_i32_0 : i32, i32
  }
  func.func @transform_3(%arg0: i32) -> (i32, i32) {
    %c0_i32 = arith.constant 0 : i32
    %c0_i32_0 = arith.constant 0 : i32
    %c0_i32_1 = arith.constant 0 : i32
    return %c0_i32, %c0_i32_0 : i32, i32
  }
  func.func @transform_4(%arg0: i32) -> (i32, i32) {
    %c0_i32 = arith.constant 0 : i32
    %c0_i32_0 = arith.constant 0 : i32
    %c0_i32_1 = arith.constant 0 : i32
    return %c0_i32, %c0_i32_0 : i32, i32
  }
  func.func @transform_5(%arg0: i32) -> (i32, i32) {
    %c0_i32 = arith.constant 0 : i32
    %c0_i32_0 = arith.constant 0 : i32
    %c0_i32_1 = arith.constant 0 : i32
    return %c0_i32, %c0_i32_0 : i32, i32
  }
  func.func @transform_6(%arg0: i32) -> (i32, i32) {
    %c0_i32 = arith.constant 0 : i32
    %c0_i32_0 = arith.constant 0 : i32
    %c0_i32_1 = arith.constant 0 : i32
    return %c0_i32, %c0_i32_0 : i32, i32
  }
  func.func @transform_7(%arg0: i32) -> (i32, i32) {
    %c0_i32 = arith.constant 0 : i32
    %c0_i32_0 = arith.constant 0 : i32
    %c0_i32_1 = arith.constant 0 : i32
    return %c0_i32, %c0_i32_0 : i32, i32
  }
  func.func @transform_8(%arg0: i32) -> (i32, i32) {
    %c0_i32 = arith.constant 0 : i32
    %c0_i32_0 = arith.constant 0 : i32
    %c0_i32_1 = arith.constant 0 : i32
    return %c0_i32, %c0_i32_0 : i32, i32
  }
  func.func @transform_9(%arg0: i32) -> i32 {
    %c0_i32 = arith.constant 0 : i32
    return %arg0 : i32
  }
}

</mosaic_0001>

<sc_bundles>
// kernel: kernel.10.cloned.1.call-start
scs
__scs_entry_jumppad:
0x0: {  	(pc) =	sbr.rel $0x88, $3  }
0x1: {  	(tag) =	ssettag $0x0;
	lr =	simm.s32 $0x1  }
0x2: {  	[smem:$0x3F93] =	sst lr;
	_ =	strace $0xD0000000  }
0x3: {  	_ = 	snop  }
0x4: {  	_ = 	snop  }
0x5: {  	_ = 	snop  }
0x6: {  	_ = 	snop  }
0x7: {  	_ = 	snop  }
__scs_overlays_trampoline_lowered:
0x8: {  	[smem:$0x3FA2] =	sst s0  }
0x9: {  	[smem:$0x3FA3] =	sst s1  }
0xa: {  	[smem:$0x3FA4] =	sst s2  }
0xb: {  	[smem:$0x3FA5] =	sst s3  }
0xc: {  	[smem:$0x3FA6] =	sst s4  }
0xd: {  	[smem:$0x3FA7] =	sst s5  }
0xe: {  	[smem:$0x3FA8] =	sst s6  }
0xf: {  	[smem:$0x3FA9] =	sst s7  }
0x10: {  	[smem:$0x3FAA] =	sst s8  }
0x11: {  	[smem:$0x3FAB] =	sst s9;
	s0 =	simm.s32 @!p0 $0x0  }
0x12: {  	s1 =	sld [smem:$0x3F91];
	s0 =	simm.s32 @p0 $0x1  }
0x13: {  	[smem:$0x3FAC] =	sst s0;
	s0 =	simm.s32 @!p1 $0x0  }
0x14: {  	s2 =	sld [smem:$0x3F90];
	s0 =	simm.s32 @p1 $0x1  }
0x15: {  	[smem:$0x3FAD] =	sst s0;
	s0 =	simm.s32 @!p2 $0x0  }
0x16: {  	s3 =	sld [smem:$0x3FDB];
	s0 =	simm.s32 @p2 $0x1  }
0x17: {  	s4 =	simm.s32 $0x1BF5;
	[smem:$0x3FAF] =	sst s0  }
0x18: {  	s0 =	sld [smem:$0x3F92];
	_ =	swait.ge [sflag:s4], $0x0  }
0x19: {  	s7 =	sld [smem:$0x3F93]  }
0x1a: {  	s8 =	sadd.s32 $0xFFFFE003, lr  }
0x1b: {  	s9 =	sadd.s32 $0xFFFFFEF7, lr;
	s5 =	simm.s32 $0xFFFFFFFF;
	p2 =	slt.u32 s8, $0xFFFFF086  }
0x1c: {  	p1 =	slt.u32 s9, $0xF7A;
	s5 =	simm.s32 @!p2 $0x0  }
0x1d: {  	s5 =	simm.s32 @p1 $0x1;
	p0 =	seq.s32 s7, s2  }
0x1e: {  	s7 =	smul.u32 @!p0 $0xF7A, s2;
	p2 =	seq.s32 @!p0 s5, $0x0  }
0x1f: {  	s9 =	smul.u32 $0xF7A, s1;
	s8 =	simm.s32 @!p0 $0x1BF5;
	p2 =	por !p2, p0  }
0x20: {  	[sflag:s8] =	ssyncset.s32 @!p0 $0xFFFFF086;
	s6 =	sadd.s32 @!p0 s3, s7;
	s7 =	simm.s32 @!p0 $0x108  }
0x21: {  	s3 =	sadd.s32 s3, s9;
	s6 =	sadd.s32 @!p0 $0x88, s6;
	s7 =	simm.s32 @p2 $0x1082  }
0x22: {  	[simem:s7], [sflag:s8] =	dma.local @!p0 [hbm:s6], $0xF7A  }
0x23: {  	s9 =	sor.u32 $0xD0000000, s2;
	s6 =	simm.s32 $0x108;
	_ =	swait.ge @!p0 [sflag:s8], $0x0  }
0x24: {  	s3 =	sadd.s32 $0x88, s3;
	s6 =	simm.s32 @!p1 $0x1082;
	[sflag:s4] =	ssyncset.s32 $0xFFFFF086  }
0x25: {  	[simem:s6], [sflag:s4] =	dma.local [hbm:s3], $0xF7A  }
0x26: {  	[smem:$0x3F93] =	sst s1;
	(tag) =	ssettag s2;
	_ =	strace s9  }
0x27: {  	s1 =	sld [smem:$0x3FA3]  }
0x28: {  	s2 =	sld [smem:$0x3FA4]  }
0x29: {  	s4 =	sld [smem:$0x3FA6]  }
0x2a: {  	p0 =	seq.s32 s5, $0x0;
	s5 =	sld [smem:$0x3FA7]  }
0x2b: {  	s6 =	sld [smem:$0x3FA8]  }
0x2c: {  	s7 =	sld [smem:$0x3FA9]  }
0x2d: {  	s3 =	simm.s32 $0x108;
	s8 =	sld [smem:$0x3FAA]  }
0x2e: {  	s3 =	simm.s32 @!p0 $0x1082;
	s9 =	sld [smem:$0x3FAB]  }
0x2f: {  	lr =	sadd.s32 s0, s3;
	s0 =	sld [smem:$0x3FA2]  }
0x30: {  	s3 =	sld [smem:$0x3FA5]  }
0x31: {  	[smem:$0x3FAE] =	sst s10  }
0x32: {  	s10 =	sld [smem:$0x3FAC];
	_ =	sdelay $0x3  }
0x33: {  	p0 =	seq.s32 s10, $0x1;
	s10 =	sld [smem:$0x3FAE];
	_ =	sdelay $0x3  }
0x34: {  	[smem:$0x3FAE] =	sst s10  }
0x35: {  	s10 =	sld [smem:$0x3FAD];
	_ =	sdelay $0x3  }
0x36: {  	p1 =	seq.s32 s10, $0x1;
	s10 =	sld [smem:$0x3FAE];
	_ =	sdelay $0x3  }
0x37: {  	[smem:$0x3FAE] =	sst s10  }
0x38: {  	s10 =	sld [smem:$0x3FAF]  }
0x39: {  	_ = 	snop;
	(pc) =	sbr.ind lr, $3  }
0x3a: {  	_ = 	snop  }
0x3b: {  	_ = 	snop  }
0x3c: {  	p2 =	seq.s32 s10, $0x1;
	s10 =	sld [smem:$0x3FAE]  }
0x3d: {  	_ =	shalt  }
0x3e: {  	_ =	shalt  }
0x3f: {  	_ =	shalt  }
0x40: {  	_ =	shalt  }
0x41: {  	_ =	shalt  }
0x42: {  	_ =	shalt  }
0x43: {  	_ =	shalt  }
0x44: {  	_ =	shalt  }
0x45: {  	_ =	shalt  }
0x46: {  	_ =	shalt  }
0x47: {  	_ =	shalt  }
0x48: {  	_ =	shalt  }
0x49: {  	_ =	shalt  }
0x4a: {  	_ =	shalt  }
0x4b: {  	_ =	shalt  }
0x4c: {  	_ =	shalt  }
0x4d: {  	_ =	shalt  }
0x4e: {  	_ =	shalt  }
0x4f: {  	_ =	shalt  }
0x50: {  	_ =	shalt  }
0x51: {  	_ =	shalt  }
0x52: {  	_ =	shalt  }
0x53: {  	_ =	shalt  }
0x54: {  	_ =	shalt  }
0x55: {  	_ =	shalt  }
0x56: {  	_ =	shalt  }
0x57: {  	_ =	shalt  }
0x58: {  	_ =	shalt  }
0x59: {  	_ =	shalt  }
0x5a: {  	_ =	shalt  }
0x5b: {  	_ =	shalt  }
0x5c: {  	_ =	shalt  }
0x5d: {  	_ =	shalt  }
0x5e: {  	_ =	shalt  }
0x5f: {  	_ =	shalt  }
0x60: {  	_ =	shalt  }
0x61: {  	_ =	shalt  }
0x62: {  	_ =	shalt  }
0x63: {  	_ =	shalt  }
0x64: {  	_ =	shalt  }
0x65: {  	_ =	shalt  }
0x66: {  	_ =	shalt  }
0x67: {  	_ =	shalt  }
0x68: {  	_ =	shalt  }
0x69: {  	_ =	shalt  }
0x6a: {  	_ =	shalt  }
0x6b: {  	_ =	shalt  }
0x6c: {  	_ =	shalt  }
0x6d: {  	_ =	shalt  }
0x6e: {  	_ =	shalt  }
0x6f: {  	_ =	shalt  }
0x70: {  	_ =	shalt  }
0x71: {  	_ =	shalt  }
0x72: {  	_ =	shalt  }
0x73: {  	_ =	shalt  }
0x74: {  	_ =	shalt  }
0x75: {  	_ =	shalt  }
0x76: {  	_ =	shalt  }
0x77: {  	_ =	shalt  }
0x78: {  	_ =	shalt  }
0x79: {  	_ =	shalt  }
0x7a: {  	_ =	shalt  }
0x7b: {  	_ =	shalt  }
0x7c: {  	_ =	shalt  }
0x7d: {  	_ =	shalt  }
0x7e: {  	_ =	shalt  }
0x7f: {  	_ =	shalt  }
0x80: {  	_ =	shalt  }
0x81: {  	_ =	shalt  }
0x82: {  	_ =	shalt  }
0x83: {  	_ =	shalt  }
0x84: {  	_ =	shalt  }
0x85: {  	_ =	shalt  }
0x86: {  	_ =	shalt  }
0x87: {  	_ =	shalt  }
.Lfunc_end0:
.L_simem_size_0:
called_computation.1_lowered:
.L_overlay_start_0:
0x88: {  	s2 =	sld [smem:$0x3FD9]  }
0x89: {  	s3 =	sld [smem:$0x3FFE];
	_ =	sdelay $0x1  }
0x8a: {  	s1 =	srdreg.scid  }
0x8b: {  	s0 =	sand.u32 $0x1, s1  }
0x8c: {  	s17 =	sshll.u32 s0, $0xA;
	s2 =	sadd.s32 s3, s2  }
0x8d: {  	s2 =	sadd.s32 s2, s17  }
0x8e: {  	[smem:$0x3FBA] =	sst s2  }
0x8f: {  	_ = 	snop  }
0x90: {  	s18 =	sld [smem:$0x3FC9]  }
0x91: {  	s4 =	sld [smem:$0x3FC8];
	(tm) =	ssettm $0x1  }
0x92: {  	s19 =	sld [smem:$0x3FFB];
	_ =	sdelay $0x3  }
0x93: {  	_ =	strace s19  }
0x94: {  	s2 =	sld [smem:$0x3FFC];
	_ =	sdelay $0x3  }
0x95: {  	_ =	strace s2  }
0x96: {  	s2 =	sld [smem:$0x3FFD];
	_ =	sdelay $0x3  }
0x97: {  	_ =	strace s2  }
0x98: {  	_ =	strace $0x8FFFFFFF  }
0x99: {  	s20 =	sld [smem:$0x3FDB];
	_ =	sdelay $0x1  }
0x9a: {  	s5 =	simm.s32 $_scs_section_size  }
0x9b: {  	s6 =	simm.s32 $_size__tile_overlayer_lowered;
	s7 =	simm.s32 $_tile_overlayer_lowered  }
0x9c: {  	s8 =	simm.s32 $0x1BFF;
	s21 =	sshll.u32 s7, $0x1;
	s5 =	sadd.s32 s5, s20  }
0x9d: {  	s22 =	simm.s32 $0x0;
	s6 =	sshll.u32 s6, $0x1;
	s7 =	sadd.s32 s21, s5  }
0x9e: {  	[timem:s22], [sflag:s8] =	dma.local [hbm:s7], s6  }
0x9f: {  	_ =	swait.ge [sflag:s8], s6  }
0xa0: {  	s6 =	ssub.s32 $0x0, s6;
	[sflag:s8] =	ssyncset.done $0x0  }
0xa1: {  	[sflag:s8] =	ssyncadd.s32 s6;
	_ =	sdelay $0x1  }
0xa2: {  	s23 =	simm.s32 $0x1B8B  }
0xa3: {  	_ =	swait.ge [sflag:s23], $0x1  }
0xa4: {  	[sflag:s23] =	ssyncset.done $0x0  }
0xa5: {  	[sflag:s23] =	ssyncadd.s32 $0xFFFFFFFF  }
0xa6: {  	s6 =	sld [smem:$0x0]  }
0xa7: {  	s7 =	sand.u32 $0xFFFFFFFE, s1  }
0xa8: {  	p0 =	sne.s32 s1, s7  }
0xa9: {  	s7 =	sshll.u32 @p0 s7, $0xE  }
0xaa: {  	s7 =	sadd.s32 @p0 $0x11B8D, s7;
	s8 =	sshll.u32 @p0 s6, $0x11  }
0xab: {  	s7 =	sor.u32 @p0 s8, s7  }
0xac: {  	[sflag:s7] =	ssyncadd.remote.s32 @p0 $0x1;
	_ =	sdelay $0x1  }
0xad: {  	s7 =	simm.s32 @p0 $0x1B8D  }
0xae: {  	_ =	swait.eq @p0 [sflag:s7], $0x1  }
0xaf: {  	[sflag:s7] =	ssyncadd.s32 @p0 $0xFFFFFFFF  }
0xb0: {  	s8 =	sshll.u32 @!p0 s1, $0xE  }
0xb1: {  	s8 =	sor.u32 @!p0 $0x4000, s8;
	s7 =	simm.s32 @!p0 $0x1B8D  }
0xb2: {  	s6 =	sshll.u32 @!p0 s6, $0x11;
	s8 =	sadd.s32 @!p0 $0x11B8D, s8;
	_ =	swait.eq @!p0 [sflag:s7], $0x1  }
0xb3: {  	s6 =	sor.u32 @!p0 s6, s8;
	[sflag:s7] =	ssyncadd.s32 @!p0 $0xFFFFFFFF  }
0xb4: {  	s25 =	simm.s32 $0x1B8E;
	s24 =	sld [smem:$0x3FFE];
	[sflag:s6] =	ssyncadd.remote.s32 @!p0 $0x1  }
0xb5: {  	s26 =	simm.s32 $execute0_lowered;
	[smem:$0x3FD2] =	sst s25  }
0xb6: {  	s7 =	sshll.u32 s26, $0x1;
	_ =	strace $0x80000049;
	[dreg:$0x1] =	wrdreg $0xFFFFFFFF  }
0xb7: {  	s28 =	simm.s32 $_size_execute0_lowered;
	s5 =	sadd.s32 s5, s7;
	[dreg:$0x0] =	wrdreg $0x0  }
0xb8: {  	s7 =	sshll.u32 s28, $0x1;
	[dreg:$0x2] =	wrdreg s5  }
0xb9: {  	[dreg:$0x3] =	wrdreg s7  }
0xba: {  	[dreg:$0x4] =	wrdreg $0xC0  }
0xbb: {  	_ =	task [dreg:s22], $0x5FFFF  }
0xbc: {  	[dreg:$0x1] =	wrdreg $0xFFFFFFFF  }
0xbd: {  	[dreg:$0x0] =	wrdreg $0x60  }
0xbe: {  	[dreg:$0x2] =	wrdreg s18  }
0xbf: {  	[dreg:$0x3] =	wrdreg s4  }
0xc0: {  	[dreg:$0x4] =	wrdreg s24  }
0xc1: {  	[dreg:$0x5] =	wrdreg $0xA  }
0xc2: {  	_ =	task.clear_ibuf [dreg:s22], $0x6FFFF;
	_ =	strace $0x90000049  }
0xc3: {  	s29 =	simm.s32 $0xA;
	_ =	strace $0x8000004B  }
0xc4: {  	_ =	swait.ge [sflag:s29], $0x1  }
0xc5: {  	[sflag:s29] =	ssyncadd.s32 $0xFFFFFFFF  }
0xc6: {  	_ =	strace $0x9000004B  }
0xc7: {  	_ =	sfence  }
0xc8: {  	s30 =	sld [smem:$0x0];
	_ =	sdelay $0x2  }
0xc9: {  	s31 =	sshll.u32 s1, $0xD;
	s1 =	sshrl.u32 s1, $0x2  }
0xca: {  	s4 =	sand.u32 $0x4000, s31;
	s1 =	sadd.s32 s1, s30  }
0xcb: {  	s0 =	sor.u32 s4, s0;
	s1 =	sshll.u32 s1, $0x11  }
0xcc: {  	s0 =	sor.u32 s1, s0  }
0xcd: {  	s0 =	sadd.s32 $0x8F2B, s0  }
0xce: {  	[sflag:s0] =	ssyncadd.remote.s32 $0x1  }
0xcf: {  	_ =	sfence.sel $0xFFFF  }
0xd0: {  	[dreg:$0x0] =	wrdreg $0xFFFFFFFF;
	(pc) =	sbr.abs _section_cstart, $3  }
0xd1: {  	[dreg:$0x1] =	wrdreg $0xFFFFFFFF  }
0xd2: {  	_ =	task.clear_ibuf [dreg:s22], $0x2FFFF;
	_ =	strace $0x9FFFFFFF  }
0xd3: {  	(tm) =	ssettm $0x7FFFFFFF  }
tec
execute0_lowered:
.L_overlay_start_1:
0x0: {  	(tag) =	ssettag $0x1  }
0x1: {  	s0 =	rddreg [dreg:$0x0]  }
0x2: {  	s1 =	rddreg [dreg:$0x1]  }
0x3: {  	s4 =	rddreg [dreg:$0x2]  }
0x4: {  	s2 =	srdreg.scid;
	s5 =	stileid.u32;
	s15 =	simm.s32 $0x3  }
0x5: {  	s16 =	simm.s32 $0x200;
	s17 =	simm.s32 $0x40;
	s18 =	simm.s32 $0x400  }
0x6: {  	s19 =	simm.s32 $0x4400;
	s20 =	simm.s32 $0x2400;
	s22 =	simm.s32 $0x6400  }
0x7: {  	s23 =	simm.s32 $0x1;
	s24 =	simm.s32 $0x8400;
	s28 =	simm.s32 $0x2  }
0x8: {  	s25 =	simm.s32 $0x180;
	s29 =	simm.s32 $0x1C0;
	s30 =	simm.s32 $0x3C0  }
0x9: {  	s31 =	simm.s32 $0x0;
	s3 =	sand.u32 $0x1, s2;
	s2 =	simm.s32 $0x0  }
0xa: {  	s5 =	sshll.u32 s5, $0xA;
	s6 =	sshll.u32 s3, $0x9;
	[smem:$0x7FF] =	sst s2  }
0xb: {  	s26 =	ssub.s32 $0x2, s3;
	s3 =	sadd.s32 $0x101E00, s4;
	s5 =	sor.u32 s6, s5  }
0xc: {  	_ =	strace $0x8000004A;
	s8 =	sshrl.u32 s26, $0x1;
	s7 =	sshll.u32 s5, $0x4  }
0xd: {  	s14 =	ssub.s32 s26, s8;
	s9 =	sshrl.u32 s5, $0x3;
	s13 =	sadd.s32 s7, s4  }
0xe: {  	s26 =	simm.s32 $0x380;
	s6 =	sadd.s32 s0, s9;
	s4 =	sadd.s32 $0x288800, s13  }
0xf: {  	s9 =	sadd.s32 s1, s9;
	s5 =	sadd.s32 $0x288C00, s13;
	s8 =	sadd.s32 $0x289400, s13  }
0x10: {  	s14 =	smax.u32 s14, $0x1;
	s10 =	sadd.s32 $0x289800, s13;
	s11 =	sadd.s32 $0x289C00, s13  }
0x11: {  	s7 =	sadd.s32 $0x289000, s13;
	s12 =	sadd.s32 $0x28A000, s13;
	s13 =	sadd.s32 $0x28A400, s13  }
.LBB2_1:
0x12: {  	[tilespmem:s2], [sflag:$0x3] =	stream.linear.gather [hbm4b:s6+s2], $0x200, $0x38;
	[tilespmem:$0xA400] =	vst v63  }
0x13: {  	_ =	swait.ge [sflag:s15], $0x200  }
0x14: {  	[sflag:s15] =	ssyncset.done $0x0  }
0x15: {  	[sflag:s15] =	ssyncadd.s32 $0xFFFFFE00  }
0x16: {  	[tilespmem:s16], [sflag:$0x3] =	stream.linear.gather [hbm4b:s9+s2], $0x200, $0x38;
	[tilespmem:$0xA400] =	vst v63  }
0x17: {  	_ =	swait.ge [sflag:s15], $0x200  }
0x18: {  	[sflag:s15] =	ssyncset.done $0x0  }
0x19: {  	[sflag:s15] =	ssyncadd.s32 $0xFFFFFE00  }
0x1a: {  	[tilespmem:s18], [sflag:$0x1] =	stream.indirect.gather [hbm4b:s3+s17], $0x80, s2, s17, $0xb8;
	[tilespmem:$0xA400] =	vst v63  }
0x1b: {  	_ = 	snop  }
0x1c: {  	[tilespmem:s19], [sflag:$0x1] =	stream.indirect.gather [hbm4b:s3+s17], $0x80, s16, s17, $0xb8;
	[tilespmem:$0xA400] =	vst v63  }
0x1d: {  	_ = 	snop  }
0x1e: {  	[tilespmem:s20], [sflag:$0x2] =	stream.indirect.gather [hbm4b:s3+s17], $0x80, s17, s17, $0xb8;
	[tilespmem:$0xA400] =	vst v63  }
0x1f: {  	s0 =	simm.s32 $0x240  }
0x20: {  	[tilespmem:s22], [sflag:$0x2] =	stream.indirect.gather [hbm4b:s3+s17], $0x80, s0, s17, $0xb8;
	[tilespmem:$0xA400] =	vst v63  }
0x21: {  	_ =	swait.ge [sflag:s23], $0x2000  }
0x22: {  	[sflag:s23] =	ssyncset.done $0x0  }
0x23: {  	[sflag:s23] =	ssyncadd.s32 $0xFFFFE000  }
0x24: {  	_ =	swait.ge [sflag:s23], $0x2000  }
0x25: {  	[sflag:s23] =	ssyncset.done $0x0  }
0x26: {  	s0 =	simm.s32 $0x0;
	[sflag:s23] =	ssyncadd.s32 $0xFFFFE000  }
0x27: {  	v2 =	vld [tilespmem:s0+$0x430]  }
0x28: {  	v4 =	vld [tilespmem:s0+$0x4470]  }
0x29: {  	v5 =	vld [tilespmem:s0+$0x400]  }
0x2a: {  	v6 =	vld [tilespmem:s0+$0x4440]  }
0x2b: {  	v1 =	vld [tilespmem:s0+$0x410]  }
0x2c: {  	v3 =	vld [tilespmem:s0+$0x4450]  }
0x2d: {  	v0 =	vld [tilespmem:s0+$0x420];
	v7 =	vmul.f32 v4, v2  }
0x2e: {  	s1 =	simm.s32 $0x80;
	v4 =	vld [tilespmem:s0+$0x4460]  }
0x2f: {  	s21 =	simm.s32 $0x400;
	v2 =	vld [tilespmem:s1+$0x430];
	v5 =	vmul.f32 v6, v5;
	[tilespmem:s0+$0x8430] =	vst v7  }
.LBB2_2:
0x30: {  	p0 =	sne.s32 s21, $0x7E00;
	v6 =	vld [tilespmem:s1+$0x4470]  }
0x31: {  	v7 =	vld [tilespmem:s1+$0x400];
	[tilespmem:s0+$0x8400] =	vst v5;
	v3 =	vmul.f32 v3, v1  }
0x32: {  	v5 =	vld [tilespmem:s1+$0x4440]  }
.Ltmp0:
0x33: {  	v1 =	vld [tilespmem:s1+$0x410];
	[tilespmem:s0+$0x8410] =	vst v3;
	v4 =	vmul.f32 v4, v0;
	(pc) =	sbr.rel @p0 .LBB2_2-.Ltmp0, $4  }
0x34: {  	v3 =	vld [tilespmem:s1+$0x4450]  }
0x35: {  	v0 =	vld [tilespmem:s1+$0x420];
	v6 =	vmul.f32 v6, v2;
	[tilespmem:s0+$0x8420] =	vst v4;
	s0 =	smov.u32 s1  }
0x36: {  	s1 =	sshra.s32 s21, $0x2;
	v4 =	vld [tilespmem:s0+$0x4460]  }
0x37: {  	s21 =	sadd.s32 $0x200, s21;
	v2 =	vld [tilespmem:s1+$0x430];
	v5 =	vmul.f32 v5, v7;
	[tilespmem:s0+$0x8430] =	vst v6  }
0x38: {  	v6 =	vld [tilespmem:s1+$0x4470]  }
0x39: {  	v7 =	vld [tilespmem:s1+$0x400];
	[tilespmem:s0+$0x8400] =	vst v5;
	v1 =	vmul.f32 v3, v1  }
0x3a: {  	v3 =	vld [tilespmem:s1+$0x4440]  }
0x3b: {  	v5 =	vld [tilespmem:s1+$0x410];
	[tilespmem:s0+$0x8410] =	vst v1;
	v0 =	vmul.f32 v4, v0  }
0x3c: {  	v1 =	vld [tilespmem:s1+$0x4450]  }
0x3d: {  	v4 =	vld [tilespmem:s1+$0x420];
	[tilespmem:s0+$0x8420] =	vst v0  }
0x3e: {  	v0 =	vld [tilespmem:s1+$0x4460];
	_ =	sdelay $0x1  }
0x3f: {  	v2 =	vmul.f32 v6, v2  }
0x40: {  	v3 =	vmul.f32 v3, v7  }
0x41: {  	[tilespmem:s1+$0x8430] =	vst v2;
	v1 =	vmul.f32 v1, v5  }
0x42: {  	[tilespmem:s1+$0x8400] =	vst v3;
	v0 =	vmul.f32 v0, v4  }
0x43: {  	[tilespmem:s1+$0x8410] =	vst v1  }
0x44: {  	s21 =	simm.s32 $0x0;
	[tilespmem:s1+$0x8420] =	vst v0  }
0x45: {  	[hbm4b:s4+s21] =	stream.linear.scatter [tilespmem:s24], [sflag:$0x3], $0x2000, $0x38;
	[tilespmem:$0xA400] =	vst v63  }
0x46: {  	_ =	swait.ge [sflag:s15], $0x2000  }
0x47: {  	[sflag:s15] =	ssyncset.done $0x0  }
0x48: {  	s1 =	simm.s32 $0x80;
	[sflag:s15] =	ssyncadd.s32 $0xFFFFE000  }
0x49: {  	[tilespmem:s18], [sflag:$0x1] =	stream.indirect.gather [hbm4b:s3+s17], $0x80, s1, s17, $0xb8;
	[tilespmem:$0xA400] =	vst v63  }
0x4a: {  	s21 =	simm.s32 $0x280  }
0x4b: {  	[tilespmem:s19], [sflag:$0x1] =	stream.indirect.gather [hbm4b:s3+s17], $0x80, s21, s17, $0xb8;
	[tilespmem:$0xA400] =	vst v63  }
0x4c: {  	_ =	swait.ge [sflag:s28], $0x2000  }
0x4d: {  	[sflag:s28] =	ssyncset.done $0x0  }
0x4e: {  	[sflag:s28] =	ssyncadd.s32 $0xFFFFE000  }
0x4f: {  	_ =	swait.ge [sflag:s28], $0x2000  }
0x50: {  	[sflag:s28] =	ssyncset.done $0x0  }
0x51: {  	s0 =	simm.s32 $0x0;
	[sflag:s28] =	ssyncadd.s32 $0xFFFFE000  }
0x52: {  	v2 =	vld [tilespmem:s0+$0x2430]  }
0x53: {  	v4 =	vld [tilespmem:s0+$0x6470]  }
0x54: {  	v5 =	vld [tilespmem:s0+$0x2400]  }
0x55: {  	v6 =	vld [tilespmem:s0+$0x6440]  }
0x56: {  	v1 =	vld [tilespmem:s0+$0x2410]  }
0x57: {  	v3 =	vld [tilespmem:s0+$0x6450]  }
0x58: {  	v0 =	vld [tilespmem:s0+$0x2420];
	v7 =	vmul.f32 v4, v2  }
0x59: {  	s1 =	simm.s32 $0x80;
	v4 =	vld [tilespmem:s0+$0x6460]  }
0x5a: {  	s21 =	simm.s32 $0x400;
	v2 =	vld [tilespmem:s1+$0x2430];
	v5 =	vmul.f32 v6, v5;
	[tilespmem:s0+$0x8430] =	vst v7  }
.LBB2_4:
0x5b: {  	p0 =	sne.s32 s21, $0x7E00;
	v6 =	vld [tilespmem:s1+$0x6470]  }
0x5c: {  	v7 =	vld [tilespmem:s1+$0x2400];
	[tilespmem:s0+$0x8400] =	vst v5;
	v3 =	vmul.f32 v3, v1  }
0x5d: {  	v5 =	vld [tilespmem:s1+$0x6440]  }
.Ltmp1:
0x5e: {  	v1 =	vld [tilespmem:s1+$0x2410];
	[tilespmem:s0+$0x8410] =	vst v3;
	v4 =	vmul.f32 v4, v0;
	(pc) =	sbr.rel @p0 .LBB2_4-.Ltmp1, $4  }
0x5f: {  	v3 =	vld [tilespmem:s1+$0x6450]  }
0x60: {  	v0 =	vld [tilespmem:s1+$0x2420];
	v6 =	vmul.f32 v6, v2;
	[tilespmem:s0+$0x8420] =	vst v4;
	s0 =	smov.u32 s1  }
0x61: {  	s1 =	sshra.s32 s21, $0x2;
	v4 =	vld [tilespmem:s0+$0x6460]  }
0x62: {  	s21 =	sadd.s32 $0x200, s21;
	v2 =	vld [tilespmem:s1+$0x2430];
	v5 =	vmul.f32 v5, v7;
	[tilespmem:s0+$0x8430] =	vst v6  }
0x63: {  	v6 =	vld [tilespmem:s1+$0x6470]  }
0x64: {  	v7 =	vld [tilespmem:s1+$0x2400];
	[tilespmem:s0+$0x8400] =	vst v5;
	v1 =	vmul.f32 v3, v1  }
0x65: {  	v3 =	vld [tilespmem:s1+$0x6440]  }
0x66: {  	v5 =	vld [tilespmem:s1+$0x2410];
	[tilespmem:s0+$0x8410] =	vst v1;
	v0 =	vmul.f32 v4, v0  }
0x67: {  	v1 =	vld [tilespmem:s1+$0x6450]  }
0x68: {  	v4 =	vld [tilespmem:s1+$0x2420];
	[tilespmem:s0+$0x8420] =	vst v0  }
0x69: {  	v0 =	vld [tilespmem:s1+$0x6460];
	_ =	sdelay $0x1  }
0x6a: {  	v2 =	vmul.f32 v6, v2  }
0x6b: {  	v3 =	vmul.f32 v3, v7  }
0x6c: {  	[tilespmem:s1+$0x8430] =	vst v2;
	v1 =	vmul.f32 v1, v5  }
0x6d: {  	[tilespmem:s1+$0x8400] =	vst v3;
	v0 =	vmul.f32 v0, v4  }
0x6e: {  	[tilespmem:s1+$0x8410] =	vst v1  }
0x6f: {  	s21 =	simm.s32 $0x0;
	[tilespmem:s1+$0x8420] =	vst v0  }
0x70: {  	[hbm4b:s5+s21] =	stream.linear.scatter [tilespmem:s24], [sflag:$0x3], $0x2000, $0x38;
	[tilespmem:$0xA400] =	vst v63  }
0x71: {  	_ =	swait.ge [sflag:s15], $0x2000  }
0x72: {  	[sflag:s15] =	ssyncset.done $0x0  }
0x73: {  	s1 =	simm.s32 $0xC0;
	[sflag:s15] =	ssyncadd.s32 $0xFFFFE000  }
0x74: {  	[tilespmem:s20], [sflag:$0x2] =	stream.indirect.gather [hbm4b:s3+s17], $0x80, s1, s17, $0xb8;
	[tilespmem:$0xA400] =	vst v63  }
0x75: {  	s21 =	simm.s32 $0x2C0  }
0x76: {  	[tilespmem:s22], [sflag:$0x2] =	stream.indirect.gather [hbm4b:s3+s17], $0x80, s21, s17, $0xb8;
	[tilespmem:$0xA400] =	vst v63  }
0x77: {  	_ =	swait.ge [sflag:s23], $0x2000  }
0x78: {  	[sflag:s23] =	ssyncset.done $0x0  }
0x79: {  	[sflag:s23] =	ssyncadd.s32 $0xFFFFE000  }
0x7a: {  	_ =	swait.ge [sflag:s23], $0x2000  }
0x7b: {  	[sflag:s23] =	ssyncset.done $0x0  }
0x7c: {  	s0 =	simm.s32 $0x0;
	[sflag:s23] =	ssyncadd.s32 $0xFFFFE000  }
0x7d: {  	v2 =	vld [tilespmem:s0+$0x430]  }
0x7e: {  	v4 =	vld [tilespmem:s0+$0x4470]  }
0x7f: {  	v5 =	vld [tilespmem:s0+$0x400]  }
0x80: {  	v6 =	vld [tilespmem:s0+$0x4440]  }
0x81: {  	v1 =	vld [tilespmem:s0+$0x410]  }
0x82: {  	v3 =	vld [tilespmem:s0+$0x4450]  }
0x83: {  	v0 =	vld [tilespmem:s0+$0x420];
	v7 =	vmul.f32 v4, v2  }
0x84: {  	s1 =	simm.s32 $0x80;
	v4 =	vld [tilespmem:s0+$0x4460]  }
0x85: {  	s21 =	simm.s32 $0x400;
	v2 =	vld [tilespmem:s1+$0x430];
	v5 =	vmul.f32 v6, v5;
	[tilespmem:s0+$0x8430] =	vst v7  }
.LBB2_6:
0x86: {  	p0 =	sne.s32 s21, $0x7E00;
	v6 =	vld [tilespmem:s1+$0x4470]  }
0x87: {  	v7 =	vld [tilespmem:s1+$0x400];
	[tilespmem:s0+$0x8400] =	vst v5;
	v3 =	vmul.f32 v3, v1  }
0x88: {  	v5 =	vld [tilespmem:s1+$0x4440]  }
.Ltmp2:
0x89: {  	v1 =	vld [tilespmem:s1+$0x410];
	[tilespmem:s0+$0x8410] =	vst v3;
	v4 =	vmul.f32 v4, v0;
	(pc) =	sbr.rel @p0 .LBB2_6-.Ltmp2, $4  }
0x8a: {  	v3 =	vld [tilespmem:s1+$0x4450]  }
0x8b: {  	v0 =	vld [tilespmem:s1+$0x420];
	v6 =	vmul.f32 v6, v2;
	[tilespmem:s0+$0x8420] =	vst v4;
	s0 =	smov.u32 s1  }
0x8c: {  	s1 =	sshra.s32 s21, $0x2;
	v4 =	vld [tilespmem:s0+$0x4460]  }
0x8d: {  	s21 =	sadd.s32 $0x200, s21;
	v2 =	vld [tilespmem:s1+$0x430];
	v5 =	vmul.f32 v5, v7;
	[tilespmem:s0+$0x8430] =	vst v6  }
0x8e: {  	v6 =	vld [tilespmem:s1+$0x4470]  }
0x8f: {  	v7 =	vld [tilespmem:s1+$0x400];
	[tilespmem:s0+$0x8400] =	vst v5;
	v1 =	vmul.f32 v3, v1  }
0x90: {  	v3 =	vld [tilespmem:s1+$0x4440]  }
0x91: {  	v5 =	vld [tilespmem:s1+$0x410];
	[tilespmem:s0+$0x8410] =	vst v1;
	v0 =	vmul.f32 v4, v0  }
0x92: {  	v1 =	vld [tilespmem:s1+$0x4450]  }
0x93: {  	v4 =	vld [tilespmem:s1+$0x420];
	[tilespmem:s0+$0x8420] =	vst v0  }
0x94: {  	v0 =	vld [tilespmem:s1+$0x4460];
	_ =	sdelay $0x1  }
0x95: {  	v2 =	vmul.f32 v6, v2  }
0x96: {  	v3 =	vmul.f32 v3, v7  }
0x97: {  	[tilespmem:s1+$0x8430] =	vst v2;
	v1 =	vmul.f32 v1, v5  }
0x98: {  	[tilespmem:s1+$0x8400] =	vst v3;
	v0 =	vmul.f32 v0, v4  }
0x99: {  	[tilespmem:s1+$0x8410] =	vst v1  }
0x9a: {  	s21 =	simm.s32 $0x0;
	[tilespmem:s1+$0x8420] =	vst v0  }
0x9b: {  	[hbm4b:s7+s21] =	stream.linear.scatter [tilespmem:s24], [sflag:$0x3], $0x2000, $0x38;
	[tilespmem:$0xA400] =	vst v63  }
0x9c: {  	_ =	swait.ge [sflag:s15], $0x2000  }
0x9d: {  	[sflag:s15] =	ssyncset.done $0x0  }
0x9e: {  	s1 =	simm.s32 $0x100;
	[sflag:s15] =	ssyncadd.s32 $0xFFFFE000  }
0x9f: {  	[tilespmem:s18], [sflag:$0x1] =	stream.indirect.gather [hbm4b:s3+s17], $0x80, s1, s17, $0xb8;
	[tilespmem:$0xA400] =	vst v63  }
0xa0: {  	s21 =	simm.s32 $0x300  }
0xa1: {  	[tilespmem:s19], [sflag:$0x1] =	stream.indirect.gather [hbm4b:s3+s17], $0x80, s21, s17, $0xb8;
	[tilespmem:$0xA400] =	vst v63  }
0xa2: {  	_ =	swait.ge [sflag:s28], $0x2000  }
0xa3: {  	[sflag:s28] =	ssyncset.done $0x0  }
0xa4: {  	[sflag:s28] =	ssyncadd.s32 $0xFFFFE000  }
0xa5: {  	_ =	swait.ge [sflag:s28], $0x2000  }
0xa6: {  	[sflag:s28] =	ssyncset.done $0x0  }
0xa7: {  	s0 =	simm.s32 $0x0;
	[sflag:s28] =	ssyncadd.s32 $0xFFFFE000  }
0xa8: {  	v2 =	vld [tilespmem:s0+$0x2430]  }
0xa9: {  	v4 =	vld [tilespmem:s0+$0x6470]  }
0xaa: {  	v5 =	vld [tilespmem:s0+$0x2400]  }
0xab: {  	v6 =	vld [tilespmem:s0+$0x6440]  }
0xac: {  	v1 =	vld [tilespmem:s0+$0x2410]  }
0xad: {  	v3 =	vld [tilespmem:s0+$0x6450]  }
0xae: {  	v0 =	vld [tilespmem:s0+$0x2420];
	v7 =	vmul.f32 v4, v2  }
0xaf: {  	s1 =	simm.s32 $0x80;
	v4 =	vld [tilespmem:s0+$0x6460]  }
0xb0: {  	s21 =	simm.s32 $0x400;
	v2 =	vld [tilespmem:s1+$0x2430];
	v5 =	vmul.f32 v6, v5;
	[tilespmem:s0+$0x8430] =	vst v7  }
.LBB2_8:
0xb1: {  	p0 =	sne.s32 s21, $0x7E00;
	v6 =	vld [tilespmem:s1+$0x6470]  }
0xb2: {  	v7 =	vld [tilespmem:s1+$0x2400];
	[tilespmem:s0+$0x8400] =	vst v5;
	v3 =	vmul.f32 v3, v1  }
0xb3: {  	v5 =	vld [tilespmem:s1+$0x6440]  }
.Ltmp3:
0xb4: {  	v1 =	vld [tilespmem:s1+$0x2410];
	[tilespmem:s0+$0x8410] =	vst v3;
	v4 =	vmul.f32 v4, v0;
	(pc) =	sbr.rel @p0 .LBB2_8-.Ltmp3, $4  }
0xb5: {  	v3 =	vld [tilespmem:s1+$0x6450]  }
0xb6: {  	v0 =	vld [tilespmem:s1+$0x2420];
	v6 =	vmul.f32 v6, v2;
	[tilespmem:s0+$0x8420] =	vst v4;
	s0 =	smov.u32 s1  }
0xb7: {  	s1 =	sshra.s32 s21, $0x2;
	v4 =	vld [tilespmem:s0+$0x6460]  }
0xb8: {  	s21 =	sadd.s32 $0x200, s21;
	v2 =	vld [tilespmem:s1+$0x2430];
	v5 =	vmul.f32 v5, v7;
	[tilespmem:s0+$0x8430] =	vst v6  }
0xb9: {  	v6 =	vld [tilespmem:s1+$0x6470]  }
0xba: {  	v7 =	vld [tilespmem:s1+$0x2400];
	[tilespmem:s0+$0x8400] =	vst v5;
	v1 =	vmul.f32 v3, v1  }
0xbb: {  	v3 =	vld [tilespmem:s1+$0x6440]  }
0xbc: {  	v5 =	vld [tilespmem:s1+$0x2410];
	[tilespmem:s0+$0x8410] =	vst v1;
	v0 =	vmul.f32 v4, v0  }
0xbd: {  	v1 =	vld [tilespmem:s1+$0x6450]  }
0xbe: {  	v4 =	vld [tilespmem:s1+$0x2420];
	[tilespmem:s0+$0x8420] =	vst v0  }
0xbf: {  	v0 =	vld [tilespmem:s1+$0x6460];
	_ =	sdelay $0x1  }
0xc0: {  	v2 =	vmul.f32 v6, v2  }
0xc1: {  	v3 =	vmul.f32 v3, v7  }
0xc2: {  	[tilespmem:s1+$0x8430] =	vst v2;
	v1 =	vmul.f32 v1, v5  }
0xc3: {  	[tilespmem:s1+$0x8400] =	vst v3;
	v0 =	vmul.f32 v0, v4  }
0xc4: {  	[tilespmem:s1+$0x8410] =	vst v1  }
0xc5: {  	s21 =	simm.s32 $0x0;
	[tilespmem:s1+$0x8420] =	vst v0  }
0xc6: {  	[hbm4b:s8+s21] =	stream.linear.scatter [tilespmem:s24], [sflag:$0x3], $0x2000, $0x38;
	[tilespmem:$0xA400] =	vst v63  }
0xc7: {  	_ =	swait.ge [sflag:s15], $0x2000  }
0xc8: {  	[sflag:s15] =	ssyncset.done $0x0  }
0xc9: {  	s1 =	simm.s32 $0x140;
	[sflag:s15] =	ssyncadd.s32 $0xFFFFE000  }
0xca: {  	[tilespmem:s20], [sflag:$0x2] =	stream.indirect.gather [hbm4b:s3+s17], $0x80, s1, s17, $0xb8;
	[tilespmem:$0xA400] =	vst v63  }
0xcb: {  	s21 =	simm.s32 $0x340  }
0xcc: {  	[tilespmem:s22], [sflag:$0x2] =	stream.indirect.gather [hbm4b:s3+s17], $0x80, s21, s17, $0xb8;
	[tilespmem:$0xA400] =	vst v63  }
0xcd: {  	_ =	swait.ge [sflag:s23], $0x2000  }
0xce: {  	[sflag:s23] =	ssyncset.done $0x0  }
0xcf: {  	[sflag:s23] =	ssyncadd.s32 $0xFFFFE000  }
0xd0: {  	_ =	swait.ge [sflag:s23], $0x2000  }
0xd1: {  	[sflag:s23] =	ssyncset.done $0x0  }
0xd2: {  	s0 =	simm.s32 $0x0;
	[sflag:s23] =	ssyncadd.s32 $0xFFFFE000  }
0xd3: {  	v2 =	vld [tilespmem:s0+$0x430]  }
0xd4: {  	v4 =	vld [tilespmem:s0+$0x4470]  }
0xd5: {  	v5 =	vld [tilespmem:s0+$0x400]  }
0xd6: {  	v6 =	vld [tilespmem:s0+$0x4440]  }
0xd7: {  	v1 =	vld [tilespmem:s0+$0x410]  }
0xd8: {  	v3 =	vld [tilespmem:s0+$0x4450]  }
0xd9: {  	v0 =	vld [tilespmem:s0+$0x420];
	v7 =	vmul.f32 v4, v2  }
0xda: {  	s1 =	simm.s32 $0x80;
	v4 =	vld [tilespmem:s0+$0x4460]  }
0xdb: {  	s21 =	simm.s32 $0x400;
	v2 =	vld [tilespmem:s1+$0x430];
	v5 =	vmul.f32 v6, v5;
	[tilespmem:s0+$0x8430] =	vst v7  }
.LBB2_10:
0xdc: {  	p0 =	sne.s32 s21, $0x7E00;
	v6 =	vld [tilespmem:s1+$0x4470]  }
0xdd: {  	v7 =	vld [tilespmem:s1+$0x400];
	[tilespmem:s0+$0x8400] =	vst v5;
	v3 =	vmul.f32 v3, v1  }
0xde: {  	v5 =	vld [tilespmem:s1+$0x4440]  }
.Ltmp4:
0xdf: {  	v1 =	vld [tilespmem:s1+$0x410];
	[tilespmem:s0+$0x8410] =	vst v3;
	v4 =	vmul.f32 v4, v0;
	(pc) =	sbr.rel @p0 .LBB2_10-.Ltmp4, $4  }
0xe0: {  	v3 =	vld [tilespmem:s1+$0x4450]  }
0xe1: {  	v0 =	vld [tilespmem:s1+$0x420];
	v6 =	vmul.f32 v6, v2;
	[tilespmem:s0+$0x8420] =	vst v4;
	s0 =	smov.u32 s1  }
0xe2: {  	s1 =	sshra.s32 s21, $0x2;
	v4 =	vld [tilespmem:s0+$0x4460]  }
0xe3: {  	s21 =	sadd.s32 $0x200, s21;
	v2 =	vld [tilespmem:s1+$0x430];
	v5 =	vmul.f32 v5, v7;
	[tilespmem:s0+$0x8430] =	vst v6  }
0xe4: {  	v6 =	vld [tilespmem:s1+$0x4470]  }
0xe5: {  	v7 =	vld [tilespmem:s1+$0x400];
	[tilespmem:s0+$0x8400] =	vst v5;
	v1 =	vmul.f32 v3, v1  }
0xe6: {  	v3 =	vld [tilespmem:s1+$0x4440]  }
0xe7: {  	v5 =	vld [tilespmem:s1+$0x410];
	[tilespmem:s0+$0x8410] =	vst v1;
	v0 =	vmul.f32 v4, v0  }
0xe8: {  	v1 =	vld [tilespmem:s1+$0x4450]  }
0xe9: {  	v4 =	vld [tilespmem:s1+$0x420];
	[tilespmem:s0+$0x8420] =	vst v0  }
0xea: {  	v0 =	vld [tilespmem:s1+$0x4460];
	_ =	sdelay $0x1  }
0xeb: {  	v2 =	vmul.f32 v6, v2  }
0xec: {  	v3 =	vmul.f32 v3, v7  }
0xed: {  	[tilespmem:s1+$0x8430] =	vst v2;
	v1 =	vmul.f32 v1, v5  }
0xee: {  	[tilespmem:s1+$0x8400] =	vst v3;
	v0 =	vmul.f32 v0, v4  }
0xef: {  	[tilespmem:s1+$0x8410] =	vst v1  }
0xf0: {  	s21 =	simm.s32 $0x0;
	[tilespmem:s1+$0x8420] =	vst v0  }
0xf1: {  	[hbm4b:s10+s21] =	stream.linear.scatter [tilespmem:s24], [sflag:$0x3], $0x2000, $0x38;
	[tilespmem:$0xA400] =	vst v63  }
0xf2: {  	_ =	swait.ge [sflag:s15], $0x2000  }
0xf3: {  	[sflag:s15] =	ssyncset.done $0x0  }
0xf4: {  	[sflag:s15] =	ssyncadd.s32 $0xFFFFE000  }
0xf5: {  	[tilespmem:s18], [sflag:$0x1] =	stream.indirect.gather [hbm4b:s3+s17], $0x80, s25, s17, $0xb8;
	[tilespmem:$0xA400] =	vst v63  }
0xf6: {  	_ = 	snop  }
0xf7: {  	[tilespmem:s19], [sflag:$0x1] =	stream.indirect.gather [hbm4b:s3+s17], $0x80, s26, s17, $0xb8;
	[tilespmem:$0xA400] =	vst v63  }
0xf8: {  	_ =	swait.ge [sflag:s28], $0x2000  }
0xf9: {  	[sflag:s28] =	ssyncset.done $0x0  }
0xfa: {  	[sflag:s28] =	ssyncadd.s32 $0xFFFFE000  }
0xfb: {  	_ =	swait.ge [sflag:s28], $0x2000  }
0xfc: {  	[sflag:s28] =	ssyncset.done $0x0  }
0xfd: {  	s0 =	simm.s32 $0x0;
	[sflag:s28] =	ssyncadd.s32 $0xFFFFE000  }
0xfe: {  	v2 =	vld [tilespmem:s0+$0x2430]  }
0xff: {  	v4 =	vld [tilespmem:s0+$0x6470]  }
0x100: {  	v5 =	vld [tilespmem:s0+$0x2400]  }
0x101: {  	v6 =	vld [tilespmem:s0+$0x6440]  }
0x102: {  	v1 =	vld [tilespmem:s0+$0x2410]  }
0x103: {  	v3 =	vld [tilespmem:s0+$0x6450]  }
0x104: {  	v0 =	vld [tilespmem:s0+$0x2420];
	v7 =	vmul.f32 v4, v2  }
0x105: {  	s1 =	simm.s32 $0x80;
	v4 =	vld [tilespmem:s0+$0x6460]  }
0x106: {  	s21 =	simm.s32 $0x400;
	v2 =	vld [tilespmem:s1+$0x2430];
	v5 =	vmul.f32 v6, v5;
	[tilespmem:s0+$0x8430] =	vst v7  }
.LBB2_12:
0x107: {  	p0 =	sne.s32 s21, $0x7E00;
	v6 =	vld [tilespmem:s1+$0x6470]  }
0x108: {  	v7 =	vld [tilespmem:s1+$0x2400];
	[tilespmem:s0+$0x8400] =	vst v5;
	v3 =	vmul.f32 v3, v1  }
0x109: {  	v5 =	vld [tilespmem:s1+$0x6440]  }
.Ltmp5:
0x10a: {  	v1 =	vld [tilespmem:s1+$0x2410];
	[tilespmem:s0+$0x8410] =	vst v3;
	v4 =	vmul.f32 v4, v0;
	(pc) =	sbr.rel @p0 .LBB2_12-.Ltmp5, $4  }
0x10b: {  	v3 =	vld [tilespmem:s1+$0x6450]  }
0x10c: {  	v0 =	vld [tilespmem:s1+$0x2420];
	v6 =	vmul.f32 v6, v2;
	[tilespmem:s0+$0x8420] =	vst v4;
	s0 =	smov.u32 s1  }
0x10d: {  	s1 =	sshra.s32 s21, $0x2;
	v4 =	vld [tilespmem:s0+$0x6460]  }
0x10e: {  	s21 =	sadd.s32 $0x200, s21;
	v2 =	vld [tilespmem:s1+$0x2430];
	v5 =	vmul.f32 v5, v7;
	[tilespmem:s0+$0x8430] =	vst v6  }
0x10f: {  	v6 =	vld [tilespmem:s1+$0x6470]  }
0x110: {  	v7 =	vld [tilespmem:s1+$0x2400];
	[tilespmem:s0+$0x8400] =	vst v5;
	v1 =	vmul.f32 v3, v1  }
0x111: {  	v3 =	vld [tilespmem:s1+$0x6440]  }
0x112: {  	v5 =	vld [tilespmem:s1+$0x2410];
	[tilespmem:s0+$0x8410] =	vst v1;
	v0 =	vmul.f32 v4, v0  }
0x113: {  	v1 =	vld [tilespmem:s1+$0x6450]  }
0x114: {  	v4 =	vld [tilespmem:s1+$0x2420];
	[tilespmem:s0+$0x8420] =	vst v0  }
0x115: {  	v0 =	vld [tilespmem:s1+$0x6460];
	_ =	sdelay $0x1  }
0x116: {  	v2 =	vmul.f32 v6, v2  }
0x117: {  	v3 =	vmul.f32 v3, v7  }
0x118: {  	[tilespmem:s1+$0x8430] =	vst v2;
	v1 =	vmul.f32 v1, v5  }
0x119: {  	[tilespmem:s1+$0x8400] =	vst v3;
	v0 =	vmul.f32 v0, v4  }
0x11a: {  	[tilespmem:s1+$0x8410] =	vst v1  }
0x11b: {  	s21 =	simm.s32 $0x0;
	[tilespmem:s1+$0x8420] =	vst v0  }
0x11c: {  	[hbm4b:s11+s21] =	stream.linear.scatter [tilespmem:s24], [sflag:$0x3], $0x2000, $0x38;
	[tilespmem:$0xA400] =	vst v63  }
0x11d: {  	_ =	swait.ge [sflag:s15], $0x2000  }
0x11e: {  	[sflag:s15] =	ssyncset.done $0x0  }
0x11f: {  	[sflag:s15] =	ssyncadd.s32 $0xFFFFE000  }
0x120: {  	[tilespmem:s20], [sflag:$0x2] =	stream.indirect.gather [hbm4b:s3+s17], $0x80, s29, s17, $0xb8;
	[tilespmem:$0xA400] =	vst v63  }
0x121: {  	_ = 	snop  }
0x122: {  	[tilespmem:s22], [sflag:$0x2] =	stream.indirect.gather [hbm4b:s3+s17], $0x80, s30, s17, $0xb8;
	[tilespmem:$0xA400] =	vst v63  }
0x123: {  	_ =	swait.ge [sflag:s23], $0x2000  }
0x124: {  	[sflag:s23] =	ssyncset.done $0x0  }
0x125: {  	[sflag:s23] =	ssyncadd.s32 $0xFFFFE000  }
0x126: {  	_ =	swait.ge [sflag:s23], $0x2000  }
0x127: {  	[sflag:s23] =	ssyncset.done $0x0  }
0x128: {  	s0 =	simm.s32 $0x0;
	[sflag:s23] =	ssyncadd.s32 $0xFFFFE000  }
0x129: {  	v2 =	vld [tilespmem:s0+$0x430]  }
0x12a: {  	v4 =	vld [tilespmem:s0+$0x4470]  }
0x12b: {  	v5 =	vld [tilespmem:s0+$0x400]  }
0x12c: {  	v6 =	vld [tilespmem:s0+$0x4440]  }
0x12d: {  	v1 =	vld [tilespmem:s0+$0x410]  }
0x12e: {  	v3 =	vld [tilespmem:s0+$0x4450]  }
0x12f: {  	v0 =	vld [tilespmem:s0+$0x420];
	v7 =	vmul.f32 v4, v2  }
0x130: {  	s1 =	simm.s32 $0x80;
	v4 =	vld [tilespmem:s0+$0x4460]  }
0x131: {  	s21 =	simm.s32 $0x400;
	v2 =	vld [tilespmem:s1+$0x430];
	v5 =	vmul.f32 v6, v5;
	[tilespmem:s0+$0x8430] =	vst v7  }
.LBB2_14:
0x132: {  	p0 =	sne.s32 s21, $0x7E00;
	v6 =	vld [tilespmem:s1+$0x4470]  }
0x133: {  	v7 =	vld [tilespmem:s1+$0x400];
	[tilespmem:s0+$0x8400] =	vst v5;
	v3 =	vmul.f32 v3, v1  }
0x134: {  	v5 =	vld [tilespmem:s1+$0x4440]  }
.Ltmp6:
0x135: {  	v1 =	vld [tilespmem:s1+$0x410];
	[tilespmem:s0+$0x8410] =	vst v3;
	v4 =	vmul.f32 v4, v0;
	(pc) =	sbr.rel @p0 .LBB2_14-.Ltmp6, $4  }
0x136: {  	v3 =	vld [tilespmem:s1+$0x4450]  }
0x137: {  	v0 =	vld [tilespmem:s1+$0x420];
	v6 =	vmul.f32 v6, v2;
	[tilespmem:s0+$0x8420] =	vst v4;
	s0 =	smov.u32 s1  }
0x138: {  	s1 =	sshra.s32 s21, $0x2;
	v4 =	vld [tilespmem:s0+$0x4460]  }
0x139: {  	s21 =	sadd.s32 $0x200, s21;
	v2 =	vld [tilespmem:s1+$0x430];
	v5 =	vmul.f32 v5, v7;
	[tilespmem:s0+$0x8430] =	vst v6  }
0x13a: {  	v6 =	vld [tilespmem:s1+$0x4470]  }
0x13b: {  	v7 =	vld [tilespmem:s1+$0x400];
	[tilespmem:s0+$0x8400] =	vst v5;
	v1 =	vmul.f32 v3, v1  }
0x13c: {  	v3 =	vld [tilespmem:s1+$0x4440]  }
0x13d: {  	v5 =	vld [tilespmem:s1+$0x410];
	[tilespmem:s0+$0x8410] =	vst v1;
	v0 =	vmul.f32 v4, v0  }
0x13e: {  	v1 =	vld [tilespmem:s1+$0x4450]  }
0x13f: {  	v4 =	vld [tilespmem:s1+$0x420];
	[tilespmem:s0+$0x8420] =	vst v0  }
0x140: {  	v0 =	vld [tilespmem:s1+$0x4460];
	_ =	sdelay $0x1  }
0x141: {  	v2 =	vmul.f32 v6, v2  }
0x142: {  	v3 =	vmul.f32 v3, v7  }
0x143: {  	[tilespmem:s1+$0x8430] =	vst v2;
	v1 =	vmul.f32 v1, v5  }
0x144: {  	[tilespmem:s1+$0x8400] =	vst v3;
	v0 =	vmul.f32 v0, v4  }
0x145: {  	[tilespmem:s1+$0x8410] =	vst v1  }
0x146: {  	s21 =	simm.s32 $0x0;
	[tilespmem:s1+$0x8420] =	vst v0  }
0x147: {  	[hbm4b:s12+s21] =	stream.linear.scatter [tilespmem:s24], [sflag:$0x3], $0x2000, $0x38;
	[tilespmem:$0xA400] =	vst v63  }
0x148: {  	_ =	swait.ge [sflag:s15], $0x2000  }
0x149: {  	[sflag:s15] =	ssyncset.done $0x0  }
0x14a: {  	[sflag:s15] =	ssyncadd.s32 $0xFFFFE000  }
0x14b: {  	_ =	swait.ge [sflag:s28], $0x2000  }
0x14c: {  	[sflag:s28] =	ssyncset.done $0x0  }
0x14d: {  	[sflag:s28] =	ssyncadd.s32 $0xFFFFE000  }
0x14e: {  	_ =	swait.ge [sflag:s28], $0x2000  }
0x14f: {  	[sflag:s28] =	ssyncset.done $0x0  }
0x150: {  	s0 =	simm.s32 $0x0;
	[sflag:s28] =	ssyncadd.s32 $0xFFFFE000  }
0x151: {  	v2 =	vld [tilespmem:s0+$0x2430]  }
0x152: {  	v4 =	vld [tilespmem:s0+$0x6470]  }
0x153: {  	v5 =	vld [tilespmem:s0+$0x2400]  }
0x154: {  	v6 =	vld [tilespmem:s0+$0x6440]  }
0x155: {  	v1 =	vld [tilespmem:s0+$0x2410]  }
0x156: {  	v3 =	vld [tilespmem:s0+$0x6450]  }
0x157: {  	v0 =	vld [tilespmem:s0+$0x2420];
	v7 =	vmul.f32 v4, v2  }
0x158: {  	s1 =	simm.s32 $0x80;
	v4 =	vld [tilespmem:s0+$0x6460]  }
0x159: {  	s21 =	simm.s32 $0x400;
	v2 =	vld [tilespmem:s1+$0x2430];
	v5 =	vmul.f32 v6, v5;
	[tilespmem:s0+$0x8430] =	vst v7  }
.LBB2_16:
0x15a: {  	p0 =	sne.s32 s21, $0x7E00;
	v6 =	vld [tilespmem:s1+$0x6470]  }
0x15b: {  	v7 =	vld [tilespmem:s1+$0x2400];
	[tilespmem:s0+$0x8400] =	vst v5;
	v3 =	vmul.f32 v3, v1  }
0x15c: {  	v5 =	vld [tilespmem:s1+$0x6440]  }
.Ltmp7:
0x15d: {  	v1 =	vld [tilespmem:s1+$0x2410];
	[tilespmem:s0+$0x8410] =	vst v3;
	v4 =	vmul.f32 v4, v0;
	(pc) =	sbr.rel @p0 .LBB2_16-.Ltmp7, $4  }
0x15e: {  	v3 =	vld [tilespmem:s1+$0x6450]  }
0x15f: {  	v0 =	vld [tilespmem:s1+$0x2420];
	v6 =	vmul.f32 v6, v2;
	[tilespmem:s0+$0x8420] =	vst v4;
	s0 =	smov.u32 s1  }
0x160: {  	s1 =	sshra.s32 s21, $0x2;
	v4 =	vld [tilespmem:s0+$0x6460]  }
0x161: {  	s21 =	sadd.s32 $0x200, s21;
	v2 =	vld [tilespmem:s1+$0x2430];
	v5 =	vmul.f32 v5, v7;
	[tilespmem:s0+$0x8430] =	vst v6  }
0x162: {  	v6 =	vld [tilespmem:s1+$0x6470]  }
0x163: {  	v7 =	vld [tilespmem:s1+$0x2400];
	[tilespmem:s0+$0x8400] =	vst v5;
	v1 =	vmul.f32 v3, v1  }
0x164: {  	v62 =	vld [tilespmem:s1+$0x6440]  }
0x165: {  	v5 =	vld [tilespmem:s1+$0x2410];
	[tilespmem:s0+$0x8410] =	vst v1;
	v0 =	vmul.f32 v4, v0  }
0x166: {  	v1 =	vld [tilespmem:s1+$0x6450]  }
0x167: {  	v63 =	vld [tilespmem:s1+$0x2420];
	[tilespmem:s0+$0x8420] =	vst v0  }
0x168: {  	v0 =	vld [tilespmem:s1+$0x6460];
	_ =	sdelay $0x1  }
0x169: {  	v2 =	vmul.f32 v6, v2  }
0x16a: {  	v3 =	vmul.f32 v62, v7  }
0x16b: {  	[tilespmem:s1+$0x8430] =	vst v2;
	v1 =	vmul.f32 v1, v5  }
0x16c: {  	s31 =	sadd.s32 $0x1, s31;
	[tilespmem:s1+$0x8400] =	vst v3;
	v0 =	vmul.f32 v0, v63  }
0x16d: {  	p0 =	sne.s32 s31, s14;
	[tilespmem:s1+$0x8410] =	vst v1  }
.Ltmp8:
0x16e: {  	[tilespmem:s1+$0x8420] =	vst v0;
	(pc) =	sbr.rel @p0 .LBB2_1-.Ltmp8, $4  }
0x16f: {  	[hbm4b:s13+s2] =	stream.linear.scatter [tilespmem:s24], [sflag:$0x3], $0x2000, $0x38;
	[tilespmem:$0xA400] =	vst v63  }
0x170: {  	_ =	swait.ge [sflag:s15], $0x2000  }
0x171: {  	[sflag:s15] =	ssyncset.done $0x0  }
0x172: {  	[sflag:s15] =	ssyncadd.s32 $0xFFFFE000  }
0x173: {  	_ =	sfence.sel $0x180000  }
0x174: {  	[bflag:$0x0] =	sbarrier.arrive $0xFFFF  }
0x175: {  	_ =	strace $0x9000004A  }
0x176: {  	s0 =	stileid.u32;
	[bflag:$0x2] =	sbarrier.arrive $0xFFFF  }
0x177: {  	p0 =	sne.s32 s0, $0x0;
	s0 =	rddreg [dreg:$0x3]  }
0x178: {  	s0 =	sadd.s32 @!p0 $0x100000, s0  }
0x179: {  	[sflag:s0] =	ssyncadd.tile.s32 @!p0 $0x1;
	_ =	shalt  }
.Lfunc_end2:
_tile_overlayer_lowered:
.L_overlay_start_2:
0x17a: {  	(tag) =	ssettag $0x2  }
0x17b: {  	s0 =	rddreg [dreg:$0x0];
	s2 =	stileid.u32  }
0x17c: {  	s1 =	rddreg [dreg:$0x1];
	p0 =	sne.s32 s2, $0x0  }
0x17d: {  	s3 =	rddreg [dreg:$0x2];
	[bflag:$0x3] =	sbarrier.arrive $0xFFFF;
	s2 =	simm.s32 @!p0 $0x1C03  }
0x17e: {  	[timem:s3], [sflag:s2] =	dma.local @!p0 [hbm:s0], s1  }
0x17f: {  	s0 =	simm.s32 @!p0 $0x3  }
0x180: {  	_ =	swait.ge @!p0 [sflag:s0], s1  }
0x181: {  	s1 =	ssub.s32 @!p0 $0x0, s1;
	[sflag:s0] =	ssyncset.done @!p0 $0x0  }
0x182: {  	[sflag:s0] =	ssyncadd.s32 @!p0 s1  }
0x183: {  	[bflag:$0x3] =	sbarrier.arrive $0xFFFF  }
0x184: {  	_ =	shalt  }

// kernel: kernel.7.cloned.1.call-start
scs
__scs_entry_jumppad:
0x0: {  	(pc) =	sbr.rel $0x88, $3  }
0x1: {  	(tag) =	ssettag $0x0;
	lr =	simm.s32 $0x1  }
0x2: {  	[smem:$0x3F93] =	sst lr;
	_ =	strace $0xD0000000  }
0x3: {  	_ = 	snop  }
0x4: {  	_ = 	snop  }
0x5: {  	_ = 	snop  }
0x6: {  	_ = 	snop  }
0x7: {  	_ = 	snop  }
__scs_overlays_trampoline_lowered:
0x8: {  	[smem:$0x3FA2] =	sst s0  }
0x9: {  	[smem:$0x3FA3] =	sst s1  }
0xa: {  	[smem:$0x3FA4] =	sst s2  }
0xb: {  	[smem:$0x3FA5] =	sst s3  }
0xc: {  	[smem:$0x3FA6] =	sst s4  }
0xd: {  	[smem:$0x3FA7] =	sst s5  }
0xe: {  	[smem:$0x3FA8] =	sst s6  }
0xf: {  	[smem:$0x3FA9] =	sst s7  }
0x10: {  	[smem:$0x3FAA] =	sst s8  }
0x11: {  	[smem:$0x3FAB] =	sst s9;
	s0 =	simm.s32 @!p0 $0x0  }
0x12: {  	s1 =	sld [smem:$0x3F91];
	s0 =	simm.s32 @p0 $0x1  }
0x13: {  	[smem:$0x3FAC] =	sst s0;
	s0 =	simm.s32 @!p1 $0x0  }
0x14: {  	s2 =	sld [smem:$0x3F90];
	s0 =	simm.s32 @p1 $0x1  }
0x15: {  	[smem:$0x3FAD] =	sst s0;
	s0 =	simm.s32 @!p2 $0x0  }
0x16: {  	s3 =	sld [smem:$0x3FDB];
	s0 =	simm.s32 @p2 $0x1  }
0x17: {  	s4 =	simm.s32 $0x1BF5;
	[smem:$0x3FAF] =	sst s0  }
0x18: {  	s0 =	sld [smem:$0x3F92];
	_ =	swait.ge [sflag:s4], $0x0  }
0x19: {  	s7 =	sld [smem:$0x3F93]  }
0x1a: {  	s8 =	sadd.s32 $0xFFFFE003, lr  }
0x1b: {  	s9 =	sadd.s32 $0xFFFFFEF7, lr;
	s5 =	simm.s32 $0xFFFFFFFF;
	p2 =	slt.u32 s8, $0xFFFFF086  }
0x1c: {  	p1 =	slt.u32 s9, $0xF7A;
	s5 =	simm.s32 @!p2 $0x0  }
0x1d: {  	s5 =	simm.s32 @p1 $0x1;
	p0 =	seq.s32 s7, s2  }
0x1e: {  	s7 =	smul.u32 @!p0 $0xF7A, s2;
	p2 =	seq.s32 @!p0 s5, $0x0  }
0x1f: {  	s9 =	smul.u32 $0xF7A, s1;
	s8 =	simm.s32 @!p0 $0x1BF5;
	p2 =	por !p2, p0  }
0x20: {  	[sflag:s8] =	ssyncset.s32 @!p0 $0xFFFFF086;
	s6 =	sadd.s32 @!p0 s3, s7;
	s7 =	simm.s32 @!p0 $0x108  }
0x21: {  	s3 =	sadd.s32 s3, s9;
	s6 =	sadd.s32 @!p0 $0x88, s6;
	s7 =	simm.s32 @p2 $0x1082  }
0x22: {  	[simem:s7], [sflag:s8] =	dma.local @!p0 [hbm:s6], $0xF7A  }
0x23: {  	s9 =	sor.u32 $0xD0000000, s2;
	s6 =	simm.s32 $0x108;
	_ =	swait.ge @!p0 [sflag:s8], $0x0  }
0x24: {  	s3 =	sadd.s32 $0x88, s3;
	s6 =	simm.s32 @!p1 $0x1082;
	[sflag:s4] =	ssyncset.s32 $0xFFFFF086  }
0x25: {  	[simem:s6], [sflag:s4] =	dma.local [hbm:s3], $0xF7A  }
0x26: {  	[smem:$0x3F93] =	sst s1;
	(tag) =	ssettag s2;
	_ =	strace s9  }
0x27: {  	s1 =	sld [smem:$0x3FA3]  }
0x28: {  	s2 =	sld [smem:$0x3FA4]  }
0x29: {  	s4 =	sld [smem:$0x3FA6]  }
0x2a: {  	p0 =	seq.s32 s5, $0x0;
	s5 =	sld [smem:$0x3FA7]  }
0x2b: {  	s6 =	sld [smem:$0x3FA8]  }
0x2c: {  	s7 =	sld [smem:$0x3FA9]  }
0x2d: {  	s3 =	simm.s32 $0x108;
	s8 =	sld [smem:$0x3FAA]  }
0x2e: {  	s3 =	simm.s32 @!p0 $0x1082;
	s9 =	sld [smem:$0x3FAB]  }
0x2f: {  	lr =	sadd.s32 s0, s3;
	s0 =	sld [smem:$0x3FA2]  }
0x30: {  	s3 =	sld [smem:$0x3FA5]  }
0x31: {  	[smem:$0x3FAE] =	sst s10  }
0x32: {  	s10 =	sld [smem:$0x3FAC];
	_ =	sdelay $0x3  }
0x33: {  	p0 =	seq.s32 s10, $0x1;
	s10 =	sld [smem:$0x3FAE];
	_ =	sdelay $0x3  }
0x34: {  	[smem:$0x3FAE] =	sst s10  }
0x35: {  	s10 =	sld [smem:$0x3FAD];
	_ =	sdelay $0x3  }
0x36: {  	p1 =	seq.s32 s10, $0x1;
	s10 =	sld [smem:$0x3FAE];
	_ =	sdelay $0x3  }
0x37: {  	[smem:$0x3FAE] =	sst s10  }
0x38: {  	s10 =	sld [smem:$0x3FAF]  }
0x39: {  	_ = 	snop;
	(pc) =	sbr.ind lr, $3  }
0x3a: {  	_ = 	snop  }
0x3b: {  	_ = 	snop  }
0x3c: {  	p2 =	seq.s32 s10, $0x1;
	s10 =	sld [smem:$0x3FAE]  }
0x3d: {  	_ =	shalt  }
0x3e: {  	_ =	shalt  }
0x3f: {  	_ =	shalt  }
0x40: {  	_ =	shalt  }
0x41: {  	_ =	shalt  }
0x42: {  	_ =	shalt  }
0x43: {  	_ =	shalt  }
0x44: {  	_ =	shalt  }
0x45: {  	_ =	shalt  }
0x46: {  	_ =	shalt  }
0x47: {  	_ =	shalt  }
0x48: {  	_ =	shalt  }
0x49: {  	_ =	shalt  }
0x4a: {  	_ =	shalt  }
0x4b: {  	_ =	shalt  }
0x4c: {  	_ =	shalt  }
0x4d: {  	_ =	shalt  }
0x4e: {  	_ =	shalt  }
0x4f: {  	_ =	shalt  }
0x50: {  	_ =	shalt  }
0x51: {  	_ =	shalt  }
0x52: {  	_ =	shalt  }
0x53: {  	_ =	shalt  }
0x54: {  	_ =	shalt  }
0x55: {  	_ =	shalt  }
0x56: {  	_ =	shalt  }
0x57: {  	_ =	shalt  }
0x58: {  	_ =	shalt  }
0x59: {  	_ =	shalt  }
0x5a: {  	_ =	shalt  }
0x5b: {  	_ =	shalt  }
0x5c: {  	_ =	shalt  }
0x5d: {  	_ =	shalt  }
0x5e: {  	_ =	shalt  }
0x5f: {  	_ =	shalt  }
0x60: {  	_ =	shalt  }
0x61: {  	_ =	shalt  }
0x62: {  	_ =	shalt  }
0x63: {  	_ =	shalt  }
0x64: {  	_ =	shalt  }
0x65: {  	_ =	shalt  }
0x66: {  	_ =	shalt  }
0x67: {  	_ =	shalt  }
0x68: {  	_ =	shalt  }
0x69: {  	_ =	shalt  }
0x6a: {  	_ =	shalt  }
0x6b: {  	_ =	shalt  }
0x6c: {  	_ =	shalt  }
0x6d: {  	_ =	shalt  }
0x6e: {  	_ =	shalt  }
0x6f: {  	_ =	shalt  }
0x70: {  	_ =	shalt  }
0x71: {  	_ =	shalt  }
0x72: {  	_ =	shalt  }
0x73: {  	_ =	shalt  }
0x74: {  	_ =	shalt  }
0x75: {  	_ =	shalt  }
0x76: {  	_ =	shalt  }
0x77: {  	_ =	shalt  }
0x78: {  	_ =	shalt  }
0x79: {  	_ =	shalt  }
0x7a: {  	_ =	shalt  }
0x7b: {  	_ =	shalt  }
0x7c: {  	_ =	shalt  }
0x7d: {  	_ =	shalt  }
0x7e: {  	_ =	shalt  }
0x7f: {  	_ =	shalt  }
0x80: {  	_ =	shalt  }
0x81: {  	_ =	shalt  }
0x82: {  	_ =	shalt  }
0x83: {  	_ =	shalt  }
0x84: {  	_ =	shalt  }
0x85: {  	_ =	shalt  }
0x86: {  	_ =	shalt  }
0x87: {  	_ =	shalt  }
.Lfunc_end0:
.L_simem_size_0:
called_computation_lowered:
.L_overlay_start_0:
0x88: {  	s2 =	sld [smem:$0x3FD9]  }
0x89: {  	s3 =	sld [smem:$0x3FFE];
	_ =	sdelay $0x1  }
0x8a: {  	s1 =	srdreg.scid  }
0x8b: {  	s0 =	sand.u32 $0x1, s1  }
0x8c: {  	s17 =	sshll.u32 s0, $0xA;
	s2 =	sadd.s32 s3, s2  }
0x8d: {  	s2 =	sadd.s32 s2, s17  }
0x8e: {  	[smem:$0x3FBA] =	sst s2  }
0x8f: {  	_ = 	snop  }
0x90: {  	s2 =	sld [smem:$0x3FC9]  }
0x91: {  	s18 =	sld [smem:$0x3FC8]  }
0x92: {  	s4 =	sld [smem:$0x3FC7]  }
0x93: {  	s5 =	sld [smem:$0x3FC6];
	(tm) =	ssettm $0x1  }
0x94: {  	s6 =	sld [smem:$0x3FFB];
	_ =	sdelay $0x3  }
0x95: {  	_ =	strace s6  }
0x96: {  	s6 =	sld [smem:$0x3FFC];
	_ =	sdelay $0x3  }
0x97: {  	_ =	strace s6  }
0x98: {  	s6 =	sld [smem:$0x3FFD];
	_ =	sdelay $0x3  }
0x99: {  	_ =	strace s6  }
0x9a: {  	_ =	strace $0x8FFFFFFF  }
0x9b: {  	s19 =	sld [smem:$0x3FDB];
	_ =	sdelay $0x1  }
0x9c: {  	s7 =	simm.s32 $_scs_section_size  }
0x9d: {  	s8 =	simm.s32 $_size__tile_overlayer_lowered;
	s9 =	simm.s32 $_tile_overlayer_lowered  }
0x9e: {  	s22 =	simm.s32 $0x1BFF;
	s21 =	sshll.u32 s9, $0x1;
	s6 =	sadd.s32 s7, s19  }
0x9f: {  	s10 =	simm.s32 $0x0;
	s20 =	sshll.u32 s8, $0x1;
	s8 =	sadd.s32 s21, s6  }
0xa0: {  	[timem:s10], [sflag:s22] =	dma.local [hbm:s8], s20  }
0xa1: {  	_ =	swait.ge [sflag:s22], s20  }
0xa2: {  	s7 =	ssub.s32 $0x0, s20;
	[sflag:s22] =	ssyncset.done $0x0  }
0xa3: {  	[sflag:s22] =	ssyncadd.s32 s7;
	_ =	sdelay $0x1  }
0xa4: {  	s23 =	simm.s32 $0x1B8B  }
0xa5: {  	_ =	swait.ge [sflag:s23], $0x1  }
0xa6: {  	[sflag:s23] =	ssyncset.done $0x0  }
0xa7: {  	s25 =	simm.s32 $0x1B8E;
	s24 =	sld [smem:$0x3FFE];
	[sflag:s23] =	ssyncadd.s32 $0xFFFFFFFF  }
0xa8: {  	s26 =	simm.s32 $execute0_lowered;
	[smem:$0x3FD2] =	sst s25  }
0xa9: {  	s8 =	sshll.u32 s26, $0x1;
	_ =	strace $0x80000046;
	[dreg:$0x1] =	wrdreg $0xFFFFFFFF  }
0xaa: {  	s28 =	simm.s32 $_size_execute0_lowered;
	s6 =	sadd.s32 s6, s8;
	[dreg:$0x0] =	wrdreg $0x0  }
0xab: {  	s8 =	sshll.u32 s28, $0x1;
	[dreg:$0x2] =	wrdreg s6  }
0xac: {  	[dreg:$0x3] =	wrdreg s8  }
0xad: {  	[dreg:$0x4] =	wrdreg $0xC0  }
0xae: {  	_ =	task [dreg:s10], $0x5FFFF  }
0xaf: {  	[dreg:$0x1] =	wrdreg $0xFFFFFFFF  }
0xb0: {  	[dreg:$0x0] =	wrdreg $0x60  }
0xb1: {  	[dreg:$0x2] =	wrdreg s2  }
0xb2: {  	[dreg:$0x3] =	wrdreg s18  }
0xb3: {  	[dreg:$0x4] =	wrdreg s4  }
0xb4: {  	[dreg:$0x5] =	wrdreg s5  }
0xb5: {  	[dreg:$0x6] =	wrdreg s24  }
0xb6: {  	[dreg:$0x7] =	wrdreg $0x9  }
0xb7: {  	_ =	task.clear_ibuf [dreg:s10], $0x8FFFF;
	_ =	strace $0x90000046  }
0xb8: {  	s29 =	simm.s32 $0x9;
	_ =	strace $0x80000048  }
0xb9: {  	_ =	swait.ge [sflag:s29], $0x1  }
0xba: {  	[sflag:s29] =	ssyncadd.s32 $0xFFFFFFFF  }
0xbb: {  	_ =	strace $0x90000048  }
0xbc: {  	_ =	sfence  }
0xbd: {  	s30 =	sld [smem:$0x0];
	_ =	sdelay $0x2  }
0xbe: {  	s31 =	sshll.u32 s1, $0xD;
	s1 =	sshrl.u32 s1, $0x2  }
0xbf: {  	s3 =	sand.u32 $0x4000, s31;
	s1 =	sadd.s32 s1, s30  }
0xc0: {  	s0 =	sor.u32 s3, s0;
	s1 =	sshll.u32 s1, $0x11  }
0xc1: {  	s0 =	sor.u32 s1, s0  }
0xc2: {  	s0 =	sadd.s32 $0x8F2B, s0  }
0xc3: {  	[sflag:s0] =	ssyncadd.remote.s32 $0x1  }
0xc4: {  	_ =	sfence.sel $0xFFFF  }
0xc5: {  	[dreg:$0x0] =	wrdreg $0xFFFFFFFF;
	(pc) =	sbr.abs _section_cstart, $3  }
0xc6: {  	[dreg:$0x1] =	wrdreg $0xFFFFFFFF  }
0xc7: {  	_ =	task.clear_ibuf [dreg:s10], $0x2FFFF;
	_ =	strace $0x9FFFFFFF  }
0xc8: {  	(tm) =	ssettm $0x7FFFFFFF  }
0xc9: {  	_ =	shalt  }
tec
execute0_lowered:
.L_overlay_start_1:
0x0: {  	(tag) =	ssettag $0x1  }
0x1: {  	s0 =	rddreg [dreg:$0x0]  }
0x2: {  	s2 =	rddreg [dreg:$0x1];
	s4 =	srdreg.scid  }
0x3: {  	s1 =	rddreg [dreg:$0x2];
	s7 =	stileid.u32;
	s5 =	sand.u32 $0x1, s4  }
0x4: {  	s3 =	rddreg [dreg:$0x3];
	s7 =	sshll.u32 s7, $0xA;
	s8 =	sshll.u32 s5, $0x9  }
0x5: {  	s6 =	rddreg [dreg:$0x4];
	s4 =	simm.s32 $0x0;
	s7 =	sor.u32 s8, s7  }
0x6: {  	[smem:$0x7FF] =	sst s4;
	s8 =	sshrl.u32 s7, $0x3  }
0x7: {  	s9 =	sadd.s32 $0x1E00, s6;
	_ =	strace $0x80000047;
	s0 =	sadd.s32 s0, s8  }
0x8: {  	s31 =	sshll.u32 s7, $0x5;
	s30 =	sadd.s32 s2, s8;
	[dreg:$0x6] =	wrdreg s0  }
0x9: {  	s6 =	sadd.s32 $0x81E00, s6;
	s7 =	sadd.s32 s9, s31;
	[dreg:$0x7] =	wrdreg s30  }
0xa: {  	s8 =	sadd.s32 s6, s31;
	s12 =	sor.u32 $0x1000, s31;
	[dreg:$0x8] =	wrdreg s7  }
0xb: {  	s5 =	ssub.s32 $0x2, s5;
	[dreg:$0x9] =	wrdreg s8;
	s13 =	sadd.s32 s9, s12  }
0xc: {  	s15 =	sor.u32 $0x1800, s31;
	s14 =	sadd.s32 s6, s12;
	[dreg:$0xc] =	wrdreg s13  }
0xd: {  	s28 =	sshrl.u32 s5, $0x1;
	s16 =	sadd.s32 s9, s15;
	[dreg:$0xd] =	wrdreg s14  }
0xe: {  	s18 =	sor.u32 $0x2000, s31;
	s17 =	sadd.s32 s6, s15;
	[dreg:$0xe] =	wrdreg s16  }
0xf: {  	s5 =	ssub.s32 s5, s28;
	s19 =	sadd.s32 s9, s18;
	[dreg:$0xf] =	wrdreg s17  }
0x10: {  	s21 =	sor.u32 $0x2800, s31;
	s20 =	sadd.s32 s6, s18;
	[dreg:$0x10] =	wrdreg s19  }
0x11: {  	s24 =	sor.u32 $0x3000, s31;
	s22 =	sadd.s32 s9, s21;
	[dreg:$0x11] =	wrdreg s20  }
0x12: {  	s2 =	sor.u32 $0x3800, s31;
	s23 =	sadd.s32 s6, s21;
	[dreg:$0x12] =	wrdreg s22  }
0x13: {  	s5 =	smax.u32 s5, $0x1;
	s25 =	sadd.s32 s9, s24;
	[dreg:$0x13] =	wrdreg s23  }
0x14: {  	s7 =	sor.u32 $0x800, s31;
	s26 =	sadd.s32 s6, s24;
	[dreg:$0x14] =	wrdreg s25  }
0x15: {  	s29 =	sadd.s32 s9, s2;
	s30 =	sadd.s32 s6, s2;
	[dreg:$0x15] =	wrdreg s26  }
0x16: {  	s31 =	simm.s32 $0x200;
	s15 =	simm.s32 $0x8400;
	[dreg:$0x16] =	wrdreg s29  }
0x17: {  	s2 =	simm.s32 $0xC400;
	s10 =	sadd.s32 s9, s7;
	[dreg:$0x17] =	wrdreg s30  }
0x18: {  	v2 =	vlaneseq.u32;
	s11 =	sadd.s32 s6, s7;
	s6 =	simm.s32 $0x3;
	[dreg:$0x18] =	wrdreg s31  }
0x19: {  	vm0 =	vmmov $0xffff;
	v1 =	vshrl.u32 v2, $0x3;
	s9 =	simm.s32 $0x400;
	s23 =	simm.s32 $0x4400;
	[dreg:$0xa] =	wrdreg s10  }
0x1a: {  	v0 =	vand.u32 $0x7, v2;
	v2 =	vor.u32 $0x8, v2;
	v1 =	vmul.u32 $0x8, v1;
	s14 =	simm.s32 $0x1;
	s16 =	simm.s32 $0x2;
	[dreg:$0xb] =	wrdreg s11  }
.LBB2_1:
0x1b: {  	s17 =	rddreg [dreg:$0x6]  }
0x1c: {  	[tilespmem:s4], [sflag:$0x3] =	stream.linear.gather [hbm4b:s17+s4], $0x200, $0x38;
	[tilespmem:$0x10400] =	vst v63  }
0x1d: {  	_ =	swait.ge [sflag:s6], $0x200  }
0x1e: {  	s25 =	rddreg [dreg:$0x7];
	[sflag:s6] =	ssyncset.done $0x0  }
0x1f: {  	s18 =	rddreg [dreg:$0x18];
	[sflag:s6] =	ssyncadd.s32 $0xFFFFFE00  }
0x20: {  	[tilespmem:s18], [sflag:$0x3] =	stream.linear.gather [hbm4b:s25+s4], $0x200, $0x38;
	[tilespmem:$0x10400] =	vst v63  }
0x21: {  	_ =	swait.ge [sflag:s6], $0x200  }
0x22: {  	[sflag:s6] =	ssyncset.done $0x0  }
0x23: {  	[sflag:s6] =	ssyncadd.s32 $0xFFFFFE00  }
0x24: {  	v3 =	vld [tilespmem:$0x0];
	_ =	sdelay $0x4  }
0x25: {  	v4 =	vshll.u32 v3, $0x1  }
0x26: {  	v3 =	vand.u32 $0x7, v3;
	v4 =	vand.u32 $0xFFFFFFF0, v4  }
0x27: {  	v3 =	vor.u32 v3, v4  }
0x28: {  	v4 =	vperm.xlane v3, v0;
	_ =	sdelay $0x1  }
0x29: {  	v3 =	vperm.xlane v3, v2;
	v4 =	vadd.s32 v1, v4;
	_ =	sdelay $0x1  }
0x2a: {  	v3 =	vadd.s32 v1, v3;
	_ =	sdelay $0x2  }
0x2b: {  	[tilespmem:s9], [sflag:$0x1] =	stream.indirect_vreg.gather [hbm4b:s1+s4], $0x80, v4, vm0, $0xb8;
	[tilespmem:$0x10400] =	vst v63  }
0x2c: {  	s0 =	simm.s32 $0xC00  }
0x2d: {  	[tilespmem:s0], [sflag:$0x1] =	stream.indirect_vreg.gather [hbm4b:s1+s4], $0x80, v3, vm0, $0xb8;
	[tilespmem:$0x10400] =	vst v63  }
0x2e: {  	v3 =	vld [tilespmem:$0x10];
	_ =	sdelay $0x4  }
0x2f: {  	v57 =	vshll.u32 v3, $0x1  }
0x30: {  	v3 =	vand.u32 $0x7, v3;
	v4 =	vand.u32 $0xFFFFFFF0, v57  }
0x31: {  	v3 =	vor.u32 v3, v4  }
0x32: {  	v4 =	vperm.xlane v3, v0;
	_ =	sdelay $0x1  }
0x33: {  	v3 =	vperm.xlane v3, v2;
	v4 =	vadd.s32 v1, v4;
	_ =	sdelay $0x1  }
0x34: {  	v3 =	vadd.s32 v1, v3;
	_ =	sdelay $0x1  }
0x35: {  	s26 =	simm.s32 $0x1400  }
0x36: {  	[tilespmem:s26], [sflag:$0x1] =	stream.indirect_vreg.gather [hbm4b:s1+s4], $0x80, v4, vm0, $0xb8;
	[tilespmem:$0x10400] =	vst v63  }
0x37: {  	s28 =	simm.s32 $0x1C00  }
0x38: {  	[tilespmem:s28], [sflag:$0x1] =	stream.indirect_vreg.gather [hbm4b:s1+s4], $0x80, v3, vm0, $0xb8;
	[tilespmem:$0x10400] =	vst v63  }
0x39: {  	v3 =	vld [tilespmem:$0x20];
	_ =	sdelay $0x4  }
0x3a: {  	v58 =	vshll.u32 v3, $0x1  }
0x3b: {  	v3 =	vand.u32 $0x7, v3;
	v4 =	vand.u32 $0xFFFFFFF0, v58  }
0x3c: {  	v3 =	vor.u32 v3, v4  }
0x3d: {  	v4 =	vperm.xlane v3, v0;
	_ =	sdelay $0x1  }
0x3e: {  	v3 =	vperm.xlane v3, v2;
	v4 =	vadd.s32 v1, v4;
	_ =	sdelay $0x1  }
0x3f: {  	v3 =	vadd.s32 v1, v3;
	_ =	sdelay $0x1  }
0x40: {  	s29 =	simm.s32 $0x2400  }
0x41: {  	[tilespmem:s29], [sflag:$0x1] =	stream.indirect_vreg.gather [hbm4b:s1+s4], $0x80, v4, vm0, $0xb8;
	[tilespmem:$0x10400] =	vst v63  }
0x42: {  	s30 =	simm.s32 $0x2C00  }
0x43: {  	[tilespmem:s30], [sflag:$0x1] =	stream.indirect_vreg.gather [hbm4b:s1+s4], $0x80, v3, vm0, $0xb8;
	[tilespmem:$0x10400] =	vst v63  }
0x44: {  	v3 =	vld [tilespmem:$0x30];
	_ =	sdelay $0x4  }
0x45: {  	v59 =	vshll.u32 v3, $0x1  }
0x46: {  	v3 =	vand.u32 $0x7, v3;
	v4 =	vand.u32 $0xFFFFFFF0, v59  }
0x47: {  	v3 =	vor.u32 v3, v4  }
0x48: {  	v4 =	vperm.xlane v3, v0;
	_ =	sdelay $0x1  }
0x49: {  	v3 =	vperm.xlane v3, v2;
	v4 =	vadd.s32 v1, v4;
	_ =	sdelay $0x1  }
0x4a: {  	v3 =	vadd.s32 v1, v3;
	_ =	sdelay $0x1  }
0x4b: {  	s31 =	simm.s32 $0x3400  }
0x4c: {  	[tilespmem:s31], [sflag:$0x1] =	stream.indirect_vreg.gather [hbm4b:s1+s4], $0x80, v4, vm0, $0xb8;
	[tilespmem:$0x10400] =	vst v63  }
0x4d: {  	s7 =	simm.s32 $0x3C00  }
0x4e: {  	[tilespmem:s7], [sflag:$0x1] =	stream.indirect_vreg.gather [hbm4b:s1+s4], $0x80, v3, vm0, $0xb8;
	[tilespmem:$0x10400] =	vst v63  }
0x4f: {  	v3 =	vld [tilespmem:$0x200];
	_ =	sdelay $0x4  }
0x50: {  	v60 =	vshll.u32 v3, $0x1  }
0x51: {  	v3 =	vand.u32 $0x7, v3;
	v4 =	vand.u32 $0xFFFFFFF0, v60  }
0x52: {  	v3 =	vor.u32 v3, v4  }
0x53: {  	v4 =	vperm.xlane v3, v0;
	_ =	sdelay $0x1  }
0x54: {  	v3 =	vperm.xlane v3, v2;
	v4 =	vadd.s32 v1, v4;
	_ =	sdelay $0x1  }
0x55: {  	v3 =	vadd.s32 v1, v3;
	_ =	sdelay $0x2  }
0x56: {  	[tilespmem:s15], [sflag:$0x1] =	stream.indirect_vreg.gather [hbm4b:s3+s4], $0x80, v4, vm0, $0xb8;
	[tilespmem:$0x10400] =	vst v63  }
0x57: {  	s8 =	simm.s32 $0x8C00  }
0x58: {  	[tilespmem:s8], [sflag:$0x1] =	stream.indirect_vreg.gather [hbm4b:s3+s4], $0x80, v3, vm0, $0xb8;
	[tilespmem:$0x10400] =	vst v63  }
0x59: {  	v3 =	vld [tilespmem:$0x210];
	_ =	sdelay $0x4  }
0x5a: {  	v61 =	vshll.u32 v3, $0x1  }
0x5b: {  	v3 =	vand.u32 $0x7, v3;
	v4 =	vand.u32 $0xFFFFFFF0, v61  }
0x5c: {  	v3 =	vor.u32 v3, v4  }
0x5d: {  	v4 =	vperm.xlane v3, v0;
	_ =	sdelay $0x1  }
0x5e: {  	v3 =	vperm.xlane v3, v2;
	v4 =	vadd.s32 v1, v4;
	_ =	sdelay $0x1  }
0x5f: {  	v3 =	vadd.s32 v1, v3;
	_ =	sdelay $0x1  }
0x60: {  	s10 =	simm.s32 $0x9400  }
0x61: {  	[tilespmem:s10], [sflag:$0x1] =	stream.indirect_vreg.gather [hbm4b:s3+s4], $0x80, v4, vm0, $0xb8;
	[tilespmem:$0x10400] =	vst v63  }
0x62: {  	s11 =	simm.s32 $0x9C00  }
0x63: {  	[tilespmem:s11], [sflag:$0x1] =	stream.indirect_vreg.gather [hbm4b:s3+s4], $0x80, v3, vm0, $0xb8;
	[tilespmem:$0x10400] =	vst v63  }
0x64: {  	v3 =	vld [tilespmem:$0x220];
	_ =	sdelay $0x4  }
0x65: {  	v62 =	vshll.u32 v3, $0x1  }
0x66: {  	v3 =	vand.u32 $0x7, v3;
	v4 =	vand.u32 $0xFFFFFFF0, v62  }
0x67: {  	v3 =	vor.u32 v3, v4  }
0x68: {  	v4 =	vperm.xlane v3, v0;
	_ =	sdelay $0x1  }
0x69: {  	v3 =	vperm.xlane v3, v2;
	v4 =	vadd.s32 v1, v4;
	_ =	sdelay $0x1  }
0x6a: {  	v3 =	vadd.s32 v1, v3;
	_ =	sdelay $0x1  }
0x6b: {  	s13 =	simm.s32 $0xA400  }
0x6c: {  	[tilespmem:s13], [sflag:$0x1] =	stream.indirect_vreg.gather [hbm4b:s3+s4], $0x80, v4, vm0, $0xb8;
	[tilespmem:$0x10400] =	vst v63  }
0x6d: {  	s17 =	simm.s32 $0xAC00  }
0x6e: {  	[tilespmem:s17], [sflag:$0x1] =	stream.indirect_vreg.gather [hbm4b:s3+s4], $0x80, v3, vm0, $0xb8;
	[tilespmem:$0x10400] =	vst v63  }
0x6f: {  	v3 =	vld [tilespmem:$0x230];
	_ =	sdelay $0x4  }
0x70: {  	v63 =	vshll.u32 v3, $0x1  }
0x71: {  	v3 =	vand.u32 $0x7, v3;
	v4 =	vand.u32 $0xFFFFFFF0, v63  }
0x72: {  	v3 =	vor.u32 v3, v4  }
0x73: {  	v4 =	vperm.xlane v3, v0;
	_ =	sdelay $0x1  }
0x74: {  	v3 =	vperm.xlane v3, v2;
	v4 =	vadd.s32 v1, v4;
	_ =	sdelay $0x1  }
0x75: {  	v3 =	vadd.s32 v1, v3;
	_ =	sdelay $0x1  }
0x76: {  	s18 =	simm.s32 $0xB400  }
0x77: {  	[tilespmem:s18], [sflag:$0x1] =	stream.indirect_vreg.gather [hbm4b:s3+s4], $0x80, v4, vm0, $0xb8;
	[tilespmem:$0x10400] =	vst v63  }
0x78: {  	s19 =	simm.s32 $0xBC00  }
0x79: {  	[tilespmem:s19], [sflag:$0x1] =	stream.indirect_vreg.gather [hbm4b:s3+s4], $0x80, v3, vm0, $0xb8;
	[tilespmem:$0x10400] =	vst v63  }
0x7a: {  	v3 =	vld [tilespmem:$0x40];
	_ =	sdelay $0x4  }
0x7b: {  	v8 =	vshll.u32 v3, $0x1  }
0x7c: {  	v3 =	vand.u32 $0x7, v3;
	v4 =	vand.u32 $0xFFFFFFF0, v8  }
0x7d: {  	v3 =	vor.u32 v3, v4  }
0x7e: {  	v4 =	vperm.xlane v3, v0;
	_ =	sdelay $0x1  }
0x7f: {  	v3 =	vperm.xlane v3, v2;
	v4 =	vadd.s32 v1, v4;
	_ =	sdelay $0x1  }
0x80: {  	v3 =	vadd.s32 v1, v3;
	_ =	sdelay $0x2  }
0x81: {  	[tilespmem:s23], [sflag:$0x2] =	stream.indirect_vreg.gather [hbm4b:s1+s4], $0x80, v4, vm0, $0xb8;
	[tilespmem:$0x10400] =	vst v63  }
0x82: {  	s20 =	simm.s32 $0x4C00  }
0x83: {  	[tilespmem:s20], [sflag:$0x2] =	stream.indirect_vreg.gather [hbm4b:s1+s4], $0x80, v3, vm0, $0xb8;
	[tilespmem:$0x10400] =	vst v63  }
0x84: {  	v3 =	vld [tilespmem:$0x50];
	_ =	sdelay $0x4  }
0x85: {  	v9 =	vshll.u32 v3, $0x1  }
0x86: {  	v3 =	vand.u32 $0x7, v3;
	v4 =	vand.u32 $0xFFFFFFF0, v9  }
0x87: {  	v3 =	vor.u32 v3, v4  }
0x88: {  	v4 =	vperm.xlane v3, v0;
	_ =	sdelay $0x1  }
0x89: {  	v3 =	vperm.xlane v3, v2;
	v4 =	vadd.s32 v1, v4;
	_ =	sdelay $0x1  }
0x8a: {  	v3 =	vadd.s32 v1, v3;
	_ =	sdelay $0x1  }
0x8b: {  	s21 =	simm.s32 $0x5400  }
0x8c: {  	[tilespmem:s21], [sflag:$0x2] =	stream.indirect_vreg.gather [hbm4b:s1+s4], $0x80, v4, vm0, $0xb8;
	[tilespmem:$0x10400] =	vst v63  }
0x8d: {  	s24 =	simm.s32 $0x5C00  }
0x8e: {  	[tilespmem:s24], [sflag:$0x2] =	stream.indirect_vreg.gather [hbm4b:s1+s4], $0x80, v3, vm0, $0xb8;
	[tilespmem:$0x10400] =	vst v63  }
0x8f: {  	v3 =	vld [tilespmem:$0x60];
	_ =	sdelay $0x4  }
0x90: {  	v10 =	vshll.u32 v3, $0x1  }
0x91: {  	v3 =	vand.u32 $0x7, v3;
	v4 =	vand.u32 $0xFFFFFFF0, v10  }
0x92: {  	v3 =	vor.u32 v3, v4  }
0x93: {  	v4 =	vperm.xlane v3, v0;
	_ =	sdelay $0x1  }
0x94: {  	v3 =	vperm.xlane v3, v2;
	v4 =	vadd.s32 v1, v4;
	_ =	sdelay $0x1  }
0x95: {  	v3 =	vadd.s32 v1, v3;
	_ =	sdelay $0x1  }
0x96: {  	s28 =	simm.s32 $0x6400  }
0x97: {  	[tilespmem:s28], [sflag:$0x2] =	stream.indirect_vreg.gather [hbm4b:s1+s4], $0x80, v4, vm0, $0xb8;
	[tilespmem:$0x10400] =	vst v63  }
0x98: {  	s30 =	simm.s32 $0x6C00  }
0x99: {  	[tilespmem:s30], [sflag:$0x2] =	stream.indirect_vreg.gather [hbm4b:s1+s4], $0x80, v3, vm0, $0xb8;
	[tilespmem:$0x10400] =	vst v63  }
0x9a: {  	v3 =	vld [tilespmem:$0x70];
	_ =	sdelay $0x4  }
0x9b: {  	v11 =	vshll.u32 v3, $0x1  }
0x9c: {  	v3 =	vand.u32 $0x7, v3;
	v4 =	vand.u32 $0xFFFFFFF0, v11  }
0x9d: {  	v3 =	vor.u32 v3, v4  }
0x9e: {  	v4 =	vperm.xlane v3, v0;
	_ =	sdelay $0x1  }
0x9f: {  	v3 =	vperm.xlane v3, v2;
	v4 =	vadd.s32 v1, v4;
	_ =	sdelay $0x1  }
0xa0: {  	v3 =	vadd.s32 v1, v3;
	_ =	sdelay $0x1  }
0xa1: {  	s31 =	simm.s32 $0x7400  }
0xa2: {  	[tilespmem:s31], [sflag:$0x2] =	stream.indirect_vreg.gather [hbm4b:s1+s4], $0x80, v4, vm0, $0xb8;
	[tilespmem:$0x10400] =	vst v63  }
0xa3: {  	s0 =	simm.s32 $0x7C00  }
0xa4: {  	[tilespmem:s0], [sflag:$0x2] =	stream.indirect_vreg.gather [hbm4b:s1+s4], $0x80, v3, vm0, $0xb8;
	[tilespmem:$0x10400] =	vst v63  }
0xa5: {  	v3 =	vld [tilespmem:$0x240];
	_ =	sdelay $0x4  }
0xa6: {  	v12 =	vshll.u32 v3, $0x1  }
0xa7: {  	v3 =	vand.u32 $0x7, v3;
	v4 =	vand.u32 $0xFFFFFFF0, v12  }
0xa8: {  	v3 =	vor.u32 v3, v4  }
0xa9: {  	v4 =	vperm.xlane v3, v0;
	_ =	sdelay $0x1  }
0xaa: {  	v3 =	vperm.xlane v3, v2;
	v4 =	vadd.s32 v1, v4;
	_ =	sdelay $0x1  }
0xab: {  	v3 =	vadd.s32 v1, v3;
	_ =	sdelay $0x2  }
0xac: {  	[tilespmem:s2], [sflag:$0x2] =	stream.indirect_vreg.gather [hbm4b:s3+s4], $0x80, v4, vm0, $0xb8;
	[tilespmem:$0x10400] =	vst v63  }
0xad: {  	s8 =	simm.s32 $0xCC00  }
0xae: {  	[tilespmem:s8], [sflag:$0x2] =	stream.indirect_vreg.gather [hbm4b:s3+s4], $0x80, v3, vm0, $0xb8;
	[tilespmem:$0x10400] =	vst v63  }
0xaf: {  	v3 =	vld [tilespmem:$0x250];
	_ =	sdelay $0x4  }
0xb0: {  	v13 =	vshll.u32 v3, $0x1  }
0xb1: {  	v3 =	vand.u32 $0x7, v3;
	v4 =	vand.u32 $0xFFFFFFF0, v13  }
0xb2: {  	v3 =	vor.u32 v3, v4  }
0xb3: {  	v4 =	vperm.xlane v3, v0;
	_ =	sdelay $0x1  }
0xb4: {  	v3 =	vperm.xlane v3, v2;
	v4 =	vadd.s32 v1, v4;
	_ =	sdelay $0x1  }
0xb5: {  	v3 =	vadd.s32 v1, v3;
	_ =	sdelay $0x1  }
0xb6: {  	s10 =	simm.s32 $0xD400  }
0xb7: {  	[tilespmem:s10], [sflag:$0x2] =	stream.indirect_vreg.gather [hbm4b:s3+s4], $0x80, v4, vm0, $0xb8;
	[tilespmem:$0x10400] =	vst v63  }
0xb8: {  	s11 =	simm.s32 $0xDC00  }
0xb9: {  	[tilespmem:s11], [sflag:$0x2] =	stream.indirect_vreg.gather [hbm4b:s3+s4], $0x80, v3, vm0, $0xb8;
	[tilespmem:$0x10400] =	vst v63  }
0xba: {  	v3 =	vld [tilespmem:$0x260];
	_ =	sdelay $0x4  }
0xbb: {  	v14 =	vshll.u32 v3, $0x1  }
0xbc: {  	v3 =	vand.u32 $0x7, v3;
	v4 =	vand.u32 $0xFFFFFFF0, v14  }
0xbd: {  	v3 =	vor.u32 v3, v4  }
0xbe: {  	v4 =	vperm.xlane v3, v0;
	_ =	sdelay $0x1  }
0xbf: {  	v3 =	vperm.xlane v3, v2;
	v4 =	vadd.s32 v1, v4;
	_ =	sdelay $0x1  }
0xc0: {  	v3 =	vadd.s32 v1, v3;
	_ =	sdelay $0x1  }
0xc1: {  	s13 =	simm.s32 $0xE400  }
0xc2: {  	[tilespmem:s13], [sflag:$0x2] =	stream.indirect_vreg.gather [hbm4b:s3+s4], $0x80, v4, vm0, $0xb8;
	[tilespmem:$0x10400] =	vst v63  }
0xc3: {  	s20 =	simm.s32 $0xEC00  }
0xc4: {  	[tilespmem:s20], [sflag:$0x2] =	stream.indirect_vreg.gather [hbm4b:s3+s4], $0x80, v3, vm0, $0xb8;
	[tilespmem:$0x10400] =	vst v63  }
0xc5: {  	v3 =	vld [tilespmem:$0x270];
	_ =	sdelay $0x4  }
0xc6: {  	v15 =	vshll.u32 v3, $0x1  }
0xc7: {  	v3 =	vand.u32 $0x7, v3;
	v4 =	vand.u32 $0xFFFFFFF0, v15  }
0xc8: {  	v3 =	vor.u32 v3, v4  }
0xc9: {  	v4 =	vperm.xlane v3, v0;
	_ =	sdelay $0x1  }
0xca: {  	v3 =	vperm.xlane v3, v2;
	v4 =	vadd.s32 v1, v4;
	_ =	sdelay $0x1  }
0xcb: {  	v3 =	vadd.s32 v1, v3;
	_ =	sdelay $0x1  }
0xcc: {  	s24 =	simm.s32 $0xF400  }
0xcd: {  	[tilespmem:s24], [sflag:$0x2] =	stream.indirect_vreg.gather [hbm4b:s3+s4], $0x80, v4, vm0, $0xb8;
	[tilespmem:$0x10400] =	vst v63  }
0xce: {  	s28 =	simm.s32 $0xFC00  }
0xcf: {  	[tilespmem:s28], [sflag:$0x2] =	stream.indirect_vreg.gather [hbm4b:s3+s4], $0x80, v3, vm0, $0xb8;
	[tilespmem:$0x10400] =	vst v63  }
0xd0: {  	_ =	swait.ge [sflag:s14], $0x4000  }
0xd1: {  	[sflag:s14] =	ssyncset.done $0x0  }
0xd2: {  	[sflag:s14] =	ssyncadd.s32 $0xFFFFC000  }
0xd3: {  	_ =	swait.ge [sflag:s14], $0x4000  }
0xd4: {  	[sflag:s14] =	ssyncset.done $0x0  }
0xd5: {  	s30 =	rddreg [dreg:$0x8];
	[sflag:s14] =	ssyncadd.s32 $0xFFFFC000  }
0xd6: {  	[hbm4b:s30+s4] =	stream.linear.scatter [tilespmem:s9], [sflag:$0x3], $0x4000, $0x38;
	[tilespmem:$0x10400] =	vst v63  }
0xd7: {  	_ =	swait.ge [sflag:s6], $0x4000  }
0xd8: {  	[sflag:s6] =	ssyncset.done $0x0  }
0xd9: {  	s31 =	rddreg [dreg:$0x9];
	[sflag:s6] =	ssyncadd.s32 $0xFFFFC000  }
0xda: {  	[hbm4b:s31+s4] =	stream.linear.scatter [tilespmem:s15], [sflag:$0x3], $0x4000, $0x38;
	[tilespmem:$0x10400] =	vst v63  }
0xdb: {  	_ =	swait.ge [sflag:s6], $0x4000  }
0xdc: {  	[sflag:s6] =	ssyncset.done $0x0  }
0xdd: {  	[sflag:s6] =	ssyncadd.s32 $0xFFFFC000  }
0xde: {  	v3 =	vld [tilespmem:$0x80];
	_ =	sdelay $0x4  }
0xdf: {  	v16 =	vshll.u32 v3, $0x1  }
0xe0: {  	v3 =	vand.u32 $0x7, v3;
	v4 =	vand.u32 $0xFFFFFFF0, v16  }
0xe1: {  	v3 =	vor.u32 v3, v4  }
0xe2: {  	v4 =	vperm.xlane v3, v0;
	_ =	sdelay $0x1  }
0xe3: {  	v3 =	vperm.xlane v3, v2;
	v4 =	vadd.s32 v1, v4;
	_ =	sdelay $0x1  }
0xe4: {  	v3 =	vadd.s32 v1, v3;
	_ =	sdelay $0x2  }
0xe5: {  	[tilespmem:s9], [sflag:$0x1] =	stream.indirect_vreg.gather [hbm4b:s1+s4], $0x80, v4, vm0, $0xb8;
	[tilespmem:$0x10400] =	vst v63  }
0xe6: {  	s22 =	simm.s32 $0xC00  }
0xe7: {  	[tilespmem:s22], [sflag:$0x1] =	stream.indirect_vreg.gather [hbm4b:s1+s4], $0x80, v3, vm0, $0xb8;
	[tilespmem:$0x10400] =	vst v63  }
0xe8: {  	v3 =	vld [tilespmem:$0x90];
	_ =	sdelay $0x4  }
0xe9: {  	v17 =	vshll.u32 v3, $0x1  }
0xea: {  	v3 =	vand.u32 $0x7, v3;
	v4 =	vand.u32 $0xFFFFFFF0, v17  }
0xeb: {  	v3 =	vor.u32 v3, v4  }
0xec: {  	v4 =	vperm.xlane v3, v0;
	_ =	sdelay $0x1  }
0xed: {  	v3 =	vperm.xlane v3, v2;
	v4 =	vadd.s32 v1, v4;
	_ =	sdelay $0x1  }
0xee: {  	v3 =	vadd.s32 v1, v3;
	_ =	sdelay $0x1  }
0xef: {  	s12 =	simm.s32 $0x1400  }
0xf0: {  	[tilespmem:s12], [sflag:$0x1] =	stream.indirect_vreg.gather [hbm4b:s1+s4], $0x80, v4, vm0, $0xb8;
	[tilespmem:$0x10400] =	vst v63  }
0xf1: {  	s25 =	simm.s32 $0x1C00  }
0xf2: {  	[tilespmem:s25], [sflag:$0x1] =	stream.indirect_vreg.gather [hbm4b:s1+s4], $0x80, v3, vm0, $0xb8;
	[tilespmem:$0x10400] =	vst v63  }
0xf3: {  	v3 =	vld [tilespmem:$0xA0];
	_ =	sdelay $0x4  }
0xf4: {  	v18 =	vshll.u32 v3, $0x1  }
0xf5: {  	v3 =	vand.u32 $0x7, v3;
	v4 =	vand.u32 $0xFFFFFFF0, v18  }
0xf6: {  	v3 =	vor.u32 v3, v4  }
0xf7: {  	v4 =	vperm.xlane v3, v0;
	_ =	sdelay $0x1  }
0xf8: {  	v3 =	vperm.xlane v3, v2;
	v4 =	vadd.s32 v1, v4;
	_ =	sdelay $0x1  }
0xf9: {  	v3 =	vadd.s32 v1, v3;
	_ =	sdelay $0x1  }
0xfa: {  	s22 =	simm.s32 $0x2400  }
0xfb: {  	[tilespmem:s22], [sflag:$0x1] =	stream.indirect_vreg.gather [hbm4b:s1+s4], $0x80, v4, vm0, $0xb8;
	[tilespmem:$0x10400] =	vst v63  }
0xfc: {  	s28 =	simm.s32 $0x2C00  }
0xfd: {  	[tilespmem:s28], [sflag:$0x1] =	stream.indirect_vreg.gather [hbm4b:s1+s4], $0x80, v3, vm0, $0xb8;
	[tilespmem:$0x10400] =	vst v63  }
0xfe: {  	v3 =	vld [tilespmem:$0xB0];
	_ =	sdelay $0x4  }
0xff: {  	v19 =	vshll.u32 v3, $0x1  }
0x100: {  	v3 =	vand.u32 $0x7, v3;
	v4 =	vand.u32 $0xFFFFFFF0, v19  }
0x101: {  	v3 =	vor.u32 v3, v4  }
0x102: {  	v4 =	vperm.xlane v3, v0;
	_ =	sdelay $0x1  }
0x103: {  	v3 =	vperm.xlane v3, v2;
	v4 =	vadd.s32 v1, v4;
	_ =	sdelay $0x1  }
0x104: {  	v3 =	vadd.s32 v1, v3;
	_ =	sdelay $0x1  }
0x105: {  	s25 =	simm.s32 $0x3400  }
0x106: {  	[tilespmem:s25], [sflag:$0x1] =	stream.indirect_vreg.gather [hbm4b:s1+s4], $0x80, v4, vm0, $0xb8;
	[tilespmem:$0x10400] =	vst v63  }
0x107: {  	s30 =	simm.s32 $0x3C00  }
0x108: {  	[tilespmem:s30], [sflag:$0x1] =	stream.indirect_vreg.gather [hbm4b:s1+s4], $0x80, v3, vm0, $0xb8;
	[tilespmem:$0x10400] =	vst v63  }
0x109: {  	v3 =	vld [tilespmem:$0x280];
	_ =	sdelay $0x4  }
0x10a: {  	v20 =	vshll.u32 v3, $0x1  }
0x10b: {  	v3 =	vand.u32 $0x7, v3;
	v4 =	vand.u32 $0xFFFFFFF0, v20  }
0x10c: {  	v3 =	vor.u32 v3, v4  }
0x10d: {  	v4 =	vperm.xlane v3, v0;
	_ =	sdelay $0x1  }
0x10e: {  	v3 =	vperm.xlane v3, v2;
	v4 =	vadd.s32 v1, v4;
	_ =	sdelay $0x1  }
0x10f: {  	v3 =	vadd.s32 v1, v3;
	_ =	sdelay $0x2  }
0x110: {  	[tilespmem:s15], [sflag:$0x1] =	stream.indirect_vreg.gather [hbm4b:s3+s4], $0x80, v4, vm0, $0xb8;
	[tilespmem:$0x10400] =	vst v63  }
0x111: {  	s31 =	simm.s32 $0x8C00  }
0x112: {  	[tilespmem:s31], [sflag:$0x1] =	stream.indirect_vreg.gather [hbm4b:s3+s4], $0x80, v3, vm0, $0xb8;
	[tilespmem:$0x10400] =	vst v63  }
0x113: {  	v3 =	vld [tilespmem:$0x290];
	_ =	sdelay $0x4  }
0x114: {  	v21 =	vshll.u32 v3, $0x1  }
0x115: {  	v3 =	vand.u32 $0x7, v3;
	v4 =	vand.u32 $0xFFFFFFF0, v21  }
0x116: {  	v3 =	vor.u32 v3, v4  }
0x117: {  	v4 =	vperm.xlane v3, v0;
	_ =	sdelay $0x1  }
0x118: {  	v3 =	vperm.xlane v3, v2;
	v4 =	vadd.s32 v1, v4;
	_ =	sdelay $0x1  }
0x119: {  	v3 =	vadd.s32 v1, v3;
	_ =	sdelay $0x1  }
0x11a: {  	s26 =	simm.s32 $0x9400  }
0x11b: {  	[tilespmem:s26], [sflag:$0x1] =	stream.indirect_vreg.gather [hbm4b:s3+s4], $0x80, v4, vm0, $0xb8;
	[tilespmem:$0x10400] =	vst v63  }
0x11c: {  	s20 =	simm.s32 $0x9C00  }
0x11d: {  	[tilespmem:s20], [sflag:$0x1] =	stream.indirect_vreg.gather [hbm4b:s3+s4], $0x80, v3, vm0, $0xb8;
	[tilespmem:$0x10400] =	vst v63  }
0x11e: {  	v3 =	vld [tilespmem:$0x2A0];
	_ =	sdelay $0x4  }
0x11f: {  	v22 =	vshll.u32 v3, $0x1  }
0x120: {  	v3 =	vand.u32 $0x7, v3;
	v4 =	vand.u32 $0xFFFFFFF0, v22  }
0x121: {  	v3 =	vor.u32 v3, v4  }
0x122: {  	v4 =	vperm.xlane v3, v0;
	_ =	sdelay $0x1  }
0x123: {  	v3 =	vperm.xlane v3, v2;
	v4 =	vadd.s32 v1, v4;
	_ =	sdelay $0x1  }
0x124: {  	v3 =	vadd.s32 v1, v3;
	_ =	sdelay $0x1  }
0x125: {  	s29 =	simm.s32 $0xA400  }
0x126: {  	[tilespmem:s29], [sflag:$0x1] =	stream.indirect_vreg.gather [hbm4b:s3+s4], $0x80, v4, vm0, $0xb8;
	[tilespmem:$0x10400] =	vst v63  }
0x127: {  	s8 =	simm.s32 $0xAC00  }
0x128: {  	[tilespmem:s8], [sflag:$0x1] =	stream.indirect_vreg.gather [hbm4b:s3+s4], $0x80, v3, vm0, $0xb8;
	[tilespmem:$0x10400] =	vst v63  }
0x129: {  	v3 =	vld [tilespmem:$0x2B0];
	_ =	sdelay $0x4  }
0x12a: {  	v23 =	vshll.u32 v3, $0x1  }
0x12b: {  	v3 =	vand.u32 $0x7, v3;
	v4 =	vand.u32 $0xFFFFFFF0, v23  }
0x12c: {  	v3 =	vor.u32 v3, v4  }
0x12d: {  	v4 =	vperm.xlane v3, v0;
	_ =	sdelay $0x1  }
0x12e: {  	v3 =	vperm.xlane v3, v2;
	v4 =	vadd.s32 v1, v4;
	_ =	sdelay $0x1  }
0x12f: {  	v3 =	vadd.s32 v1, v3;
	_ =	sdelay $0x1  }
0x130: {  	s26 =	simm.s32 $0xB400  }
0x131: {  	[tilespmem:s26], [sflag:$0x1] =	stream.indirect_vreg.gather [hbm4b:s3+s4], $0x80, v4, vm0, $0xb8;
	[tilespmem:$0x10400] =	vst v63  }
0x132: {  	s29 =	simm.s32 $0xBC00  }
0x133: {  	[tilespmem:s29], [sflag:$0x1] =	stream.indirect_vreg.gather [hbm4b:s3+s4], $0x80, v3, vm0, $0xb8;
	[tilespmem:$0x10400] =	vst v63  }
0x134: {  	_ =	swait.ge [sflag:s16], $0x4000  }
0x135: {  	[sflag:s16] =	ssyncset.done $0x0  }
0x136: {  	[sflag:s16] =	ssyncadd.s32 $0xFFFFC000  }
0x137: {  	_ =	swait.ge [sflag:s16], $0x4000  }
0x138: {  	[sflag:s16] =	ssyncset.done $0x0  }
0x139: {  	s0 =	rddreg [dreg:$0xa];
	[sflag:s16] =	ssyncadd.s32 $0xFFFFC000  }
0x13a: {  	[hbm4b:s0+s4] =	stream.linear.scatter [tilespmem:s23], [sflag:$0x3], $0x4000, $0x38;
	[tilespmem:$0x10400] =	vst v63  }
0x13b: {  	_ =	swait.ge [sflag:s6], $0x4000  }
0x13c: {  	[sflag:s6] =	ssyncset.done $0x0  }
0x13d: {  	s12 =	rddreg [dreg:$0xb];
	[sflag:s6] =	ssyncadd.s32 $0xFFFFC000  }
0x13e: {  	[hbm4b:s12+s4] =	stream.linear.scatter [tilespmem:s2], [sflag:$0x3], $0x4000, $0x38;
	[tilespmem:$0x10400] =	vst v63  }
0x13f: {  	_ =	swait.ge [sflag:s6], $0x4000  }
0x140: {  	[sflag:s6] =	ssyncset.done $0x0  }
0x141: {  	[sflag:s6] =	ssyncadd.s32 $0xFFFFC000  }
0x142: {  	v3 =	vld [tilespmem:$0xC0];
	_ =	sdelay $0x4  }
0x143: {  	v24 =	vshll.u32 v3, $0x1  }
0x144: {  	v3 =	vand.u32 $0x7, v3;
	v4 =	vand.u32 $0xFFFFFFF0, v24  }
0x145: {  	v3 =	vor.u32 v3, v4  }
0x146: {  	v4 =	vperm.xlane v3, v0;
	_ =	sdelay $0x1  }
0x147: {  	v3 =	vperm.xlane v3, v2;
	v4 =	vadd.s32 v1, v4;
	_ =	sdelay $0x1  }
0x148: {  	v3 =	vadd.s32 v1, v3;
	_ =	sdelay $0x2  }
0x149: {  	[tilespmem:s23], [sflag:$0x2] =	stream.indirect_vreg.gather [hbm4b:s1+s4], $0x80, v4, vm0, $0xb8;
	[tilespmem:$0x10400] =	vst v63  }
0x14a: {  	s7 =	simm.s32 $0x4C00  }
0x14b: {  	[tilespmem:s7], [sflag:$0x2] =	stream.indirect_vreg.gather [hbm4b:s1+s4], $0x80, v3, vm0, $0xb8;
	[tilespmem:$0x10400] =	vst v63  }
0x14c: {  	v3 =	vld [tilespmem:$0xD0];
	_ =	sdelay $0x4  }
0x14d: {  	v25 =	vshll.u32 v3, $0x1  }
0x14e: {  	v3 =	vand.u32 $0x7, v3;
	v4 =	vand.u32 $0xFFFFFFF0, v25  }
0x14f: {  	v3 =	vor.u32 v3, v4  }
0x150: {  	v4 =	vperm.xlane v3, v0;
	_ =	sdelay $0x1  }
0x151: {  	v3 =	vperm.xlane v3, v2;
	v4 =	vadd.s32 v1, v4;
	_ =	sdelay $0x1  }
0x152: {  	v3 =	vadd.s32 v1, v3;
	_ =	sdelay $0x1  }
0x153: {  	s0 =	simm.s32 $0x5400  }
0x154: {  	[tilespmem:s0], [sflag:$0x2] =	stream.indirect_vreg.gather [hbm4b:s1+s4], $0x80, v4, vm0, $0xb8;
	[tilespmem:$0x10400] =	vst v63  }
0x155: {  	s12 =	simm.s32 $0x5C00  }
0x156: {  	[tilespmem:s12], [sflag:$0x2] =	stream.indirect_vreg.gather [hbm4b:s1+s4], $0x80, v3, vm0, $0xb8;
	[tilespmem:$0x10400] =	vst v63  }
0x157: {  	v3 =	vld [tilespmem:$0xE0];
	_ =	sdelay $0x4  }
0x158: {  	v26 =	vshll.u32 v3, $0x1  }
0x159: {  	v3 =	vand.u32 $0x7, v3;
	v4 =	vand.u32 $0xFFFFFFF0, v26  }
0x15a: {  	v3 =	vor.u32 v3, v4  }
0x15b: {  	v4 =	vperm.xlane v3, v0;
	_ =	sdelay $0x1  }
0x15c: {  	v3 =	vperm.xlane v3, v2;
	v4 =	vadd.s32 v1, v4;
	_ =	sdelay $0x1  }
0x15d: {  	v3 =	vadd.s32 v1, v3;
	_ =	sdelay $0x1  }
0x15e: {  	s7 =	simm.s32 $0x6400  }
0x15f: {  	[tilespmem:s7], [sflag:$0x2] =	stream.indirect_vreg.gather [hbm4b:s1+s4], $0x80, v4, vm0, $0xb8;
	[tilespmem:$0x10400] =	vst v63  }
0x160: {  	s18 =	simm.s32 $0x6C00  }
0x161: {  	[tilespmem:s18], [sflag:$0x2] =	stream.indirect_vreg.gather [hbm4b:s1+s4], $0x80, v3, vm0, $0xb8;
	[tilespmem:$0x10400] =	vst v63  }
0x162: {  	v3 =	vld [tilespmem:$0xF0];
	_ =	sdelay $0x4  }
0x163: {  	v27 =	vshll.u32 v3, $0x1  }
0x164: {  	v3 =	vand.u32 $0x7, v3;
	v4 =	vand.u32 $0xFFFFFFF0, v27  }
0x165: {  	v3 =	vor.u32 v3, v4  }
0x166: {  	v4 =	vperm.xlane v3, v0;
	_ =	sdelay $0x1  }
0x167: {  	v3 =	vperm.xlane v3, v2;
	v4 =	vadd.s32 v1, v4;
	_ =	sdelay $0x1  }
0x168: {  	v3 =	vadd.s32 v1, v3;
	_ =	sdelay $0x1  }
0x169: {  	s18 =	simm.s32 $0x7400  }
0x16a: {  	[tilespmem:s18], [sflag:$0x2] =	stream.indirect_vreg.gather [hbm4b:s1+s4], $0x80, v4, vm0, $0xb8;
	[tilespmem:$0x10400] =	vst v63  }
0x16b: {  	s19 =	simm.s32 $0x7C00  }
0x16c: {  	[tilespmem:s19], [sflag:$0x2] =	stream.indirect_vreg.gather [hbm4b:s1+s4], $0x80, v3, vm0, $0xb8;
	[tilespmem:$0x10400] =	vst v63  }
0x16d: {  	v3 =	vld [tilespmem:$0x2C0];
	_ =	sdelay $0x4  }
0x16e: {  	v28 =	vshll.u32 v3, $0x1  }
0x16f: {  	v3 =	vand.u32 $0x7, v3;
	v4 =	vand.u32 $0xFFFFFFF0, v28  }
0x170: {  	v3 =	vor.u32 v3, v4  }
0x171: {  	v4 =	vperm.xlane v3, v0;
	_ =	sdelay $0x1  }
0x172: {  	v3 =	vperm.xlane v3, v2;
	v4 =	vadd.s32 v1, v4;
	_ =	sdelay $0x1  }
0x173: {  	v3 =	vadd.s32 v1, v3;
	_ =	sdelay $0x2  }
0x174: {  	[tilespmem:s2], [sflag:$0x2] =	stream.indirect_vreg.gather [hbm4b:s3+s4], $0x80, v4, vm0, $0xb8;
	[tilespmem:$0x10400] =	vst v63  }
0x175: {  	s21 =	simm.s32 $0xCC00  }
0x176: {  	[tilespmem:s21], [sflag:$0x2] =	stream.indirect_vreg.gather [hbm4b:s3+s4], $0x80, v3, vm0, $0xb8;
	[tilespmem:$0x10400] =	vst v63  }
0x177: {  	v3 =	vld [tilespmem:$0x2D0];
	_ =	sdelay $0x4  }
0x178: {  	v29 =	vshll.u32 v3, $0x1  }
0x179: {  	v3 =	vand.u32 $0x7, v3;
	v4 =	vand.u32 $0xFFFFFFF0, v29  }
0x17a: {  	v3 =	vor.u32 v3, v4  }
0x17b: {  	v4 =	vperm.xlane v3, v0;
	_ =	sdelay $0x1  }
0x17c: {  	v3 =	vperm.xlane v3, v2;
	v4 =	vadd.s32 v1, v4;
	_ =	sdelay $0x1  }
0x17d: {  	v3 =	vadd.s32 v1, v3;
	_ =	sdelay $0x1  }
0x17e: {  	s18 =	simm.s32 $0xD400  }
0x17f: {  	[tilespmem:s18], [sflag:$0x2] =	stream.indirect_vreg.gather [hbm4b:s3+s4], $0x80, v4, vm0, $0xb8;
	[tilespmem:$0x10400] =	vst v63  }
0x180: {  	s10 =	simm.s32 $0xDC00  }
0x181: {  	[tilespmem:s10], [sflag:$0x2] =	stream.indirect_vreg.gather [hbm4b:s3+s4], $0x80, v3, vm0, $0xb8;
	[tilespmem:$0x10400] =	vst v63  }
0x182: {  	v3 =	vld [tilespmem:$0x2E0];
	_ =	sdelay $0x4  }
0x183: {  	v30 =	vshll.u32 v3, $0x1  }
0x184: {  	v3 =	vand.u32 $0x7, v3;
	v4 =	vand.u32 $0xFFFFFFF0, v30  }
0x185: {  	v3 =	vor.u32 v3, v4  }
0x186: {  	v4 =	vperm.xlane v3, v0;
	_ =	sdelay $0x1  }
0x187: {  	v3 =	vperm.xlane v3, v2;
	v4 =	vadd.s32 v1, v4;
	_ =	sdelay $0x1  }
0x188: {  	v3 =	vadd.s32 v1, v3;
	_ =	sdelay $0x1  }
0x189: {  	s19 =	simm.s32 $0xE400  }
0x18a: {  	[tilespmem:s19], [sflag:$0x2] =	stream.indirect_vreg.gather [hbm4b:s3+s4], $0x80, v4, vm0, $0xb8;
	[tilespmem:$0x10400] =	vst v63  }
0x18b: {  	s11 =	simm.s32 $0xEC00  }
0x18c: {  	[tilespmem:s11], [sflag:$0x2] =	stream.indirect_vreg.gather [hbm4b:s3+s4], $0x80, v3, vm0, $0xb8;
	[tilespmem:$0x10400] =	vst v63  }
0x18d: {  	v3 =	vld [tilespmem:$0x2F0];
	_ =	sdelay $0x4  }
0x18e: {  	v31 =	vshll.u32 v3, $0x1  }
0x18f: {  	v3 =	vand.u32 $0x7, v3;
	v4 =	vand.u32 $0xFFFFFFF0, v31  }
0x190: {  	v3 =	vor.u32 v3, v4  }
0x191: {  	v4 =	vperm.xlane v3, v0;
	_ =	sdelay $0x1  }
0x192: {  	v3 =	vperm.xlane v3, v2;
	v4 =	vadd.s32 v1, v4;
	_ =	sdelay $0x1  }
0x193: {  	v3 =	vadd.s32 v1, v3;
	_ =	sdelay $0x1  }
0x194: {  	s21 =	simm.s32 $0xF400  }
0x195: {  	[tilespmem:s21], [sflag:$0x2] =	stream.indirect_vreg.gather [hbm4b:s3+s4], $0x80, v4, vm0, $0xb8;
	[tilespmem:$0x10400] =	vst v63  }
0x196: {  	s13 =	simm.s32 $0xFC00  }
0x197: {  	[tilespmem:s13], [sflag:$0x2] =	stream.indirect_vreg.gather [hbm4b:s3+s4], $0x80, v3, vm0, $0xb8;
	[tilespmem:$0x10400] =	vst v63  }
0x198: {  	_ =	swait.ge [sflag:s14], $0x4000  }
0x199: {  	[sflag:s14] =	ssyncset.done $0x0  }
0x19a: {  	[sflag:s14] =	ssyncadd.s32 $0xFFFFC000  }
0x19b: {  	_ =	swait.ge [sflag:s14], $0x4000  }
0x19c: {  	[sflag:s14] =	ssyncset.done $0x0  }
0x19d: {  	s13 =	rddreg [dreg:$0xc];
	[sflag:s14] =	ssyncadd.s32 $0xFFFFC000  }
0x19e: {  	[hbm4b:s13+s4] =	stream.linear.scatter [tilespmem:s9], [sflag:$0x3], $0x4000, $0x38;
	[tilespmem:$0x10400] =	vst v63  }
0x19f: {  	_ =	swait.ge [sflag:s6], $0x4000  }
0x1a0: {  	[sflag:s6] =	ssyncset.done $0x0  }
0x1a1: {  	s18 =	rddreg [dreg:$0xd];
	[sflag:s6] =	ssyncadd.s32 $0xFFFFC000  }
0x1a2: {  	[hbm4b:s18+s4] =	stream.linear.scatter [tilespmem:s15], [sflag:$0x3], $0x4000, $0x38;
	[tilespmem:$0x10400] =	vst v63  }
0x1a3: {  	_ =	swait.ge [sflag:s6], $0x4000  }
0x1a4: {  	[sflag:s6] =	ssyncset.done $0x0  }
0x1a5: {  	[sflag:s6] =	ssyncadd.s32 $0xFFFFC000  }
0x1a6: {  	v3 =	vld [tilespmem:$0x100];
	_ =	sdelay $0x4  }
0x1a7: {  	v32 =	vshll.u32 v3, $0x1  }
0x1a8: {  	v3 =	vand.u32 $0x7, v3;
	v4 =	vand.u32 $0xFFFFFFF0, v32  }
0x1a9: {  	v3 =	vor.u32 v3, v4  }
0x1aa: {  	v4 =	vperm.xlane v3, v0;
	_ =	sdelay $0x1  }
0x1ab: {  	v3 =	vperm.xlane v3, v2;
	v4 =	vadd.s32 v1, v4;
	_ =	sdelay $0x1  }
0x1ac: {  	v3 =	vadd.s32 v1, v3;
	_ =	sdelay $0x2  }
0x1ad: {  	[tilespmem:s9], [sflag:$0x1] =	stream.indirect_vreg.gather [hbm4b:s1+s4], $0x80, v4, vm0, $0xb8;
	[tilespmem:$0x10400] =	vst v63  }
0x1ae: {  	s19 =	simm.s32 $0xC00  }
0x1af: {  	[tilespmem:s19], [sflag:$0x1] =	stream.indirect_vreg.gather [hbm4b:s1+s4], $0x80, v3, vm0, $0xb8;
	[tilespmem:$0x10400] =	vst v63  }
0x1b0: {  	v3 =	vld [tilespmem:$0x110];
	_ =	sdelay $0x4  }
0x1b1: {  	v33 =	vshll.u32 v3, $0x1  }
0x1b2: {  	v3 =	vand.u32 $0x7, v3;
	v4 =	vand.u32 $0xFFFFFFF0, v33  }
0x1b3: {  	v3 =	vor.u32 v3, v4  }
0x1b4: {  	v4 =	vperm.xlane v3, v0;
	_ =	sdelay $0x1  }
0x1b5: {  	v3 =	vperm.xlane v3, v2;
	v4 =	vadd.s32 v1, v4;
	_ =	sdelay $0x1  }
0x1b6: {  	v3 =	vadd.s32 v1, v3;
	_ =	sdelay $0x1  }
0x1b7: {  	s24 =	simm.s32 $0x1400  }
0x1b8: {  	[tilespmem:s24], [sflag:$0x1] =	stream.indirect_vreg.gather [hbm4b:s1+s4], $0x80, v4, vm0, $0xb8;
	[tilespmem:$0x10400] =	vst v63  }
0x1b9: {  	s21 =	simm.s32 $0x1C00  }
0x1ba: {  	[tilespmem:s21], [sflag:$0x1] =	stream.indirect_vreg.gather [hbm4b:s1+s4], $0x80, v3, vm0, $0xb8;
	[tilespmem:$0x10400] =	vst v63  }
0x1bb: {  	v3 =	vld [tilespmem:$0x120];
	_ =	sdelay $0x4  }
0x1bc: {  	v34 =	vshll.u32 v3, $0x1  }
0x1bd: {  	v3 =	vand.u32 $0x7, v3;
	v4 =	vand.u32 $0xFFFFFFF0, v34  }
0x1be: {  	v3 =	vor.u32 v3, v4  }
0x1bf: {  	v4 =	vperm.xlane v3, v0;
	_ =	sdelay $0x1  }
0x1c0: {  	v3 =	vperm.xlane v3, v2;
	v4 =	vadd.s32 v1, v4;
	_ =	sdelay $0x1  }
0x1c1: {  	v3 =	vadd.s32 v1, v3;
	_ =	sdelay $0x2  }
0x1c2: {  	[tilespmem:s22], [sflag:$0x1] =	stream.indirect_vreg.gather [hbm4b:s1+s4], $0x80, v4, vm0, $0xb8;
	[tilespmem:$0x10400] =	vst v63  }
0x1c3: {  	_ = 	snop  }
0x1c4: {  	[tilespmem:s28], [sflag:$0x1] =	stream.indirect_vreg.gather [hbm4b:s1+s4], $0x80, v3, vm0, $0xb8;
	[tilespmem:$0x10400] =	vst v63  }
0x1c5: {  	v3 =	vld [tilespmem:$0x130];
	_ =	sdelay $0x4  }
0x1c6: {  	v35 =	vshll.u32 v3, $0x1  }
0x1c7: {  	v3 =	vand.u32 $0x7, v3;
	v4 =	vand.u32 $0xFFFFFFF0, v35  }
0x1c8: {  	v3 =	vor.u32 v3, v4  }
0x1c9: {  	v4 =	vperm.xlane v3, v0;
	_ =	sdelay $0x1  }
0x1ca: {  	v3 =	vperm.xlane v3, v2;
	v4 =	vadd.s32 v1, v4;
	_ =	sdelay $0x1  }
0x1cb: {  	v3 =	vadd.s32 v1, v3;
	_ =	sdelay $0x2  }
0x1cc: {  	[tilespmem:s25], [sflag:$0x1] =	stream.indirect_vreg.gather [hbm4b:s1+s4], $0x80, v4, vm0, $0xb8;
	[tilespmem:$0x10400] =	vst v63  }
0x1cd: {  	_ = 	snop  }
0x1ce: {  	[tilespmem:s30], [sflag:$0x1] =	stream.indirect_vreg.gather [hbm4b:s1+s4], $0x80, v3, vm0, $0xb8;
	[tilespmem:$0x10400] =	vst v63  }
0x1cf: {  	v3 =	vld [tilespmem:$0x300];
	_ =	sdelay $0x4  }
0x1d0: {  	v36 =	vshll.u32 v3, $0x1  }
0x1d1: {  	v3 =	vand.u32 $0x7, v3;
	v4 =	vand.u32 $0xFFFFFFF0, v36  }
0x1d2: {  	v3 =	vor.u32 v3, v4  }
0x1d3: {  	v4 =	vperm.xlane v3, v0;
	_ =	sdelay $0x1  }
0x1d4: {  	v3 =	vperm.xlane v3, v2;
	v4 =	vadd.s32 v1, v4;
	_ =	sdelay $0x1  }
0x1d5: {  	v3 =	vadd.s32 v1, v3;
	_ =	sdelay $0x2  }
0x1d6: {  	[tilespmem:s15], [sflag:$0x1] =	stream.indirect_vreg.gather [hbm4b:s3+s4], $0x80, v4, vm0, $0xb8;
	[tilespmem:$0x10400] =	vst v63  }
0x1d7: {  	_ = 	snop  }
0x1d8: {  	[tilespmem:s31], [sflag:$0x1] =	stream.indirect_vreg.gather [hbm4b:s3+s4], $0x80, v3, vm0, $0xb8;
	[tilespmem:$0x10400] =	vst v63  }
0x1d9: {  	v3 =	vld [tilespmem:$0x310];
	_ =	sdelay $0x4  }
0x1da: {  	v37 =	vshll.u32 v3, $0x1  }
0x1db: {  	v3 =	vand.u32 $0x7, v3;
	v4 =	vand.u32 $0xFFFFFFF0, v37  }
0x1dc: {  	v3 =	vor.u32 v3, v4  }
0x1dd: {  	v4 =	vperm.xlane v3, v0;
	_ =	sdelay $0x1  }
0x1de: {  	v3 =	vperm.xlane v3, v2;
	v4 =	vadd.s32 v1, v4;
	_ =	sdelay $0x1  }
0x1df: {  	v3 =	vadd.s32 v1, v3;
	_ =	sdelay $0x1  }
0x1e0: {  	s22 =	simm.s32 $0x9400  }
0x1e1: {  	[tilespmem:s22], [sflag:$0x1] =	stream.indirect_vreg.gather [hbm4b:s3+s4], $0x80, v4, vm0, $0xb8;
	[tilespmem:$0x10400] =	vst v63  }
0x1e2: {  	_ = 	snop  }
0x1e3: {  	[tilespmem:s20], [sflag:$0x1] =	stream.indirect_vreg.gather [hbm4b:s3+s4], $0x80, v3, vm0, $0xb8;
	[tilespmem:$0x10400] =	vst v63  }
0x1e4: {  	v3 =	vld [tilespmem:$0x320];
	_ =	sdelay $0x4  }
0x1e5: {  	v38 =	vshll.u32 v3, $0x1  }
0x1e6: {  	v3 =	vand.u32 $0x7, v3;
	v4 =	vand.u32 $0xFFFFFFF0, v38  }
0x1e7: {  	v3 =	vor.u32 v3, v4  }
0x1e8: {  	v4 =	vperm.xlane v3, v0;
	_ =	sdelay $0x1  }
0x1e9: {  	v3 =	vperm.xlane v3, v2;
	v4 =	vadd.s32 v1, v4;
	_ =	sdelay $0x1  }
0x1ea: {  	v3 =	vadd.s32 v1, v3;
	_ =	sdelay $0x1  }
0x1eb: {  	s28 =	simm.s32 $0xA400  }
0x1ec: {  	[tilespmem:s28], [sflag:$0x1] =	stream.indirect_vreg.gather [hbm4b:s3+s4], $0x80, v4, vm0, $0xb8;
	[tilespmem:$0x10400] =	vst v63  }
0x1ed: {  	_ = 	snop  }
0x1ee: {  	[tilespmem:s8], [sflag:$0x1] =	stream.indirect_vreg.gather [hbm4b:s3+s4], $0x80, v3, vm0, $0xb8;
	[tilespmem:$0x10400] =	vst v63  }
0x1ef: {  	v3 =	vld [tilespmem:$0x330];
	_ =	sdelay $0x4  }
0x1f0: {  	v39 =	vshll.u32 v3, $0x1  }
0x1f1: {  	v3 =	vand.u32 $0x7, v3;
	v4 =	vand.u32 $0xFFFFFFF0, v39  }
0x1f2: {  	v3 =	vor.u32 v3, v4  }
0x1f3: {  	v4 =	vperm.xlane v3, v0;
	_ =	sdelay $0x1  }
0x1f4: {  	v3 =	vperm.xlane v3, v2;
	v4 =	vadd.s32 v1, v4;
	_ =	sdelay $0x1  }
0x1f5: {  	v3 =	vadd.s32 v1, v3;
	_ =	sdelay $0x2  }
0x1f6: {  	[tilespmem:s26], [sflag:$0x1] =	stream.indirect_vreg.gather [hbm4b:s3+s4], $0x80, v4, vm0, $0xb8;
	[tilespmem:$0x10400] =	vst v63  }
0x1f7: {  	_ = 	snop  }
0x1f8: {  	[tilespmem:s29], [sflag:$0x1] =	stream.indirect_vreg.gather [hbm4b:s3+s4], $0x80, v3, vm0, $0xb8;
	[tilespmem:$0x10400] =	vst v63  }
0x1f9: {  	_ =	swait.ge [sflag:s16], $0x4000  }
0x1fa: {  	[sflag:s16] =	ssyncset.done $0x0  }
0x1fb: {  	[sflag:s16] =	ssyncadd.s32 $0xFFFFC000  }
0x1fc: {  	_ =	swait.ge [sflag:s16], $0x4000  }
0x1fd: {  	[sflag:s16] =	ssyncset.done $0x0  }
0x1fe: {  	s30 =	rddreg [dreg:$0xe];
	[sflag:s16] =	ssyncadd.s32 $0xFFFFC000  }
0x1ff: {  	[hbm4b:s30+s4] =	stream.linear.scatter [tilespmem:s23], [sflag:$0x3], $0x4000, $0x38;
	[tilespmem:$0x10400] =	vst v63  }
0x200: {  	_ =	swait.ge [sflag:s6], $0x4000  }
0x201: {  	[sflag:s6] =	ssyncset.done $0x0  }
0x202: {  	s31 =	rddreg [dreg:$0xf];
	[sflag:s6] =	ssyncadd.s32 $0xFFFFC000  }
0x203: {  	[hbm4b:s31+s4] =	stream.linear.scatter [tilespmem:s2], [sflag:$0x3], $0x4000, $0x38;
	[tilespmem:$0x10400] =	vst v63  }
0x204: {  	_ =	swait.ge [sflag:s6], $0x4000  }
0x205: {  	[sflag:s6] =	ssyncset.done $0x0  }
0x206: {  	[sflag:s6] =	ssyncadd.s32 $0xFFFFC000  }
0x207: {  	v3 =	vld [tilespmem:$0x140];
	_ =	sdelay $0x4  }
0x208: {  	v40 =	vshll.u32 v3, $0x1  }
0x209: {  	v3 =	vand.u32 $0x7, v3;
	v4 =	vand.u32 $0xFFFFFFF0, v40  }
0x20a: {  	v3 =	vor.u32 v3, v4  }
0x20b: {  	v4 =	vperm.xlane v3, v0;
	_ =	sdelay $0x1  }
0x20c: {  	v3 =	vperm.xlane v3, v2;
	v4 =	vadd.s32 v1, v4;
	_ =	sdelay $0x1  }
0x20d: {  	v3 =	vadd.s32 v1, v3;
	_ =	sdelay $0x2  }
0x20e: {  	[tilespmem:s23], [sflag:$0x2] =	stream.indirect_vreg.gather [hbm4b:s1+s4], $0x80, v4, vm0, $0xb8;
	[tilespmem:$0x10400] =	vst v63  }
0x20f: {  	s26 =	simm.s32 $0x4C00  }
0x210: {  	[tilespmem:s26], [sflag:$0x2] =	stream.indirect_vreg.gather [hbm4b:s1+s4], $0x80, v3, vm0, $0xb8;
	[tilespmem:$0x10400] =	vst v63  }
0x211: {  	v3 =	vld [tilespmem:$0x150];
	_ =	sdelay $0x4  }
0x212: {  	v41 =	vshll.u32 v3, $0x1  }
0x213: {  	v3 =	vand.u32 $0x7, v3;
	v4 =	vand.u32 $0xFFFFFFF0, v41  }
0x214: {  	v3 =	vor.u32 v3, v4  }
0x215: {  	v4 =	vperm.xlane v3, v0;
	_ =	sdelay $0x1  }
0x216: {  	v3 =	vperm.xlane v3, v2;
	v4 =	vadd.s32 v1, v4;
	_ =	sdelay $0x1  }
0x217: {  	v3 =	vadd.s32 v1, v3;
	_ =	sdelay $0x2  }
0x218: {  	[tilespmem:s0], [sflag:$0x2] =	stream.indirect_vreg.gather [hbm4b:s1+s4], $0x80, v4, vm0, $0xb8;
	[tilespmem:$0x10400] =	vst v63  }
0x219: {  	_ = 	snop  }
0x21a: {  	[tilespmem:s12], [sflag:$0x2] =	stream.indirect_vreg.gather [hbm4b:s1+s4], $0x80, v3, vm0, $0xb8;
	[tilespmem:$0x10400] =	vst v63  }
0x21b: {  	v3 =	vld [tilespmem:$0x160];
	_ =	sdelay $0x4  }
0x21c: {  	v42 =	vshll.u32 v3, $0x1  }
0x21d: {  	v3 =	vand.u32 $0x7, v3;
	v4 =	vand.u32 $0xFFFFFFF0, v42  }
0x21e: {  	v3 =	vor.u32 v3, v4  }
0x21f: {  	v4 =	vperm.xlane v3, v0;
	_ =	sdelay $0x1  }
0x220: {  	v3 =	vperm.xlane v3, v2;
	v4 =	vadd.s32 v1, v4;
	_ =	sdelay $0x1  }
0x221: {  	v3 =	vadd.s32 v1, v3;
	_ =	sdelay $0x2  }
0x222: {  	[tilespmem:s7], [sflag:$0x2] =	stream.indirect_vreg.gather [hbm4b:s1+s4], $0x80, v4, vm0, $0xb8;
	[tilespmem:$0x10400] =	vst v63  }
0x223: {  	s28 =	simm.s32 $0x6C00  }
0x224: {  	[tilespmem:s28], [sflag:$0x2] =	stream.indirect_vreg.gather [hbm4b:s1+s4], $0x80, v3, vm0, $0xb8;
	[tilespmem:$0x10400] =	vst v63  }
0x225: {  	v3 =	vld [tilespmem:$0x170];
	_ =	sdelay $0x4  }
0x226: {  	v43 =	vshll.u32 v3, $0x1  }
0x227: {  	v3 =	vand.u32 $0x7, v3;
	v4 =	vand.u32 $0xFFFFFFF0, v43  }
0x228: {  	v3 =	vor.u32 v3, v4  }
0x229: {  	v4 =	vperm.xlane v3, v0;
	_ =	sdelay $0x1  }
0x22a: {  	v3 =	vperm.xlane v3, v2;
	v4 =	vadd.s32 v1, v4;
	_ =	sdelay $0x1  }
0x22b: {  	v3 =	vadd.s32 v1, v3;
	_ =	sdelay $0x1  }
0x22c: {  	s29 =	simm.s32 $0x7400  }
0x22d: {  	[tilespmem:s29], [sflag:$0x2] =	stream.indirect_vreg.gather [hbm4b:s1+s4], $0x80, v4, vm0, $0xb8;
	[tilespmem:$0x10400] =	vst v63  }
0x22e: {  	s30 =	simm.s32 $0x7C00  }
0x22f: {  	[tilespmem:s30], [sflag:$0x2] =	stream.indirect_vreg.gather [hbm4b:s1+s4], $0x80, v3, vm0, $0xb8;
	[tilespmem:$0x10400] =	vst v63  }
0x230: {  	v3 =	vld [tilespmem:$0x340];
	_ =	sdelay $0x4  }
0x231: {  	v44 =	vshll.u32 v3, $0x1  }
0x232: {  	v3 =	vand.u32 $0x7, v3;
	v4 =	vand.u32 $0xFFFFFFF0, v44  }
0x233: {  	v3 =	vor.u32 v3, v4  }
0x234: {  	v4 =	vperm.xlane v3, v0;
	_ =	sdelay $0x1  }
0x235: {  	v3 =	vperm.xlane v3, v2;
	v4 =	vadd.s32 v1, v4;
	_ =	sdelay $0x1  }
0x236: {  	v3 =	vadd.s32 v1, v3;
	_ =	sdelay $0x2  }
0x237: {  	[tilespmem:s2], [sflag:$0x2] =	stream.indirect_vreg.gather [hbm4b:s3+s4], $0x80, v4, vm0, $0xb8;
	[tilespmem:$0x10400] =	vst v63  }
0x238: {  	s31 =	simm.s32 $0xCC00  }
0x239: {  	[tilespmem:s31], [sflag:$0x2] =	stream.indirect_vreg.gather [hbm4b:s3+s4], $0x80, v3, vm0, $0xb8;
	[tilespmem:$0x10400] =	vst v63  }
0x23a: {  	v3 =	vld [tilespmem:$0x350];
	_ =	sdelay $0x4  }
0x23b: {  	v45 =	vshll.u32 v3, $0x1  }
0x23c: {  	v3 =	vand.u32 $0x7, v3;
	v4 =	vand.u32 $0xFFFFFFF0, v45  }
0x23d: {  	v3 =	vor.u32 v3, v4  }
0x23e: {  	v4 =	vperm.xlane v3, v0;
	_ =	sdelay $0x1  }
0x23f: {  	v3 =	vperm.xlane v3, v2;
	v4 =	vadd.s32 v1, v4;
	_ =	sdelay $0x1  }
0x240: {  	v3 =	vadd.s32 v1, v3;
	_ =	sdelay $0x1  }
0x241: {  	s28 =	simm.s32 $0xD400  }
0x242: {  	[tilespmem:s28], [sflag:$0x2] =	stream.indirect_vreg.gather [hbm4b:s3+s4], $0x80, v4, vm0, $0xb8;
	[tilespmem:$0x10400] =	vst v63  }
0x243: {  	s29 =	simm.s32 $0xDC00  }
0x244: {  	[tilespmem:s29], [sflag:$0x2] =	stream.indirect_vreg.gather [hbm4b:s3+s4], $0x80, v3, vm0, $0xb8;
	[tilespmem:$0x10400] =	vst v63  }
0x245: {  	v3 =	vld [tilespmem:$0x360];
	_ =	sdelay $0x4  }
0x246: {  	v46 =	vshll.u32 v3, $0x1  }
0x247: {  	v3 =	vand.u32 $0x7, v3;
	v4 =	vand.u32 $0xFFFFFFF0, v46  }
0x248: {  	v3 =	vor.u32 v3, v4  }
0x249: {  	v4 =	vperm.xlane v3, v0;
	_ =	sdelay $0x1  }
0x24a: {  	v3 =	vperm.xlane v3, v2;
	v4 =	vadd.s32 v1, v4;
	_ =	sdelay $0x1  }
0x24b: {  	v3 =	vadd.s32 v1, v3;
	_ =	sdelay $0x1  }
0x24c: {  	s10 =	simm.s32 $0xE400  }
0x24d: {  	[tilespmem:s10], [sflag:$0x2] =	stream.indirect_vreg.gather [hbm4b:s3+s4], $0x80, v4, vm0, $0xb8;
	[tilespmem:$0x10400] =	vst v63  }
0x24e: {  	s17 =	simm.s32 $0xEC00  }
0x24f: {  	[tilespmem:s17], [sflag:$0x2] =	stream.indirect_vreg.gather [hbm4b:s3+s4], $0x80, v3, vm0, $0xb8;
	[tilespmem:$0x10400] =	vst v63  }
0x250: {  	v3 =	vld [tilespmem:$0x370];
	_ =	sdelay $0x4  }
0x251: {  	v47 =	vshll.u32 v3, $0x1  }
0x252: {  	v3 =	vand.u32 $0x7, v3;
	v4 =	vand.u32 $0xFFFFFFF0, v47  }
0x253: {  	v3 =	vor.u32 v3, v4  }
0x254: {  	v4 =	vperm.xlane v3, v0;
	_ =	sdelay $0x1  }
0x255: {  	v3 =	vperm.xlane v3, v2;
	v4 =	vadd.s32 v1, v4;
	_ =	sdelay $0x1  }
0x256: {  	v3 =	vadd.s32 v1, v3;
	_ =	sdelay $0x1  }
0x257: {  	s11 =	simm.s32 $0xF400  }
0x258: {  	[tilespmem:s11], [sflag:$0x2] =	stream.indirect_vreg.gather [hbm4b:s3+s4], $0x80, v4, vm0, $0xb8;
	[tilespmem:$0x10400] =	vst v63  }
0x259: {  	s17 =	simm.s32 $0xFC00  }
0x25a: {  	[tilespmem:s17], [sflag:$0x2] =	stream.indirect_vreg.gather [hbm4b:s3+s4], $0x80, v3, vm0, $0xb8;
	[tilespmem:$0x10400] =	vst v63  }
0x25b: {  	_ =	swait.ge [sflag:s14], $0x4000  }
0x25c: {  	[sflag:s14] =	ssyncset.done $0x0  }
0x25d: {  	[sflag:s14] =	ssyncadd.s32 $0xFFFFC000  }
0x25e: {  	_ =	swait.ge [sflag:s14], $0x4000  }
0x25f: {  	[sflag:s14] =	ssyncset.done $0x0  }
0x260: {  	s17 =	rddreg [dreg:$0x10];
	[sflag:s14] =	ssyncadd.s32 $0xFFFFC000  }
0x261: {  	[hbm4b:s17+s4] =	stream.linear.scatter [tilespmem:s9], [sflag:$0x3], $0x4000, $0x38;
	[tilespmem:$0x10400] =	vst v63  }
0x262: {  	_ =	swait.ge [sflag:s6], $0x4000  }
0x263: {  	[sflag:s6] =	ssyncset.done $0x0  }
0x264: {  	s17 =	rddreg [dreg:$0x11];
	[sflag:s6] =	ssyncadd.s32 $0xFFFFC000  }
0x265: {  	[hbm4b:s17+s4] =	stream.linear.scatter [tilespmem:s15], [sflag:$0x3], $0x4000, $0x38;
	[tilespmem:$0x10400] =	vst v63  }
0x266: {  	_ =	swait.ge [sflag:s6], $0x4000  }
0x267: {  	[sflag:s6] =	ssyncset.done $0x0  }
0x268: {  	[sflag:s6] =	ssyncadd.s32 $0xFFFFC000  }
0x269: {  	v3 =	vld [tilespmem:$0x180];
	_ =	sdelay $0x4  }
0x26a: {  	v48 =	vshll.u32 v3, $0x1  }
0x26b: {  	v3 =	vand.u32 $0x7, v3;
	v4 =	vand.u32 $0xFFFFFFF0, v48  }
0x26c: {  	v3 =	vor.u32 v3, v4  }
0x26d: {  	v4 =	vperm.xlane v3, v0;
	_ =	sdelay $0x1  }
0x26e: {  	v3 =	vperm.xlane v3, v2;
	v4 =	vadd.s32 v1, v4;
	_ =	sdelay $0x1  }
0x26f: {  	v3 =	vadd.s32 v1, v3;
	_ =	sdelay $0x2  }
0x270: {  	[tilespmem:s9], [sflag:$0x1] =	stream.indirect_vreg.gather [hbm4b:s1+s4], $0x80, v4, vm0, $0xb8;
	[tilespmem:$0x10400] =	vst v63  }
0x271: {  	s17 =	simm.s32 $0xC00  }
0x272: {  	[tilespmem:s17], [sflag:$0x1] =	stream.indirect_vreg.gather [hbm4b:s1+s4], $0x80, v3, vm0, $0xb8;
	[tilespmem:$0x10400] =	vst v63  }
0x273: {  	v3 =	vld [tilespmem:$0x190];
	_ =	sdelay $0x4  }
0x274: {  	v49 =	vshll.u32 v3, $0x1  }
0x275: {  	v3 =	vand.u32 $0x7, v3;
	v4 =	vand.u32 $0xFFFFFFF0, v49  }
0x276: {  	v3 =	vor.u32 v3, v4  }
0x277: {  	v4 =	vperm.xlane v3, v0;
	_ =	sdelay $0x1  }
0x278: {  	v3 =	vperm.xlane v3, v2;
	v4 =	vadd.s32 v1, v4;
	_ =	sdelay $0x1  }
0x279: {  	v3 =	vadd.s32 v1, v3;
	_ =	sdelay $0x1  }
0x27a: {  	s17 =	simm.s32 $0x1400  }
0x27b: {  	[tilespmem:s17], [sflag:$0x1] =	stream.indirect_vreg.gather [hbm4b:s1+s4], $0x80, v4, vm0, $0xb8;
	[tilespmem:$0x10400] =	vst v63  }
0x27c: {  	s17 =	simm.s32 $0x1C00  }
0x27d: {  	[tilespmem:s17], [sflag:$0x1] =	stream.indirect_vreg.gather [hbm4b:s1+s4], $0x80, v3, vm0, $0xb8;
	[tilespmem:$0x10400] =	vst v63  }
0x27e: {  	v3 =	vld [tilespmem:$0x1A0];
	_ =	sdelay $0x4  }
0x27f: {  	v50 =	vshll.u32 v3, $0x1  }
0x280: {  	v3 =	vand.u32 $0x7, v3;
	v4 =	vand.u32 $0xFFFFFFF0, v50  }
0x281: {  	v3 =	vor.u32 v3, v4  }
0x282: {  	v4 =	vperm.xlane v3, v0;
	_ =	sdelay $0x1  }
0x283: {  	v3 =	vperm.xlane v3, v2;
	v4 =	vadd.s32 v1, v4;
	_ =	sdelay $0x1  }
0x284: {  	v3 =	vadd.s32 v1, v3;
	_ =	sdelay $0x1  }
0x285: {  	s13 =	simm.s32 $0x2400  }
0x286: {  	[tilespmem:s13], [sflag:$0x1] =	stream.indirect_vreg.gather [hbm4b:s1+s4], $0x80, v4, vm0, $0xb8;
	[tilespmem:$0x10400] =	vst v63  }
0x287: {  	s21 =	simm.s32 $0x2C00  }
0x288: {  	[tilespmem:s21], [sflag:$0x1] =	stream.indirect_vreg.gather [hbm4b:s1+s4], $0x80, v3, vm0, $0xb8;
	[tilespmem:$0x10400] =	vst v63  }
0x289: {  	v3 =	vld [tilespmem:$0x1B0];
	_ =	sdelay $0x4  }
0x28a: {  	v51 =	vshll.u32 v3, $0x1  }
0x28b: {  	v3 =	vand.u32 $0x7, v3;
	v4 =	vand.u32 $0xFFFFFFF0, v51  }
0x28c: {  	v3 =	vor.u32 v3, v4  }
0x28d: {  	v4 =	vperm.xlane v3, v0;
	_ =	sdelay $0x1  }
0x28e: {  	v3 =	vperm.xlane v3, v2;
	v4 =	vadd.s32 v1, v4;
	_ =	sdelay $0x1  }
0x28f: {  	v3 =	vadd.s32 v1, v3;
	_ =	sdelay $0x1  }
0x290: {  	s18 =	simm.s32 $0x3400  }
0x291: {  	[tilespmem:s18], [sflag:$0x1] =	stream.indirect_vreg.gather [hbm4b:s1+s4], $0x80, v4, vm0, $0xb8;
	[tilespmem:$0x10400] =	vst v63  }
0x292: {  	s24 =	simm.s32 $0x3C00  }
0x293: {  	[tilespmem:s24], [sflag:$0x1] =	stream.indirect_vreg.gather [hbm4b:s1+s4], $0x80, v3, vm0, $0xb8;
	[tilespmem:$0x10400] =	vst v63  }
0x294: {  	v3 =	vld [tilespmem:$0x380];
	_ =	sdelay $0x4  }
0x295: {  	v52 =	vshll.u32 v3, $0x1  }
0x296: {  	v3 =	vand.u32 $0x7, v3;
	v4 =	vand.u32 $0xFFFFFFF0, v52  }
0x297: {  	v3 =	vor.u32 v3, v4  }
0x298: {  	v4 =	vperm.xlane v3, v0;
	_ =	sdelay $0x1  }
0x299: {  	v3 =	vperm.xlane v3, v2;
	v4 =	vadd.s32 v1, v4;
	_ =	sdelay $0x1  }
0x29a: {  	v3 =	vadd.s32 v1, v3;
	_ =	sdelay $0x2  }
0x29b: {  	[tilespmem:s15], [sflag:$0x1] =	stream.indirect_vreg.gather [hbm4b:s3+s4], $0x80, v4, vm0, $0xb8;
	[tilespmem:$0x10400] =	vst v63  }
0x29c: {  	s25 =	simm.s32 $0x8C00  }
0x29d: {  	[tilespmem:s25], [sflag:$0x1] =	stream.indirect_vreg.gather [hbm4b:s3+s4], $0x80, v3, vm0, $0xb8;
	[tilespmem:$0x10400] =	vst v63  }
0x29e: {  	v3 =	vld [tilespmem:$0x390];
	_ =	sdelay $0x4  }
0x29f: {  	v53 =	vshll.u32 v3, $0x1  }
0x2a0: {  	v3 =	vand.u32 $0x7, v3;
	v4 =	vand.u32 $0xFFFFFFF0, v53  }
0x2a1: {  	v3 =	vor.u32 v3, v4  }
0x2a2: {  	v4 =	vperm.xlane v3, v0;
	_ =	sdelay $0x1  }
0x2a3: {  	v3 =	vperm.xlane v3, v2;
	v4 =	vadd.s32 v1, v4;
	_ =	sdelay $0x1  }
0x2a4: {  	v3 =	vadd.s32 v1, v3;
	_ =	sdelay $0x1  }
0x2a5: {  	s17 =	simm.s32 $0x9400  }
0x2a6: {  	[tilespmem:s17], [sflag:$0x1] =	stream.indirect_vreg.gather [hbm4b:s3+s4], $0x80, v4, vm0, $0xb8;
	[tilespmem:$0x10400] =	vst v63  }
0x2a7: {  	s20 =	simm.s32 $0x9C00  }
0x2a8: {  	[tilespmem:s20], [sflag:$0x1] =	stream.indirect_vreg.gather [hbm4b:s3+s4], $0x80, v3, vm0, $0xb8;
	[tilespmem:$0x10400] =	vst v63  }
0x2a9: {  	v3 =	vld [tilespmem:$0x3A0];
	_ =	sdelay $0x4  }
0x2aa: {  	v54 =	vshll.u32 v3, $0x1  }
0x2ab: {  	v3 =	vand.u32 $0x7, v3;
	v4 =	vand.u32 $0xFFFFFFF0, v54  }
0x2ac: {  	v3 =	vor.u32 v3, v4  }
0x2ad: {  	v4 =	vperm.xlane v3, v0;
	_ =	sdelay $0x1  }
0x2ae: {  	v3 =	vperm.xlane v3, v2;
	v4 =	vadd.s32 v1, v4;
	_ =	sdelay $0x1  }
0x2af: {  	v3 =	vadd.s32 v1, v3;
	_ =	sdelay $0x1  }
0x2b0: {  	s18 =	simm.s32 $0xA400  }
0x2b1: {  	[tilespmem:s18], [sflag:$0x1] =	stream.indirect_vreg.gather [hbm4b:s3+s4], $0x80, v4, vm0, $0xb8;
	[tilespmem:$0x10400] =	vst v63  }
0x2b2: {  	s8 =	simm.s32 $0xAC00  }
0x2b3: {  	[tilespmem:s8], [sflag:$0x1] =	stream.indirect_vreg.gather [hbm4b:s3+s4], $0x80, v3, vm0, $0xb8;
	[tilespmem:$0x10400] =	vst v63  }
0x2b4: {  	v3 =	vld [tilespmem:$0x3B0];
	_ =	sdelay $0x4  }
0x2b5: {  	v55 =	vshll.u32 v3, $0x1  }
0x2b6: {  	v3 =	vand.u32 $0x7, v3;
	v4 =	vand.u32 $0xFFFFFFF0, v55  }
0x2b7: {  	v3 =	vor.u32 v3, v4  }
0x2b8: {  	v4 =	vperm.xlane v3, v0;
	_ =	sdelay $0x1  }
0x2b9: {  	v3 =	vperm.xlane v3, v2;
	v4 =	vadd.s32 v1, v4;
	_ =	sdelay $0x1  }
0x2ba: {  	v3 =	vadd.s32 v1, v3;
	_ =	sdelay $0x1  }
0x2bb: {  	s19 =	simm.s32 $0xB400  }
0x2bc: {  	[tilespmem:s19], [sflag:$0x1] =	stream.indirect_vreg.gather [hbm4b:s3+s4], $0x80, v4, vm0, $0xb8;
	[tilespmem:$0x10400] =	vst v63  }
0x2bd: {  	s22 =	simm.s32 $0xBC00  }
0x2be: {  	[tilespmem:s22], [sflag:$0x1] =	stream.indirect_vreg.gather [hbm4b:s3+s4], $0x80, v3, vm0, $0xb8;
	[tilespmem:$0x10400] =	vst v63  }
0x2bf: {  	_ =	swait.ge [sflag:s16], $0x4000  }
0x2c0: {  	[sflag:s16] =	ssyncset.done $0x0  }
0x2c1: {  	[sflag:s16] =	ssyncadd.s32 $0xFFFFC000  }
0x2c2: {  	_ =	swait.ge [sflag:s16], $0x4000  }
0x2c3: {  	[sflag:s16] =	ssyncset.done $0x0  }
0x2c4: {  	s20 =	rddreg [dreg:$0x12];
	[sflag:s16] =	ssyncadd.s32 $0xFFFFC000  }
0x2c5: {  	[hbm4b:s20+s4] =	stream.linear.scatter [tilespmem:s23], [sflag:$0x3], $0x4000, $0x38;
	[tilespmem:$0x10400] =	vst v63  }
0x2c6: {  	_ =	swait.ge [sflag:s6], $0x4000  }
0x2c7: {  	[sflag:s6] =	ssyncset.done $0x0  }
0x2c8: {  	s21 =	rddreg [dreg:$0x13];
	[sflag:s6] =	ssyncadd.s32 $0xFFFFC000  }
0x2c9: {  	[hbm4b:s21+s4] =	stream.linear.scatter [tilespmem:s2], [sflag:$0x3], $0x4000, $0x38;
	[tilespmem:$0x10400] =	vst v63  }
0x2ca: {  	_ =	swait.ge [sflag:s6], $0x4000  }
0x2cb: {  	[sflag:s6] =	ssyncset.done $0x0  }
0x2cc: {  	[sflag:s6] =	ssyncadd.s32 $0xFFFFC000  }
0x2cd: {  	v3 =	vld [tilespmem:$0x1C0];
	_ =	sdelay $0x4  }
0x2ce: {  	v56 =	vshll.u32 v3, $0x1  }
0x2cf: {  	v3 =	vand.u32 $0x7, v3;
	v4 =	vand.u32 $0xFFFFFFF0, v56  }
0x2d0: {  	v3 =	vor.u32 v3, v4  }
0x2d1: {  	v4 =	vperm.xlane v3, v0;
	_ =	sdelay $0x1  }
0x2d2: {  	v3 =	vperm.xlane v3, v2;
	v4 =	vadd.s32 v1, v4;
	_ =	sdelay $0x1  }
0x2d3: {  	v3 =	vadd.s32 v1, v3;
	_ =	sdelay $0x2  }
0x2d4: {  	[tilespmem:s23], [sflag:$0x2] =	stream.indirect_vreg.gather [hbm4b:s1+s4], $0x80, v4, vm0, $0xb8;
	[tilespmem:$0x10400] =	vst v63  }
0x2d5: {  	s22 =	simm.s32 $0x4C00  }
0x2d6: {  	[tilespmem:s22], [sflag:$0x2] =	stream.indirect_vreg.gather [hbm4b:s1+s4], $0x80, v3, vm0, $0xb8;
	[tilespmem:$0x10400] =	vst v63  }
0x2d7: {  	v3 =	vld [tilespmem:$0x1D0];
	_ =	sdelay $0x4  }
0x2d8: {  	v57 =	vshll.u32 v3, $0x1  }
0x2d9: {  	v3 =	vand.u32 $0x7, v3;
	v4 =	vand.u32 $0xFFFFFFF0, v57  }
0x2da: {  	v3 =	vor.u32 v3, v4  }
0x2db: {  	v4 =	vperm.xlane v3, v0;
	_ =	sdelay $0x1  }
0x2dc: {  	v3 =	vperm.xlane v3, v2;
	v4 =	vadd.s32 v1, v4;
	_ =	sdelay $0x1  }
0x2dd: {  	v3 =	vadd.s32 v1, v3;
	_ =	sdelay $0x1  }
0x2de: {  	s0 =	simm.s32 $0x5400  }
0x2df: {  	[tilespmem:s0], [sflag:$0x2] =	stream.indirect_vreg.gather [hbm4b:s1+s4], $0x80, v4, vm0, $0xb8;
	[tilespmem:$0x10400] =	vst v63  }
0x2e0: {  	s12 =	simm.s32 $0x5C00  }
0x2e1: {  	[tilespmem:s12], [sflag:$0x2] =	stream.indirect_vreg.gather [hbm4b:s1+s4], $0x80, v3, vm0, $0xb8;
	[tilespmem:$0x10400] =	vst v63  }
0x2e2: {  	v3 =	vld [tilespmem:$0x1E0];
	_ =	sdelay $0x4  }
0x2e3: {  	v58 =	vshll.u32 v3, $0x1  }
0x2e4: {  	v3 =	vand.u32 $0x7, v3;
	v4 =	vand.u32 $0xFFFFFFF0, v58  }
0x2e5: {  	v3 =	vor.u32 v3, v4  }
0x2e6: {  	v4 =	vperm.xlane v3, v0;
	_ =	sdelay $0x1  }
0x2e7: {  	v3 =	vperm.xlane v3, v2;
	v4 =	vadd.s32 v1, v4;
	_ =	sdelay $0x1  }
0x2e8: {  	v3 =	vadd.s32 v1, v3;
	_ =	sdelay $0x1  }
0x2e9: {  	s7 =	simm.s32 $0x6400  }
0x2ea: {  	[tilespmem:s7], [sflag:$0x2] =	stream.indirect_vreg.gather [hbm4b:s1+s4], $0x80, v4, vm0, $0xb8;
	[tilespmem:$0x10400] =	vst v63  }
0x2eb: {  	s24 =	simm.s32 $0x6C00  }
0x2ec: {  	[tilespmem:s24], [sflag:$0x2] =	stream.indirect_vreg.gather [hbm4b:s1+s4], $0x80, v3, vm0, $0xb8;
	[tilespmem:$0x10400] =	vst v63  }
0x2ed: {  	v3 =	vld [tilespmem:$0x1F0];
	_ =	sdelay $0x4  }
0x2ee: {  	v59 =	vshll.u32 v3, $0x1  }
0x2ef: {  	v3 =	vand.u32 $0x7, v3;
	v4 =	vand.u32 $0xFFFFFFF0, v59  }
0x2f0: {  	v3 =	vor.u32 v3, v4  }
0x2f1: {  	v4 =	vperm.xlane v3, v0;
	_ =	sdelay $0x1  }
0x2f2: {  	v3 =	vperm.xlane v3, v2;
	v4 =	vadd.s32 v1, v4;
	_ =	sdelay $0x1  }
0x2f3: {  	v3 =	vadd.s32 v1, v3;
	_ =	sdelay $0x1  }
0x2f4: {  	s26 =	simm.s32 $0x7400  }
0x2f5: {  	[tilespmem:s26], [sflag:$0x2] =	stream.indirect_vreg.gather [hbm4b:s1+s4], $0x80, v4, vm0, $0xb8;
	[tilespmem:$0x10400] =	vst v63  }
0x2f6: {  	s30 =	simm.s32 $0x7C00  }
0x2f7: {  	[tilespmem:s30], [sflag:$0x2] =	stream.indirect_vreg.gather [hbm4b:s1+s4], $0x80, v3, vm0, $0xb8;
	[tilespmem:$0x10400] =	vst v63  }
0x2f8: {  	v3 =	vld [tilespmem:$0x3C0];
	_ =	sdelay $0x4  }
0x2f9: {  	v60 =	vshll.u32 v3, $0x1  }
0x2fa: {  	v3 =	vand.u32 $0x7, v3;
	v4 =	vand.u32 $0xFFFFFFF0, v60  }
0x2fb: {  	v3 =	vor.u32 v3, v4  }
0x2fc: {  	v4 =	vperm.xlane v3, v0;
	_ =	sdelay $0x1  }
0x2fd: {  	v3 =	vperm.xlane v3, v2;
	v4 =	vadd.s32 v1, v4;
	_ =	sdelay $0x1  }
0x2fe: {  	v3 =	vadd.s32 v1, v3;
	_ =	sdelay $0x2  }
0x2ff: {  	[tilespmem:s2], [sflag:$0x2] =	stream.indirect_vreg.gather [hbm4b:s3+s4], $0x80, v4, vm0, $0xb8;
	[tilespmem:$0x10400] =	vst v63  }
0x300: {  	s31 =	simm.s32 $0xCC00  }
0x301: {  	[tilespmem:s31], [sflag:$0x2] =	stream.indirect_vreg.gather [hbm4b:s3+s4], $0x80, v3, vm0, $0xb8;
	[tilespmem:$0x10400] =	vst v63  }
0x302: {  	v3 =	vld [tilespmem:$0x3D0];
	_ =	sdelay $0x4  }
0x303: {  	v61 =	vshll.u32 v3, $0x1  }
0x304: {  	v3 =	vand.u32 $0x7, v3;
	v4 =	vand.u32 $0xFFFFFFF0, v61  }
0x305: {  	v3 =	vor.u32 v3, v4  }
0x306: {  	v4 =	vperm.xlane v3, v0;
	_ =	sdelay $0x1  }
0x307: {  	v3 =	vperm.xlane v3, v2;
	v4 =	vadd.s32 v1, v4;
	_ =	sdelay $0x1  }
0x308: {  	v3 =	vadd.s32 v1, v3;
	_ =	sdelay $0x1  }
0x309: {  	s28 =	simm.s32 $0xD400  }
0x30a: {  	[tilespmem:s28], [sflag:$0x2] =	stream.indirect_vreg.gather [hbm4b:s3+s4], $0x80, v4, vm0, $0xb8;
	[tilespmem:$0x10400] =	vst v63  }
0x30b: {  	s25 =	simm.s32 $0xDC00  }
0x30c: {  	[tilespmem:s25], [sflag:$0x2] =	stream.indirect_vreg.gather [hbm4b:s3+s4], $0x80, v3, vm0, $0xb8;
	[tilespmem:$0x10400] =	vst v63  }
0x30d: {  	v3 =	vld [tilespmem:$0x3E0];
	_ =	sdelay $0x4  }
0x30e: {  	v62 =	vshll.u32 v3, $0x1  }
0x30f: {  	v3 =	vand.u32 $0x7, v3;
	v4 =	vand.u32 $0xFFFFFFF0, v62  }
0x310: {  	v3 =	vor.u32 v3, v4  }
0x311: {  	v4 =	vperm.xlane v3, v0;
	_ =	sdelay $0x1  }
0x312: {  	v3 =	vperm.xlane v3, v2;
	v4 =	vadd.s32 v1, v4;
	_ =	sdelay $0x1  }
0x313: {  	v3 =	vadd.s32 v1, v3;
	_ =	sdelay $0x1  }
0x314: {  	s29 =	simm.s32 $0xE400  }
0x315: {  	[tilespmem:s29], [sflag:$0x2] =	stream.indirect_vreg.gather [hbm4b:s3+s4], $0x80, v4, vm0, $0xb8;
	[tilespmem:$0x10400] =	vst v63  }
0x316: {  	s26 =	simm.s32 $0xEC00  }
0x317: {  	[tilespmem:s26], [sflag:$0x2] =	stream.indirect_vreg.gather [hbm4b:s3+s4], $0x80, v3, vm0, $0xb8;
	[tilespmem:$0x10400] =	vst v63  }
0x318: {  	v3 =	vld [tilespmem:$0x3F0];
	_ =	sdelay $0x4  }
0x319: {  	v63 =	vshll.u32 v3, $0x1  }
0x31a: {  	v3 =	vand.u32 $0x7, v3;
	v4 =	vand.u32 $0xFFFFFFF0, v63  }
0x31b: {  	v3 =	vor.u32 v3, v4  }
0x31c: {  	v4 =	vperm.xlane v3, v0;
	_ =	sdelay $0x1  }
0x31d: {  	v3 =	vperm.xlane v3, v2;
	v4 =	vadd.s32 v1, v4;
	_ =	sdelay $0x1  }
0x31e: {  	v3 =	vadd.s32 v1, v3;
	_ =	sdelay $0x1  }
0x31f: {  	s10 =	simm.s32 $0xF400  }
0x320: {  	[tilespmem:s10], [sflag:$0x2] =	stream.indirect_vreg.gather [hbm4b:s3+s4], $0x80, v4, vm0, $0xb8;
	[tilespmem:$0x10400] =	vst v63  }
0x321: {  	s11 =	simm.s32 $0xFC00  }
0x322: {  	[tilespmem:s11], [sflag:$0x2] =	stream.indirect_vreg.gather [hbm4b:s3+s4], $0x80, v3, vm0, $0xb8;
	[tilespmem:$0x10400] =	vst v63  }
0x323: {  	_ =	swait.ge [sflag:s14], $0x4000  }
0x324: {  	[sflag:s14] =	ssyncset.done $0x0  }
0x325: {  	[sflag:s14] =	ssyncadd.s32 $0xFFFFC000  }
0x326: {  	_ =	swait.ge [sflag:s14], $0x4000  }
0x327: {  	[sflag:s14] =	ssyncset.done $0x0  }
0x328: {  	s28 =	rddreg [dreg:$0x14];
	[sflag:s14] =	ssyncadd.s32 $0xFFFFC000  }
0x329: {  	[hbm4b:s28+s4] =	stream.linear.scatter [tilespmem:s9], [sflag:$0x3], $0x4000, $0x38;
	[tilespmem:$0x10400] =	vst v63  }
0x32a: {  	_ =	swait.ge [sflag:s6], $0x4000  }
0x32b: {  	[sflag:s6] =	ssyncset.done $0x0  }
0x32c: {  	s29 =	rddreg [dreg:$0x15];
	[sflag:s6] =	ssyncadd.s32 $0xFFFFC000  }
0x32d: {  	[hbm4b:s29+s4] =	stream.linear.scatter [tilespmem:s15], [sflag:$0x3], $0x4000, $0x38;
	[tilespmem:$0x10400] =	vst v63  }
0x32e: {  	_ =	swait.ge [sflag:s6], $0x4000  }
0x32f: {  	[sflag:s6] =	ssyncset.done $0x0  }
0x330: {  	[sflag:s6] =	ssyncadd.s32 $0xFFFFC000  }
0x331: {  	_ =	swait.ge [sflag:s16], $0x4000  }
0x332: {  	[sflag:s16] =	ssyncset.done $0x0  }
0x333: {  	[sflag:s16] =	ssyncadd.s32 $0xFFFFC000  }
0x334: {  	_ =	swait.ge [sflag:s16], $0x4000  }
0x335: {  	[sflag:s16] =	ssyncset.done $0x0  }
0x336: {  	s30 =	rddreg [dreg:$0x16];
	[sflag:s16] =	ssyncadd.s32 $0xFFFFC000  }
0x337: {  	[hbm4b:s30+s4] =	stream.linear.scatter [tilespmem:s23], [sflag:$0x3], $0x4000, $0x38;
	[tilespmem:$0x10400] =	vst v63  }
0x338: {  	_ =	swait.ge [sflag:s6], $0x4000  }
0x339: {  	p0 =	sne.s32 s5, $0x1;
	[sflag:s6] =	ssyncset.done $0x0  }
.Ltmp0:
0x33a: {  	s31 =	rddreg [dreg:$0x17];
	[sflag:s6] =	ssyncadd.s32 $0xFFFFC000;
	(pc) =	sbr.rel @p0 .LBB2_1-.Ltmp0, $4  }
0x33b: {  	[hbm4b:s31+s4] =	stream.linear.scatter [tilespmem:s2], [sflag:$0x3], $0x4000, $0x38;
	[tilespmem:$0x10400] =	vst v63  }
0x33c: {  	_ =	swait.ge [sflag:s6], $0x4000  }
0x33d: {  	[sflag:s6] =	ssyncset.done $0x0  }
0x33e: {  	s5 =	sadd.s32 $0xFFFFFFFF, s5;
	[sflag:s6] =	ssyncadd.s32 $0xFFFFC000  }
0x33f: {  	_ =	sfence.sel $0x180000  }
0x340: {  	[bflag:$0x0] =	sbarrier.arrive $0xFFFF  }
0x341: {  	_ =	strace $0x90000047  }
0x342: {  	s0 =	stileid.u32;
	[bflag:$0x2] =	sbarrier.arrive $0xFFFF  }
0x343: {  	p0 =	sne.s32 s0, $0x0;
	s0 =	rddreg [dreg:$0x5]  }
0x344: {  	s0 =	sadd.s32 @!p0 $0x100000, s0  }
0x345: {  	[sflag:s0] =	ssyncadd.tile.s32 @!p0 $0x1;
	_ =	shalt  }
.Lfunc_end2:
_tile_overlayer_lowered:
.L_overlay_start_2:
0x346: {  	(tag) =	ssettag $0x2  }
0x347: {  	s0 =	rddreg [dreg:$0x0];
	s2 =	stileid.u32  }
0x348: {  	s1 =	rddreg [dreg:$0x1];
	p0 =	sne.s32 s2, $0x0  }
0x349: {  	s3 =	rddreg [dreg:$0x2];
	[bflag:$0x3] =	sbarrier.arrive $0xFFFF;
	s2 =	simm.s32 @!p0 $0x1C03  }
0x34a: {  	[timem:s3], [sflag:s2] =	dma.local @!p0 [hbm:s0], s1  }
0x34b: {  	s0 =	simm.s32 @!p0 $0x3  }
0x34c: {  	_ =	swait.ge @!p0 [sflag:s0], s1  }
0x34d: {  	s1 =	ssub.s32 @!p0 $0x0, s1;
	[sflag:s0] =	ssyncset.done @!p0 $0x0  }
0x34e: {  	[sflag:s0] =	ssyncadd.s32 @!p0 s1  }
0x34f: {  	[bflag:$0x3] =	sbarrier.arrive $0xFFFF  }
0x350: {  	_ =	shalt  }

</sc_bundles>
